<compile_context>
chip_gen: v7x
topology: tpu7x:2x2x1
jax: 0.10.2.dev20260603
libtpu: 0.0.44.dev20260713+nightly
codegen_flags: <defaults>
</compile_context>

<pallas_src>
import jax
import jax.numpy as jnp
import numpy as np
from jax import lax
from jax.experimental import pallas as pl
from jax.experimental.pallas import tpu as pltpu
from jax.experimental.pallas import tpu_sc as plsc

D_MODEL = 64
DPAD = 128
SEQ_LEN = 200
BATCH = 1024
XPAD = 256

NUM_CORES = 2
NUM_SUBCORES = 16
NUM_WORKERS = NUM_CORES * NUM_SUBCORES

SEQ_PER_W = BATCH // NUM_WORKERS
LEN_A = 96
LEN_B = SEQ_LEN - LEN_A
NCHUNK = 2 * SEQ_PER_W

NROWB = 4
NDENB = 2
LOOK = 3


def _positional_encoding_padded() -> np.ndarray:
    pe = np.zeros((SEQ_LEN, DPAD), dtype=np.float32)
    pos = np.arange(0, SEQ_LEN, dtype=np.float32)[:, None]
    _2i = np.arange(0, D_MODEL, 2, dtype=np.float32)
    pe[:, 0:D_MODEL:2] = np.sin(pos / (10000.0 ** (_2i / D_MODEL)))
    pe[:, 1:D_MODEL:2] = np.cos(pos / (10000.0 ** (_2i / D_MODEL)))
    return pe


_PE_CONST = _positional_encoding_padded()


def _chunk_params(c):
    return c // 2, LEN_A * (c % 2), LEN_A if c % 2 == 0 else LEN_B


def _body(x_hbm, pe_hbm, table_hbm, out_hbm, idx_v, pe_v, rows_v, den_v,
          gsem, ssem, isem):
    wid = lax.axis_index("s") * NUM_CORES + lax.axis_index("c")
    seq0 = wid * SEQ_PER_W

    for u in range(SEQ_PER_W):
        pltpu.async_copy(x_hbm.at[seq0 + u, pl.ds(0, 128)],
                         idx_v.at[pl.ds(u * XPAD, 128)], isem)
        pltpu.async_copy(x_hbm.at[seq0 + u, pl.ds(128, 128)],
                         idx_v.at[pl.ds(u * XPAD + 128, 128)], isem)
    pltpu.sync_copy(pe_hbm, pe_v)
    for _ in range(2 * SEQ_PER_W):
        pltpu.make_async_copy(x_hbm.at[seq0, pl.ds(0, 128)],
                              idx_v.at[pl.ds(0, 128)], isem).wait()

    SEQ_PER_GROUP = NROWB // 2

    def start_gather(c, g, b):
        u, s0, ln = _chunk_params(c)
        pltpu.async_copy(
            table_hbm.at[idx_v.at[pl.ds((g * SEQ_PER_GROUP + u) * XPAD + s0,
                                        ln)]],
            rows_v.at[b, pl.ds(0, ln)], gsem.at[b])

    def wait_gather(c, b):
        _, _, ln = _chunk_params(c)
        pltpu.make_async_copy(
            table_hbm.at[idx_v.at[pl.ds(0, ln)]],
            rows_v.at[b, pl.ds(0, ln)], gsem.at[b]).wait()

    def start_store(c, g, d):
        u, s0, ln = _chunk_params(c)
        pltpu.async_copy(den_v.at[d, pl.ds(0, ln)],
                         out_hbm.at[seq0 + g * SEQ_PER_GROUP + u,
                                    pl.ds(s0, ln)], ssem.at[d])

    def wait_store(c, d):
        _, s0, ln = _chunk_params(c)
        pltpu.make_async_copy(den_v.at[d, pl.ds(0, ln)],
                              out_hbm.at[seq0, pl.ds(s0, ln)],
                              ssem.at[d]).wait()

    for c in range(LOOK):
        start_gather(c, 0, c)

    @pl.loop(0, NCHUNK // NROWB)
    def _group(g):
        for b in range(NROWB):
            c = b
            b2 = (b + LOOK) % NROWB
            d = b % NDENB

            @pl.when(g * NROWB + b + LOOK < NCHUNK)
            def _():
                start_gather(b + LOOK, g, b2)

            wait_gather(c, b)

            @pl.when(g * NROWB + b >= NDENB)
            def _():
                wait_store(c, d)

            u, s0, ln = _chunk_params(c)

            @pl.loop(0, ln, unroll=4)
            def _row(i):
                for j in range(D_MODEL // 16):
                    sl = pl.ds(j * 16, 16)
                    den_v[d, i, sl] = rows_v[b, i, sl] + pe_v[s0 + i, sl]

            start_store(c, g, d)

    for d in range(NDENB):
        wait_store(d, d)


@jax.jit
def _embed(x_p, pe, table_p):
    kfn = pl.kernel(
        _body,
        name="embed_gather",
        out_type=jax.ShapeDtypeStruct((BATCH, SEQ_LEN, D_MODEL), jnp.float32),
        mesh=plsc.VectorSubcoreMesh(core_axis_name="c", subcore_axis_name="s"),
        scratch_types=[
            pltpu.VMEM((SEQ_PER_W * XPAD,), jnp.int32),
            pltpu.VMEM((SEQ_LEN, DPAD), jnp.float32),
            pltpu.VMEM((NROWB, LEN_B, DPAD), jnp.float32),
            pltpu.VMEM((NDENB, LEN_B, D_MODEL), jnp.float32),
            pltpu.SemaphoreType.DMA((NROWB,)),
            pltpu.SemaphoreType.DMA((NDENB,)),
            pltpu.SemaphoreType.DMA,
        ],
    )
    return kfn(x_p, pe, table_p)


def kernel(x, table):
    pe = jnp.asarray(_PE_CONST)
    x_p = jnp.pad(x.astype(jnp.int32), ((0, 0), (0, XPAD - SEQ_LEN)))
    table_p = jnp.pad(table, ((0, 0), (0, DPAD - D_MODEL)))
    return _embed(x_p, pe, table_p)

# --- scband reference (transcript-rebuilt; emitter-appended) ---
"""Pipeline reference for scband-transformer-embedding-25555055411623 (READ-ONLY COPY).

The authoritative reference and input builder live on the scoring server;
editing this copy changes nothing except your own understanding.
"""

import jax, jax.numpy as jnp
import numpy as np

VOCAB = 1000000
D_MODEL = 64
MAX_LEN = 200
PAD_IDX = 1
BATCH = 1024
SEQ_LEN = 200


def _positional_encoding(d_model, max_len):
    pe = np.zeros((max_len, d_model), dtype=np.float32)
    pos = np.arange(0, max_len, dtype=np.float32)[:, None]
    _2i = np.arange(0, d_model, 2, dtype=np.float32)
    pe[:, 0::2] = np.sin(pos / (10000.0 ** (_2i / d_model)))
    pe[:, 1::2] = np.cos(pos / (10000.0 ** (_2i / d_model)))
    return jnp.asarray(pe)


def setup_inputs(seed: int = 0) -> dict:
    key = jax.random.key(seed)
    k_idx, k_tab = jax.random.split(key)
    x = jax.random.randint(k_idx, (BATCH, SEQ_LEN), 0, VOCAB, dtype=jnp.int64 if jax.config.read('jax_enable_x64') else jnp.int32)
    table = jax.random.normal(k_tab, (VOCAB, D_MODEL), dtype=jnp.float32)
    # padding_idx row is zero, matching nn.Embedding(padding_idx=1)
    table = table.at[PAD_IDX].set(0.0)
    return {"x": x, "table": table}


def reference(x, table):
    # token embedding lookup (gather)
    token_embeddings = jnp.take(table, x, axis=0)  # [B, S, D]
    seq_len = x.shape[1]
    pe = _positional_encoding(D_MODEL, MAX_LEN)[:seq_len, :]  # [S, D]
    embeddings = token_embeddings + pe[None, :, :]
    # use_dropout=False, so no dropout applied
    return embeddings

if __name__ == "__main__":
    import jax
    _d = setup_inputs()
    print(jax.jit(kernel)(*tuple(_d.values())))

</pallas_src>

<mosaic_0001>
#map = affine_map<(d0, d1) -> (0, 0)>
#map1 = affine_map<(d0, d1) -> (0, 0, 0)>
module attributes {stable_mosaic.version = 14 : i64} {
  func.func @embed_gather(%arg0: i32, %arg1: i32, %arg2: memref<1024x256xi32, #tpu.memory_space<hbm>>, %arg3: memref<200x128xf32, #tpu.memory_space<hbm>>, %arg4: memref<1000000x128xf32, #tpu.memory_space<hbm>>, %arg5: memref<1024x200x64xf32, #tpu.memory_space<hbm>>, %arg6: memref<8192xi32, #tpu.memory_space<vmem>>, %arg7: memref<200x128xf32, #tpu.memory_space<vmem>>, %arg8: memref<4x104x128xf32, #tpu.memory_space<vmem>>, %arg9: memref<2x104x64xf32, #tpu.memory_space<vmem>>, %arg10: memref<4x!tpu.dma_semaphore, #tpu.memory_space<semaphore_mem>>, %arg11: memref<2x!tpu.dma_semaphore, #tpu.memory_space<semaphore_mem>>, %arg12: memref<!tpu.dma_semaphore, #tpu.memory_space<semaphore_mem>>) attributes {dimension_semantics = [#tpu.dimension_semantics<core_parallel>, #tpu.dimension_semantics<subcore_parallel>], iteration_bounds = array<i64: 2, 16>, scalar_prefetch = 0 : i64, scratch_operands = 7 : i64, tpu.core_type = #tpu.core_type<sc_vector_subcore>, window_params = [{transform_indices = #map}, {transform_indices = #map}, {transform_indices = #map}, {transform_indices = #map1}]} {
    %mul3A = arith.constant 2 : i32
    %mul3A_0 = arith.muli %arg1, %mul3A : i32
    %add3A = arith.addi %mul3A_0, %arg0 : i32
    %mul3A_1 = arith.constant 32 : i32
    %mul3A_2 = arith.muli %add3A, %mul3A_1 : i32
    %add3A_3 = arith.constant 0 : i32
    %add3A_4 = arith.addi %mul3A_2, %add3A_3 : i32
    %dma_start3A = arith.constant 0 : i32
    %dma_start3A_5 = tpu.memref_slice %arg6[%dma_start3A] : memref<8192xi32, #tpu.memory_space<vmem>> -> memref<128xi32, #tpu.memory_space<vmem>>
    %dma_start3A_6 = arith.constant 0 : i32
    %dma_start3A_7 = tpu.memref_slice %arg2[%add3A_4, %dma_start3A_6] : memref<1024x256xi32, #tpu.memory_space<hbm>> -> memref<1x128xi32, #tpu.memory_space<hbm>>
    %dma_start3A_8 = tpu.memref_squeeze %dma_start3A_7 : memref<1x128xi32, #tpu.memory_space<hbm>> -> memref<128xi32, #tpu.memory_space<hbm>>
    %dma_start3A_9 = arith.constant 0 : i32
    %dma_start3A_10 = tpu.memref_slice %arg6[%dma_start3A_9] : memref<8192xi32, #tpu.memory_space<vmem>> -> memref<128xi32, #tpu.memory_space<vmem>>
    %dma_start3A_11 = arith.constant 0 : i32
    %dma_start3A_12 = tpu.memref_slice %arg2[%add3A_4, %dma_start3A_11] : memref<1024x256xi32, #tpu.memory_space<hbm>> -> memref<1x128xi32, #tpu.memory_space<hbm>>
    %dma_start3A_13 = tpu.memref_squeeze %dma_start3A_12 : memref<1x128xi32, #tpu.memory_space<hbm>> -> memref<128xi32, #tpu.memory_space<hbm>>
    tpu.enqueue_dma source(%dma_start3A_13 : memref<128xi32, #tpu.memory_space<hbm>>) target(%dma_start3A_10 : memref<128xi32, #tpu.memory_space<vmem>>) target_semaphore(%arg12 : memref<!tpu.dma_semaphore, #tpu.memory_space<semaphore_mem>>)
    %add3A_14 = arith.constant 0 : i32
    %add3A_15 = arith.addi %mul3A_2, %add3A_14 : i32
    %dma_start3A_16 = arith.constant 128 : i32
    %dma_start3A_17 = tpu.memref_slice %arg6[%dma_start3A_16] : memref<8192xi32, #tpu.memory_space<vmem>> -> memref<128xi32, #tpu.memory_space<vmem>>
    %dma_start3A_18 = arith.constant 128 : i32
    %dma_start3A_19 = tpu.memref_slice %arg2[%add3A_15, %dma_start3A_18] : memref<1024x256xi32, #tpu.memory_space<hbm>> -> memref<1x128xi32, #tpu.memory_space<hbm>>
    %dma_start3A_20 = tpu.memref_squeeze %dma_start3A_19 : memref<1x128xi32, #tpu.memory_space<hbm>> -> memref<128xi32, #tpu.memory_space<hbm>>
    %dma_start3A_21 = arith.constant 128 : i32
    %dma_start3A_22 = tpu.memref_slice %arg6[%dma_start3A_21] : memref<8192xi32, #tpu.memory_space<vmem>> -> memref<128xi32, #tpu.memory_space<vmem>>
    %dma_start3A_23 = arith.constant 128 : i32
    %dma_start3A_24 = tpu.memref_slice %arg2[%add3A_15, %dma_start3A_23] : memref<1024x256xi32, #tpu.memory_space<hbm>> -> memref<1x128xi32, #tpu.memory_space<hbm>>
    %dma_start3A_25 = tpu.memref_squeeze %dma_start3A_24 : memref<1x128xi32, #tpu.memory_space<hbm>> -> memref<128xi32, #tpu.memory_space<hbm>>
    tpu.enqueue_dma source(%dma_start3A_25 : memref<128xi32, #tpu.memory_space<hbm>>) target(%dma_start3A_22 : memref<128xi32, #tpu.memory_space<vmem>>) target_semaphore(%arg12 : memref<!tpu.dma_semaphore, #tpu.memory_space<semaphore_mem>>)
    %add3A_26 = arith.constant 1 : i32
    %add3A_27 = arith.addi %mul3A_2, %add3A_26 : i32
    %dma_start3A_28 = arith.constant 256 : i32
    %dma_start3A_29 = tpu.memref_slice %arg6[%dma_start3A_28] : memref<8192xi32, #tpu.memory_space<vmem>> -> memref<128xi32, #tpu.memory_space<vmem>>
    %dma_start3A_30 = arith.constant 0 : i32
    %dma_start3A_31 = tpu.memref_slice %arg2[%add3A_27, %dma_start3A_30] : memref<1024x256xi32, #tpu.memory_space<hbm>> -> memref<1x128xi32, #tpu.memory_space<hbm>>
    %dma_start3A_32 = tpu.memref_squeeze %dma_start3A_31 : memref<1x128xi32, #tpu.memory_space<hbm>> -> memref<128xi32, #tpu.memory_space<hbm>>
    %dma_start3A_33 = arith.constant 256 : i32
    %dma_start3A_34 = tpu.memref_slice %arg6[%dma_start3A_33] : memref<8192xi32, #tpu.memory_space<vmem>> -> memref<128xi32, #tpu.memory_space<vmem>>
    %dma_start3A_35 = arith.constant 0 : i32
    %dma_start3A_36 = tpu.memref_slice %arg2[%add3A_27, %dma_start3A_35] : memref<1024x256xi32, #tpu.memory_space<hbm>> -> memref<1x128xi32, #tpu.memory_space<hbm>>
    %dma_start3A_37 = tpu.memref_squeeze %dma_start3A_36 : memref<1x128xi32, #tpu.memory_space<hbm>> -> memref<128xi32, #tpu.memory_space<hbm>>
    tpu.enqueue_dma source(%dma_start3A_37 : memref<128xi32, #tpu.memory_space<hbm>>) target(%dma_start3A_34 : memref<128xi32, #tpu.memory_space<vmem>>) target_semaphore(%arg12 : memref<!tpu.dma_semaphore, #tpu.memory_space<semaphore_mem>>)
    %add3A_38 = arith.constant 1 : i32
    %add3A_39 = arith.addi %mul3A_2, %add3A_38 : i32
    %dma_start3A_40 = arith.constant 384 : i32
    %dma_start3A_41 = tpu.memref_slice %arg6[%dma_start3A_40] : memref<8192xi32, #tpu.memory_space<vmem>> -> memref<128xi32, #tpu.memory_space<vmem>>
    %dma_start3A_42 = arith.constant 128 : i32
    %dma_start3A_43 = tpu.memref_slice %arg2[%add3A_39, %dma_start3A_42] : memref<1024x256xi32, #tpu.memory_space<hbm>> -> memref<1x128xi32, #tpu.memory_space<hbm>>
    %dma_start3A_44 = tpu.memref_squeeze %dma_start3A_43 : memref<1x128xi32, #tpu.memory_space<hbm>> -> memref<128xi32, #tpu.memory_space<hbm>>
    %dma_start3A_45 = arith.constant 384 : i32
    %dma_start3A_46 = tpu.memref_slice %arg6[%dma_start3A_45] : memref<8192xi32, #tpu.memory_space<vmem>> -> memref<128xi32, #tpu.memory_space<vmem>>
    %dma_start3A_47 = arith.constant 128 : i32
    %dma_start3A_48 = tpu.memref_slice %arg2[%add3A_39, %dma_start3A_47] : memref<1024x256xi32, #tpu.memory_space<hbm>> -> memref<1x128xi32, #tpu.memory_space<hbm>>
    %dma_start3A_49 = tpu.memref_squeeze %dma_start3A_48 : memref<1x128xi32, #tpu.memory_space<hbm>> -> memref<128xi32, #tpu.memory_space<hbm>>
    tpu.enqueue_dma source(%dma_start3A_49 : memref<128xi32, #tpu.memory_space<hbm>>) target(%dma_start3A_46 : memref<128xi32, #tpu.memory_space<vmem>>) target_semaphore(%arg12 : memref<!tpu.dma_semaphore, #tpu.memory_space<semaphore_mem>>)
    %add3A_50 = arith.constant 2 : i32
    %add3A_51 = arith.addi %mul3A_2, %add3A_50 : i32
    %dma_start3A_52 = arith.constant 512 : i32
    %dma_start3A_53 = tpu.memref_slice %arg6[%dma_start3A_52] : memref<8192xi32, #tpu.memory_space<vmem>> -> memref<128xi32, #tpu.memory_space<vmem>>
    %dma_start3A_54 = arith.constant 0 : i32
    %dma_start3A_55 = tpu.memref_slice %arg2[%add3A_51, %dma_start3A_54] : memref<1024x256xi32, #tpu.memory_space<hbm>> -> memref<1x128xi32, #tpu.memory_space<hbm>>
    %dma_start3A_56 = tpu.memref_squeeze %dma_start3A_55 : memref<1x128xi32, #tpu.memory_space<hbm>> -> memref<128xi32, #tpu.memory_space<hbm>>
    %dma_start3A_57 = arith.constant 512 : i32
    %dma_start3A_58 = tpu.memref_slice %arg6[%dma_start3A_57] : memref<8192xi32, #tpu.memory_space<vmem>> -> memref<128xi32, #tpu.memory_space<vmem>>
    %dma_start3A_59 = arith.constant 0 : i32
    %dma_start3A_60 = tpu.memref_slice %arg2[%add3A_51, %dma_start3A_59] : memref<1024x256xi32, #tpu.memory_space<hbm>> -> memref<1x128xi32, #tpu.memory_space<hbm>>
    %dma_start3A_61 = tpu.memref_squeeze %dma_start3A_60 : memref<1x128xi32, #tpu.memory_space<hbm>> -> memref<128xi32, #tpu.memory_space<hbm>>
    tpu.enqueue_dma source(%dma_start3A_61 : memref<128xi32, #tpu.memory_space<hbm>>) target(%dma_start3A_58 : memref<128xi32, #tpu.memory_space<vmem>>) target_semaphore(%arg12 : memref<!tpu.dma_semaphore, #tpu.memory_space<semaphore_mem>>)
    %add3A_62 = arith.constant 2 : i32
    %add3A_63 = arith.addi %mul3A_2, %add3A_62 : i32
    %dma_start3A_64 = arith.constant 640 : i32
    %dma_start3A_65 = tpu.memref_slice %arg6[%dma_start3A_64] : memref<8192xi32, #tpu.memory_space<vmem>> -> memref<128xi32, #tpu.memory_space<vmem>>
    %dma_start3A_66 = arith.constant 128 : i32
    %dma_start3A_67 = tpu.memref_slice %arg2[%add3A_63, %dma_start3A_66] : memref<1024x256xi32, #tpu.memory_space<hbm>> -> memref<1x128xi32, #tpu.memory_space<hbm>>
    %dma_start3A_68 = tpu.memref_squeeze %dma_start3A_67 : memref<1x128xi32, #tpu.memory_space<hbm>> -> memref<128xi32, #tpu.memory_space<hbm>>
    %dma_start3A_69 = arith.constant 640 : i32
    %dma_start3A_70 = tpu.memref_slice %arg6[%dma_start3A_69] : memref<8192xi32, #tpu.memory_space<vmem>> -> memref<128xi32, #tpu.memory_space<vmem>>
    %dma_start3A_71 = arith.constant 128 : i32
    %dma_start3A_72 = tpu.memref_slice %arg2[%add3A_63, %dma_start3A_71] : memref<1024x256xi32, #tpu.memory_space<hbm>> -> memref<1x128xi32, #tpu.memory_space<hbm>>
    %dma_start3A_73 = tpu.memref_squeeze %dma_start3A_72 : memref<1x128xi32, #tpu.memory_space<hbm>> -> memref<128xi32, #tpu.memory_space<hbm>>
    tpu.enqueue_dma source(%dma_start3A_73 : memref<128xi32, #tpu.memory_space<hbm>>) target(%dma_start3A_70 : memref<128xi32, #tpu.memory_space<vmem>>) target_semaphore(%arg12 : memref<!tpu.dma_semaphore, #tpu.memory_space<semaphore_mem>>)
    %add3A_74 = arith.constant 3 : i32
    %add3A_75 = arith.addi %mul3A_2, %add3A_74 : i32
    %dma_start3A_76 = arith.constant 768 : i32
    %dma_start3A_77 = tpu.memref_slice %arg6[%dma_start3A_76] : memref<8192xi32, #tpu.memory_space<vmem>> -> memref<128xi32, #tpu.memory_space<vmem>>
    %dma_start3A_78 = arith.constant 0 : i32
    %dma_start3A_79 = tpu.memref_slice %arg2[%add3A_75, %dma_start3A_78] : memref<1024x256xi32, #tpu.memory_space<hbm>> -> memref<1x128xi32, #tpu.memory_space<hbm>>
    %dma_start3A_80 = tpu.memref_squeeze %dma_start3A_79 : memref<1x128xi32, #tpu.memory_space<hbm>> -> memref<128xi32, #tpu.memory_space<hbm>>
    %dma_start3A_81 = arith.constant 768 : i32
    %dma_start3A_82 = tpu.memref_slice %arg6[%dma_start3A_81] : memref<8192xi32, #tpu.memory_space<vmem>> -> memref<128xi32, #tpu.memory_space<vmem>>
    %dma_start3A_83 = arith.constant 0 : i32
    %dma_start3A_84 = tpu.memref_slice %arg2[%add3A_75, %dma_start3A_83] : memref<1024x256xi32, #tpu.memory_space<hbm>> -> memref<1x128xi32, #tpu.memory_space<hbm>>
    %dma_start3A_85 = tpu.memref_squeeze %dma_start3A_84 : memref<1x128xi32, #tpu.memory_space<hbm>> -> memref<128xi32, #tpu.memory_space<hbm>>
    tpu.enqueue_dma source(%dma_start3A_85 : memref<128xi32, #tpu.memory_space<hbm>>) target(%dma_start3A_82 : memref<128xi32, #tpu.memory_space<vmem>>) target_semaphore(%arg12 : memref<!tpu.dma_semaphore, #tpu.memory_space<semaphore_mem>>)
    %add3A_86 = arith.constant 3 : i32
    %add3A_87 = arith.addi %mul3A_2, %add3A_86 : i32
    %dma_start3A_88 = arith.constant 896 : i32
    %dma_start3A_89 = tpu.memref_slice %arg6[%dma_start3A_88] : memref<8192xi32, #tpu.memory_space<vmem>> -> memref<128xi32, #tpu.memory_space<vmem>>
    %dma_start3A_90 = arith.constant 128 : i32
    %dma_start3A_91 = tpu.memref_slice %arg2[%add3A_87, %dma_start3A_90] : memref<1024x256xi32, #tpu.memory_space<hbm>> -> memref<1x128xi32, #tpu.memory_space<hbm>>
    %dma_start3A_92 = tpu.memref_squeeze %dma_start3A_91 : memref<1x128xi32, #tpu.memory_space<hbm>> -> memref<128xi32, #tpu.memory_space<hbm>>
    %dma_start3A_93 = arith.constant 896 : i32
    %dma_start3A_94 = tpu.memref_slice %arg6[%dma_start3A_93] : memref<8192xi32, #tpu.memory_space<vmem>> -> memref<128xi32, #tpu.memory_space<vmem>>
    %dma_start3A_95 = arith.constant 128 : i32
    %dma_start3A_96 = tpu.memref_slice %arg2[%add3A_87, %dma_start3A_95] : memref<1024x256xi32, #tpu.memory_space<hbm>> -> memref<1x128xi32, #tpu.memory_space<hbm>>
    %dma_start3A_97 = tpu.memref_squeeze %dma_start3A_96 : memref<1x128xi32, #tpu.memory_space<hbm>> -> memref<128xi32, #tpu.memory_space<hbm>>
    tpu.enqueue_dma source(%dma_start3A_97 : memref<128xi32, #tpu.memory_space<hbm>>) target(%dma_start3A_94 : memref<128xi32, #tpu.memory_space<vmem>>) target_semaphore(%arg12 : memref<!tpu.dma_semaphore, #tpu.memory_space<semaphore_mem>>)
    %add3A_98 = arith.constant 4 : i32
    %add3A_99 = arith.addi %mul3A_2, %add3A_98 : i32
    %dma_start3A_100 = arith.constant 1024 : i32
    %dma_start3A_101 = tpu.memref_slice %arg6[%dma_start3A_100] : memref<8192xi32, #tpu.memory_space<vmem>> -> memref<128xi32, #tpu.memory_space<vmem>>
    %dma_start3A_102 = arith.constant 0 : i32
    %dma_start3A_103 = tpu.memref_slice %arg2[%add3A_99, %dma_start3A_102] : memref<1024x256xi32, #tpu.memory_space<hbm>> -> memref<1x128xi32, #tpu.memory_space<hbm>>
    %dma_start3A_104 = tpu.memref_squeeze %dma_start3A_103 : memref<1x128xi32, #tpu.memory_space<hbm>> -> memref<128xi32, #tpu.memory_space<hbm>>
    %dma_start3A_105 = arith.constant 1024 : i32
    %dma_start3A_106 = tpu.memref_slice %arg6[%dma_start3A_105] : memref<8192xi32, #tpu.memory_space<vmem>> -> memref<128xi32, #tpu.memory_space<vmem>>
    %dma_start3A_107 = arith.constant 0 : i32
    %dma_start3A_108 = tpu.memref_slice %arg2[%add3A_99, %dma_start3A_107] : memref<1024x256xi32, #tpu.memory_space<hbm>> -> memref<1x128xi32, #tpu.memory_space<hbm>>
    %dma_start3A_109 = tpu.memref_squeeze %dma_start3A_108 : memref<1x128xi32, #tpu.memory_space<hbm>> -> memref<128xi32, #tpu.memory_space<hbm>>
    tpu.enqueue_dma source(%dma_start3A_109 : memref<128xi32, #tpu.memory_space<hbm>>) target(%dma_start3A_106 : memref<128xi32, #tpu.memory_space<vmem>>) target_semaphore(%arg12 : memref<!tpu.dma_semaphore, #tpu.memory_space<semaphore_mem>>)
    %add3A_110 = arith.constant 4 : i32
    %add3A_111 = arith.addi %mul3A_2, %add3A_110 : i32
    %dma_start3A_112 = arith.constant 1152 : i32
    %dma_start3A_113 = tpu.memref_slice %arg6[%dma_start3A_112] : memref<8192xi32, #tpu.memory_space<vmem>> -> memref<128xi32, #tpu.memory_space<vmem>>
    %dma_start3A_114 = arith.constant 128 : i32
    %dma_start3A_115 = tpu.memref_slice %arg2[%add3A_111, %dma_start3A_114] : memref<1024x256xi32, #tpu.memory_space<hbm>> -> memref<1x128xi32, #tpu.memory_space<hbm>>
    %dma_start3A_116 = tpu.memref_squeeze %dma_start3A_115 : memref<1x128xi32, #tpu.memory_space<hbm>> -> memref<128xi32, #tpu.memory_space<hbm>>
    %dma_start3A_117 = arith.constant 1152 : i32
    %dma_start3A_118 = tpu.memref_slice %arg6[%dma_start3A_117] : memref<8192xi32, #tpu.memory_space<vmem>> -> memref<128xi32, #tpu.memory_space<vmem>>
    %dma_start3A_119 = arith.constant 128 : i32
    %dma_start3A_120 = tpu.memref_slice %arg2[%add3A_111, %dma_start3A_119] : memref<1024x256xi32, #tpu.memory_space<hbm>> -> memref<1x128xi32, #tpu.memory_space<hbm>>
    %dma_start3A_121 = tpu.memref_squeeze %dma_start3A_120 : memref<1x128xi32, #tpu.memory_space<hbm>> -> memref<128xi32, #tpu.memory_space<hbm>>
    tpu.enqueue_dma source(%dma_start3A_121 : memref<128xi32, #tpu.memory_space<hbm>>) target(%dma_start3A_118 : memref<128xi32, #tpu.memory_space<vmem>>) target_semaphore(%arg12 : memref<!tpu.dma_semaphore, #tpu.memory_space<semaphore_mem>>)
    %add3A_122 = arith.constant 5 : i32
    %add3A_123 = arith.addi %mul3A_2, %add3A_122 : i32
    %dma_start3A_124 = arith.constant 1280 : i32
    %dma_start3A_125 = tpu.memref_slice %arg6[%dma_start3A_124] : memref<8192xi32, #tpu.memory_space<vmem>> -> memref<128xi32, #tpu.memory_space<vmem>>
    %dma_start3A_126 = arith.constant 0 : i32
    %dma_start3A_127 = tpu.memref_slice %arg2[%add3A_123, %dma_start3A_126] : memref<1024x256xi32, #tpu.memory_space<hbm>> -> memref<1x128xi32, #tpu.memory_space<hbm>>
    %dma_start3A_128 = tpu.memref_squeeze %dma_start3A_127 : memref<1x128xi32, #tpu.memory_space<hbm>> -> memref<128xi32, #tpu.memory_space<hbm>>
    %dma_start3A_129 = arith.constant 1280 : i32
    %dma_start3A_130 = tpu.memref_slice %arg6[%dma_start3A_129] : memref<8192xi32, #tpu.memory_space<vmem>> -> memref<128xi32, #tpu.memory_space<vmem>>
    %dma_start3A_131 = arith.constant 0 : i32
    %dma_start3A_132 = tpu.memref_slice %arg2[%add3A_123, %dma_start3A_131] : memref<1024x256xi32, #tpu.memory_space<hbm>> -> memref<1x128xi32, #tpu.memory_space<hbm>>
    %dma_start3A_133 = tpu.memref_squeeze %dma_start3A_132 : memref<1x128xi32, #tpu.memory_space<hbm>> -> memref<128xi32, #tpu.memory_space<hbm>>
    tpu.enqueue_dma source(%dma_start3A_133 : memref<128xi32, #tpu.memory_space<hbm>>) target(%dma_start3A_130 : memref<128xi32, #tpu.memory_space<vmem>>) target_semaphore(%arg12 : memref<!tpu.dma_semaphore, #tpu.memory_space<semaphore_mem>>)
    %add3A_134 = arith.constant 5 : i32
    %add3A_135 = arith.addi %mul3A_2, %add3A_134 : i32
    %dma_start3A_136 = arith.constant 1408 : i32
    %dma_start3A_137 = tpu.memref_slice %arg6[%dma_start3A_136] : memref<8192xi32, #tpu.memory_space<vmem>> -> memref<128xi32, #tpu.memory_space<vmem>>
    %dma_start3A_138 = arith.constant 128 : i32
    %dma_start3A_139 = tpu.memref_slice %arg2[%add3A_135, %dma_start3A_138] : memref<1024x256xi32, #tpu.memory_space<hbm>> -> memref<1x128xi32, #tpu.memory_space<hbm>>
    %dma_start3A_140 = tpu.memref_squeeze %dma_start3A_139 : memref<1x128xi32, #tpu.memory_space<hbm>> -> memref<128xi32, #tpu.memory_space<hbm>>
    %dma_start3A_141 = arith.constant 1408 : i32
    %dma_start3A_142 = tpu.memref_slice %arg6[%dma_start3A_141] : memref<8192xi32, #tpu.memory_space<vmem>> -> memref<128xi32, #tpu.memory_space<vmem>>
    %dma_start3A_143 = arith.constant 128 : i32
    %dma_start3A_144 = tpu.memref_slice %arg2[%add3A_135, %dma_start3A_143] : memref<1024x256xi32, #tpu.memory_space<hbm>> -> memref<1x128xi32, #tpu.memory_space<hbm>>
    %dma_start3A_145 = tpu.memref_squeeze %dma_start3A_144 : memref<1x128xi32, #tpu.memory_space<hbm>> -> memref<128xi32, #tpu.memory_space<hbm>>
    tpu.enqueue_dma source(%dma_start3A_145 : memref<128xi32, #tpu.memory_space<hbm>>) target(%dma_start3A_142 : memref<128xi32, #tpu.memory_space<vmem>>) target_semaphore(%arg12 : memref<!tpu.dma_semaphore, #tpu.memory_space<semaphore_mem>>)
    %add3A_146 = arith.constant 6 : i32
    %add3A_147 = arith.addi %mul3A_2, %add3A_146 : i32
    %dma_start3A_148 = arith.constant 1536 : i32
    %dma_start3A_149 = tpu.memref_slice %arg6[%dma_start3A_148] : memref<8192xi32, #tpu.memory_space<vmem>> -> memref<128xi32, #tpu.memory_space<vmem>>
    %dma_start3A_150 = arith.constant 0 : i32
    %dma_start3A_151 = tpu.memref_slice %arg2[%add3A_147, %dma_start3A_150] : memref<1024x256xi32, #tpu.memory_space<hbm>> -> memref<1x128xi32, #tpu.memory_space<hbm>>
    %dma_start3A_152 = tpu.memref_squeeze %dma_start3A_151 : memref<1x128xi32, #tpu.memory_space<hbm>> -> memref<128xi32, #tpu.memory_space<hbm>>
    %dma_start3A_153 = arith.constant 1536 : i32
    %dma_start3A_154 = tpu.memref_slice %arg6[%dma_start3A_153] : memref<8192xi32, #tpu.memory_space<vmem>> -> memref<128xi32, #tpu.memory_space<vmem>>
    %dma_start3A_155 = arith.constant 0 : i32
    %dma_start3A_156 = tpu.memref_slice %arg2[%add3A_147, %dma_start3A_155] : memref<1024x256xi32, #tpu.memory_space<hbm>> -> memref<1x128xi32, #tpu.memory_space<hbm>>
    %dma_start3A_157 = tpu.memref_squeeze %dma_start3A_156 : memref<1x128xi32, #tpu.memory_space<hbm>> -> memref<128xi32, #tpu.memory_space<hbm>>
    tpu.enqueue_dma source(%dma_start3A_157 : memref<128xi32, #tpu.memory_space<hbm>>) target(%dma_start3A_154 : memref<128xi32, #tpu.memory_space<vmem>>) target_semaphore(%arg12 : memref<!tpu.dma_semaphore, #tpu.memory_space<semaphore_mem>>)
    %add3A_158 = arith.constant 6 : i32
    %add3A_159 = arith.addi %mul3A_2, %add3A_158 : i32
    %dma_start3A_160 = arith.constant 1664 : i32
    %dma_start3A_161 = tpu.memref_slice %arg6[%dma_start3A_160] : memref<8192xi32, #tpu.memory_space<vmem>> -> memref<128xi32, #tpu.memory_space<vmem>>
    %dma_start3A_162 = arith.constant 128 : i32
    %dma_start3A_163 = tpu.memref_slice %arg2[%add3A_159, %dma_start3A_162] : memref<1024x256xi32, #tpu.memory_space<hbm>> -> memref<1x128xi32, #tpu.memory_space<hbm>>
    %dma_start3A_164 = tpu.memref_squeeze %dma_start3A_163 : memref<1x128xi32, #tpu.memory_space<hbm>> -> memref<128xi32, #tpu.memory_space<hbm>>
    %dma_start3A_165 = arith.constant 1664 : i32
    %dma_start3A_166 = tpu.memref_slice %arg6[%dma_start3A_165] : memref<8192xi32, #tpu.memory_space<vmem>> -> memref<128xi32, #tpu.memory_space<vmem>>
    %dma_start3A_167 = arith.constant 128 : i32
    %dma_start3A_168 = tpu.memref_slice %arg2[%add3A_159, %dma_start3A_167] : memref<1024x256xi32, #tpu.memory_space<hbm>> -> memref<1x128xi32, #tpu.memory_space<hbm>>
    %dma_start3A_169 = tpu.memref_squeeze %dma_start3A_168 : memref<1x128xi32, #tpu.memory_space<hbm>> -> memref<128xi32, #tpu.memory_space<hbm>>
    tpu.enqueue_dma source(%dma_start3A_169 : memref<128xi32, #tpu.memory_space<hbm>>) target(%dma_start3A_166 : memref<128xi32, #tpu.memory_space<vmem>>) target_semaphore(%arg12 : memref<!tpu.dma_semaphore, #tpu.memory_space<semaphore_mem>>)
    %add3A_170 = arith.constant 7 : i32
    %add3A_171 = arith.addi %mul3A_2, %add3A_170 : i32
    %dma_start3A_172 = arith.constant 1792 : i32
    %dma_start3A_173 = tpu.memref_slice %arg6[%dma_start3A_172] : memref<8192xi32, #tpu.memory_space<vmem>> -> memref<128xi32, #tpu.memory_space<vmem>>
    %dma_start3A_174 = arith.constant 0 : i32
    %dma_start3A_175 = tpu.memref_slice %arg2[%add3A_171, %dma_start3A_174] : memref<1024x256xi32, #tpu.memory_space<hbm>> -> memref<1x128xi32, #tpu.memory_space<hbm>>
    %dma_start3A_176 = tpu.memref_squeeze %dma_start3A_175 : memref<1x128xi32, #tpu.memory_space<hbm>> -> memref<128xi32, #tpu.memory_space<hbm>>
    %dma_start3A_177 = arith.constant 1792 : i32
    %dma_start3A_178 = tpu.memref_slice %arg6[%dma_start3A_177] : memref<8192xi32, #tpu.memory_space<vmem>> -> memref<128xi32, #tpu.memory_space<vmem>>
    %dma_start3A_179 = arith.constant 0 : i32
    %dma_start3A_180 = tpu.memref_slice %arg2[%add3A_171, %dma_start3A_179] : memref<1024x256xi32, #tpu.memory_space<hbm>> -> memref<1x128xi32, #tpu.memory_space<hbm>>
    %dma_start3A_181 = tpu.memref_squeeze %dma_start3A_180 : memref<1x128xi32, #tpu.memory_space<hbm>> -> memref<128xi32, #tpu.memory_space<hbm>>
    tpu.enqueue_dma source(%dma_start3A_181 : memref<128xi32, #tpu.memory_space<hbm>>) target(%dma_start3A_178 : memref<128xi32, #tpu.memory_space<vmem>>) target_semaphore(%arg12 : memref<!tpu.dma_semaphore, #tpu.memory_space<semaphore_mem>>)
    %add3A_182 = arith.constant 7 : i32
    %add3A_183 = arith.addi %mul3A_2, %add3A_182 : i32
    %dma_start3A_184 = arith.constant 1920 : i32
    %dma_start3A_185 = tpu.memref_slice %arg6[%dma_start3A_184] : memref<8192xi32, #tpu.memory_space<vmem>> -> memref<128xi32, #tpu.memory_space<vmem>>
    %dma_start3A_186 = arith.constant 128 : i32
    %dma_start3A_187 = tpu.memref_slice %arg2[%add3A_183, %dma_start3A_186] : memref<1024x256xi32, #tpu.memory_space<hbm>> -> memref<1x128xi32, #tpu.memory_space<hbm>>
    %dma_start3A_188 = tpu.memref_squeeze %dma_start3A_187 : memref<1x128xi32, #tpu.memory_space<hbm>> -> memref<128xi32, #tpu.memory_space<hbm>>
    %dma_start3A_189 = arith.constant 1920 : i32
    %dma_start3A_190 = tpu.memref_slice %arg6[%dma_start3A_189] : memref<8192xi32, #tpu.memory_space<vmem>> -> memref<128xi32, #tpu.memory_space<vmem>>
    %dma_start3A_191 = arith.constant 128 : i32
    %dma_start3A_192 = tpu.memref_slice %arg2[%add3A_183, %dma_start3A_191] : memref<1024x256xi32, #tpu.memory_space<hbm>> -> memref<1x128xi32, #tpu.memory_space<hbm>>
    %dma_start3A_193 = tpu.memref_squeeze %dma_start3A_192 : memref<1x128xi32, #tpu.memory_space<hbm>> -> memref<128xi32, #tpu.memory_space<hbm>>
    tpu.enqueue_dma source(%dma_start3A_193 : memref<128xi32, #tpu.memory_space<hbm>>) target(%dma_start3A_190 : memref<128xi32, #tpu.memory_space<vmem>>) target_semaphore(%arg12 : memref<!tpu.dma_semaphore, #tpu.memory_space<semaphore_mem>>)
    %add3A_194 = arith.constant 8 : i32
    %add3A_195 = arith.addi %mul3A_2, %add3A_194 : i32
    %dma_start3A_196 = arith.constant 2048 : i32
    %dma_start3A_197 = tpu.memref_slice %arg6[%dma_start3A_196] : memref<8192xi32, #tpu.memory_space<vmem>> -> memref<128xi32, #tpu.memory_space<vmem>>
    %dma_start3A_198 = arith.constant 0 : i32
    %dma_start3A_199 = tpu.memref_slice %arg2[%add3A_195, %dma_start3A_198] : memref<1024x256xi32, #tpu.memory_space<hbm>> -> memref<1x128xi32, #tpu.memory_space<hbm>>
    %dma_start3A_200 = tpu.memref_squeeze %dma_start3A_199 : memref<1x128xi32, #tpu.memory_space<hbm>> -> memref<128xi32, #tpu.memory_space<hbm>>
    %dma_start3A_201 = arith.constant 2048 : i32
    %dma_start3A_202 = tpu.memref_slice %arg6[%dma_start3A_201] : memref<8192xi32, #tpu.memory_space<vmem>> -> memref<128xi32, #tpu.memory_space<vmem>>
    %dma_start3A_203 = arith.constant 0 : i32
    %dma_start3A_204 = tpu.memref_slice %arg2[%add3A_195, %dma_start3A_203] : memref<1024x256xi32, #tpu.memory_space<hbm>> -> memref<1x128xi32, #tpu.memory_space<hbm>>
    %dma_start3A_205 = tpu.memref_squeeze %dma_start3A_204 : memref<1x128xi32, #tpu.memory_space<hbm>> -> memref<128xi32, #tpu.memory_space<hbm>>
    tpu.enqueue_dma source(%dma_start3A_205 : memref<128xi32, #tpu.memory_space<hbm>>) target(%dma_start3A_202 : memref<128xi32, #tpu.memory_space<vmem>>) target_semaphore(%arg12 : memref<!tpu.dma_semaphore, #tpu.memory_space<semaphore_mem>>)
    %add3A_206 = arith.constant 8 : i32
    %add3A_207 = arith.addi %mul3A_2, %add3A_206 : i32
    %dma_start3A_208 = arith.constant 2176 : i32
    %dma_start3A_209 = tpu.memref_slice %arg6[%dma_start3A_208] : memref<8192xi32, #tpu.memory_space<vmem>> -> memref<128xi32, #tpu.memory_space<vmem>>
    %dma_start3A_210 = arith.constant 128 : i32
    %dma_start3A_211 = tpu.memref_slice %arg2[%add3A_207, %dma_start3A_210] : memref<1024x256xi32, #tpu.memory_space<hbm>> -> memref<1x128xi32, #tpu.memory_space<hbm>>
    %dma_start3A_212 = tpu.memref_squeeze %dma_start3A_211 : memref<1x128xi32, #tpu.memory_space<hbm>> -> memref<128xi32, #tpu.memory_space<hbm>>
    %dma_start3A_213 = arith.constant 2176 : i32
    %dma_start3A_214 = tpu.memref_slice %arg6[%dma_start3A_213] : memref<8192xi32, #tpu.memory_space<vmem>> -> memref<128xi32, #tpu.memory_space<vmem>>
    %dma_start3A_215 = arith.constant 128 : i32
    %dma_start3A_216 = tpu.memref_slice %arg2[%add3A_207, %dma_start3A_215] : memref<1024x256xi32, #tpu.memory_space<hbm>> -> memref<1x128xi32, #tpu.memory_space<hbm>>
    %dma_start3A_217 = tpu.memref_squeeze %dma_start3A_216 : memref<1x128xi32, #tpu.memory_space<hbm>> -> memref<128xi32, #tpu.memory_space<hbm>>
    tpu.enqueue_dma source(%dma_start3A_217 : memref<128xi32, #tpu.memory_space<hbm>>) target(%dma_start3A_214 : memref<128xi32, #tpu.memory_space<vmem>>) target_semaphore(%arg12 : memref<!tpu.dma_semaphore, #tpu.memory_space<semaphore_mem>>)
    %add3A_218 = arith.constant 9 : i32
    %add3A_219 = arith.addi %mul3A_2, %add3A_218 : i32
    %dma_start3A_220 = arith.constant 2304 : i32
    %dma_start3A_221 = tpu.memref_slice %arg6[%dma_start3A_220] : memref<8192xi32, #tpu.memory_space<vmem>> -> memref<128xi32, #tpu.memory_space<vmem>>
    %dma_start3A_222 = arith.constant 0 : i32
    %dma_start3A_223 = tpu.memref_slice %arg2[%add3A_219, %dma_start3A_222] : memref<1024x256xi32, #tpu.memory_space<hbm>> -> memref<1x128xi32, #tpu.memory_space<hbm>>
    %dma_start3A_224 = tpu.memref_squeeze %dma_start3A_223 : memref<1x128xi32, #tpu.memory_space<hbm>> -> memref<128xi32, #tpu.memory_space<hbm>>
    %dma_start3A_225 = arith.constant 2304 : i32
    %dma_start3A_226 = tpu.memref_slice %arg6[%dma_start3A_225] : memref<8192xi32, #tpu.memory_space<vmem>> -> memref<128xi32, #tpu.memory_space<vmem>>
    %dma_start3A_227 = arith.constant 0 : i32
    %dma_start3A_228 = tpu.memref_slice %arg2[%add3A_219, %dma_start3A_227] : memref<1024x256xi32, #tpu.memory_space<hbm>> -> memref<1x128xi32, #tpu.memory_space<hbm>>
    %dma_start3A_229 = tpu.memref_squeeze %dma_start3A_228 : memref<1x128xi32, #tpu.memory_space<hbm>> -> memref<128xi32, #tpu.memory_space<hbm>>
    tpu.enqueue_dma source(%dma_start3A_229 : memref<128xi32, #tpu.memory_space<hbm>>) target(%dma_start3A_226 : memref<128xi32, #tpu.memory_space<vmem>>) target_semaphore(%arg12 : memref<!tpu.dma_semaphore, #tpu.memory_space<semaphore_mem>>)
    %add3A_230 = arith.constant 9 : i32
    %add3A_231 = arith.addi %mul3A_2, %add3A_230 : i32
    %dma_start3A_232 = arith.constant 2432 : i32
    %dma_start3A_233 = tpu.memref_slice %arg6[%dma_start3A_232] : memref<8192xi32, #tpu.memory_space<vmem>> -> memref<128xi32, #tpu.memory_space<vmem>>
    %dma_start3A_234 = arith.constant 128 : i32
    %dma_start3A_235 = tpu.memref_slice %arg2[%add3A_231, %dma_start3A_234] : memref<1024x256xi32, #tpu.memory_space<hbm>> -> memref<1x128xi32, #tpu.memory_space<hbm>>
    %dma_start3A_236 = tpu.memref_squeeze %dma_start3A_235 : memref<1x128xi32, #tpu.memory_space<hbm>> -> memref<128xi32, #tpu.memory_space<hbm>>
    %dma_start3A_237 = arith.constant 2432 : i32
    %dma_start3A_238 = tpu.memref_slice %arg6[%dma_start3A_237] : memref<8192xi32, #tpu.memory_space<vmem>> -> memref<128xi32, #tpu.memory_space<vmem>>
    %dma_start3A_239 = arith.constant 128 : i32
    %dma_start3A_240 = tpu.memref_slice %arg2[%add3A_231, %dma_start3A_239] : memref<1024x256xi32, #tpu.memory_space<hbm>> -> memref<1x128xi32, #tpu.memory_space<hbm>>
    %dma_start3A_241 = tpu.memref_squeeze %dma_start3A_240 : memref<1x128xi32, #tpu.memory_space<hbm>> -> memref<128xi32, #tpu.memory_space<hbm>>
    tpu.enqueue_dma source(%dma_start3A_241 : memref<128xi32, #tpu.memory_space<hbm>>) target(%dma_start3A_238 : memref<128xi32, #tpu.memory_space<vmem>>) target_semaphore(%arg12 : memref<!tpu.dma_semaphore, #tpu.memory_space<semaphore_mem>>)
    %add3A_242 = arith.constant 10 : i32
    %add3A_243 = arith.addi %mul3A_2, %add3A_242 : i32
    %dma_start3A_244 = arith.constant 2560 : i32
    %dma_start3A_245 = tpu.memref_slice %arg6[%dma_start3A_244] : memref<8192xi32, #tpu.memory_space<vmem>> -> memref<128xi32, #tpu.memory_space<vmem>>
    %dma_start3A_246 = arith.constant 0 : i32
    %dma_start3A_247 = tpu.memref_slice %arg2[%add3A_243, %dma_start3A_246] : memref<1024x256xi32, #tpu.memory_space<hbm>> -> memref<1x128xi32, #tpu.memory_space<hbm>>
    %dma_start3A_248 = tpu.memref_squeeze %dma_start3A_247 : memref<1x128xi32, #tpu.memory_space<hbm>> -> memref<128xi32, #tpu.memory_space<hbm>>
    %dma_start3A_249 = arith.constant 2560 : i32
    %dma_start3A_250 = tpu.memref_slice %arg6[%dma_start3A_249] : memref<8192xi32, #tpu.memory_space<vmem>> -> memref<128xi32, #tpu.memory_space<vmem>>
    %dma_start3A_251 = arith.constant 0 : i32
    %dma_start3A_252 = tpu.memref_slice %arg2[%add3A_243, %dma_start3A_251] : memref<1024x256xi32, #tpu.memory_space<hbm>> -> memref<1x128xi32, #tpu.memory_space<hbm>>
    %dma_start3A_253 = tpu.memref_squeeze %dma_start3A_252 : memref<1x128xi32, #tpu.memory_space<hbm>> -> memref<128xi32, #tpu.memory_space<hbm>>
    tpu.enqueue_dma source(%dma_start3A_253 : memref<128xi32, #tpu.memory_space<hbm>>) target(%dma_start3A_250 : memref<128xi32, #tpu.memory_space<vmem>>) target_semaphore(%arg12 : memref<!tpu.dma_semaphore, #tpu.memory_space<semaphore_mem>>)
    %add3A_254 = arith.constant 10 : i32
    %add3A_255 = arith.addi %mul3A_2, %add3A_254 : i32
    %dma_start3A_256 = arith.constant 2688 : i32
    %dma_start3A_257 = tpu.memref_slice %arg6[%dma_start3A_256] : memref<8192xi32, #tpu.memory_space<vmem>> -> memref<128xi32, #tpu.memory_space<vmem>>
    %dma_start3A_258 = arith.constant 128 : i32
    %dma_start3A_259 = tpu.memref_slice %arg2[%add3A_255, %dma_start3A_258] : memref<1024x256xi32, #tpu.memory_space<hbm>> -> memref<1x128xi32, #tpu.memory_space<hbm>>
    %dma_start3A_260 = tpu.memref_squeeze %dma_start3A_259 : memref<1x128xi32, #tpu.memory_space<hbm>> -> memref<128xi32, #tpu.memory_space<hbm>>
    %dma_start3A_261 = arith.constant 2688 : i32
    %dma_start3A_262 = tpu.memref_slice %arg6[%dma_start3A_261] : memref<8192xi32, #tpu.memory_space<vmem>> -> memref<128xi32, #tpu.memory_space<vmem>>
    %dma_start3A_263 = arith.constant 128 : i32
    %dma_start3A_264 = tpu.memref_slice %arg2[%add3A_255, %dma_start3A_263] : memref<1024x256xi32, #tpu.memory_space<hbm>> -> memref<1x128xi32, #tpu.memory_space<hbm>>
    %dma_start3A_265 = tpu.memref_squeeze %dma_start3A_264 : memref<1x128xi32, #tpu.memory_space<hbm>> -> memref<128xi32, #tpu.memory_space<hbm>>
    tpu.enqueue_dma source(%dma_start3A_265 : memref<128xi32, #tpu.memory_space<hbm>>) target(%dma_start3A_262 : memref<128xi32, #tpu.memory_space<vmem>>) target_semaphore(%arg12 : memref<!tpu.dma_semaphore, #tpu.memory_space<semaphore_mem>>)
    %add3A_266 = arith.constant 11 : i32
    %add3A_267 = arith.addi %mul3A_2, %add3A_266 : i32
    %dma_start3A_268 = arith.constant 2816 : i32
    %dma_start3A_269 = tpu.memref_slice %arg6[%dma_start3A_268] : memref<8192xi32, #tpu.memory_space<vmem>> -> memref<128xi32, #tpu.memory_space<vmem>>
    %dma_start3A_270 = arith.constant 0 : i32
    %dma_start3A_271 = tpu.memref_slice %arg2[%add3A_267, %dma_start3A_270] : memref<1024x256xi32, #tpu.memory_space<hbm>> -> memref<1x128xi32, #tpu.memory_space<hbm>>
    %dma_start3A_272 = tpu.memref_squeeze %dma_start3A_271 : memref<1x128xi32, #tpu.memory_space<hbm>> -> memref<128xi32, #tpu.memory_space<hbm>>
    %dma_start3A_273 = arith.constant 2816 : i32
    %dma_start3A_274 = tpu.memref_slice %arg6[%dma_start3A_273] : memref<8192xi32, #tpu.memory_space<vmem>> -> memref<128xi32, #tpu.memory_space<vmem>>
    %dma_start3A_275 = arith.constant 0 : i32
    %dma_start3A_276 = tpu.memref_slice %arg2[%add3A_267, %dma_start3A_275] : memref<1024x256xi32, #tpu.memory_space<hbm>> -> memref<1x128xi32, #tpu.memory_space<hbm>>
    %dma_start3A_277 = tpu.memref_squeeze %dma_start3A_276 : memref<1x128xi32, #tpu.memory_space<hbm>> -> memref<128xi32, #tpu.memory_space<hbm>>
    tpu.enqueue_dma source(%dma_start3A_277 : memref<128xi32, #tpu.memory_space<hbm>>) target(%dma_start3A_274 : memref<128xi32, #tpu.memory_space<vmem>>) target_semaphore(%arg12 : memref<!tpu.dma_semaphore, #tpu.memory_space<semaphore_mem>>)
    %add3A_278 = arith.constant 11 : i32
    %add3A_279 = arith.addi %mul3A_2, %add3A_278 : i32
    %dma_start3A_280 = arith.constant 2944 : i32
    %dma_start3A_281 = tpu.memref_slice %arg6[%dma_start3A_280] : memref<8192xi32, #tpu.memory_space<vmem>> -> memref<128xi32, #tpu.memory_space<vmem>>
    %dma_start3A_282 = arith.constant 128 : i32
    %dma_start3A_283 = tpu.memref_slice %arg2[%add3A_279, %dma_start3A_282] : memref<1024x256xi32, #tpu.memory_space<hbm>> -> memref<1x128xi32, #tpu.memory_space<hbm>>
    %dma_start3A_284 = tpu.memref_squeeze %dma_start3A_283 : memref<1x128xi32, #tpu.memory_space<hbm>> -> memref<128xi32, #tpu.memory_space<hbm>>
    %dma_start3A_285 = arith.constant 2944 : i32
    %dma_start3A_286 = tpu.memref_slice %arg6[%dma_start3A_285] : memref<8192xi32, #tpu.memory_space<vmem>> -> memref<128xi32, #tpu.memory_space<vmem>>
    %dma_start3A_287 = arith.constant 128 : i32
    %dma_start3A_288 = tpu.memref_slice %arg2[%add3A_279, %dma_start3A_287] : memref<1024x256xi32, #tpu.memory_space<hbm>> -> memref<1x128xi32, #tpu.memory_space<hbm>>
    %dma_start3A_289 = tpu.memref_squeeze %dma_start3A_288 : memref<1x128xi32, #tpu.memory_space<hbm>> -> memref<128xi32, #tpu.memory_space<hbm>>
    tpu.enqueue_dma source(%dma_start3A_289 : memref<128xi32, #tpu.memory_space<hbm>>) target(%dma_start3A_286 : memref<128xi32, #tpu.memory_space<vmem>>) target_semaphore(%arg12 : memref<!tpu.dma_semaphore, #tpu.memory_space<semaphore_mem>>)
    %add3A_290 = arith.constant 12 : i32
    %add3A_291 = arith.addi %mul3A_2, %add3A_290 : i32
    %dma_start3A_292 = arith.constant 3072 : i32
    %dma_start3A_293 = tpu.memref_slice %arg6[%dma_start3A_292] : memref<8192xi32, #tpu.memory_space<vmem>> -> memref<128xi32, #tpu.memory_space<vmem>>
    %dma_start3A_294 = arith.constant 0 : i32
    %dma_start3A_295 = tpu.memref_slice %arg2[%add3A_291, %dma_start3A_294] : memref<1024x256xi32, #tpu.memory_space<hbm>> -> memref<1x128xi32, #tpu.memory_space<hbm>>
    %dma_start3A_296 = tpu.memref_squeeze %dma_start3A_295 : memref<1x128xi32, #tpu.memory_space<hbm>> -> memref<128xi32, #tpu.memory_space<hbm>>
    %dma_start3A_297 = arith.constant 3072 : i32
    %dma_start3A_298 = tpu.memref_slice %arg6[%dma_start3A_297] : memref<8192xi32, #tpu.memory_space<vmem>> -> memref<128xi32, #tpu.memory_space<vmem>>
    %dma_start3A_299 = arith.constant 0 : i32
    %dma_start3A_300 = tpu.memref_slice %arg2[%add3A_291, %dma_start3A_299] : memref<1024x256xi32, #tpu.memory_space<hbm>> -> memref<1x128xi32, #tpu.memory_space<hbm>>
    %dma_start3A_301 = tpu.memref_squeeze %dma_start3A_300 : memref<1x128xi32, #tpu.memory_space<hbm>> -> memref<128xi32, #tpu.memory_space<hbm>>
    tpu.enqueue_dma source(%dma_start3A_301 : memref<128xi32, #tpu.memory_space<hbm>>) target(%dma_start3A_298 : memref<128xi32, #tpu.memory_space<vmem>>) target_semaphore(%arg12 : memref<!tpu.dma_semaphore, #tpu.memory_space<semaphore_mem>>)
    %add3A_302 = arith.constant 12 : i32
    %add3A_303 = arith.addi %mul3A_2, %add3A_302 : i32
    %dma_start3A_304 = arith.constant 3200 : i32
    %dma_start3A_305 = tpu.memref_slice %arg6[%dma_start3A_304] : memref<8192xi32, #tpu.memory_space<vmem>> -> memref<128xi32, #tpu.memory_space<vmem>>
    %dma_start3A_306 = arith.constant 128 : i32
    %dma_start3A_307 = tpu.memref_slice %arg2[%add3A_303, %dma_start3A_306] : memref<1024x256xi32, #tpu.memory_space<hbm>> -> memref<1x128xi32, #tpu.memory_space<hbm>>
    %dma_start3A_308 = tpu.memref_squeeze %dma_start3A_307 : memref<1x128xi32, #tpu.memory_space<hbm>> -> memref<128xi32, #tpu.memory_space<hbm>>
    %dma_start3A_309 = arith.constant 3200 : i32
    %dma_start3A_310 = tpu.memref_slice %arg6[%dma_start3A_309] : memref<8192xi32, #tpu.memory_space<vmem>> -> memref<128xi32, #tpu.memory_space<vmem>>
    %dma_start3A_311 = arith.constant 128 : i32
    %dma_start3A_312 = tpu.memref_slice %arg2[%add3A_303, %dma_start3A_311] : memref<1024x256xi32, #tpu.memory_space<hbm>> -> memref<1x128xi32, #tpu.memory_space<hbm>>
    %dma_start3A_313 = tpu.memref_squeeze %dma_start3A_312 : memref<1x128xi32, #tpu.memory_space<hbm>> -> memref<128xi32, #tpu.memory_space<hbm>>
    tpu.enqueue_dma source(%dma_start3A_313 : memref<128xi32, #tpu.memory_space<hbm>>) target(%dma_start3A_310 : memref<128xi32, #tpu.memory_space<vmem>>) target_semaphore(%arg12 : memref<!tpu.dma_semaphore, #tpu.memory_space<semaphore_mem>>)
    %add3A_314 = arith.constant 13 : i32
    %add3A_315 = arith.addi %mul3A_2, %add3A_314 : i32
    %dma_start3A_316 = arith.constant 3328 : i32
    %dma_start3A_317 = tpu.memref_slice %arg6[%dma_start3A_316] : memref<8192xi32, #tpu.memory_space<vmem>> -> memref<128xi32, #tpu.memory_space<vmem>>
    %dma_start3A_318 = arith.constant 0 : i32
    %dma_start3A_319 = tpu.memref_slice %arg2[%add3A_315, %dma_start3A_318] : memref<1024x256xi32, #tpu.memory_space<hbm>> -> memref<1x128xi32, #tpu.memory_space<hbm>>
    %dma_start3A_320 = tpu.memref_squeeze %dma_start3A_319 : memref<1x128xi32, #tpu.memory_space<hbm>> -> memref<128xi32, #tpu.memory_space<hbm>>
    %dma_start3A_321 = arith.constant 3328 : i32
    %dma_start3A_322 = tpu.memref_slice %arg6[%dma_start3A_321] : memref<8192xi32, #tpu.memory_space<vmem>> -> memref<128xi32, #tpu.memory_space<vmem>>
    %dma_start3A_323 = arith.constant 0 : i32
    %dma_start3A_324 = tpu.memref_slice %arg2[%add3A_315, %dma_start3A_323] : memref<1024x256xi32, #tpu.memory_space<hbm>> -> memref<1x128xi32, #tpu.memory_space<hbm>>
    %dma_start3A_325 = tpu.memref_squeeze %dma_start3A_324 : memref<1x128xi32, #tpu.memory_space<hbm>> -> memref<128xi32, #tpu.memory_space<hbm>>
    tpu.enqueue_dma source(%dma_start3A_325 : memref<128xi32, #tpu.memory_space<hbm>>) target(%dma_start3A_322 : memref<128xi32, #tpu.memory_space<vmem>>) target_semaphore(%arg12 : memref<!tpu.dma_semaphore, #tpu.memory_space<semaphore_mem>>)
    %add3A_326 = arith.constant 13 : i32
    %add3A_327 = arith.addi %mul3A_2, %add3A_326 : i32
    %dma_start3A_328 = arith.constant 3456 : i32
    %dma_start3A_329 = tpu.memref_slice %arg6[%dma_start3A_328] : memref<8192xi32, #tpu.memory_space<vmem>> -> memref<128xi32, #tpu.memory_space<vmem>>
    %dma_start3A_330 = arith.constant 128 : i32
    %dma_start3A_331 = tpu.memref_slice %arg2[%add3A_327, %dma_start3A_330] : memref<1024x256xi32, #tpu.memory_space<hbm>> -> memref<1x128xi32, #tpu.memory_space<hbm>>
    %dma_start3A_332 = tpu.memref_squeeze %dma_start3A_331 : memref<1x128xi32, #tpu.memory_space<hbm>> -> memref<128xi32, #tpu.memory_space<hbm>>
    %dma_start3A_333 = arith.constant 3456 : i32
    %dma_start3A_334 = tpu.memref_slice %arg6[%dma_start3A_333] : memref<8192xi32, #tpu.memory_space<vmem>> -> memref<128xi32, #tpu.memory_space<vmem>>
    %dma_start3A_335 = arith.constant 128 : i32
    %dma_start3A_336 = tpu.memref_slice %arg2[%add3A_327, %dma_start3A_335] : memref<1024x256xi32, #tpu.memory_space<hbm>> -> memref<1x128xi32, #tpu.memory_space<hbm>>
    %dma_start3A_337 = tpu.memref_squeeze %dma_start3A_336 : memref<1x128xi32, #tpu.memory_space<hbm>> -> memref<128xi32, #tpu.memory_space<hbm>>
    tpu.enqueue_dma source(%dma_start3A_337 : memref<128xi32, #tpu.memory_space<hbm>>) target(%dma_start3A_334 : memref<128xi32, #tpu.memory_space<vmem>>) target_semaphore(%arg12 : memref<!tpu.dma_semaphore, #tpu.memory_space<semaphore_mem>>)
    %add3A_338 = arith.constant 14 : i32
    %add3A_339 = arith.addi %mul3A_2, %add3A_338 : i32
    %dma_start3A_340 = arith.constant 3584 : i32
    %dma_start3A_341 = tpu.memref_slice %arg6[%dma_start3A_340] : memref<8192xi32, #tpu.memory_space<vmem>> -> memref<128xi32, #tpu.memory_space<vmem>>
    %dma_start3A_342 = arith.constant 0 : i32
    %dma_start3A_343 = tpu.memref_slice %arg2[%add3A_339, %dma_start3A_342] : memref<1024x256xi32, #tpu.memory_space<hbm>> -> memref<1x128xi32, #tpu.memory_space<hbm>>
    %dma_start3A_344 = tpu.memref_squeeze %dma_start3A_343 : memref<1x128xi32, #tpu.memory_space<hbm>> -> memref<128xi32, #tpu.memory_space<hbm>>
    %dma_start3A_345 = arith.constant 3584 : i32
    %dma_start3A_346 = tpu.memref_slice %arg6[%dma_start3A_345] : memref<8192xi32, #tpu.memory_space<vmem>> -> memref<128xi32, #tpu.memory_space<vmem>>
    %dma_start3A_347 = arith.constant 0 : i32
    %dma_start3A_348 = tpu.memref_slice %arg2[%add3A_339, %dma_start3A_347] : memref<1024x256xi32, #tpu.memory_space<hbm>> -> memref<1x128xi32, #tpu.memory_space<hbm>>
    %dma_start3A_349 = tpu.memref_squeeze %dma_start3A_348 : memref<1x128xi32, #tpu.memory_space<hbm>> -> memref<128xi32, #tpu.memory_space<hbm>>
    tpu.enqueue_dma source(%dma_start3A_349 : memref<128xi32, #tpu.memory_space<hbm>>) target(%dma_start3A_346 : memref<128xi32, #tpu.memory_space<vmem>>) target_semaphore(%arg12 : memref<!tpu.dma_semaphore, #tpu.memory_space<semaphore_mem>>)
    %add3A_350 = arith.constant 14 : i32
    %add3A_351 = arith.addi %mul3A_2, %add3A_350 : i32
    %dma_start3A_352 = arith.constant 3712 : i32
    %dma_start3A_353 = tpu.memref_slice %arg6[%dma_start3A_352] : memref<8192xi32, #tpu.memory_space<vmem>> -> memref<128xi32, #tpu.memory_space<vmem>>
    %dma_start3A_354 = arith.constant 128 : i32
    %dma_start3A_355 = tpu.memref_slice %arg2[%add3A_351, %dma_start3A_354] : memref<1024x256xi32, #tpu.memory_space<hbm>> -> memref<1x128xi32, #tpu.memory_space<hbm>>
    %dma_start3A_356 = tpu.memref_squeeze %dma_start3A_355 : memref<1x128xi32, #tpu.memory_space<hbm>> -> memref<128xi32, #tpu.memory_space<hbm>>
    %dma_start3A_357 = arith.constant 3712 : i32
    %dma_start3A_358 = tpu.memref_slice %arg6[%dma_start3A_357] : memref<8192xi32, #tpu.memory_space<vmem>> -> memref<128xi32, #tpu.memory_space<vmem>>
    %dma_start3A_359 = arith.constant 128 : i32
    %dma_start3A_360 = tpu.memref_slice %arg2[%add3A_351, %dma_start3A_359] : memref<1024x256xi32, #tpu.memory_space<hbm>> -> memref<1x128xi32, #tpu.memory_space<hbm>>
    %dma_start3A_361 = tpu.memref_squeeze %dma_start3A_360 : memref<1x128xi32, #tpu.memory_space<hbm>> -> memref<128xi32, #tpu.memory_space<hbm>>
    tpu.enqueue_dma source(%dma_start3A_361 : memref<128xi32, #tpu.memory_space<hbm>>) target(%dma_start3A_358 : memref<128xi32, #tpu.memory_space<vmem>>) target_semaphore(%arg12 : memref<!tpu.dma_semaphore, #tpu.memory_space<semaphore_mem>>)
    %add3A_362 = arith.constant 15 : i32
    %add3A_363 = arith.addi %mul3A_2, %add3A_362 : i32
    %dma_start3A_364 = arith.constant 3840 : i32
    %dma_start3A_365 = tpu.memref_slice %arg6[%dma_start3A_364] : memref<8192xi32, #tpu.memory_space<vmem>> -> memref<128xi32, #tpu.memory_space<vmem>>
    %dma_start3A_366 = arith.constant 0 : i32
    %dma_start3A_367 = tpu.memref_slice %arg2[%add3A_363, %dma_start3A_366] : memref<1024x256xi32, #tpu.memory_space<hbm>> -> memref<1x128xi32, #tpu.memory_space<hbm>>
    %dma_start3A_368 = tpu.memref_squeeze %dma_start3A_367 : memref<1x128xi32, #tpu.memory_space<hbm>> -> memref<128xi32, #tpu.memory_space<hbm>>
    %dma_start3A_369 = arith.constant 3840 : i32
    %dma_start3A_370 = tpu.memref_slice %arg6[%dma_start3A_369] : memref<8192xi32, #tpu.memory_space<vmem>> -> memref<128xi32, #tpu.memory_space<vmem>>
    %dma_start3A_371 = arith.constant 0 : i32
    %dma_start3A_372 = tpu.memref_slice %arg2[%add3A_363, %dma_start3A_371] : memref<1024x256xi32, #tpu.memory_space<hbm>> -> memref<1x128xi32, #tpu.memory_space<hbm>>
    %dma_start3A_373 = tpu.memref_squeeze %dma_start3A_372 : memref<1x128xi32, #tpu.memory_space<hbm>> -> memref<128xi32, #tpu.memory_space<hbm>>
    tpu.enqueue_dma source(%dma_start3A_373 : memref<128xi32, #tpu.memory_space<hbm>>) target(%dma_start3A_370 : memref<128xi32, #tpu.memory_space<vmem>>) target_semaphore(%arg12 : memref<!tpu.dma_semaphore, #tpu.memory_space<semaphore_mem>>)
    %add3A_374 = arith.constant 15 : i32
    %add3A_375 = arith.addi %mul3A_2, %add3A_374 : i32
    %dma_start3A_376 = arith.constant 3968 : i32
    %dma_start3A_377 = tpu.memref_slice %arg6[%dma_start3A_376] : memref<8192xi32, #tpu.memory_space<vmem>> -> memref<128xi32, #tpu.memory_space<vmem>>
    %dma_start3A_378 = arith.constant 128 : i32
    %dma_start3A_379 = tpu.memref_slice %arg2[%add3A_375, %dma_start3A_378] : memref<1024x256xi32, #tpu.memory_space<hbm>> -> memref<1x128xi32, #tpu.memory_space<hbm>>
    %dma_start3A_380 = tpu.memref_squeeze %dma_start3A_379 : memref<1x128xi32, #tpu.memory_space<hbm>> -> memref<128xi32, #tpu.memory_space<hbm>>
    %dma_start3A_381 = arith.constant 3968 : i32
    %dma_start3A_382 = tpu.memref_slice %arg6[%dma_start3A_381] : memref<8192xi32, #tpu.memory_space<vmem>> -> memref<128xi32, #tpu.memory_space<vmem>>
    %dma_start3A_383 = arith.constant 128 : i32
    %dma_start3A_384 = tpu.memref_slice %arg2[%add3A_375, %dma_start3A_383] : memref<1024x256xi32, #tpu.memory_space<hbm>> -> memref<1x128xi32, #tpu.memory_space<hbm>>
    %dma_start3A_385 = tpu.memref_squeeze %dma_start3A_384 : memref<1x128xi32, #tpu.memory_space<hbm>> -> memref<128xi32, #tpu.memory_space<hbm>>
    tpu.enqueue_dma source(%dma_start3A_385 : memref<128xi32, #tpu.memory_space<hbm>>) target(%dma_start3A_382 : memref<128xi32, #tpu.memory_space<vmem>>) target_semaphore(%arg12 : memref<!tpu.dma_semaphore, #tpu.memory_space<semaphore_mem>>)
    %add3A_386 = arith.constant 16 : i32
    %add3A_387 = arith.addi %mul3A_2, %add3A_386 : i32
    %dma_start3A_388 = arith.constant 4096 : i32
    %dma_start3A_389 = tpu.memref_slice %arg6[%dma_start3A_388] : memref<8192xi32, #tpu.memory_space<vmem>> -> memref<128xi32, #tpu.memory_space<vmem>>
    %dma_start3A_390 = arith.constant 0 : i32
    %dma_start3A_391 = tpu.memref_slice %arg2[%add3A_387, %dma_start3A_390] : memref<1024x256xi32, #tpu.memory_space<hbm>> -> memref<1x128xi32, #tpu.memory_space<hbm>>
    %dma_start3A_392 = tpu.memref_squeeze %dma_start3A_391 : memref<1x128xi32, #tpu.memory_space<hbm>> -> memref<128xi32, #tpu.memory_space<hbm>>
    %dma_start3A_393 = arith.constant 4096 : i32
    %dma_start3A_394 = tpu.memref_slice %arg6[%dma_start3A_393] : memref<8192xi32, #tpu.memory_space<vmem>> -> memref<128xi32, #tpu.memory_space<vmem>>
    %dma_start3A_395 = arith.constant 0 : i32
    %dma_start3A_396 = tpu.memref_slice %arg2[%add3A_387, %dma_start3A_395] : memref<1024x256xi32, #tpu.memory_space<hbm>> -> memref<1x128xi32, #tpu.memory_space<hbm>>
    %dma_start3A_397 = tpu.memref_squeeze %dma_start3A_396 : memref<1x128xi32, #tpu.memory_space<hbm>> -> memref<128xi32, #tpu.memory_space<hbm>>
    tpu.enqueue_dma source(%dma_start3A_397 : memref<128xi32, #tpu.memory_space<hbm>>) target(%dma_start3A_394 : memref<128xi32, #tpu.memory_space<vmem>>) target_semaphore(%arg12 : memref<!tpu.dma_semaphore, #tpu.memory_space<semaphore_mem>>)
    %add3A_398 = arith.constant 16 : i32
    %add3A_399 = arith.addi %mul3A_2, %add3A_398 : i32
    %dma_start3A_400 = arith.constant 4224 : i32
    %dma_start3A_401 = tpu.memref_slice %arg6[%dma_start3A_400] : memref<8192xi32, #tpu.memory_space<vmem>> -> memref<128xi32, #tpu.memory_space<vmem>>
    %dma_start3A_402 = arith.constant 128 : i32
    %dma_start3A_403 = tpu.memref_slice %arg2[%add3A_399, %dma_start3A_402] : memref<1024x256xi32, #tpu.memory_space<hbm>> -> memref<1x128xi32, #tpu.memory_space<hbm>>
    %dma_start3A_404 = tpu.memref_squeeze %dma_start3A_403 : memref<1x128xi32, #tpu.memory_space<hbm>> -> memref<128xi32, #tpu.memory_space<hbm>>
    %dma_start3A_405 = arith.constant 4224 : i32
    %dma_start3A_406 = tpu.memref_slice %arg6[%dma_start3A_405] : memref<8192xi32, #tpu.memory_space<vmem>> -> memref<128xi32, #tpu.memory_space<vmem>>
    %dma_start3A_407 = arith.constant 128 : i32
    %dma_start3A_408 = tpu.memref_slice %arg2[%add3A_399, %dma_start3A_407] : memref<1024x256xi32, #tpu.memory_space<hbm>> -> memref<1x128xi32, #tpu.memory_space<hbm>>
    %dma_start3A_409 = tpu.memref_squeeze %dma_start3A_408 : memref<1x128xi32, #tpu.memory_space<hbm>> -> memref<128xi32, #tpu.memory_space<hbm>>
    tpu.enqueue_dma source(%dma_start3A_409 : memref<128xi32, #tpu.memory_space<hbm>>) target(%dma_start3A_406 : memref<128xi32, #tpu.memory_space<vmem>>) target_semaphore(%arg12 : memref<!tpu.dma_semaphore, #tpu.memory_space<semaphore_mem>>)
    %add3A_410 = arith.constant 17 : i32
    %add3A_411 = arith.addi %mul3A_2, %add3A_410 : i32
    %dma_start3A_412 = arith.constant 4352 : i32
    %dma_start3A_413 = tpu.memref_slice %arg6[%dma_start3A_412] : memref<8192xi32, #tpu.memory_space<vmem>> -> memref<128xi32, #tpu.memory_space<vmem>>
    %dma_start3A_414 = arith.constant 0 : i32
    %dma_start3A_415 = tpu.memref_slice %arg2[%add3A_411, %dma_start3A_414] : memref<1024x256xi32, #tpu.memory_space<hbm>> -> memref<1x128xi32, #tpu.memory_space<hbm>>
    %dma_start3A_416 = tpu.memref_squeeze %dma_start3A_415 : memref<1x128xi32, #tpu.memory_space<hbm>> -> memref<128xi32, #tpu.memory_space<hbm>>
    %dma_start3A_417 = arith.constant 4352 : i32
    %dma_start3A_418 = tpu.memref_slice %arg6[%dma_start3A_417] : memref<8192xi32, #tpu.memory_space<vmem>> -> memref<128xi32, #tpu.memory_space<vmem>>
    %dma_start3A_419 = arith.constant 0 : i32
    %dma_start3A_420 = tpu.memref_slice %arg2[%add3A_411, %dma_start3A_419] : memref<1024x256xi32, #tpu.memory_space<hbm>> -> memref<1x128xi32, #tpu.memory_space<hbm>>
    %dma_start3A_421 = tpu.memref_squeeze %dma_start3A_420 : memref<1x128xi32, #tpu.memory_space<hbm>> -> memref<128xi32, #tpu.memory_space<hbm>>
    tpu.enqueue_dma source(%dma_start3A_421 : memref<128xi32, #tpu.memory_space<hbm>>) target(%dma_start3A_418 : memref<128xi32, #tpu.memory_space<vmem>>) target_semaphore(%arg12 : memref<!tpu.dma_semaphore, #tpu.memory_space<semaphore_mem>>)
    %add3A_422 = arith.constant 17 : i32
    %add3A_423 = arith.addi %mul3A_2, %add3A_422 : i32
    %dma_start3A_424 = arith.constant 4480 : i32
    %dma_start3A_425 = tpu.memref_slice %arg6[%dma_start3A_424] : memref<8192xi32, #tpu.memory_space<vmem>> -> memref<128xi32, #tpu.memory_space<vmem>>
    %dma_start3A_426 = arith.constant 128 : i32
    %dma_start3A_427 = tpu.memref_slice %arg2[%add3A_423, %dma_start3A_426] : memref<1024x256xi32, #tpu.memory_space<hbm>> -> memref<1x128xi32, #tpu.memory_space<hbm>>
    %dma_start3A_428 = tpu.memref_squeeze %dma_start3A_427 : memref<1x128xi32, #tpu.memory_space<hbm>> -> memref<128xi32, #tpu.memory_space<hbm>>
    %dma_start3A_429 = arith.constant 4480 : i32
    %dma_start3A_430 = tpu.memref_slice %arg6[%dma_start3A_429] : memref<8192xi32, #tpu.memory_space<vmem>> -> memref<128xi32, #tpu.memory_space<vmem>>
    %dma_start3A_431 = arith.constant 128 : i32
    %dma_start3A_432 = tpu.memref_slice %arg2[%add3A_423, %dma_start3A_431] : memref<1024x256xi32, #tpu.memory_space<hbm>> -> memref<1x128xi32, #tpu.memory_space<hbm>>
    %dma_start3A_433 = tpu.memref_squeeze %dma_start3A_432 : memref<1x128xi32, #tpu.memory_space<hbm>> -> memref<128xi32, #tpu.memory_space<hbm>>
    tpu.enqueue_dma source(%dma_start3A_433 : memref<128xi32, #tpu.memory_space<hbm>>) target(%dma_start3A_430 : memref<128xi32, #tpu.memory_space<vmem>>) target_semaphore(%arg12 : memref<!tpu.dma_semaphore, #tpu.memory_space<semaphore_mem>>)
    %add3A_434 = arith.constant 18 : i32
    %add3A_435 = arith.addi %mul3A_2, %add3A_434 : i32
    %dma_start3A_436 = arith.constant 4608 : i32
    %dma_start3A_437 = tpu.memref_slice %arg6[%dma_start3A_436] : memref<8192xi32, #tpu.memory_space<vmem>> -> memref<128xi32, #tpu.memory_space<vmem>>
    %dma_start3A_438 = arith.constant 0 : i32
    %dma_start3A_439 = tpu.memref_slice %arg2[%add3A_435, %dma_start3A_438] : memref<1024x256xi32, #tpu.memory_space<hbm>> -> memref<1x128xi32, #tpu.memory_space<hbm>>
    %dma_start3A_440 = tpu.memref_squeeze %dma_start3A_439 : memref<1x128xi32, #tpu.memory_space<hbm>> -> memref<128xi32, #tpu.memory_space<hbm>>
    %dma_start3A_441 = arith.constant 4608 : i32
    %dma_start3A_442 = tpu.memref_slice %arg6[%dma_start3A_441] : memref<8192xi32, #tpu.memory_space<vmem>> -> memref<128xi32, #tpu.memory_space<vmem>>
    %dma_start3A_443 = arith.constant 0 : i32
    %dma_start3A_444 = tpu.memref_slice %arg2[%add3A_435, %dma_start3A_443] : memref<1024x256xi32, #tpu.memory_space<hbm>> -> memref<1x128xi32, #tpu.memory_space<hbm>>
    %dma_start3A_445 = tpu.memref_squeeze %dma_start3A_444 : memref<1x128xi32, #tpu.memory_space<hbm>> -> memref<128xi32, #tpu.memory_space<hbm>>
    tpu.enqueue_dma source(%dma_start3A_445 : memref<128xi32, #tpu.memory_space<hbm>>) target(%dma_start3A_442 : memref<128xi32, #tpu.memory_space<vmem>>) target_semaphore(%arg12 : memref<!tpu.dma_semaphore, #tpu.memory_space<semaphore_mem>>)
    %add3A_446 = arith.constant 18 : i32
    %add3A_447 = arith.addi %mul3A_2, %add3A_446 : i32
    %dma_start3A_448 = arith.constant 4736 : i32
    %dma_start3A_449 = tpu.memref_slice %arg6[%dma_start3A_448] : memref<8192xi32, #tpu.memory_space<vmem>> -> memref<128xi32, #tpu.memory_space<vmem>>
    %dma_start3A_450 = arith.constant 128 : i32
    %dma_start3A_451 = tpu.memref_slice %arg2[%add3A_447, %dma_start3A_450] : memref<1024x256xi32, #tpu.memory_space<hbm>> -> memref<1x128xi32, #tpu.memory_space<hbm>>
    %dma_start3A_452 = tpu.memref_squeeze %dma_start3A_451 : memref<1x128xi32, #tpu.memory_space<hbm>> -> memref<128xi32, #tpu.memory_space<hbm>>
    %dma_start3A_453 = arith.constant 4736 : i32
    %dma_start3A_454 = tpu.memref_slice %arg6[%dma_start3A_453] : memref<8192xi32, #tpu.memory_space<vmem>> -> memref<128xi32, #tpu.memory_space<vmem>>
    %dma_start3A_455 = arith.constant 128 : i32
    %dma_start3A_456 = tpu.memref_slice %arg2[%add3A_447, %dma_start3A_455] : memref<1024x256xi32, #tpu.memory_space<hbm>> -> memref<1x128xi32, #tpu.memory_space<hbm>>
    %dma_start3A_457 = tpu.memref_squeeze %dma_start3A_456 : memref<1x128xi32, #tpu.memory_space<hbm>> -> memref<128xi32, #tpu.memory_space<hbm>>
    tpu.enqueue_dma source(%dma_start3A_457 : memref<128xi32, #tpu.memory_space<hbm>>) target(%dma_start3A_454 : memref<128xi32, #tpu.memory_space<vmem>>) target_semaphore(%arg12 : memref<!tpu.dma_semaphore, #tpu.memory_space<semaphore_mem>>)
    %add3A_458 = arith.constant 19 : i32
    %add3A_459 = arith.addi %mul3A_2, %add3A_458 : i32
    %dma_start3A_460 = arith.constant 4864 : i32
    %dma_start3A_461 = tpu.memref_slice %arg6[%dma_start3A_460] : memref<8192xi32, #tpu.memory_space<vmem>> -> memref<128xi32, #tpu.memory_space<vmem>>
    %dma_start3A_462 = arith.constant 0 : i32
    %dma_start3A_463 = tpu.memref_slice %arg2[%add3A_459, %dma_start3A_462] : memref<1024x256xi32, #tpu.memory_space<hbm>> -> memref<1x128xi32, #tpu.memory_space<hbm>>
    %dma_start3A_464 = tpu.memref_squeeze %dma_start3A_463 : memref<1x128xi32, #tpu.memory_space<hbm>> -> memref<128xi32, #tpu.memory_space<hbm>>
    %dma_start3A_465 = arith.constant 4864 : i32
    %dma_start3A_466 = tpu.memref_slice %arg6[%dma_start3A_465] : memref<8192xi32, #tpu.memory_space<vmem>> -> memref<128xi32, #tpu.memory_space<vmem>>
    %dma_start3A_467 = arith.constant 0 : i32
    %dma_start3A_468 = tpu.memref_slice %arg2[%add3A_459, %dma_start3A_467] : memref<1024x256xi32, #tpu.memory_space<hbm>> -> memref<1x128xi32, #tpu.memory_space<hbm>>
    %dma_start3A_469 = tpu.memref_squeeze %dma_start3A_468 : memref<1x128xi32, #tpu.memory_space<hbm>> -> memref<128xi32, #tpu.memory_space<hbm>>
    tpu.enqueue_dma source(%dma_start3A_469 : memref<128xi32, #tpu.memory_space<hbm>>) target(%dma_start3A_466 : memref<128xi32, #tpu.memory_space<vmem>>) target_semaphore(%arg12 : memref<!tpu.dma_semaphore, #tpu.memory_space<semaphore_mem>>)
    %add3A_470 = arith.constant 19 : i32
    %add3A_471 = arith.addi %mul3A_2, %add3A_470 : i32
    %dma_start3A_472 = arith.constant 4992 : i32
    %dma_start3A_473 = tpu.memref_slice %arg6[%dma_start3A_472] : memref<8192xi32, #tpu.memory_space<vmem>> -> memref<128xi32, #tpu.memory_space<vmem>>
    %dma_start3A_474 = arith.constant 128 : i32
    %dma_start3A_475 = tpu.memref_slice %arg2[%add3A_471, %dma_start3A_474] : memref<1024x256xi32, #tpu.memory_space<hbm>> -> memref<1x128xi32, #tpu.memory_space<hbm>>
    %dma_start3A_476 = tpu.memref_squeeze %dma_start3A_475 : memref<1x128xi32, #tpu.memory_space<hbm>> -> memref<128xi32, #tpu.memory_space<hbm>>
    %dma_start3A_477 = arith.constant 4992 : i32
    %dma_start3A_478 = tpu.memref_slice %arg6[%dma_start3A_477] : memref<8192xi32, #tpu.memory_space<vmem>> -> memref<128xi32, #tpu.memory_space<vmem>>
    %dma_start3A_479 = arith.constant 128 : i32
    %dma_start3A_480 = tpu.memref_slice %arg2[%add3A_471, %dma_start3A_479] : memref<1024x256xi32, #tpu.memory_space<hbm>> -> memref<1x128xi32, #tpu.memory_space<hbm>>
    %dma_start3A_481 = tpu.memref_squeeze %dma_start3A_480 : memref<1x128xi32, #tpu.memory_space<hbm>> -> memref<128xi32, #tpu.memory_space<hbm>>
    tpu.enqueue_dma source(%dma_start3A_481 : memref<128xi32, #tpu.memory_space<hbm>>) target(%dma_start3A_478 : memref<128xi32, #tpu.memory_space<vmem>>) target_semaphore(%arg12 : memref<!tpu.dma_semaphore, #tpu.memory_space<semaphore_mem>>)
    %add3A_482 = arith.constant 20 : i32
    %add3A_483 = arith.addi %mul3A_2, %add3A_482 : i32
    %dma_start3A_484 = arith.constant 5120 : i32
    %dma_start3A_485 = tpu.memref_slice %arg6[%dma_start3A_484] : memref<8192xi32, #tpu.memory_space<vmem>> -> memref<128xi32, #tpu.memory_space<vmem>>
    %dma_start3A_486 = arith.constant 0 : i32
    %dma_start3A_487 = tpu.memref_slice %arg2[%add3A_483, %dma_start3A_486] : memref<1024x256xi32, #tpu.memory_space<hbm>> -> memref<1x128xi32, #tpu.memory_space<hbm>>
    %dma_start3A_488 = tpu.memref_squeeze %dma_start3A_487 : memref<1x128xi32, #tpu.memory_space<hbm>> -> memref<128xi32, #tpu.memory_space<hbm>>
    %dma_start3A_489 = arith.constant 5120 : i32
    %dma_start3A_490 = tpu.memref_slice %arg6[%dma_start3A_489] : memref<8192xi32, #tpu.memory_space<vmem>> -> memref<128xi32, #tpu.memory_space<vmem>>
    %dma_start3A_491 = arith.constant 0 : i32
    %dma_start3A_492 = tpu.memref_slice %arg2[%add3A_483, %dma_start3A_491] : memref<1024x256xi32, #tpu.memory_space<hbm>> -> memref<1x128xi32, #tpu.memory_space<hbm>>
    %dma_start3A_493 = tpu.memref_squeeze %dma_start3A_492 : memref<1x128xi32, #tpu.memory_space<hbm>> -> memref<128xi32, #tpu.memory_space<hbm>>
    tpu.enqueue_dma source(%dma_start3A_493 : memref<128xi32, #tpu.memory_space<hbm>>) target(%dma_start3A_490 : memref<128xi32, #tpu.memory_space<vmem>>) target_semaphore(%arg12 : memref<!tpu.dma_semaphore, #tpu.memory_space<semaphore_mem>>)
    %add3A_494 = arith.constant 20 : i32
    %add3A_495 = arith.addi %mul3A_2, %add3A_494 : i32
    %dma_start3A_496 = arith.constant 5248 : i32
    %dma_start3A_497 = tpu.memref_slice %arg6[%dma_start3A_496] : memref<8192xi32, #tpu.memory_space<vmem>> -> memref<128xi32, #tpu.memory_space<vmem>>
    %dma_start3A_498 = arith.constant 128 : i32
    %dma_start3A_499 = tpu.memref_slice %arg2[%add3A_495, %dma_start3A_498] : memref<1024x256xi32, #tpu.memory_space<hbm>> -> memref<1x128xi32, #tpu.memory_space<hbm>>
    %dma_start3A_500 = tpu.memref_squeeze %dma_start3A_499 : memref<1x128xi32, #tpu.memory_space<hbm>> -> memref<128xi32, #tpu.memory_space<hbm>>
    %dma_start3A_501 = arith.constant 5248 : i32
    %dma_start3A_502 = tpu.memref_slice %arg6[%dma_start3A_501] : memref<8192xi32, #tpu.memory_space<vmem>> -> memref<128xi32, #tpu.memory_space<vmem>>
    %dma_start3A_503 = arith.constant 128 : i32
    %dma_start3A_504 = tpu.memref_slice %arg2[%add3A_495, %dma_start3A_503] : memref<1024x256xi32, #tpu.memory_space<hbm>> -> memref<1x128xi32, #tpu.memory_space<hbm>>
    %dma_start3A_505 = tpu.memref_squeeze %dma_start3A_504 : memref<1x128xi32, #tpu.memory_space<hbm>> -> memref<128xi32, #tpu.memory_space<hbm>>
    tpu.enqueue_dma source(%dma_start3A_505 : memref<128xi32, #tpu.memory_space<hbm>>) target(%dma_start3A_502 : memref<128xi32, #tpu.memory_space<vmem>>) target_semaphore(%arg12 : memref<!tpu.dma_semaphore, #tpu.memory_space<semaphore_mem>>)
    %add3A_506 = arith.constant 21 : i32
    %add3A_507 = arith.addi %mul3A_2, %add3A_506 : i32
    %dma_start3A_508 = arith.constant 5376 : i32
    %dma_start3A_509 = tpu.memref_slice %arg6[%dma_start3A_508] : memref<8192xi32, #tpu.memory_space<vmem>> -> memref<128xi32, #tpu.memory_space<vmem>>
    %dma_start3A_510 = arith.constant 0 : i32
    %dma_start3A_511 = tpu.memref_slice %arg2[%add3A_507, %dma_start3A_510] : memref<1024x256xi32, #tpu.memory_space<hbm>> -> memref<1x128xi32, #tpu.memory_space<hbm>>
    %dma_start3A_512 = tpu.memref_squeeze %dma_start3A_511 : memref<1x128xi32, #tpu.memory_space<hbm>> -> memref<128xi32, #tpu.memory_space<hbm>>
    %dma_start3A_513 = arith.constant 5376 : i32
    %dma_start3A_514 = tpu.memref_slice %arg6[%dma_start3A_513] : memref<8192xi32, #tpu.memory_space<vmem>> -> memref<128xi32, #tpu.memory_space<vmem>>
    %dma_start3A_515 = arith.constant 0 : i32
    %dma_start3A_516 = tpu.memref_slice %arg2[%add3A_507, %dma_start3A_515] : memref<1024x256xi32, #tpu.memory_space<hbm>> -> memref<1x128xi32, #tpu.memory_space<hbm>>
    %dma_start3A_517 = tpu.memref_squeeze %dma_start3A_516 : memref<1x128xi32, #tpu.memory_space<hbm>> -> memref<128xi32, #tpu.memory_space<hbm>>
    tpu.enqueue_dma source(%dma_start3A_517 : memref<128xi32, #tpu.memory_space<hbm>>) target(%dma_start3A_514 : memref<128xi32, #tpu.memory_space<vmem>>) target_semaphore(%arg12 : memref<!tpu.dma_semaphore, #tpu.memory_space<semaphore_mem>>)
    %add3A_518 = arith.constant 21 : i32
    %add3A_519 = arith.addi %mul3A_2, %add3A_518 : i32
    %dma_start3A_520 = arith.constant 5504 : i32
    %dma_start3A_521 = tpu.memref_slice %arg6[%dma_start3A_520] : memref<8192xi32, #tpu.memory_space<vmem>> -> memref<128xi32, #tpu.memory_space<vmem>>
    %dma_start3A_522 = arith.constant 128 : i32
    %dma_start3A_523 = tpu.memref_slice %arg2[%add3A_519, %dma_start3A_522] : memref<1024x256xi32, #tpu.memory_space<hbm>> -> memref<1x128xi32, #tpu.memory_space<hbm>>
    %dma_start3A_524 = tpu.memref_squeeze %dma_start3A_523 : memref<1x128xi32, #tpu.memory_space<hbm>> -> memref<128xi32, #tpu.memory_space<hbm>>
    %dma_start3A_525 = arith.constant 5504 : i32
    %dma_start3A_526 = tpu.memref_slice %arg6[%dma_start3A_525] : memref<8192xi32, #tpu.memory_space<vmem>> -> memref<128xi32, #tpu.memory_space<vmem>>
    %dma_start3A_527 = arith.constant 128 : i32
    %dma_start3A_528 = tpu.memref_slice %arg2[%add3A_519, %dma_start3A_527] : memref<1024x256xi32, #tpu.memory_space<hbm>> -> memref<1x128xi32, #tpu.memory_space<hbm>>
    %dma_start3A_529 = tpu.memref_squeeze %dma_start3A_528 : memref<1x128xi32, #tpu.memory_space<hbm>> -> memref<128xi32, #tpu.memory_space<hbm>>
    tpu.enqueue_dma source(%dma_start3A_529 : memref<128xi32, #tpu.memory_space<hbm>>) target(%dma_start3A_526 : memref<128xi32, #tpu.memory_space<vmem>>) target_semaphore(%arg12 : memref<!tpu.dma_semaphore, #tpu.memory_space<semaphore_mem>>)
    %add3A_530 = arith.constant 22 : i32
    %add3A_531 = arith.addi %mul3A_2, %add3A_530 : i32
    %dma_start3A_532 = arith.constant 5632 : i32
    %dma_start3A_533 = tpu.memref_slice %arg6[%dma_start3A_532] : memref<8192xi32, #tpu.memory_space<vmem>> -> memref<128xi32, #tpu.memory_space<vmem>>
    %dma_start3A_534 = arith.constant 0 : i32
    %dma_start3A_535 = tpu.memref_slice %arg2[%add3A_531, %dma_start3A_534] : memref<1024x256xi32, #tpu.memory_space<hbm>> -> memref<1x128xi32, #tpu.memory_space<hbm>>
    %dma_start3A_536 = tpu.memref_squeeze %dma_start3A_535 : memref<1x128xi32, #tpu.memory_space<hbm>> -> memref<128xi32, #tpu.memory_space<hbm>>
    %dma_start3A_537 = arith.constant 5632 : i32
    %dma_start3A_538 = tpu.memref_slice %arg6[%dma_start3A_537] : memref<8192xi32, #tpu.memory_space<vmem>> -> memref<128xi32, #tpu.memory_space<vmem>>
    %dma_start3A_539 = arith.constant 0 : i32
    %dma_start3A_540 = tpu.memref_slice %arg2[%add3A_531, %dma_start3A_539] : memref<1024x256xi32, #tpu.memory_space<hbm>> -> memref<1x128xi32, #tpu.memory_space<hbm>>
    %dma_start3A_541 = tpu.memref_squeeze %dma_start3A_540 : memref<1x128xi32, #tpu.memory_space<hbm>> -> memref<128xi32, #tpu.memory_space<hbm>>
    tpu.enqueue_dma source(%dma_start3A_541 : memref<128xi32, #tpu.memory_space<hbm>>) target(%dma_start3A_538 : memref<128xi32, #tpu.memory_space<vmem>>) target_semaphore(%arg12 : memref<!tpu.dma_semaphore, #tpu.memory_space<semaphore_mem>>)
    %add3A_542 = arith.constant 22 : i32
    %add3A_543 = arith.addi %mul3A_2, %add3A_542 : i32
    %dma_start3A_544 = arith.constant 5760 : i32
    %dma_start3A_545 = tpu.memref_slice %arg6[%dma_start3A_544] : memref<8192xi32, #tpu.memory_space<vmem>> -> memref<128xi32, #tpu.memory_space<vmem>>
    %dma_start3A_546 = arith.constant 128 : i32
    %dma_start3A_547 = tpu.memref_slice %arg2[%add3A_543, %dma_start3A_546] : memref<1024x256xi32, #tpu.memory_space<hbm>> -> memref<1x128xi32, #tpu.memory_space<hbm>>
    %dma_start3A_548 = tpu.memref_squeeze %dma_start3A_547 : memref<1x128xi32, #tpu.memory_space<hbm>> -> memref<128xi32, #tpu.memory_space<hbm>>
    %dma_start3A_549 = arith.constant 5760 : i32
    %dma_start3A_550 = tpu.memref_slice %arg6[%dma_start3A_549] : memref<8192xi32, #tpu.memory_space<vmem>> -> memref<128xi32, #tpu.memory_space<vmem>>
    %dma_start3A_551 = arith.constant 128 : i32
    %dma_start3A_552 = tpu.memref_slice %arg2[%add3A_543, %dma_start3A_551] : memref<1024x256xi32, #tpu.memory_space<hbm>> -> memref<1x128xi32, #tpu.memory_space<hbm>>
    %dma_start3A_553 = tpu.memref_squeeze %dma_start3A_552 : memref<1x128xi32, #tpu.memory_space<hbm>> -> memref<128xi32, #tpu.memory_space<hbm>>
    tpu.enqueue_dma source(%dma_start3A_553 : memref<128xi32, #tpu.memory_space<hbm>>) target(%dma_start3A_550 : memref<128xi32, #tpu.memory_space<vmem>>) target_semaphore(%arg12 : memref<!tpu.dma_semaphore, #tpu.memory_space<semaphore_mem>>)
    %add3A_554 = arith.constant 23 : i32
    %add3A_555 = arith.addi %mul3A_2, %add3A_554 : i32
    %dma_start3A_556 = arith.constant 5888 : i32
    %dma_start3A_557 = tpu.memref_slice %arg6[%dma_start3A_556] : memref<8192xi32, #tpu.memory_space<vmem>> -> memref<128xi32, #tpu.memory_space<vmem>>
    %dma_start3A_558 = arith.constant 0 : i32
    %dma_start3A_559 = tpu.memref_slice %arg2[%add3A_555, %dma_start3A_558] : memref<1024x256xi32, #tpu.memory_space<hbm>> -> memref<1x128xi32, #tpu.memory_space<hbm>>
    %dma_start3A_560 = tpu.memref_squeeze %dma_start3A_559 : memref<1x128xi32, #tpu.memory_space<hbm>> -> memref<128xi32, #tpu.memory_space<hbm>>
    %dma_start3A_561 = arith.constant 5888 : i32
    %dma_start3A_562 = tpu.memref_slice %arg6[%dma_start3A_561] : memref<8192xi32, #tpu.memory_space<vmem>> -> memref<128xi32, #tpu.memory_space<vmem>>
    %dma_start3A_563 = arith.constant 0 : i32
    %dma_start3A_564 = tpu.memref_slice %arg2[%add3A_555, %dma_start3A_563] : memref<1024x256xi32, #tpu.memory_space<hbm>> -> memref<1x128xi32, #tpu.memory_space<hbm>>
    %dma_start3A_565 = tpu.memref_squeeze %dma_start3A_564 : memref<1x128xi32, #tpu.memory_space<hbm>> -> memref<128xi32, #tpu.memory_space<hbm>>
    tpu.enqueue_dma source(%dma_start3A_565 : memref<128xi32, #tpu.memory_space<hbm>>) target(%dma_start3A_562 : memref<128xi32, #tpu.memory_space<vmem>>) target_semaphore(%arg12 : memref<!tpu.dma_semaphore, #tpu.memory_space<semaphore_mem>>)
    %add3A_566 = arith.constant 23 : i32
    %add3A_567 = arith.addi %mul3A_2, %add3A_566 : i32
    %dma_start3A_568 = arith.constant 6016 : i32
    %dma_start3A_569 = tpu.memref_slice %arg6[%dma_start3A_568] : memref<8192xi32, #tpu.memory_space<vmem>> -> memref<128xi32, #tpu.memory_space<vmem>>
    %dma_start3A_570 = arith.constant 128 : i32
    %dma_start3A_571 = tpu.memref_slice %arg2[%add3A_567, %dma_start3A_570] : memref<1024x256xi32, #tpu.memory_space<hbm>> -> memref<1x128xi32, #tpu.memory_space<hbm>>
    %dma_start3A_572 = tpu.memref_squeeze %dma_start3A_571 : memref<1x128xi32, #tpu.memory_space<hbm>> -> memref<128xi32, #tpu.memory_space<hbm>>
    %dma_start3A_573 = arith.constant 6016 : i32
    %dma_start3A_574 = tpu.memref_slice %arg6[%dma_start3A_573] : memref<8192xi32, #tpu.memory_space<vmem>> -> memref<128xi32, #tpu.memory_space<vmem>>
    %dma_start3A_575 = arith.constant 128 : i32
    %dma_start3A_576 = tpu.memref_slice %arg2[%add3A_567, %dma_start3A_575] : memref<1024x256xi32, #tpu.memory_space<hbm>> -> memref<1x128xi32, #tpu.memory_space<hbm>>
    %dma_start3A_577 = tpu.memref_squeeze %dma_start3A_576 : memref<1x128xi32, #tpu.memory_space<hbm>> -> memref<128xi32, #tpu.memory_space<hbm>>
    tpu.enqueue_dma source(%dma_start3A_577 : memref<128xi32, #tpu.memory_space<hbm>>) target(%dma_start3A_574 : memref<128xi32, #tpu.memory_space<vmem>>) target_semaphore(%arg12 : memref<!tpu.dma_semaphore, #tpu.memory_space<semaphore_mem>>)
    %add3A_578 = arith.constant 24 : i32
    %add3A_579 = arith.addi %mul3A_2, %add3A_578 : i32
    %dma_start3A_580 = arith.constant 6144 : i32
    %dma_start3A_581 = tpu.memref_slice %arg6[%dma_start3A_580] : memref<8192xi32, #tpu.memory_space<vmem>> -> memref<128xi32, #tpu.memory_space<vmem>>
    %dma_start3A_582 = arith.constant 0 : i32
    %dma_start3A_583 = tpu.memref_slice %arg2[%add3A_579, %dma_start3A_582] : memref<1024x256xi32, #tpu.memory_space<hbm>> -> memref<1x128xi32, #tpu.memory_space<hbm>>
    %dma_start3A_584 = tpu.memref_squeeze %dma_start3A_583 : memref<1x128xi32, #tpu.memory_space<hbm>> -> memref<128xi32, #tpu.memory_space<hbm>>
    %dma_start3A_585 = arith.constant 6144 : i32
    %dma_start3A_586 = tpu.memref_slice %arg6[%dma_start3A_585] : memref<8192xi32, #tpu.memory_space<vmem>> -> memref<128xi32, #tpu.memory_space<vmem>>
    %dma_start3A_587 = arith.constant 0 : i32
    %dma_start3A_588 = tpu.memref_slice %arg2[%add3A_579, %dma_start3A_587] : memref<1024x256xi32, #tpu.memory_space<hbm>> -> memref<1x128xi32, #tpu.memory_space<hbm>>
    %dma_start3A_589 = tpu.memref_squeeze %dma_start3A_588 : memref<1x128xi32, #tpu.memory_space<hbm>> -> memref<128xi32, #tpu.memory_space<hbm>>
    tpu.enqueue_dma source(%dma_start3A_589 : memref<128xi32, #tpu.memory_space<hbm>>) target(%dma_start3A_586 : memref<128xi32, #tpu.memory_space<vmem>>) target_semaphore(%arg12 : memref<!tpu.dma_semaphore, #tpu.memory_space<semaphore_mem>>)
    %add3A_590 = arith.constant 24 : i32
    %add3A_591 = arith.addi %mul3A_2, %add3A_590 : i32
    %dma_start3A_592 = arith.constant 6272 : i32
    %dma_start3A_593 = tpu.memref_slice %arg6[%dma_start3A_592] : memref<8192xi32, #tpu.memory_space<vmem>> -> memref<128xi32, #tpu.memory_space<vmem>>
    %dma_start3A_594 = arith.constant 128 : i32
    %dma_start3A_595 = tpu.memref_slice %arg2[%add3A_591, %dma_start3A_594] : memref<1024x256xi32, #tpu.memory_space<hbm>> -> memref<1x128xi32, #tpu.memory_space<hbm>>
    %dma_start3A_596 = tpu.memref_squeeze %dma_start3A_595 : memref<1x128xi32, #tpu.memory_space<hbm>> -> memref<128xi32, #tpu.memory_space<hbm>>
    %dma_start3A_597 = arith.constant 6272 : i32
    %dma_start3A_598 = tpu.memref_slice %arg6[%dma_start3A_597] : memref<8192xi32, #tpu.memory_space<vmem>> -> memref<128xi32, #tpu.memory_space<vmem>>
    %dma_start3A_599 = arith.constant 128 : i32
    %dma_start3A_600 = tpu.memref_slice %arg2[%add3A_591, %dma_start3A_599] : memref<1024x256xi32, #tpu.memory_space<hbm>> -> memref<1x128xi32, #tpu.memory_space<hbm>>
    %dma_start3A_601 = tpu.memref_squeeze %dma_start3A_600 : memref<1x128xi32, #tpu.memory_space<hbm>> -> memref<128xi32, #tpu.memory_space<hbm>>
    tpu.enqueue_dma source(%dma_start3A_601 : memref<128xi32, #tpu.memory_space<hbm>>) target(%dma_start3A_598 : memref<128xi32, #tpu.memory_space<vmem>>) target_semaphore(%arg12 : memref<!tpu.dma_semaphore, #tpu.memory_space<semaphore_mem>>)
    %add3A_602 = arith.constant 25 : i32
    %add3A_603 = arith.addi %mul3A_2, %add3A_602 : i32
    %dma_start3A_604 = arith.constant 6400 : i32
    %dma_start3A_605 = tpu.memref_slice %arg6[%dma_start3A_604] : memref<8192xi32, #tpu.memory_space<vmem>> -> memref<128xi32, #tpu.memory_space<vmem>>
    %dma_start3A_606 = arith.constant 0 : i32
    %dma_start3A_607 = tpu.memref_slice %arg2[%add3A_603, %dma_start3A_606] : memref<1024x256xi32, #tpu.memory_space<hbm>> -> memref<1x128xi32, #tpu.memory_space<hbm>>
    %dma_start3A_608 = tpu.memref_squeeze %dma_start3A_607 : memref<1x128xi32, #tpu.memory_space<hbm>> -> memref<128xi32, #tpu.memory_space<hbm>>
    %dma_start3A_609 = arith.constant 6400 : i32
    %dma_start3A_610 = tpu.memref_slice %arg6[%dma_start3A_609] : memref<8192xi32, #tpu.memory_space<vmem>> -> memref<128xi32, #tpu.memory_space<vmem>>
    %dma_start3A_611 = arith.constant 0 : i32
    %dma_start3A_612 = tpu.memref_slice %arg2[%add3A_603, %dma_start3A_611] : memref<1024x256xi32, #tpu.memory_space<hbm>> -> memref<1x128xi32, #tpu.memory_space<hbm>>
    %dma_start3A_613 = tpu.memref_squeeze %dma_start3A_612 : memref<1x128xi32, #tpu.memory_space<hbm>> -> memref<128xi32, #tpu.memory_space<hbm>>
    tpu.enqueue_dma source(%dma_start3A_613 : memref<128xi32, #tpu.memory_space<hbm>>) target(%dma_start3A_610 : memref<128xi32, #tpu.memory_space<vmem>>) target_semaphore(%arg12 : memref<!tpu.dma_semaphore, #tpu.memory_space<semaphore_mem>>)
    %add3A_614 = arith.constant 25 : i32
    %add3A_615 = arith.addi %mul3A_2, %add3A_614 : i32
    %dma_start3A_616 = arith.constant 6528 : i32
    %dma_start3A_617 = tpu.memref_slice %arg6[%dma_start3A_616] : memref<8192xi32, #tpu.memory_space<vmem>> -> memref<128xi32, #tpu.memory_space<vmem>>
    %dma_start3A_618 = arith.constant 128 : i32
    %dma_start3A_619 = tpu.memref_slice %arg2[%add3A_615, %dma_start3A_618] : memref<1024x256xi32, #tpu.memory_space<hbm>> -> memref<1x128xi32, #tpu.memory_space<hbm>>
    %dma_start3A_620 = tpu.memref_squeeze %dma_start3A_619 : memref<1x128xi32, #tpu.memory_space<hbm>> -> memref<128xi32, #tpu.memory_space<hbm>>
    %dma_start3A_621 = arith.constant 6528 : i32
    %dma_start3A_622 = tpu.memref_slice %arg6[%dma_start3A_621] : memref<8192xi32, #tpu.memory_space<vmem>> -> memref<128xi32, #tpu.memory_space<vmem>>
    %dma_start3A_623 = arith.constant 128 : i32
    %dma_start3A_624 = tpu.memref_slice %arg2[%add3A_615, %dma_start3A_623] : memref<1024x256xi32, #tpu.memory_space<hbm>> -> memref<1x128xi32, #tpu.memory_space<hbm>>
    %dma_start3A_625 = tpu.memref_squeeze %dma_start3A_624 : memref<1x128xi32, #tpu.memory_space<hbm>> -> memref<128xi32, #tpu.memory_space<hbm>>
    tpu.enqueue_dma source(%dma_start3A_625 : memref<128xi32, #tpu.memory_space<hbm>>) target(%dma_start3A_622 : memref<128xi32, #tpu.memory_space<vmem>>) target_semaphore(%arg12 : memref<!tpu.dma_semaphore, #tpu.memory_space<semaphore_mem>>)
    %add3A_626 = arith.constant 26 : i32
    %add3A_627 = arith.addi %mul3A_2, %add3A_626 : i32
    %dma_start3A_628 = arith.constant 6656 : i32
    %dma_start3A_629 = tpu.memref_slice %arg6[%dma_start3A_628] : memref<8192xi32, #tpu.memory_space<vmem>> -> memref<128xi32, #tpu.memory_space<vmem>>
    %dma_start3A_630 = arith.constant 0 : i32
    %dma_start3A_631 = tpu.memref_slice %arg2[%add3A_627, %dma_start3A_630] : memref<1024x256xi32, #tpu.memory_space<hbm>> -> memref<1x128xi32, #tpu.memory_space<hbm>>
    %dma_start3A_632 = tpu.memref_squeeze %dma_start3A_631 : memref<1x128xi32, #tpu.memory_space<hbm>> -> memref<128xi32, #tpu.memory_space<hbm>>
    %dma_start3A_633 = arith.constant 6656 : i32
    %dma_start3A_634 = tpu.memref_slice %arg6[%dma_start3A_633] : memref<8192xi32, #tpu.memory_space<vmem>> -> memref<128xi32, #tpu.memory_space<vmem>>
    %dma_start3A_635 = arith.constant 0 : i32
    %dma_start3A_636 = tpu.memref_slice %arg2[%add3A_627, %dma_start3A_635] : memref<1024x256xi32, #tpu.memory_space<hbm>> -> memref<1x128xi32, #tpu.memory_space<hbm>>
    %dma_start3A_637 = tpu.memref_squeeze %dma_start3A_636 : memref<1x128xi32, #tpu.memory_space<hbm>> -> memref<128xi32, #tpu.memory_space<hbm>>
    tpu.enqueue_dma source(%dma_start3A_637 : memref<128xi32, #tpu.memory_space<hbm>>) target(%dma_start3A_634 : memref<128xi32, #tpu.memory_space<vmem>>) target_semaphore(%arg12 : memref<!tpu.dma_semaphore, #tpu.memory_space<semaphore_mem>>)
    %add3A_638 = arith.constant 26 : i32
    %add3A_639 = arith.addi %mul3A_2, %add3A_638 : i32
    %dma_start3A_640 = arith.constant 6784 : i32
    %dma_start3A_641 = tpu.memref_slice %arg6[%dma_start3A_640] : memref<8192xi32, #tpu.memory_space<vmem>> -> memref<128xi32, #tpu.memory_space<vmem>>
    %dma_start3A_642 = arith.constant 128 : i32
    %dma_start3A_643 = tpu.memref_slice %arg2[%add3A_639, %dma_start3A_642] : memref<1024x256xi32, #tpu.memory_space<hbm>> -> memref<1x128xi32, #tpu.memory_space<hbm>>
    %dma_start3A_644 = tpu.memref_squeeze %dma_start3A_643 : memref<1x128xi32, #tpu.memory_space<hbm>> -> memref<128xi32, #tpu.memory_space<hbm>>
    %dma_start3A_645 = arith.constant 6784 : i32
    %dma_start3A_646 = tpu.memref_slice %arg6[%dma_start3A_645] : memref<8192xi32, #tpu.memory_space<vmem>> -> memref<128xi32, #tpu.memory_space<vmem>>
    %dma_start3A_647 = arith.constant 128 : i32
    %dma_start3A_648 = tpu.memref_slice %arg2[%add3A_639, %dma_start3A_647] : memref<1024x256xi32, #tpu.memory_space<hbm>> -> memref<1x128xi32, #tpu.memory_space<hbm>>
    %dma_start3A_649 = tpu.memref_squeeze %dma_start3A_648 : memref<1x128xi32, #tpu.memory_space<hbm>> -> memref<128xi32, #tpu.memory_space<hbm>>
    tpu.enqueue_dma source(%dma_start3A_649 : memref<128xi32, #tpu.memory_space<hbm>>) target(%dma_start3A_646 : memref<128xi32, #tpu.memory_space<vmem>>) target_semaphore(%arg12 : memref<!tpu.dma_semaphore, #tpu.memory_space<semaphore_mem>>)
    %add3A_650 = arith.constant 27 : i32
    %add3A_651 = arith.addi %mul3A_2, %add3A_650 : i32
    %dma_start3A_652 = arith.constant 6912 : i32
    %dma_start3A_653 = tpu.memref_slice %arg6[%dma_start3A_652] : memref<8192xi32, #tpu.memory_space<vmem>> -> memref<128xi32, #tpu.memory_space<vmem>>
    %dma_start3A_654 = arith.constant 0 : i32
    %dma_start3A_655 = tpu.memref_slice %arg2[%add3A_651, %dma_start3A_654] : memref<1024x256xi32, #tpu.memory_space<hbm>> -> memref<1x128xi32, #tpu.memory_space<hbm>>
    %dma_start3A_656 = tpu.memref_squeeze %dma_start3A_655 : memref<1x128xi32, #tpu.memory_space<hbm>> -> memref<128xi32, #tpu.memory_space<hbm>>
    %dma_start3A_657 = arith.constant 6912 : i32
    %dma_start3A_658 = tpu.memref_slice %arg6[%dma_start3A_657] : memref<8192xi32, #tpu.memory_space<vmem>> -> memref<128xi32, #tpu.memory_space<vmem>>
    %dma_start3A_659 = arith.constant 0 : i32
    %dma_start3A_660 = tpu.memref_slice %arg2[%add3A_651, %dma_start3A_659] : memref<1024x256xi32, #tpu.memory_space<hbm>> -> memref<1x128xi32, #tpu.memory_space<hbm>>
    %dma_start3A_661 = tpu.memref_squeeze %dma_start3A_660 : memref<1x128xi32, #tpu.memory_space<hbm>> -> memref<128xi32, #tpu.memory_space<hbm>>
    tpu.enqueue_dma source(%dma_start3A_661 : memref<128xi32, #tpu.memory_space<hbm>>) target(%dma_start3A_658 : memref<128xi32, #tpu.memory_space<vmem>>) target_semaphore(%arg12 : memref<!tpu.dma_semaphore, #tpu.memory_space<semaphore_mem>>)
    %add3A_662 = arith.constant 27 : i32
    %add3A_663 = arith.addi %mul3A_2, %add3A_662 : i32
    %dma_start3A_664 = arith.constant 7040 : i32
    %dma_start3A_665 = tpu.memref_slice %arg6[%dma_start3A_664] : memref<8192xi32, #tpu.memory_space<vmem>> -> memref<128xi32, #tpu.memory_space<vmem>>
    %dma_start3A_666 = arith.constant 128 : i32
    %dma_start3A_667 = tpu.memref_slice %arg2[%add3A_663, %dma_start3A_666] : memref<1024x256xi32, #tpu.memory_space<hbm>> -> memref<1x128xi32, #tpu.memory_space<hbm>>
    %dma_start3A_668 = tpu.memref_squeeze %dma_start3A_667 : memref<1x128xi32, #tpu.memory_space<hbm>> -> memref<128xi32, #tpu.memory_space<hbm>>
    %dma_start3A_669 = arith.constant 7040 : i32
    %dma_start3A_670 = tpu.memref_slice %arg6[%dma_start3A_669] : memref<8192xi32, #tpu.memory_space<vmem>> -> memref<128xi32, #tpu.memory_space<vmem>>
    %dma_start3A_671 = arith.constant 128 : i32
    %dma_start3A_672 = tpu.memref_slice %arg2[%add3A_663, %dma_start3A_671] : memref<1024x256xi32, #tpu.memory_space<hbm>> -> memref<1x128xi32, #tpu.memory_space<hbm>>
    %dma_start3A_673 = tpu.memref_squeeze %dma_start3A_672 : memref<1x128xi32, #tpu.memory_space<hbm>> -> memref<128xi32, #tpu.memory_space<hbm>>
    tpu.enqueue_dma source(%dma_start3A_673 : memref<128xi32, #tpu.memory_space<hbm>>) target(%dma_start3A_670 : memref<128xi32, #tpu.memory_space<vmem>>) target_semaphore(%arg12 : memref<!tpu.dma_semaphore, #tpu.memory_space<semaphore_mem>>)
    %add3A_674 = arith.constant 28 : i32
    %add3A_675 = arith.addi %mul3A_2, %add3A_674 : i32
    %dma_start3A_676 = arith.constant 7168 : i32
    %dma_start3A_677 = tpu.memref_slice %arg6[%dma_start3A_676] : memref<8192xi32, #tpu.memory_space<vmem>> -> memref<128xi32, #tpu.memory_space<vmem>>
    %dma_start3A_678 = arith.constant 0 : i32
    %dma_start3A_679 = tpu.memref_slice %arg2[%add3A_675, %dma_start3A_678] : memref<1024x256xi32, #tpu.memory_space<hbm>> -> memref<1x128xi32, #tpu.memory_space<hbm>>
    %dma_start3A_680 = tpu.memref_squeeze %dma_start3A_679 : memref<1x128xi32, #tpu.memory_space<hbm>> -> memref<128xi32, #tpu.memory_space<hbm>>
    %dma_start3A_681 = arith.constant 7168 : i32
    %dma_start3A_682 = tpu.memref_slice %arg6[%dma_start3A_681] : memref<8192xi32, #tpu.memory_space<vmem>> -> memref<128xi32, #tpu.memory_space<vmem>>
    %dma_start3A_683 = arith.constant 0 : i32
    %dma_start3A_684 = tpu.memref_slice %arg2[%add3A_675, %dma_start3A_683] : memref<1024x256xi32, #tpu.memory_space<hbm>> -> memref<1x128xi32, #tpu.memory_space<hbm>>
    %dma_start3A_685 = tpu.memref_squeeze %dma_start3A_684 : memref<1x128xi32, #tpu.memory_space<hbm>> -> memref<128xi32, #tpu.memory_space<hbm>>
    tpu.enqueue_dma source(%dma_start3A_685 : memref<128xi32, #tpu.memory_space<hbm>>) target(%dma_start3A_682 : memref<128xi32, #tpu.memory_space<vmem>>) target_semaphore(%arg12 : memref<!tpu.dma_semaphore, #tpu.memory_space<semaphore_mem>>)
    %add3A_686 = arith.constant 28 : i32
    %add3A_687 = arith.addi %mul3A_2, %add3A_686 : i32
    %dma_start3A_688 = arith.constant 7296 : i32
    %dma_start3A_689 = tpu.memref_slice %arg6[%dma_start3A_688] : memref<8192xi32, #tpu.memory_space<vmem>> -> memref<128xi32, #tpu.memory_space<vmem>>
    %dma_start3A_690 = arith.constant 128 : i32
    %dma_start3A_691 = tpu.memref_slice %arg2[%add3A_687, %dma_start3A_690] : memref<1024x256xi32, #tpu.memory_space<hbm>> -> memref<1x128xi32, #tpu.memory_space<hbm>>
    %dma_start3A_692 = tpu.memref_squeeze %dma_start3A_691 : memref<1x128xi32, #tpu.memory_space<hbm>> -> memref<128xi32, #tpu.memory_space<hbm>>
    %dma_start3A_693 = arith.constant 7296 : i32
    %dma_start3A_694 = tpu.memref_slice %arg6[%dma_start3A_693] : memref<8192xi32, #tpu.memory_space<vmem>> -> memref<128xi32, #tpu.memory_space<vmem>>
    %dma_start3A_695 = arith.constant 128 : i32
    %dma_start3A_696 = tpu.memref_slice %arg2[%add3A_687, %dma_start3A_695] : memref<1024x256xi32, #tpu.memory_space<hbm>> -> memref<1x128xi32, #tpu.memory_space<hbm>>
    %dma_start3A_697 = tpu.memref_squeeze %dma_start3A_696 : memref<1x128xi32, #tpu.memory_space<hbm>> -> memref<128xi32, #tpu.memory_space<hbm>>
    tpu.enqueue_dma source(%dma_start3A_697 : memref<128xi32, #tpu.memory_space<hbm>>) target(%dma_start3A_694 : memref<128xi32, #tpu.memory_space<vmem>>) target_semaphore(%arg12 : memref<!tpu.dma_semaphore, #tpu.memory_space<semaphore_mem>>)
    %add3A_698 = arith.constant 29 : i32
    %add3A_699 = arith.addi %mul3A_2, %add3A_698 : i32
    %dma_start3A_700 = arith.constant 7424 : i32
    %dma_start3A_701 = tpu.memref_slice %arg6[%dma_start3A_700] : memref<8192xi32, #tpu.memory_space<vmem>> -> memref<128xi32, #tpu.memory_space<vmem>>
    %dma_start3A_702 = arith.constant 0 : i32
    %dma_start3A_703 = tpu.memref_slice %arg2[%add3A_699, %dma_start3A_702] : memref<1024x256xi32, #tpu.memory_space<hbm>> -> memref<1x128xi32, #tpu.memory_space<hbm>>
    %dma_start3A_704 = tpu.memref_squeeze %dma_start3A_703 : memref<1x128xi32, #tpu.memory_space<hbm>> -> memref<128xi32, #tpu.memory_space<hbm>>
    %dma_start3A_705 = arith.constant 7424 : i32
    %dma_start3A_706 = tpu.memref_slice %arg6[%dma_start3A_705] : memref<8192xi32, #tpu.memory_space<vmem>> -> memref<128xi32, #tpu.memory_space<vmem>>
    %dma_start3A_707 = arith.constant 0 : i32
    %dma_start3A_708 = tpu.memref_slice %arg2[%add3A_699, %dma_start3A_707] : memref<1024x256xi32, #tpu.memory_space<hbm>> -> memref<1x128xi32, #tpu.memory_space<hbm>>
    %dma_start3A_709 = tpu.memref_squeeze %dma_start3A_708 : memref<1x128xi32, #tpu.memory_space<hbm>> -> memref<128xi32, #tpu.memory_space<hbm>>
    tpu.enqueue_dma source(%dma_start3A_709 : memref<128xi32, #tpu.memory_space<hbm>>) target(%dma_start3A_706 : memref<128xi32, #tpu.memory_space<vmem>>) target_semaphore(%arg12 : memref<!tpu.dma_semaphore, #tpu.memory_space<semaphore_mem>>)
    %add3A_710 = arith.constant 29 : i32
    %add3A_711 = arith.addi %mul3A_2, %add3A_710 : i32
    %dma_start3A_712 = arith.constant 7552 : i32
    %dma_start3A_713 = tpu.memref_slice %arg6[%dma_start3A_712] : memref<8192xi32, #tpu.memory_space<vmem>> -> memref<128xi32, #tpu.memory_space<vmem>>
    %dma_start3A_714 = arith.constant 128 : i32
    %dma_start3A_715 = tpu.memref_slice %arg2[%add3A_711, %dma_start3A_714] : memref<1024x256xi32, #tpu.memory_space<hbm>> -> memref<1x128xi32, #tpu.memory_space<hbm>>
    %dma_start3A_716 = tpu.memref_squeeze %dma_start3A_715 : memref<1x128xi32, #tpu.memory_space<hbm>> -> memref<128xi32, #tpu.memory_space<hbm>>
    %dma_start3A_717 = arith.constant 7552 : i32
    %dma_start3A_718 = tpu.memref_slice %arg6[%dma_start3A_717] : memref<8192xi32, #tpu.memory_space<vmem>> -> memref<128xi32, #tpu.memory_space<vmem>>
    %dma_start3A_719 = arith.constant 128 : i32
    %dma_start3A_720 = tpu.memref_slice %arg2[%add3A_711, %dma_start3A_719] : memref<1024x256xi32, #tpu.memory_space<hbm>> -> memref<1x128xi32, #tpu.memory_space<hbm>>
    %dma_start3A_721 = tpu.memref_squeeze %dma_start3A_720 : memref<1x128xi32, #tpu.memory_space<hbm>> -> memref<128xi32, #tpu.memory_space<hbm>>
    tpu.enqueue_dma source(%dma_start3A_721 : memref<128xi32, #tpu.memory_space<hbm>>) target(%dma_start3A_718 : memref<128xi32, #tpu.memory_space<vmem>>) target_semaphore(%arg12 : memref<!tpu.dma_semaphore, #tpu.memory_space<semaphore_mem>>)
    %add3A_722 = arith.constant 30 : i32
    %add3A_723 = arith.addi %mul3A_2, %add3A_722 : i32
    %dma_start3A_724 = arith.constant 7680 : i32
    %dma_start3A_725 = tpu.memref_slice %arg6[%dma_start3A_724] : memref<8192xi32, #tpu.memory_space<vmem>> -> memref<128xi32, #tpu.memory_space<vmem>>
    %dma_start3A_726 = arith.constant 0 : i32
    %dma_start3A_727 = tpu.memref_slice %arg2[%add3A_723, %dma_start3A_726] : memref<1024x256xi32, #tpu.memory_space<hbm>> -> memref<1x128xi32, #tpu.memory_space<hbm>>
    %dma_start3A_728 = tpu.memref_squeeze %dma_start3A_727 : memref<1x128xi32, #tpu.memory_space<hbm>> -> memref<128xi32, #tpu.memory_space<hbm>>
    %dma_start3A_729 = arith.constant 7680 : i32
    %dma_start3A_730 = tpu.memref_slice %arg6[%dma_start3A_729] : memref<8192xi32, #tpu.memory_space<vmem>> -> memref<128xi32, #tpu.memory_space<vmem>>
    %dma_start3A_731 = arith.constant 0 : i32
    %dma_start3A_732 = tpu.memref_slice %arg2[%add3A_723, %dma_start3A_731] : memref<1024x256xi32, #tpu.memory_space<hbm>> -> memref<1x128xi32, #tpu.memory_space<hbm>>
    %dma_start3A_733 = tpu.memref_squeeze %dma_start3A_732 : memref<1x128xi32, #tpu.memory_space<hbm>> -> memref<128xi32, #tpu.memory_space<hbm>>
    tpu.enqueue_dma source(%dma_start3A_733 : memref<128xi32, #tpu.memory_space<hbm>>) target(%dma_start3A_730 : memref<128xi32, #tpu.memory_space<vmem>>) target_semaphore(%arg12 : memref<!tpu.dma_semaphore, #tpu.memory_space<semaphore_mem>>)
    %add3A_734 = arith.constant 30 : i32
    %add3A_735 = arith.addi %mul3A_2, %add3A_734 : i32
    %dma_start3A_736 = arith.constant 7808 : i32
    %dma_start3A_737 = tpu.memref_slice %arg6[%dma_start3A_736] : memref<8192xi32, #tpu.memory_space<vmem>> -> memref<128xi32, #tpu.memory_space<vmem>>
    %dma_start3A_738 = arith.constant 128 : i32
    %dma_start3A_739 = tpu.memref_slice %arg2[%add3A_735, %dma_start3A_738] : memref<1024x256xi32, #tpu.memory_space<hbm>> -> memref<1x128xi32, #tpu.memory_space<hbm>>
    %dma_start3A_740 = tpu.memref_squeeze %dma_start3A_739 : memref<1x128xi32, #tpu.memory_space<hbm>> -> memref<128xi32, #tpu.memory_space<hbm>>
    %dma_start3A_741 = arith.constant 7808 : i32
    %dma_start3A_742 = tpu.memref_slice %arg6[%dma_start3A_741] : memref<8192xi32, #tpu.memory_space<vmem>> -> memref<128xi32, #tpu.memory_space<vmem>>
    %dma_start3A_743 = arith.constant 128 : i32
    %dma_start3A_744 = tpu.memref_slice %arg2[%add3A_735, %dma_start3A_743] : memref<1024x256xi32, #tpu.memory_space<hbm>> -> memref<1x128xi32, #tpu.memory_space<hbm>>
    %dma_start3A_745 = tpu.memref_squeeze %dma_start3A_744 : memref<1x128xi32, #tpu.memory_space<hbm>> -> memref<128xi32, #tpu.memory_space<hbm>>
    tpu.enqueue_dma source(%dma_start3A_745 : memref<128xi32, #tpu.memory_space<hbm>>) target(%dma_start3A_742 : memref<128xi32, #tpu.memory_space<vmem>>) target_semaphore(%arg12 : memref<!tpu.dma_semaphore, #tpu.memory_space<semaphore_mem>>)
    %add3A_746 = arith.constant 31 : i32
    %add3A_747 = arith.addi %mul3A_2, %add3A_746 : i32
    %dma_start3A_748 = arith.constant 7936 : i32
    %dma_start3A_749 = tpu.memref_slice %arg6[%dma_start3A_748] : memref<8192xi32, #tpu.memory_space<vmem>> -> memref<128xi32, #tpu.memory_space<vmem>>
    %dma_start3A_750 = arith.constant 0 : i32
    %dma_start3A_751 = tpu.memref_slice %arg2[%add3A_747, %dma_start3A_750] : memref<1024x256xi32, #tpu.memory_space<hbm>> -> memref<1x128xi32, #tpu.memory_space<hbm>>
    %dma_start3A_752 = tpu.memref_squeeze %dma_start3A_751 : memref<1x128xi32, #tpu.memory_space<hbm>> -> memref<128xi32, #tpu.memory_space<hbm>>
    %dma_start3A_753 = arith.constant 7936 : i32
    %dma_start3A_754 = tpu.memref_slice %arg6[%dma_start3A_753] : memref<8192xi32, #tpu.memory_space<vmem>> -> memref<128xi32, #tpu.memory_space<vmem>>
    %dma_start3A_755 = arith.constant 0 : i32
    %dma_start3A_756 = tpu.memref_slice %arg2[%add3A_747, %dma_start3A_755] : memref<1024x256xi32, #tpu.memory_space<hbm>> -> memref<1x128xi32, #tpu.memory_space<hbm>>
    %dma_start3A_757 = tpu.memref_squeeze %dma_start3A_756 : memref<1x128xi32, #tpu.memory_space<hbm>> -> memref<128xi32, #tpu.memory_space<hbm>>
    tpu.enqueue_dma source(%dma_start3A_757 : memref<128xi32, #tpu.memory_space<hbm>>) target(%dma_start3A_754 : memref<128xi32, #tpu.memory_space<vmem>>) target_semaphore(%arg12 : memref<!tpu.dma_semaphore, #tpu.memory_space<semaphore_mem>>)
    %add3A_758 = arith.constant 31 : i32
    %add3A_759 = arith.addi %mul3A_2, %add3A_758 : i32
    %dma_start3A_760 = arith.constant 8064 : i32
    %dma_start3A_761 = tpu.memref_slice %arg6[%dma_start3A_760] : memref<8192xi32, #tpu.memory_space<vmem>> -> memref<128xi32, #tpu.memory_space<vmem>>
    %dma_start3A_762 = arith.constant 128 : i32
    %dma_start3A_763 = tpu.memref_slice %arg2[%add3A_759, %dma_start3A_762] : memref<1024x256xi32, #tpu.memory_space<hbm>> -> memref<1x128xi32, #tpu.memory_space<hbm>>
    %dma_start3A_764 = tpu.memref_squeeze %dma_start3A_763 : memref<1x128xi32, #tpu.memory_space<hbm>> -> memref<128xi32, #tpu.memory_space<hbm>>
    %dma_start3A_765 = arith.constant 8064 : i32
    %dma_start3A_766 = tpu.memref_slice %arg6[%dma_start3A_765] : memref<8192xi32, #tpu.memory_space<vmem>> -> memref<128xi32, #tpu.memory_space<vmem>>
    %dma_start3A_767 = arith.constant 128 : i32
    %dma_start3A_768 = tpu.memref_slice %arg2[%add3A_759, %dma_start3A_767] : memref<1024x256xi32, #tpu.memory_space<hbm>> -> memref<1x128xi32, #tpu.memory_space<hbm>>
    %dma_start3A_769 = tpu.memref_squeeze %dma_start3A_768 : memref<1x128xi32, #tpu.memory_space<hbm>> -> memref<128xi32, #tpu.memory_space<hbm>>
    tpu.enqueue_dma source(%dma_start3A_769 : memref<128xi32, #tpu.memory_space<hbm>>) target(%dma_start3A_766 : memref<128xi32, #tpu.memory_space<vmem>>) target_semaphore(%arg12 : memref<!tpu.dma_semaphore, #tpu.memory_space<semaphore_mem>>)
    "tpu.region"() ({
      %run_scoped3A = tpu.sem_alloc : memref<!tpu.dma_semaphore, #tpu.memory_space<semaphore_mem>>
      tpu.enqueue_dma source(%arg3 : memref<200x128xf32, #tpu.memory_space<hbm>>) target(%arg7 : memref<200x128xf32, #tpu.memory_space<vmem>>) target_semaphore(%run_scoped3A : memref<!tpu.dma_semaphore, #tpu.memory_space<semaphore_mem>>)
      tpu.wait_dma2 semaphore(%run_scoped3A : memref<!tpu.dma_semaphore, #tpu.memory_space<semaphore_mem>>) src(%arg3 : memref<200x128xf32, #tpu.memory_space<hbm>>) dst(%arg7 : memref<200x128xf32, #tpu.memory_space<vmem>>)
      tpu.yield
    }) : () -> ()
    %dma_wait3A = arith.constant 0 : i32
    %dma_wait3A_770 = tpu.memref_slice %arg6[%dma_wait3A] : memref<8192xi32, #tpu.memory_space<vmem>> -> memref<128xi32, #tpu.memory_space<vmem>>
    %dma_wait3A_771 = arith.constant 0 : i32
    %dma_wait3A_772 = tpu.memref_slice %arg2[%mul3A_2, %dma_wait3A_771] : memref<1024x256xi32, #tpu.memory_space<hbm>> -> memref<1x128xi32, #tpu.memory_space<hbm>>
    %dma_wait3A_773 = tpu.memref_squeeze %dma_wait3A_772 : memref<1x128xi32, #tpu.memory_space<hbm>> -> memref<128xi32, #tpu.memory_space<hbm>>
    %dma_wait3A_774 = arith.constant 0 : i32
    %dma_wait3A_775 = tpu.memref_slice %arg6[%dma_wait3A_774] : memref<8192xi32, #tpu.memory_space<vmem>> -> memref<128xi32, #tpu.memory_space<vmem>>
    %dma_wait3A_776 = arith.constant 0 : i32
    %dma_wait3A_777 = tpu.memref_slice %arg2[%mul3A_2, %dma_wait3A_776] : memref<1024x256xi32, #tpu.memory_space<hbm>> -> memref<1x128xi32, #tpu.memory_space<hbm>>
    %dma_wait3A_778 = tpu.memref_squeeze %dma_wait3A_777 : memref<1x128xi32, #tpu.memory_space<hbm>> -> memref<128xi32, #tpu.memory_space<hbm>>
    tpu.wait_dma2 semaphore(%arg12 : memref<!tpu.dma_semaphore, #tpu.memory_space<semaphore_mem>>) src(%dma_wait3A_778 : memref<128xi32, #tpu.memory_space<hbm>>) dst(%dma_wait3A_775 : memref<128xi32, #tpu.memory_space<vmem>>)
    %dma_wait3A_779 = arith.constant 0 : i32
    %dma_wait3A_780 = tpu.memref_slice %arg6[%dma_wait3A_779] : memref<8192xi32, #tpu.memory_space<vmem>> -> memref<128xi32, #tpu.memory_space<vmem>>
    %dma_wait3A_781 = arith.constant 0 : i32
    %dma_wait3A_782 = tpu.memref_slice %arg2[%mul3A_2, %dma_wait3A_781] : memref<1024x256xi32, #tpu.memory_space<hbm>> -> memref<1x128xi32, #tpu.memory_space<hbm>>
    %dma_wait3A_783 = tpu.memref_squeeze %dma_wait3A_782 : memref<1x128xi32, #tpu.memory_space<hbm>> -> memref<128xi32, #tpu.memory_space<hbm>>
    %dma_wait3A_784 = arith.constant 0 : i32
    %dma_wait3A_785 = tpu.memref_slice %arg6[%dma_wait3A_784] : memref<8192xi32, #tpu.memory_space<vmem>> -> memref<128xi32, #tpu.memory_space<vmem>>
    %dma_wait3A_786 = arith.constant 0 : i32
    %dma_wait3A_787 = tpu.memref_slice %arg2[%mul3A_2, %dma_wait3A_786] : memref<1024x256xi32, #tpu.memory_space<hbm>> -> memref<1x128xi32, #tpu.memory_space<hbm>>
    %dma_wait3A_788 = tpu.memref_squeeze %dma_wait3A_787 : memref<1x128xi32, #tpu.memory_space<hbm>> -> memref<128xi32, #tpu.memory_space<hbm>>
    tpu.wait_dma2 semaphore(%arg12 : memref<!tpu.dma_semaphore, #tpu.memory_space<semaphore_mem>>) src(%dma_wait3A_788 : memref<128xi32, #tpu.memory_space<hbm>>) dst(%dma_wait3A_785 : memref<128xi32, #tpu.memory_space<vmem>>)
    %dma_wait3A_789 = arith.constant 0 : i32
    %dma_wait3A_790 = tpu.memref_slice %arg6[%dma_wait3A_789] : memref<8192xi32, #tpu.memory_space<vmem>> -> memref<128xi32, #tpu.memory_space<vmem>>
    %dma_wait3A_791 = arith.constant 0 : i32
    %dma_wait3A_792 = tpu.memref_slice %arg2[%mul3A_2, %dma_wait3A_791] : memref<1024x256xi32, #tpu.memory_space<hbm>> -> memref<1x128xi32, #tpu.memory_space<hbm>>
    %dma_wait3A_793 = tpu.memref_squeeze %dma_wait3A_792 : memref<1x128xi32, #tpu.memory_space<hbm>> -> memref<128xi32, #tpu.memory_space<hbm>>
    %dma_wait3A_794 = arith.constant 0 : i32
    %dma_wait3A_795 = tpu.memref_slice %arg6[%dma_wait3A_794] : memref<8192xi32, #tpu.memory_space<vmem>> -> memref<128xi32, #tpu.memory_space<vmem>>
    %dma_wait3A_796 = arith.constant 0 : i32
    %dma_wait3A_797 = tpu.memref_slice %arg2[%mul3A_2, %dma_wait3A_796] : memref<1024x256xi32, #tpu.memory_space<hbm>> -> memref<1x128xi32, #tpu.memory_space<hbm>>
    %dma_wait3A_798 = tpu.memref_squeeze %dma_wait3A_797 : memref<1x128xi32, #tpu.memory_space<hbm>> -> memref<128xi32, #tpu.memory_space<hbm>>
    tpu.wait_dma2 semaphore(%arg12 : memref<!tpu.dma_semaphore, #tpu.memory_space<semaphore_mem>>) src(%dma_wait3A_798 : memref<128xi32, #tpu.memory_space<hbm>>) dst(%dma_wait3A_795 : memref<128xi32, #tpu.memory_space<vmem>>)
    %dma_wait3A_799 = arith.constant 0 : i32
    %dma_wait3A_800 = tpu.memref_slice %arg6[%dma_wait3A_799] : memref<8192xi32, #tpu.memory_space<vmem>> -> memref<128xi32, #tpu.memory_space<vmem>>
    %dma_wait3A_801 = arith.constant 0 : i32
    %dma_wait3A_802 = tpu.memref_slice %arg2[%mul3A_2, %dma_wait3A_801] : memref<1024x256xi32, #tpu.memory_space<hbm>> -> memref<1x128xi32, #tpu.memory_space<hbm>>
    %dma_wait3A_803 = tpu.memref_squeeze %dma_wait3A_802 : memref<1x128xi32, #tpu.memory_space<hbm>> -> memref<128xi32, #tpu.memory_space<hbm>>
    %dma_wait3A_804 = arith.constant 0 : i32
    %dma_wait3A_805 = tpu.memref_slice %arg6[%dma_wait3A_804] : memref<8192xi32, #tpu.memory_space<vmem>> -> memref<128xi32, #tpu.memory_space<vmem>>
    %dma_wait3A_806 = arith.constant 0 : i32
    %dma_wait3A_807 = tpu.memref_slice %arg2[%mul3A_2, %dma_wait3A_806] : memref<1024x256xi32, #tpu.memory_space<hbm>> -> memref<1x128xi32, #tpu.memory_space<hbm>>
    %dma_wait3A_808 = tpu.memref_squeeze %dma_wait3A_807 : memref<1x128xi32, #tpu.memory_space<hbm>> -> memref<128xi32, #tpu.memory_space<hbm>>
    tpu.wait_dma2 semaphore(%arg12 : memref<!tpu.dma_semaphore, #tpu.memory_space<semaphore_mem>>) src(%dma_wait3A_808 : memref<128xi32, #tpu.memory_space<hbm>>) dst(%dma_wait3A_805 : memref<128xi32, #tpu.memory_space<vmem>>)
    %dma_wait3A_809 = arith.constant 0 : i32
    %dma_wait3A_810 = tpu.memref_slice %arg6[%dma_wait3A_809] : memref<8192xi32, #tpu.memory_space<vmem>> -> memref<128xi32, #tpu.memory_space<vmem>>
    %dma_wait3A_811 = arith.constant 0 : i32
    %dma_wait3A_812 = tpu.memref_slice %arg2[%mul3A_2, %dma_wait3A_811] : memref<1024x256xi32, #tpu.memory_space<hbm>> -> memref<1x128xi32, #tpu.memory_space<hbm>>
    %dma_wait3A_813 = tpu.memref_squeeze %dma_wait3A_812 : memref<1x128xi32, #tpu.memory_space<hbm>> -> memref<128xi32, #tpu.memory_space<hbm>>
    %dma_wait3A_814 = arith.constant 0 : i32
    %dma_wait3A_815 = tpu.memref_slice %arg6[%dma_wait3A_814] : memref<8192xi32, #tpu.memory_space<vmem>> -> memref<128xi32, #tpu.memory_space<vmem>>
    %dma_wait3A_816 = arith.constant 0 : i32
    %dma_wait3A_817 = tpu.memref_slice %arg2[%mul3A_2, %dma_wait3A_816] : memref<1024x256xi32, #tpu.memory_space<hbm>> -> memref<1x128xi32, #tpu.memory_space<hbm>>
    %dma_wait3A_818 = tpu.memref_squeeze %dma_wait3A_817 : memref<1x128xi32, #tpu.memory_space<hbm>> -> memref<128xi32, #tpu.memory_space<hbm>>
    tpu.wait_dma2 semaphore(%arg12 : memref<!tpu.dma_semaphore, #tpu.memory_space<semaphore_mem>>) src(%dma_wait3A_818 : memref<128xi32, #tpu.memory_space<hbm>>) dst(%dma_wait3A_815 : memref<128xi32, #tpu.memory_space<vmem>>)
    %dma_wait3A_819 = arith.constant 0 : i32
    %dma_wait3A_820 = tpu.memref_slice %arg6[%dma_wait3A_819] : memref<8192xi32, #tpu.memory_space<vmem>> -> memref<128xi32, #tpu.memory_space<vmem>>
    %dma_wait3A_821 = arith.constant 0 : i32
    %dma_wait3A_822 = tpu.memref_slice %arg2[%mul3A_2, %dma_wait3A_821] : memref<1024x256xi32, #tpu.memory_space<hbm>> -> memref<1x128xi32, #tpu.memory_space<hbm>>
    %dma_wait3A_823 = tpu.memref_squeeze %dma_wait3A_822 : memref<1x128xi32, #tpu.memory_space<hbm>> -> memref<128xi32, #tpu.memory_space<hbm>>
    %dma_wait3A_824 = arith.constant 0 : i32
    %dma_wait3A_825 = tpu.memref_slice %arg6[%dma_wait3A_824] : memref<8192xi32, #tpu.memory_space<vmem>> -> memref<128xi32, #tpu.memory_space<vmem>>
    %dma_wait3A_826 = arith.constant 0 : i32
    %dma_wait3A_827 = tpu.memref_slice %arg2[%mul3A_2, %dma_wait3A_826] : memref<1024x256xi32, #tpu.memory_space<hbm>> -> memref<1x128xi32, #tpu.memory_space<hbm>>
    %dma_wait3A_828 = tpu.memref_squeeze %dma_wait3A_827 : memref<1x128xi32, #tpu.memory_space<hbm>> -> memref<128xi32, #tpu.memory_space<hbm>>
    tpu.wait_dma2 semaphore(%arg12 : memref<!tpu.dma_semaphore, #tpu.memory_space<semaphore_mem>>) src(%dma_wait3A_828 : memref<128xi32, #tpu.memory_space<hbm>>) dst(%dma_wait3A_825 : memref<128xi32, #tpu.memory_space<vmem>>)
    %dma_wait3A_829 = arith.constant 0 : i32
    %dma_wait3A_830 = tpu.memref_slice %arg6[%dma_wait3A_829] : memref<8192xi32, #tpu.memory_space<vmem>> -> memref<128xi32, #tpu.memory_space<vmem>>
    %dma_wait3A_831 = arith.constant 0 : i32
    %dma_wait3A_832 = tpu.memref_slice %arg2[%mul3A_2, %dma_wait3A_831] : memref<1024x256xi32, #tpu.memory_space<hbm>> -> memref<1x128xi32, #tpu.memory_space<hbm>>
    %dma_wait3A_833 = tpu.memref_squeeze %dma_wait3A_832 : memref<1x128xi32, #tpu.memory_space<hbm>> -> memref<128xi32, #tpu.memory_space<hbm>>
    %dma_wait3A_834 = arith.constant 0 : i32
    %dma_wait3A_835 = tpu.memref_slice %arg6[%dma_wait3A_834] : memref<8192xi32, #tpu.memory_space<vmem>> -> memref<128xi32, #tpu.memory_space<vmem>>
    %dma_wait3A_836 = arith.constant 0 : i32
    %dma_wait3A_837 = tpu.memref_slice %arg2[%mul3A_2, %dma_wait3A_836] : memref<1024x256xi32, #tpu.memory_space<hbm>> -> memref<1x128xi32, #tpu.memory_space<hbm>>
    %dma_wait3A_838 = tpu.memref_squeeze %dma_wait3A_837 : memref<1x128xi32, #tpu.memory_space<hbm>> -> memref<128xi32, #tpu.memory_space<hbm>>
    tpu.wait_dma2 semaphore(%arg12 : memref<!tpu.dma_semaphore, #tpu.memory_space<semaphore_mem>>) src(%dma_wait3A_838 : memref<128xi32, #tpu.memory_space<hbm>>) dst(%dma_wait3A_835 : memref<128xi32, #tpu.memory_space<vmem>>)
    %dma_wait3A_839 = arith.constant 0 : i32
    %dma_wait3A_840 = tpu.memref_slice %arg6[%dma_wait3A_839] : memref<8192xi32, #tpu.memory_space<vmem>> -> memref<128xi32, #tpu.memory_space<vmem>>
    %dma_wait3A_841 = arith.constant 0 : i32
    %dma_wait3A_842 = tpu.memref_slice %arg2[%mul3A_2, %dma_wait3A_841] : memref<1024x256xi32, #tpu.memory_space<hbm>> -> memref<1x128xi32, #tpu.memory_space<hbm>>
    %dma_wait3A_843 = tpu.memref_squeeze %dma_wait3A_842 : memref<1x128xi32, #tpu.memory_space<hbm>> -> memref<128xi32, #tpu.memory_space<hbm>>
    %dma_wait3A_844 = arith.constant 0 : i32
    %dma_wait3A_845 = tpu.memref_slice %arg6[%dma_wait3A_844] : memref<8192xi32, #tpu.memory_space<vmem>> -> memref<128xi32, #tpu.memory_space<vmem>>
    %dma_wait3A_846 = arith.constant 0 : i32
    %dma_wait3A_847 = tpu.memref_slice %arg2[%mul3A_2, %dma_wait3A_846] : memref<1024x256xi32, #tpu.memory_space<hbm>> -> memref<1x128xi32, #tpu.memory_space<hbm>>
    %dma_wait3A_848 = tpu.memref_squeeze %dma_wait3A_847 : memref<1x128xi32, #tpu.memory_space<hbm>> -> memref<128xi32, #tpu.memory_space<hbm>>
    tpu.wait_dma2 semaphore(%arg12 : memref<!tpu.dma_semaphore, #tpu.memory_space<semaphore_mem>>) src(%dma_wait3A_848 : memref<128xi32, #tpu.memory_space<hbm>>) dst(%dma_wait3A_845 : memref<128xi32, #tpu.memory_space<vmem>>)
    %dma_wait3A_849 = arith.constant 0 : i32
    %dma_wait3A_850 = tpu.memref_slice %arg6[%dma_wait3A_849] : memref<8192xi32, #tpu.memory_space<vmem>> -> memref<128xi32, #tpu.memory_space<vmem>>
    %dma_wait3A_851 = arith.constant 0 : i32
    %dma_wait3A_852 = tpu.memref_slice %arg2[%mul3A_2, %dma_wait3A_851] : memref<1024x256xi32, #tpu.memory_space<hbm>> -> memref<1x128xi32, #tpu.memory_space<hbm>>
    %dma_wait3A_853 = tpu.memref_squeeze %dma_wait3A_852 : memref<1x128xi32, #tpu.memory_space<hbm>> -> memref<128xi32, #tpu.memory_space<hbm>>
    %dma_wait3A_854 = arith.constant 0 : i32
    %dma_wait3A_855 = tpu.memref_slice %arg6[%dma_wait3A_854] : memref<8192xi32, #tpu.memory_space<vmem>> -> memref<128xi32, #tpu.memory_space<vmem>>
    %dma_wait3A_856 = arith.constant 0 : i32
    %dma_wait3A_857 = tpu.memref_slice %arg2[%mul3A_2, %dma_wait3A_856] : memref<1024x256xi32, #tpu.memory_space<hbm>> -> memref<1x128xi32, #tpu.memory_space<hbm>>
    %dma_wait3A_858 = tpu.memref_squeeze %dma_wait3A_857 : memref<1x128xi32, #tpu.memory_space<hbm>> -> memref<128xi32, #tpu.memory_space<hbm>>
    tpu.wait_dma2 semaphore(%arg12 : memref<!tpu.dma_semaphore, #tpu.memory_space<semaphore_mem>>) src(%dma_wait3A_858 : memref<128xi32, #tpu.memory_space<hbm>>) dst(%dma_wait3A_855 : memref<128xi32, #tpu.memory_space<vmem>>)
    %dma_wait3A_859 = arith.constant 0 : i32
    %dma_wait3A_860 = tpu.memref_slice %arg6[%dma_wait3A_859] : memref<8192xi32, #tpu.memory_space<vmem>> -> memref<128xi32, #tpu.memory_space<vmem>>
    %dma_wait3A_861 = arith.constant 0 : i32
    %dma_wait3A_862 = tpu.memref_slice %arg2[%mul3A_2, %dma_wait3A_861] : memref<1024x256xi32, #tpu.memory_space<hbm>> -> memref<1x128xi32, #tpu.memory_space<hbm>>
    %dma_wait3A_863 = tpu.memref_squeeze %dma_wait3A_862 : memref<1x128xi32, #tpu.memory_space<hbm>> -> memref<128xi32, #tpu.memory_space<hbm>>
    %dma_wait3A_864 = arith.constant 0 : i32
    %dma_wait3A_865 = tpu.memref_slice %arg6[%dma_wait3A_864] : memref<8192xi32, #tpu.memory_space<vmem>> -> memref<128xi32, #tpu.memory_space<vmem>>
    %dma_wait3A_866 = arith.constant 0 : i32
    %dma_wait3A_867 = tpu.memref_slice %arg2[%mul3A_2, %dma_wait3A_866] : memref<1024x256xi32, #tpu.memory_space<hbm>> -> memref<1x128xi32, #tpu.memory_space<hbm>>
    %dma_wait3A_868 = tpu.memref_squeeze %dma_wait3A_867 : memref<1x128xi32, #tpu.memory_space<hbm>> -> memref<128xi32, #tpu.memory_space<hbm>>
    tpu.wait_dma2 semaphore(%arg12 : memref<!tpu.dma_semaphore, #tpu.memory_space<semaphore_mem>>) src(%dma_wait3A_868 : memref<128xi32, #tpu.memory_space<hbm>>) dst(%dma_wait3A_865 : memref<128xi32, #tpu.memory_space<vmem>>)
    %dma_wait3A_869 = arith.constant 0 : i32
    %dma_wait3A_870 = tpu.memref_slice %arg6[%dma_wait3A_869] : memref<8192xi32, #tpu.memory_space<vmem>> -> memref<128xi32, #tpu.memory_space<vmem>>
    %dma_wait3A_871 = arith.constant 0 : i32
    %dma_wait3A_872 = tpu.memref_slice %arg2[%mul3A_2, %dma_wait3A_871] : memref<1024x256xi32, #tpu.memory_space<hbm>> -> memref<1x128xi32, #tpu.memory_space<hbm>>
    %dma_wait3A_873 = tpu.memref_squeeze %dma_wait3A_872 : memref<1x128xi32, #tpu.memory_space<hbm>> -> memref<128xi32, #tpu.memory_space<hbm>>
    %dma_wait3A_874 = arith.constant 0 : i32
    %dma_wait3A_875 = tpu.memref_slice %arg6[%dma_wait3A_874] : memref<8192xi32, #tpu.memory_space<vmem>> -> memref<128xi32, #tpu.memory_space<vmem>>
    %dma_wait3A_876 = arith.constant 0 : i32
    %dma_wait3A_877 = tpu.memref_slice %arg2[%mul3A_2, %dma_wait3A_876] : memref<1024x256xi32, #tpu.memory_space<hbm>> -> memref<1x128xi32, #tpu.memory_space<hbm>>
    %dma_wait3A_878 = tpu.memref_squeeze %dma_wait3A_877 : memref<1x128xi32, #tpu.memory_space<hbm>> -> memref<128xi32, #tpu.memory_space<hbm>>
    tpu.wait_dma2 semaphore(%arg12 : memref<!tpu.dma_semaphore, #tpu.memory_space<semaphore_mem>>) src(%dma_wait3A_878 : memref<128xi32, #tpu.memory_space<hbm>>) dst(%dma_wait3A_875 : memref<128xi32, #tpu.memory_space<vmem>>)
    %dma_wait3A_879 = arith.constant 0 : i32
    %dma_wait3A_880 = tpu.memref_slice %arg6[%dma_wait3A_879] : memref<8192xi32, #tpu.memory_space<vmem>> -> memref<128xi32, #tpu.memory_space<vmem>>
    %dma_wait3A_881 = arith.constant 0 : i32
    %dma_wait3A_882 = tpu.memref_slice %arg2[%mul3A_2, %dma_wait3A_881] : memref<1024x256xi32, #tpu.memory_space<hbm>> -> memref<1x128xi32, #tpu.memory_space<hbm>>
    %dma_wait3A_883 = tpu.memref_squeeze %dma_wait3A_882 : memref<1x128xi32, #tpu.memory_space<hbm>> -> memref<128xi32, #tpu.memory_space<hbm>>
    %dma_wait3A_884 = arith.constant 0 : i32
    %dma_wait3A_885 = tpu.memref_slice %arg6[%dma_wait3A_884] : memref<8192xi32, #tpu.memory_space<vmem>> -> memref<128xi32, #tpu.memory_space<vmem>>
    %dma_wait3A_886 = arith.constant 0 : i32
    %dma_wait3A_887 = tpu.memref_slice %arg2[%mul3A_2, %dma_wait3A_886] : memref<1024x256xi32, #tpu.memory_space<hbm>> -> memref<1x128xi32, #tpu.memory_space<hbm>>
    %dma_wait3A_888 = tpu.memref_squeeze %dma_wait3A_887 : memref<1x128xi32, #tpu.memory_space<hbm>> -> memref<128xi32, #tpu.memory_space<hbm>>
    tpu.wait_dma2 semaphore(%arg12 : memref<!tpu.dma_semaphore, #tpu.memory_space<semaphore_mem>>) src(%dma_wait3A_888 : memref<128xi32, #tpu.memory_space<hbm>>) dst(%dma_wait3A_885 : memref<128xi32, #tpu.memory_space<vmem>>)
    %dma_wait3A_889 = arith.constant 0 : i32
    %dma_wait3A_890 = tpu.memref_slice %arg6[%dma_wait3A_889] : memref<8192xi32, #tpu.memory_space<vmem>> -> memref<128xi32, #tpu.memory_space<vmem>>
    %dma_wait3A_891 = arith.constant 0 : i32
    %dma_wait3A_892 = tpu.memref_slice %arg2[%mul3A_2, %dma_wait3A_891] : memref<1024x256xi32, #tpu.memory_space<hbm>> -> memref<1x128xi32, #tpu.memory_space<hbm>>
    %dma_wait3A_893 = tpu.memref_squeeze %dma_wait3A_892 : memref<1x128xi32, #tpu.memory_space<hbm>> -> memref<128xi32, #tpu.memory_space<hbm>>
    %dma_wait3A_894 = arith.constant 0 : i32
    %dma_wait3A_895 = tpu.memref_slice %arg6[%dma_wait3A_894] : memref<8192xi32, #tpu.memory_space<vmem>> -> memref<128xi32, #tpu.memory_space<vmem>>
    %dma_wait3A_896 = arith.constant 0 : i32
    %dma_wait3A_897 = tpu.memref_slice %arg2[%mul3A_2, %dma_wait3A_896] : memref<1024x256xi32, #tpu.memory_space<hbm>> -> memref<1x128xi32, #tpu.memory_space<hbm>>
    %dma_wait3A_898 = tpu.memref_squeeze %dma_wait3A_897 : memref<1x128xi32, #tpu.memory_space<hbm>> -> memref<128xi32, #tpu.memory_space<hbm>>
    tpu.wait_dma2 semaphore(%arg12 : memref<!tpu.dma_semaphore, #tpu.memory_space<semaphore_mem>>) src(%dma_wait3A_898 : memref<128xi32, #tpu.memory_space<hbm>>) dst(%dma_wait3A_895 : memref<128xi32, #tpu.memory_space<vmem>>)
    %dma_wait3A_899 = arith.constant 0 : i32
    %dma_wait3A_900 = tpu.memref_slice %arg6[%dma_wait3A_899] : memref<8192xi32, #tpu.memory_space<vmem>> -> memref<128xi32, #tpu.memory_space<vmem>>
    %dma_wait3A_901 = arith.constant 0 : i32
    %dma_wait3A_902 = tpu.memref_slice %arg2[%mul3A_2, %dma_wait3A_901] : memref<1024x256xi32, #tpu.memory_space<hbm>> -> memref<1x128xi32, #tpu.memory_space<hbm>>
    %dma_wait3A_903 = tpu.memref_squeeze %dma_wait3A_902 : memref<1x128xi32, #tpu.memory_space<hbm>> -> memref<128xi32, #tpu.memory_space<hbm>>
    %dma_wait3A_904 = arith.constant 0 : i32
    %dma_wait3A_905 = tpu.memref_slice %arg6[%dma_wait3A_904] : memref<8192xi32, #tpu.memory_space<vmem>> -> memref<128xi32, #tpu.memory_space<vmem>>
    %dma_wait3A_906 = arith.constant 0 : i32
    %dma_wait3A_907 = tpu.memref_slice %arg2[%mul3A_2, %dma_wait3A_906] : memref<1024x256xi32, #tpu.memory_space<hbm>> -> memref<1x128xi32, #tpu.memory_space<hbm>>
    %dma_wait3A_908 = tpu.memref_squeeze %dma_wait3A_907 : memref<1x128xi32, #tpu.memory_space<hbm>> -> memref<128xi32, #tpu.memory_space<hbm>>
    tpu.wait_dma2 semaphore(%arg12 : memref<!tpu.dma_semaphore, #tpu.memory_space<semaphore_mem>>) src(%dma_wait3A_908 : memref<128xi32, #tpu.memory_space<hbm>>) dst(%dma_wait3A_905 : memref<128xi32, #tpu.memory_space<vmem>>)
    %dma_wait3A_909 = arith.constant 0 : i32
    %dma_wait3A_910 = tpu.memref_slice %arg6[%dma_wait3A_909] : memref<8192xi32, #tpu.memory_space<vmem>> -> memref<128xi32, #tpu.memory_space<vmem>>
    %dma_wait3A_911 = arith.constant 0 : i32
    %dma_wait3A_912 = tpu.memref_slice %arg2[%mul3A_2, %dma_wait3A_911] : memref<1024x256xi32, #tpu.memory_space<hbm>> -> memref<1x128xi32, #tpu.memory_space<hbm>>
    %dma_wait3A_913 = tpu.memref_squeeze %dma_wait3A_912 : memref<1x128xi32, #tpu.memory_space<hbm>> -> memref<128xi32, #tpu.memory_space<hbm>>
    %dma_wait3A_914 = arith.constant 0 : i32
    %dma_wait3A_915 = tpu.memref_slice %arg6[%dma_wait3A_914] : memref<8192xi32, #tpu.memory_space<vmem>> -> memref<128xi32, #tpu.memory_space<vmem>>
    %dma_wait3A_916 = arith.constant 0 : i32
    %dma_wait3A_917 = tpu.memref_slice %arg2[%mul3A_2, %dma_wait3A_916] : memref<1024x256xi32, #tpu.memory_space<hbm>> -> memref<1x128xi32, #tpu.memory_space<hbm>>
    %dma_wait3A_918 = tpu.memref_squeeze %dma_wait3A_917 : memref<1x128xi32, #tpu.memory_space<hbm>> -> memref<128xi32, #tpu.memory_space<hbm>>
    tpu.wait_dma2 semaphore(%arg12 : memref<!tpu.dma_semaphore, #tpu.memory_space<semaphore_mem>>) src(%dma_wait3A_918 : memref<128xi32, #tpu.memory_space<hbm>>) dst(%dma_wait3A_915 : memref<128xi32, #tpu.memory_space<vmem>>)
    %dma_wait3A_919 = arith.constant 0 : i32
    %dma_wait3A_920 = tpu.memref_slice %arg6[%dma_wait3A_919] : memref<8192xi32, #tpu.memory_space<vmem>> -> memref<128xi32, #tpu.memory_space<vmem>>
    %dma_wait3A_921 = arith.constant 0 : i32
    %dma_wait3A_922 = tpu.memref_slice %arg2[%mul3A_2, %dma_wait3A_921] : memref<1024x256xi32, #tpu.memory_space<hbm>> -> memref<1x128xi32, #tpu.memory_space<hbm>>
    %dma_wait3A_923 = tpu.memref_squeeze %dma_wait3A_922 : memref<1x128xi32, #tpu.memory_space<hbm>> -> memref<128xi32, #tpu.memory_space<hbm>>
    %dma_wait3A_924 = arith.constant 0 : i32
    %dma_wait3A_925 = tpu.memref_slice %arg6[%dma_wait3A_924] : memref<8192xi32, #tpu.memory_space<vmem>> -> memref<128xi32, #tpu.memory_space<vmem>>
    %dma_wait3A_926 = arith.constant 0 : i32
    %dma_wait3A_927 = tpu.memref_slice %arg2[%mul3A_2, %dma_wait3A_926] : memref<1024x256xi32, #tpu.memory_space<hbm>> -> memref<1x128xi32, #tpu.memory_space<hbm>>
    %dma_wait3A_928 = tpu.memref_squeeze %dma_wait3A_927 : memref<1x128xi32, #tpu.memory_space<hbm>> -> memref<128xi32, #tpu.memory_space<hbm>>
    tpu.wait_dma2 semaphore(%arg12 : memref<!tpu.dma_semaphore, #tpu.memory_space<semaphore_mem>>) src(%dma_wait3A_928 : memref<128xi32, #tpu.memory_space<hbm>>) dst(%dma_wait3A_925 : memref<128xi32, #tpu.memory_space<vmem>>)
    %dma_wait3A_929 = arith.constant 0 : i32
    %dma_wait3A_930 = tpu.memref_slice %arg6[%dma_wait3A_929] : memref<8192xi32, #tpu.memory_space<vmem>> -> memref<128xi32, #tpu.memory_space<vmem>>
    %dma_wait3A_931 = arith.constant 0 : i32
    %dma_wait3A_932 = tpu.memref_slice %arg2[%mul3A_2, %dma_wait3A_931] : memref<1024x256xi32, #tpu.memory_space<hbm>> -> memref<1x128xi32, #tpu.memory_space<hbm>>
    %dma_wait3A_933 = tpu.memref_squeeze %dma_wait3A_932 : memref<1x128xi32, #tpu.memory_space<hbm>> -> memref<128xi32, #tpu.memory_space<hbm>>
    %dma_wait3A_934 = arith.constant 0 : i32
    %dma_wait3A_935 = tpu.memref_slice %arg6[%dma_wait3A_934] : memref<8192xi32, #tpu.memory_space<vmem>> -> memref<128xi32, #tpu.memory_space<vmem>>
    %dma_wait3A_936 = arith.constant 0 : i32
    %dma_wait3A_937 = tpu.memref_slice %arg2[%mul3A_2, %dma_wait3A_936] : memref<1024x256xi32, #tpu.memory_space<hbm>> -> memref<1x128xi32, #tpu.memory_space<hbm>>
    %dma_wait3A_938 = tpu.memref_squeeze %dma_wait3A_937 : memref<1x128xi32, #tpu.memory_space<hbm>> -> memref<128xi32, #tpu.memory_space<hbm>>
    tpu.wait_dma2 semaphore(%arg12 : memref<!tpu.dma_semaphore, #tpu.memory_space<semaphore_mem>>) src(%dma_wait3A_938 : memref<128xi32, #tpu.memory_space<hbm>>) dst(%dma_wait3A_935 : memref<128xi32, #tpu.memory_space<vmem>>)
    %dma_wait3A_939 = arith.constant 0 : i32
    %dma_wait3A_940 = tpu.memref_slice %arg6[%dma_wait3A_939] : memref<8192xi32, #tpu.memory_space<vmem>> -> memref<128xi32, #tpu.memory_space<vmem>>
    %dma_wait3A_941 = arith.constant 0 : i32
    %dma_wait3A_942 = tpu.memref_slice %arg2[%mul3A_2, %dma_wait3A_941] : memref<1024x256xi32, #tpu.memory_space<hbm>> -> memref<1x128xi32, #tpu.memory_space<hbm>>
    %dma_wait3A_943 = tpu.memref_squeeze %dma_wait3A_942 : memref<1x128xi32, #tpu.memory_space<hbm>> -> memref<128xi32, #tpu.memory_space<hbm>>
    %dma_wait3A_944 = arith.constant 0 : i32
    %dma_wait3A_945 = tpu.memref_slice %arg6[%dma_wait3A_944] : memref<8192xi32, #tpu.memory_space<vmem>> -> memref<128xi32, #tpu.memory_space<vmem>>
    %dma_wait3A_946 = arith.constant 0 : i32
    %dma_wait3A_947 = tpu.memref_slice %arg2[%mul3A_2, %dma_wait3A_946] : memref<1024x256xi32, #tpu.memory_space<hbm>> -> memref<1x128xi32, #tpu.memory_space<hbm>>
    %dma_wait3A_948 = tpu.memref_squeeze %dma_wait3A_947 : memref<1x128xi32, #tpu.memory_space<hbm>> -> memref<128xi32, #tpu.memory_space<hbm>>
    tpu.wait_dma2 semaphore(%arg12 : memref<!tpu.dma_semaphore, #tpu.memory_space<semaphore_mem>>) src(%dma_wait3A_948 : memref<128xi32, #tpu.memory_space<hbm>>) dst(%dma_wait3A_945 : memref<128xi32, #tpu.memory_space<vmem>>)
    %dma_wait3A_949 = arith.constant 0 : i32
    %dma_wait3A_950 = tpu.memref_slice %arg6[%dma_wait3A_949] : memref<8192xi32, #tpu.memory_space<vmem>> -> memref<128xi32, #tpu.memory_space<vmem>>
    %dma_wait3A_951 = arith.constant 0 : i32
    %dma_wait3A_952 = tpu.memref_slice %arg2[%mul3A_2, %dma_wait3A_951] : memref<1024x256xi32, #tpu.memory_space<hbm>> -> memref<1x128xi32, #tpu.memory_space<hbm>>
    %dma_wait3A_953 = tpu.memref_squeeze %dma_wait3A_952 : memref<1x128xi32, #tpu.memory_space<hbm>> -> memref<128xi32, #tpu.memory_space<hbm>>
    %dma_wait3A_954 = arith.constant 0 : i32
    %dma_wait3A_955 = tpu.memref_slice %arg6[%dma_wait3A_954] : memref<8192xi32, #tpu.memory_space<vmem>> -> memref<128xi32, #tpu.memory_space<vmem>>
    %dma_wait3A_956 = arith.constant 0 : i32
    %dma_wait3A_957 = tpu.memref_slice %arg2[%mul3A_2, %dma_wait3A_956] : memref<1024x256xi32, #tpu.memory_space<hbm>> -> memref<1x128xi32, #tpu.memory_space<hbm>>
    %dma_wait3A_958 = tpu.memref_squeeze %dma_wait3A_957 : memref<1x128xi32, #tpu.memory_space<hbm>> -> memref<128xi32, #tpu.memory_space<hbm>>
    tpu.wait_dma2 semaphore(%arg12 : memref<!tpu.dma_semaphore, #tpu.memory_space<semaphore_mem>>) src(%dma_wait3A_958 : memref<128xi32, #tpu.memory_space<hbm>>) dst(%dma_wait3A_955 : memref<128xi32, #tpu.memory_space<vmem>>)
    %dma_wait3A_959 = arith.constant 0 : i32
    %dma_wait3A_960 = tpu.memref_slice %arg6[%dma_wait3A_959] : memref<8192xi32, #tpu.memory_space<vmem>> -> memref<128xi32, #tpu.memory_space<vmem>>
    %dma_wait3A_961 = arith.constant 0 : i32
    %dma_wait3A_962 = tpu.memref_slice %arg2[%mul3A_2, %dma_wait3A_961] : memref<1024x256xi32, #tpu.memory_space<hbm>> -> memref<1x128xi32, #tpu.memory_space<hbm>>
    %dma_wait3A_963 = tpu.memref_squeeze %dma_wait3A_962 : memref<1x128xi32, #tpu.memory_space<hbm>> -> memref<128xi32, #tpu.memory_space<hbm>>
    %dma_wait3A_964 = arith.constant 0 : i32
    %dma_wait3A_965 = tpu.memref_slice %arg6[%dma_wait3A_964] : memref<8192xi32, #tpu.memory_space<vmem>> -> memref<128xi32, #tpu.memory_space<vmem>>
    %dma_wait3A_966 = arith.constant 0 : i32
    %dma_wait3A_967 = tpu.memref_slice %arg2[%mul3A_2, %dma_wait3A_966] : memref<1024x256xi32, #tpu.memory_space<hbm>> -> memref<1x128xi32, #tpu.memory_space<hbm>>
    %dma_wait3A_968 = tpu.memref_squeeze %dma_wait3A_967 : memref<1x128xi32, #tpu.memory_space<hbm>> -> memref<128xi32, #tpu.memory_space<hbm>>
    tpu.wait_dma2 semaphore(%arg12 : memref<!tpu.dma_semaphore, #tpu.memory_space<semaphore_mem>>) src(%dma_wait3A_968 : memref<128xi32, #tpu.memory_space<hbm>>) dst(%dma_wait3A_965 : memref<128xi32, #tpu.memory_space<vmem>>)
    %dma_wait3A_969 = arith.constant 0 : i32
    %dma_wait3A_970 = tpu.memref_slice %arg6[%dma_wait3A_969] : memref<8192xi32, #tpu.memory_space<vmem>> -> memref<128xi32, #tpu.memory_space<vmem>>
    %dma_wait3A_971 = arith.constant 0 : i32
    %dma_wait3A_972 = tpu.memref_slice %arg2[%mul3A_2, %dma_wait3A_971] : memref<1024x256xi32, #tpu.memory_space<hbm>> -> memref<1x128xi32, #tpu.memory_space<hbm>>
    %dma_wait3A_973 = tpu.memref_squeeze %dma_wait3A_972 : memref<1x128xi32, #tpu.memory_space<hbm>> -> memref<128xi32, #tpu.memory_space<hbm>>
    %dma_wait3A_974 = arith.constant 0 : i32
    %dma_wait3A_975 = tpu.memref_slice %arg6[%dma_wait3A_974] : memref<8192xi32, #tpu.memory_space<vmem>> -> memref<128xi32, #tpu.memory_space<vmem>>
    %dma_wait3A_976 = arith.constant 0 : i32
    %dma_wait3A_977 = tpu.memref_slice %arg2[%mul3A_2, %dma_wait3A_976] : memref<1024x256xi32, #tpu.memory_space<hbm>> -> memref<1x128xi32, #tpu.memory_space<hbm>>
    %dma_wait3A_978 = tpu.memref_squeeze %dma_wait3A_977 : memref<1x128xi32, #tpu.memory_space<hbm>> -> memref<128xi32, #tpu.memory_space<hbm>>
    tpu.wait_dma2 semaphore(%arg12 : memref<!tpu.dma_semaphore, #tpu.memory_space<semaphore_mem>>) src(%dma_wait3A_978 : memref<128xi32, #tpu.memory_space<hbm>>) dst(%dma_wait3A_975 : memref<128xi32, #tpu.memory_space<vmem>>)
    %dma_wait3A_979 = arith.constant 0 : i32
    %dma_wait3A_980 = tpu.memref_slice %arg6[%dma_wait3A_979] : memref<8192xi32, #tpu.memory_space<vmem>> -> memref<128xi32, #tpu.memory_space<vmem>>
    %dma_wait3A_981 = arith.constant 0 : i32
    %dma_wait3A_982 = tpu.memref_slice %arg2[%mul3A_2, %dma_wait3A_981] : memref<1024x256xi32, #tpu.memory_space<hbm>> -> memref<1x128xi32, #tpu.memory_space<hbm>>
    %dma_wait3A_983 = tpu.memref_squeeze %dma_wait3A_982 : memref<1x128xi32, #tpu.memory_space<hbm>> -> memref<128xi32, #tpu.memory_space<hbm>>
    %dma_wait3A_984 = arith.constant 0 : i32
    %dma_wait3A_985 = tpu.memref_slice %arg6[%dma_wait3A_984] : memref<8192xi32, #tpu.memory_space<vmem>> -> memref<128xi32, #tpu.memory_space<vmem>>
    %dma_wait3A_986 = arith.constant 0 : i32
    %dma_wait3A_987 = tpu.memref_slice %arg2[%mul3A_2, %dma_wait3A_986] : memref<1024x256xi32, #tpu.memory_space<hbm>> -> memref<1x128xi32, #tpu.memory_space<hbm>>
    %dma_wait3A_988 = tpu.memref_squeeze %dma_wait3A_987 : memref<1x128xi32, #tpu.memory_space<hbm>> -> memref<128xi32, #tpu.memory_space<hbm>>
    tpu.wait_dma2 semaphore(%arg12 : memref<!tpu.dma_semaphore, #tpu.memory_space<semaphore_mem>>) src(%dma_wait3A_988 : memref<128xi32, #tpu.memory_space<hbm>>) dst(%dma_wait3A_985 : memref<128xi32, #tpu.memory_space<vmem>>)
    %dma_wait3A_989 = arith.constant 0 : i32
    %dma_wait3A_990 = tpu.memref_slice %arg6[%dma_wait3A_989] : memref<8192xi32, #tpu.memory_space<vmem>> -> memref<128xi32, #tpu.memory_space<vmem>>
    %dma_wait3A_991 = arith.constant 0 : i32
    %dma_wait3A_992 = tpu.memref_slice %arg2[%mul3A_2, %dma_wait3A_991] : memref<1024x256xi32, #tpu.memory_space<hbm>> -> memref<1x128xi32, #tpu.memory_space<hbm>>
    %dma_wait3A_993 = tpu.memref_squeeze %dma_wait3A_992 : memref<1x128xi32, #tpu.memory_space<hbm>> -> memref<128xi32, #tpu.memory_space<hbm>>
    %dma_wait3A_994 = arith.constant 0 : i32
    %dma_wait3A_995 = tpu.memref_slice %arg6[%dma_wait3A_994] : memref<8192xi32, #tpu.memory_space<vmem>> -> memref<128xi32, #tpu.memory_space<vmem>>
    %dma_wait3A_996 = arith.constant 0 : i32
    %dma_wait3A_997 = tpu.memref_slice %arg2[%mul3A_2, %dma_wait3A_996] : memref<1024x256xi32, #tpu.memory_space<hbm>> -> memref<1x128xi32, #tpu.memory_space<hbm>>
    %dma_wait3A_998 = tpu.memref_squeeze %dma_wait3A_997 : memref<1x128xi32, #tpu.memory_space<hbm>> -> memref<128xi32, #tpu.memory_space<hbm>>
    tpu.wait_dma2 semaphore(%arg12 : memref<!tpu.dma_semaphore, #tpu.memory_space<semaphore_mem>>) src(%dma_wait3A_998 : memref<128xi32, #tpu.memory_space<hbm>>) dst(%dma_wait3A_995 : memref<128xi32, #tpu.memory_space<vmem>>)
    %dma_wait3A_999 = arith.constant 0 : i32
    %dma_wait3A_1000 = tpu.memref_slice %arg6[%dma_wait3A_999] : memref<8192xi32, #tpu.memory_space<vmem>> -> memref<128xi32, #tpu.memory_space<vmem>>
    %dma_wait3A_1001 = arith.constant 0 : i32
    %dma_wait3A_1002 = tpu.memref_slice %arg2[%mul3A_2, %dma_wait3A_1001] : memref<1024x256xi32, #tpu.memory_space<hbm>> -> memref<1x128xi32, #tpu.memory_space<hbm>>
    %dma_wait3A_1003 = tpu.memref_squeeze %dma_wait3A_1002 : memref<1x128xi32, #tpu.memory_space<hbm>> -> memref<128xi32, #tpu.memory_space<hbm>>
    %dma_wait3A_1004 = arith.constant 0 : i32
    %dma_wait3A_1005 = tpu.memref_slice %arg6[%dma_wait3A_1004] : memref<8192xi32, #tpu.memory_space<vmem>> -> memref<128xi32, #tpu.memory_space<vmem>>
    %dma_wait3A_1006 = arith.constant 0 : i32
    %dma_wait3A_1007 = tpu.memref_slice %arg2[%mul3A_2, %dma_wait3A_1006] : memref<1024x256xi32, #tpu.memory_space<hbm>> -> memref<1x128xi32, #tpu.memory_space<hbm>>
    %dma_wait3A_1008 = tpu.memref_squeeze %dma_wait3A_1007 : memref<1x128xi32, #tpu.memory_space<hbm>> -> memref<128xi32, #tpu.memory_space<hbm>>
    tpu.wait_dma2 semaphore(%arg12 : memref<!tpu.dma_semaphore, #tpu.memory_space<semaphore_mem>>) src(%dma_wait3A_1008 : memref<128xi32, #tpu.memory_space<hbm>>) dst(%dma_wait3A_1005 : memref<128xi32, #tpu.memory_space<vmem>>)
    %dma_wait3A_1009 = arith.constant 0 : i32
    %dma_wait3A_1010 = tpu.memref_slice %arg6[%dma_wait3A_1009] : memref<8192xi32, #tpu.memory_space<vmem>> -> memref<128xi32, #tpu.memory_space<vmem>>
    %dma_wait3A_1011 = arith.constant 0 : i32
    %dma_wait3A_1012 = tpu.memref_slice %arg2[%mul3A_2, %dma_wait3A_1011] : memref<1024x256xi32, #tpu.memory_space<hbm>> -> memref<1x128xi32, #tpu.memory_space<hbm>>
    %dma_wait3A_1013 = tpu.memref_squeeze %dma_wait3A_1012 : memref<1x128xi32, #tpu.memory_space<hbm>> -> memref<128xi32, #tpu.memory_space<hbm>>
    %dma_wait3A_1014 = arith.constant 0 : i32
    %dma_wait3A_1015 = tpu.memref_slice %arg6[%dma_wait3A_1014] : memref<8192xi32, #tpu.memory_space<vmem>> -> memref<128xi32, #tpu.memory_space<vmem>>
    %dma_wait3A_1016 = arith.constant 0 : i32
    %dma_wait3A_1017 = tpu.memref_slice %arg2[%mul3A_2, %dma_wait3A_1016] : memref<1024x256xi32, #tpu.memory_space<hbm>> -> memref<1x128xi32, #tpu.memory_space<hbm>>
    %dma_wait3A_1018 = tpu.memref_squeeze %dma_wait3A_1017 : memref<1x128xi32, #tpu.memory_space<hbm>> -> memref<128xi32, #tpu.memory_space<hbm>>
    tpu.wait_dma2 semaphore(%arg12 : memref<!tpu.dma_semaphore, #tpu.memory_space<semaphore_mem>>) src(%dma_wait3A_1018 : memref<128xi32, #tpu.memory_space<hbm>>) dst(%dma_wait3A_1015 : memref<128xi32, #tpu.memory_space<vmem>>)
    %dma_wait3A_1019 = arith.constant 0 : i32
    %dma_wait3A_1020 = tpu.memref_slice %arg6[%dma_wait3A_1019] : memref<8192xi32, #tpu.memory_space<vmem>> -> memref<128xi32, #tpu.memory_space<vmem>>
    %dma_wait3A_1021 = arith.constant 0 : i32
    %dma_wait3A_1022 = tpu.memref_slice %arg2[%mul3A_2, %dma_wait3A_1021] : memref<1024x256xi32, #tpu.memory_space<hbm>> -> memref<1x128xi32, #tpu.memory_space<hbm>>
    %dma_wait3A_1023 = tpu.memref_squeeze %dma_wait3A_1022 : memref<1x128xi32, #tpu.memory_space<hbm>> -> memref<128xi32, #tpu.memory_space<hbm>>
    %dma_wait3A_1024 = arith.constant 0 : i32
    %dma_wait3A_1025 = tpu.memref_slice %arg6[%dma_wait3A_1024] : memref<8192xi32, #tpu.memory_space<vmem>> -> memref<128xi32, #tpu.memory_space<vmem>>
    %dma_wait3A_1026 = arith.constant 0 : i32
    %dma_wait3A_1027 = tpu.memref_slice %arg2[%mul3A_2, %dma_wait3A_1026] : memref<1024x256xi32, #tpu.memory_space<hbm>> -> memref<1x128xi32, #tpu.memory_space<hbm>>
    %dma_wait3A_1028 = tpu.memref_squeeze %dma_wait3A_1027 : memref<1x128xi32, #tpu.memory_space<hbm>> -> memref<128xi32, #tpu.memory_space<hbm>>
    tpu.wait_dma2 semaphore(%arg12 : memref<!tpu.dma_semaphore, #tpu.memory_space<semaphore_mem>>) src(%dma_wait3A_1028 : memref<128xi32, #tpu.memory_space<hbm>>) dst(%dma_wait3A_1025 : memref<128xi32, #tpu.memory_space<vmem>>)
    %dma_wait3A_1029 = arith.constant 0 : i32
    %dma_wait3A_1030 = tpu.memref_slice %arg6[%dma_wait3A_1029] : memref<8192xi32, #tpu.memory_space<vmem>> -> memref<128xi32, #tpu.memory_space<vmem>>
    %dma_wait3A_1031 = arith.constant 0 : i32
    %dma_wait3A_1032 = tpu.memref_slice %arg2[%mul3A_2, %dma_wait3A_1031] : memref<1024x256xi32, #tpu.memory_space<hbm>> -> memref<1x128xi32, #tpu.memory_space<hbm>>
    %dma_wait3A_1033 = tpu.memref_squeeze %dma_wait3A_1032 : memref<1x128xi32, #tpu.memory_space<hbm>> -> memref<128xi32, #tpu.memory_space<hbm>>
    %dma_wait3A_1034 = arith.constant 0 : i32
    %dma_wait3A_1035 = tpu.memref_slice %arg6[%dma_wait3A_1034] : memref<8192xi32, #tpu.memory_space<vmem>> -> memref<128xi32, #tpu.memory_space<vmem>>
    %dma_wait3A_1036 = arith.constant 0 : i32
    %dma_wait3A_1037 = tpu.memref_slice %arg2[%mul3A_2, %dma_wait3A_1036] : memref<1024x256xi32, #tpu.memory_space<hbm>> -> memref<1x128xi32, #tpu.memory_space<hbm>>
    %dma_wait3A_1038 = tpu.memref_squeeze %dma_wait3A_1037 : memref<1x128xi32, #tpu.memory_space<hbm>> -> memref<128xi32, #tpu.memory_space<hbm>>
    tpu.wait_dma2 semaphore(%arg12 : memref<!tpu.dma_semaphore, #tpu.memory_space<semaphore_mem>>) src(%dma_wait3A_1038 : memref<128xi32, #tpu.memory_space<hbm>>) dst(%dma_wait3A_1035 : memref<128xi32, #tpu.memory_space<vmem>>)
    %dma_wait3A_1039 = arith.constant 0 : i32
    %dma_wait3A_1040 = tpu.memref_slice %arg6[%dma_wait3A_1039] : memref<8192xi32, #tpu.memory_space<vmem>> -> memref<128xi32, #tpu.memory_space<vmem>>
    %dma_wait3A_1041 = arith.constant 0 : i32
    %dma_wait3A_1042 = tpu.memref_slice %arg2[%mul3A_2, %dma_wait3A_1041] : memref<1024x256xi32, #tpu.memory_space<hbm>> -> memref<1x128xi32, #tpu.memory_space<hbm>>
    %dma_wait3A_1043 = tpu.memref_squeeze %dma_wait3A_1042 : memref<1x128xi32, #tpu.memory_space<hbm>> -> memref<128xi32, #tpu.memory_space<hbm>>
    %dma_wait3A_1044 = arith.constant 0 : i32
    %dma_wait3A_1045 = tpu.memref_slice %arg6[%dma_wait3A_1044] : memref<8192xi32, #tpu.memory_space<vmem>> -> memref<128xi32, #tpu.memory_space<vmem>>
    %dma_wait3A_1046 = arith.constant 0 : i32
    %dma_wait3A_1047 = tpu.memref_slice %arg2[%mul3A_2, %dma_wait3A_1046] : memref<1024x256xi32, #tpu.memory_space<hbm>> -> memref<1x128xi32, #tpu.memory_space<hbm>>
    %dma_wait3A_1048 = tpu.memref_squeeze %dma_wait3A_1047 : memref<1x128xi32, #tpu.memory_space<hbm>> -> memref<128xi32, #tpu.memory_space<hbm>>
    tpu.wait_dma2 semaphore(%arg12 : memref<!tpu.dma_semaphore, #tpu.memory_space<semaphore_mem>>) src(%dma_wait3A_1048 : memref<128xi32, #tpu.memory_space<hbm>>) dst(%dma_wait3A_1045 : memref<128xi32, #tpu.memory_space<vmem>>)
    %dma_wait3A_1049 = arith.constant 0 : i32
    %dma_wait3A_1050 = tpu.memref_slice %arg6[%dma_wait3A_1049] : memref<8192xi32, #tpu.memory_space<vmem>> -> memref<128xi32, #tpu.memory_space<vmem>>
    %dma_wait3A_1051 = arith.constant 0 : i32
    %dma_wait3A_1052 = tpu.memref_slice %arg2[%mul3A_2, %dma_wait3A_1051] : memref<1024x256xi32, #tpu.memory_space<hbm>> -> memref<1x128xi32, #tpu.memory_space<hbm>>
    %dma_wait3A_1053 = tpu.memref_squeeze %dma_wait3A_1052 : memref<1x128xi32, #tpu.memory_space<hbm>> -> memref<128xi32, #tpu.memory_space<hbm>>
    %dma_wait3A_1054 = arith.constant 0 : i32
    %dma_wait3A_1055 = tpu.memref_slice %arg6[%dma_wait3A_1054] : memref<8192xi32, #tpu.memory_space<vmem>> -> memref<128xi32, #tpu.memory_space<vmem>>
    %dma_wait3A_1056 = arith.constant 0 : i32
    %dma_wait3A_1057 = tpu.memref_slice %arg2[%mul3A_2, %dma_wait3A_1056] : memref<1024x256xi32, #tpu.memory_space<hbm>> -> memref<1x128xi32, #tpu.memory_space<hbm>>
    %dma_wait3A_1058 = tpu.memref_squeeze %dma_wait3A_1057 : memref<1x128xi32, #tpu.memory_space<hbm>> -> memref<128xi32, #tpu.memory_space<hbm>>
    tpu.wait_dma2 semaphore(%arg12 : memref<!tpu.dma_semaphore, #tpu.memory_space<semaphore_mem>>) src(%dma_wait3A_1058 : memref<128xi32, #tpu.memory_space<hbm>>) dst(%dma_wait3A_1055 : memref<128xi32, #tpu.memory_space<vmem>>)
    %dma_wait3A_1059 = arith.constant 0 : i32
    %dma_wait3A_1060 = tpu.memref_slice %arg6[%dma_wait3A_1059] : memref<8192xi32, #tpu.memory_space<vmem>> -> memref<128xi32, #tpu.memory_space<vmem>>
    %dma_wait3A_1061 = arith.constant 0 : i32
    %dma_wait3A_1062 = tpu.memref_slice %arg2[%mul3A_2, %dma_wait3A_1061] : memref<1024x256xi32, #tpu.memory_space<hbm>> -> memref<1x128xi32, #tpu.memory_space<hbm>>
    %dma_wait3A_1063 = tpu.memref_squeeze %dma_wait3A_1062 : memref<1x128xi32, #tpu.memory_space<hbm>> -> memref<128xi32, #tpu.memory_space<hbm>>
    %dma_wait3A_1064 = arith.constant 0 : i32
    %dma_wait3A_1065 = tpu.memref_slice %arg6[%dma_wait3A_1064] : memref<8192xi32, #tpu.memory_space<vmem>> -> memref<128xi32, #tpu.memory_space<vmem>>
    %dma_wait3A_1066 = arith.constant 0 : i32
    %dma_wait3A_1067 = tpu.memref_slice %arg2[%mul3A_2, %dma_wait3A_1066] : memref<1024x256xi32, #tpu.memory_space<hbm>> -> memref<1x128xi32, #tpu.memory_space<hbm>>
    %dma_wait3A_1068 = tpu.memref_squeeze %dma_wait3A_1067 : memref<1x128xi32, #tpu.memory_space<hbm>> -> memref<128xi32, #tpu.memory_space<hbm>>
    tpu.wait_dma2 semaphore(%arg12 : memref<!tpu.dma_semaphore, #tpu.memory_space<semaphore_mem>>) src(%dma_wait3A_1068 : memref<128xi32, #tpu.memory_space<hbm>>) dst(%dma_wait3A_1065 : memref<128xi32, #tpu.memory_space<vmem>>)
    %dma_wait3A_1069 = arith.constant 0 : i32
    %dma_wait3A_1070 = tpu.memref_slice %arg6[%dma_wait3A_1069] : memref<8192xi32, #tpu.memory_space<vmem>> -> memref<128xi32, #tpu.memory_space<vmem>>
    %dma_wait3A_1071 = arith.constant 0 : i32
    %dma_wait3A_1072 = tpu.memref_slice %arg2[%mul3A_2, %dma_wait3A_1071] : memref<1024x256xi32, #tpu.memory_space<hbm>> -> memref<1x128xi32, #tpu.memory_space<hbm>>
    %dma_wait3A_1073 = tpu.memref_squeeze %dma_wait3A_1072 : memref<1x128xi32, #tpu.memory_space<hbm>> -> memref<128xi32, #tpu.memory_space<hbm>>
    %dma_wait3A_1074 = arith.constant 0 : i32
    %dma_wait3A_1075 = tpu.memref_slice %arg6[%dma_wait3A_1074] : memref<8192xi32, #tpu.memory_space<vmem>> -> memref<128xi32, #tpu.memory_space<vmem>>
    %dma_wait3A_1076 = arith.constant 0 : i32
    %dma_wait3A_1077 = tpu.memref_slice %arg2[%mul3A_2, %dma_wait3A_1076] : memref<1024x256xi32, #tpu.memory_space<hbm>> -> memref<1x128xi32, #tpu.memory_space<hbm>>
    %dma_wait3A_1078 = tpu.memref_squeeze %dma_wait3A_1077 : memref<1x128xi32, #tpu.memory_space<hbm>> -> memref<128xi32, #tpu.memory_space<hbm>>
    tpu.wait_dma2 semaphore(%arg12 : memref<!tpu.dma_semaphore, #tpu.memory_space<semaphore_mem>>) src(%dma_wait3A_1078 : memref<128xi32, #tpu.memory_space<hbm>>) dst(%dma_wait3A_1075 : memref<128xi32, #tpu.memory_space<vmem>>)
    %dma_wait3A_1079 = arith.constant 0 : i32
    %dma_wait3A_1080 = tpu.memref_slice %arg6[%dma_wait3A_1079] : memref<8192xi32, #tpu.memory_space<vmem>> -> memref<128xi32, #tpu.memory_space<vmem>>
    %dma_wait3A_1081 = arith.constant 0 : i32
    %dma_wait3A_1082 = tpu.memref_slice %arg2[%mul3A_2, %dma_wait3A_1081] : memref<1024x256xi32, #tpu.memory_space<hbm>> -> memref<1x128xi32, #tpu.memory_space<hbm>>
    %dma_wait3A_1083 = tpu.memref_squeeze %dma_wait3A_1082 : memref<1x128xi32, #tpu.memory_space<hbm>> -> memref<128xi32, #tpu.memory_space<hbm>>
    %dma_wait3A_1084 = arith.constant 0 : i32
    %dma_wait3A_1085 = tpu.memref_slice %arg6[%dma_wait3A_1084] : memref<8192xi32, #tpu.memory_space<vmem>> -> memref<128xi32, #tpu.memory_space<vmem>>
    %dma_wait3A_1086 = arith.constant 0 : i32
    %dma_wait3A_1087 = tpu.memref_slice %arg2[%mul3A_2, %dma_wait3A_1086] : memref<1024x256xi32, #tpu.memory_space<hbm>> -> memref<1x128xi32, #tpu.memory_space<hbm>>
    %dma_wait3A_1088 = tpu.memref_squeeze %dma_wait3A_1087 : memref<1x128xi32, #tpu.memory_space<hbm>> -> memref<128xi32, #tpu.memory_space<hbm>>
    tpu.wait_dma2 semaphore(%arg12 : memref<!tpu.dma_semaphore, #tpu.memory_space<semaphore_mem>>) src(%dma_wait3A_1088 : memref<128xi32, #tpu.memory_space<hbm>>) dst(%dma_wait3A_1085 : memref<128xi32, #tpu.memory_space<vmem>>)
    %dma_wait3A_1089 = arith.constant 0 : i32
    %dma_wait3A_1090 = tpu.memref_slice %arg6[%dma_wait3A_1089] : memref<8192xi32, #tpu.memory_space<vmem>> -> memref<128xi32, #tpu.memory_space<vmem>>
    %dma_wait3A_1091 = arith.constant 0 : i32
    %dma_wait3A_1092 = tpu.memref_slice %arg2[%mul3A_2, %dma_wait3A_1091] : memref<1024x256xi32, #tpu.memory_space<hbm>> -> memref<1x128xi32, #tpu.memory_space<hbm>>
    %dma_wait3A_1093 = tpu.memref_squeeze %dma_wait3A_1092 : memref<1x128xi32, #tpu.memory_space<hbm>> -> memref<128xi32, #tpu.memory_space<hbm>>
    %dma_wait3A_1094 = arith.constant 0 : i32
    %dma_wait3A_1095 = tpu.memref_slice %arg6[%dma_wait3A_1094] : memref<8192xi32, #tpu.memory_space<vmem>> -> memref<128xi32, #tpu.memory_space<vmem>>
    %dma_wait3A_1096 = arith.constant 0 : i32
    %dma_wait3A_1097 = tpu.memref_slice %arg2[%mul3A_2, %dma_wait3A_1096] : memref<1024x256xi32, #tpu.memory_space<hbm>> -> memref<1x128xi32, #tpu.memory_space<hbm>>
    %dma_wait3A_1098 = tpu.memref_squeeze %dma_wait3A_1097 : memref<1x128xi32, #tpu.memory_space<hbm>> -> memref<128xi32, #tpu.memory_space<hbm>>
    tpu.wait_dma2 semaphore(%arg12 : memref<!tpu.dma_semaphore, #tpu.memory_space<semaphore_mem>>) src(%dma_wait3A_1098 : memref<128xi32, #tpu.memory_space<hbm>>) dst(%dma_wait3A_1095 : memref<128xi32, #tpu.memory_space<vmem>>)
    %dma_wait3A_1099 = arith.constant 0 : i32
    %dma_wait3A_1100 = tpu.memref_slice %arg6[%dma_wait3A_1099] : memref<8192xi32, #tpu.memory_space<vmem>> -> memref<128xi32, #tpu.memory_space<vmem>>
    %dma_wait3A_1101 = arith.constant 0 : i32
    %dma_wait3A_1102 = tpu.memref_slice %arg2[%mul3A_2, %dma_wait3A_1101] : memref<1024x256xi32, #tpu.memory_space<hbm>> -> memref<1x128xi32, #tpu.memory_space<hbm>>
    %dma_wait3A_1103 = tpu.memref_squeeze %dma_wait3A_1102 : memref<1x128xi32, #tpu.memory_space<hbm>> -> memref<128xi32, #tpu.memory_space<hbm>>
    %dma_wait3A_1104 = arith.constant 0 : i32
    %dma_wait3A_1105 = tpu.memref_slice %arg6[%dma_wait3A_1104] : memref<8192xi32, #tpu.memory_space<vmem>> -> memref<128xi32, #tpu.memory_space<vmem>>
    %dma_wait3A_1106 = arith.constant 0 : i32
    %dma_wait3A_1107 = tpu.memref_slice %arg2[%mul3A_2, %dma_wait3A_1106] : memref<1024x256xi32, #tpu.memory_space<hbm>> -> memref<1x128xi32, #tpu.memory_space<hbm>>
    %dma_wait3A_1108 = tpu.memref_squeeze %dma_wait3A_1107 : memref<1x128xi32, #tpu.memory_space<hbm>> -> memref<128xi32, #tpu.memory_space<hbm>>
    tpu.wait_dma2 semaphore(%arg12 : memref<!tpu.dma_semaphore, #tpu.memory_space<semaphore_mem>>) src(%dma_wait3A_1108 : memref<128xi32, #tpu.memory_space<hbm>>) dst(%dma_wait3A_1105 : memref<128xi32, #tpu.memory_space<vmem>>)
    %dma_wait3A_1109 = arith.constant 0 : i32
    %dma_wait3A_1110 = tpu.memref_slice %arg6[%dma_wait3A_1109] : memref<8192xi32, #tpu.memory_space<vmem>> -> memref<128xi32, #tpu.memory_space<vmem>>
    %dma_wait3A_1111 = arith.constant 0 : i32
    %dma_wait3A_1112 = tpu.memref_slice %arg2[%mul3A_2, %dma_wait3A_1111] : memref<1024x256xi32, #tpu.memory_space<hbm>> -> memref<1x128xi32, #tpu.memory_space<hbm>>
    %dma_wait3A_1113 = tpu.memref_squeeze %dma_wait3A_1112 : memref<1x128xi32, #tpu.memory_space<hbm>> -> memref<128xi32, #tpu.memory_space<hbm>>
    %dma_wait3A_1114 = arith.constant 0 : i32
    %dma_wait3A_1115 = tpu.memref_slice %arg6[%dma_wait3A_1114] : memref<8192xi32, #tpu.memory_space<vmem>> -> memref<128xi32, #tpu.memory_space<vmem>>
    %dma_wait3A_1116 = arith.constant 0 : i32
    %dma_wait3A_1117 = tpu.memref_slice %arg2[%mul3A_2, %dma_wait3A_1116] : memref<1024x256xi32, #tpu.memory_space<hbm>> -> memref<1x128xi32, #tpu.memory_space<hbm>>
    %dma_wait3A_1118 = tpu.memref_squeeze %dma_wait3A_1117 : memref<1x128xi32, #tpu.memory_space<hbm>> -> memref<128xi32, #tpu.memory_space<hbm>>
    tpu.wait_dma2 semaphore(%arg12 : memref<!tpu.dma_semaphore, #tpu.memory_space<semaphore_mem>>) src(%dma_wait3A_1118 : memref<128xi32, #tpu.memory_space<hbm>>) dst(%dma_wait3A_1115 : memref<128xi32, #tpu.memory_space<vmem>>)
    %dma_wait3A_1119 = arith.constant 0 : i32
    %dma_wait3A_1120 = tpu.memref_slice %arg6[%dma_wait3A_1119] : memref<8192xi32, #tpu.memory_space<vmem>> -> memref<128xi32, #tpu.memory_space<vmem>>
    %dma_wait3A_1121 = arith.constant 0 : i32
    %dma_wait3A_1122 = tpu.memref_slice %arg2[%mul3A_2, %dma_wait3A_1121] : memref<1024x256xi32, #tpu.memory_space<hbm>> -> memref<1x128xi32, #tpu.memory_space<hbm>>
    %dma_wait3A_1123 = tpu.memref_squeeze %dma_wait3A_1122 : memref<1x128xi32, #tpu.memory_space<hbm>> -> memref<128xi32, #tpu.memory_space<hbm>>
    %dma_wait3A_1124 = arith.constant 0 : i32
    %dma_wait3A_1125 = tpu.memref_slice %arg6[%dma_wait3A_1124] : memref<8192xi32, #tpu.memory_space<vmem>> -> memref<128xi32, #tpu.memory_space<vmem>>
    %dma_wait3A_1126 = arith.constant 0 : i32
    %dma_wait3A_1127 = tpu.memref_slice %arg2[%mul3A_2, %dma_wait3A_1126] : memref<1024x256xi32, #tpu.memory_space<hbm>> -> memref<1x128xi32, #tpu.memory_space<hbm>>
    %dma_wait3A_1128 = tpu.memref_squeeze %dma_wait3A_1127 : memref<1x128xi32, #tpu.memory_space<hbm>> -> memref<128xi32, #tpu.memory_space<hbm>>
    tpu.wait_dma2 semaphore(%arg12 : memref<!tpu.dma_semaphore, #tpu.memory_space<semaphore_mem>>) src(%dma_wait3A_1128 : memref<128xi32, #tpu.memory_space<hbm>>) dst(%dma_wait3A_1125 : memref<128xi32, #tpu.memory_space<vmem>>)
    %dma_wait3A_1129 = arith.constant 0 : i32
    %dma_wait3A_1130 = tpu.memref_slice %arg6[%dma_wait3A_1129] : memref<8192xi32, #tpu.memory_space<vmem>> -> memref<128xi32, #tpu.memory_space<vmem>>
    %dma_wait3A_1131 = arith.constant 0 : i32
    %dma_wait3A_1132 = tpu.memref_slice %arg2[%mul3A_2, %dma_wait3A_1131] : memref<1024x256xi32, #tpu.memory_space<hbm>> -> memref<1x128xi32, #tpu.memory_space<hbm>>
    %dma_wait3A_1133 = tpu.memref_squeeze %dma_wait3A_1132 : memref<1x128xi32, #tpu.memory_space<hbm>> -> memref<128xi32, #tpu.memory_space<hbm>>
    %dma_wait3A_1134 = arith.constant 0 : i32
    %dma_wait3A_1135 = tpu.memref_slice %arg6[%dma_wait3A_1134] : memref<8192xi32, #tpu.memory_space<vmem>> -> memref<128xi32, #tpu.memory_space<vmem>>
    %dma_wait3A_1136 = arith.constant 0 : i32
    %dma_wait3A_1137 = tpu.memref_slice %arg2[%mul3A_2, %dma_wait3A_1136] : memref<1024x256xi32, #tpu.memory_space<hbm>> -> memref<1x128xi32, #tpu.memory_space<hbm>>
    %dma_wait3A_1138 = tpu.memref_squeeze %dma_wait3A_1137 : memref<1x128xi32, #tpu.memory_space<hbm>> -> memref<128xi32, #tpu.memory_space<hbm>>
    tpu.wait_dma2 semaphore(%arg12 : memref<!tpu.dma_semaphore, #tpu.memory_space<semaphore_mem>>) src(%dma_wait3A_1138 : memref<128xi32, #tpu.memory_space<hbm>>) dst(%dma_wait3A_1135 : memref<128xi32, #tpu.memory_space<vmem>>)
    %dma_wait3A_1139 = arith.constant 0 : i32
    %dma_wait3A_1140 = tpu.memref_slice %arg6[%dma_wait3A_1139] : memref<8192xi32, #tpu.memory_space<vmem>> -> memref<128xi32, #tpu.memory_space<vmem>>
    %dma_wait3A_1141 = arith.constant 0 : i32
    %dma_wait3A_1142 = tpu.memref_slice %arg2[%mul3A_2, %dma_wait3A_1141] : memref<1024x256xi32, #tpu.memory_space<hbm>> -> memref<1x128xi32, #tpu.memory_space<hbm>>
    %dma_wait3A_1143 = tpu.memref_squeeze %dma_wait3A_1142 : memref<1x128xi32, #tpu.memory_space<hbm>> -> memref<128xi32, #tpu.memory_space<hbm>>
    %dma_wait3A_1144 = arith.constant 0 : i32
    %dma_wait3A_1145 = tpu.memref_slice %arg6[%dma_wait3A_1144] : memref<8192xi32, #tpu.memory_space<vmem>> -> memref<128xi32, #tpu.memory_space<vmem>>
    %dma_wait3A_1146 = arith.constant 0 : i32
    %dma_wait3A_1147 = tpu.memref_slice %arg2[%mul3A_2, %dma_wait3A_1146] : memref<1024x256xi32, #tpu.memory_space<hbm>> -> memref<1x128xi32, #tpu.memory_space<hbm>>
    %dma_wait3A_1148 = tpu.memref_squeeze %dma_wait3A_1147 : memref<1x128xi32, #tpu.memory_space<hbm>> -> memref<128xi32, #tpu.memory_space<hbm>>
    tpu.wait_dma2 semaphore(%arg12 : memref<!tpu.dma_semaphore, #tpu.memory_space<semaphore_mem>>) src(%dma_wait3A_1148 : memref<128xi32, #tpu.memory_space<hbm>>) dst(%dma_wait3A_1145 : memref<128xi32, #tpu.memory_space<vmem>>)
    %dma_wait3A_1149 = arith.constant 0 : i32
    %dma_wait3A_1150 = tpu.memref_slice %arg6[%dma_wait3A_1149] : memref<8192xi32, #tpu.memory_space<vmem>> -> memref<128xi32, #tpu.memory_space<vmem>>
    %dma_wait3A_1151 = arith.constant 0 : i32
    %dma_wait3A_1152 = tpu.memref_slice %arg2[%mul3A_2, %dma_wait3A_1151] : memref<1024x256xi32, #tpu.memory_space<hbm>> -> memref<1x128xi32, #tpu.memory_space<hbm>>
    %dma_wait3A_1153 = tpu.memref_squeeze %dma_wait3A_1152 : memref<1x128xi32, #tpu.memory_space<hbm>> -> memref<128xi32, #tpu.memory_space<hbm>>
    %dma_wait3A_1154 = arith.constant 0 : i32
    %dma_wait3A_1155 = tpu.memref_slice %arg6[%dma_wait3A_1154] : memref<8192xi32, #tpu.memory_space<vmem>> -> memref<128xi32, #tpu.memory_space<vmem>>
    %dma_wait3A_1156 = arith.constant 0 : i32
    %dma_wait3A_1157 = tpu.memref_slice %arg2[%mul3A_2, %dma_wait3A_1156] : memref<1024x256xi32, #tpu.memory_space<hbm>> -> memref<1x128xi32, #tpu.memory_space<hbm>>
    %dma_wait3A_1158 = tpu.memref_squeeze %dma_wait3A_1157 : memref<1x128xi32, #tpu.memory_space<hbm>> -> memref<128xi32, #tpu.memory_space<hbm>>
    tpu.wait_dma2 semaphore(%arg12 : memref<!tpu.dma_semaphore, #tpu.memory_space<semaphore_mem>>) src(%dma_wait3A_1158 : memref<128xi32, #tpu.memory_space<hbm>>) dst(%dma_wait3A_1155 : memref<128xi32, #tpu.memory_space<vmem>>)
    %dma_wait3A_1159 = arith.constant 0 : i32
    %dma_wait3A_1160 = tpu.memref_slice %arg6[%dma_wait3A_1159] : memref<8192xi32, #tpu.memory_space<vmem>> -> memref<128xi32, #tpu.memory_space<vmem>>
    %dma_wait3A_1161 = arith.constant 0 : i32
    %dma_wait3A_1162 = tpu.memref_slice %arg2[%mul3A_2, %dma_wait3A_1161] : memref<1024x256xi32, #tpu.memory_space<hbm>> -> memref<1x128xi32, #tpu.memory_space<hbm>>
    %dma_wait3A_1163 = tpu.memref_squeeze %dma_wait3A_1162 : memref<1x128xi32, #tpu.memory_space<hbm>> -> memref<128xi32, #tpu.memory_space<hbm>>
    %dma_wait3A_1164 = arith.constant 0 : i32
    %dma_wait3A_1165 = tpu.memref_slice %arg6[%dma_wait3A_1164] : memref<8192xi32, #tpu.memory_space<vmem>> -> memref<128xi32, #tpu.memory_space<vmem>>
    %dma_wait3A_1166 = arith.constant 0 : i32
    %dma_wait3A_1167 = tpu.memref_slice %arg2[%mul3A_2, %dma_wait3A_1166] : memref<1024x256xi32, #tpu.memory_space<hbm>> -> memref<1x128xi32, #tpu.memory_space<hbm>>
    %dma_wait3A_1168 = tpu.memref_squeeze %dma_wait3A_1167 : memref<1x128xi32, #tpu.memory_space<hbm>> -> memref<128xi32, #tpu.memory_space<hbm>>
    tpu.wait_dma2 semaphore(%arg12 : memref<!tpu.dma_semaphore, #tpu.memory_space<semaphore_mem>>) src(%dma_wait3A_1168 : memref<128xi32, #tpu.memory_space<hbm>>) dst(%dma_wait3A_1165 : memref<128xi32, #tpu.memory_space<vmem>>)
    %dma_wait3A_1169 = arith.constant 0 : i32
    %dma_wait3A_1170 = tpu.memref_slice %arg6[%dma_wait3A_1169] : memref<8192xi32, #tpu.memory_space<vmem>> -> memref<128xi32, #tpu.memory_space<vmem>>
    %dma_wait3A_1171 = arith.constant 0 : i32
    %dma_wait3A_1172 = tpu.memref_slice %arg2[%mul3A_2, %dma_wait3A_1171] : memref<1024x256xi32, #tpu.memory_space<hbm>> -> memref<1x128xi32, #tpu.memory_space<hbm>>
    %dma_wait3A_1173 = tpu.memref_squeeze %dma_wait3A_1172 : memref<1x128xi32, #tpu.memory_space<hbm>> -> memref<128xi32, #tpu.memory_space<hbm>>
    %dma_wait3A_1174 = arith.constant 0 : i32
    %dma_wait3A_1175 = tpu.memref_slice %arg6[%dma_wait3A_1174] : memref<8192xi32, #tpu.memory_space<vmem>> -> memref<128xi32, #tpu.memory_space<vmem>>
    %dma_wait3A_1176 = arith.constant 0 : i32
    %dma_wait3A_1177 = tpu.memref_slice %arg2[%mul3A_2, %dma_wait3A_1176] : memref<1024x256xi32, #tpu.memory_space<hbm>> -> memref<1x128xi32, #tpu.memory_space<hbm>>
    %dma_wait3A_1178 = tpu.memref_squeeze %dma_wait3A_1177 : memref<1x128xi32, #tpu.memory_space<hbm>> -> memref<128xi32, #tpu.memory_space<hbm>>
    tpu.wait_dma2 semaphore(%arg12 : memref<!tpu.dma_semaphore, #tpu.memory_space<semaphore_mem>>) src(%dma_wait3A_1178 : memref<128xi32, #tpu.memory_space<hbm>>) dst(%dma_wait3A_1175 : memref<128xi32, #tpu.memory_space<vmem>>)
    %dma_wait3A_1179 = arith.constant 0 : i32
    %dma_wait3A_1180 = tpu.memref_slice %arg6[%dma_wait3A_1179] : memref<8192xi32, #tpu.memory_space<vmem>> -> memref<128xi32, #tpu.memory_space<vmem>>
    %dma_wait3A_1181 = arith.constant 0 : i32
    %dma_wait3A_1182 = tpu.memref_slice %arg2[%mul3A_2, %dma_wait3A_1181] : memref<1024x256xi32, #tpu.memory_space<hbm>> -> memref<1x128xi32, #tpu.memory_space<hbm>>
    %dma_wait3A_1183 = tpu.memref_squeeze %dma_wait3A_1182 : memref<1x128xi32, #tpu.memory_space<hbm>> -> memref<128xi32, #tpu.memory_space<hbm>>
    %dma_wait3A_1184 = arith.constant 0 : i32
    %dma_wait3A_1185 = tpu.memref_slice %arg6[%dma_wait3A_1184] : memref<8192xi32, #tpu.memory_space<vmem>> -> memref<128xi32, #tpu.memory_space<vmem>>
    %dma_wait3A_1186 = arith.constant 0 : i32
    %dma_wait3A_1187 = tpu.memref_slice %arg2[%mul3A_2, %dma_wait3A_1186] : memref<1024x256xi32, #tpu.memory_space<hbm>> -> memref<1x128xi32, #tpu.memory_space<hbm>>
    %dma_wait3A_1188 = tpu.memref_squeeze %dma_wait3A_1187 : memref<1x128xi32, #tpu.memory_space<hbm>> -> memref<128xi32, #tpu.memory_space<hbm>>
    tpu.wait_dma2 semaphore(%arg12 : memref<!tpu.dma_semaphore, #tpu.memory_space<semaphore_mem>>) src(%dma_wait3A_1188 : memref<128xi32, #tpu.memory_space<hbm>>) dst(%dma_wait3A_1185 : memref<128xi32, #tpu.memory_space<vmem>>)
    %dma_wait3A_1189 = arith.constant 0 : i32
    %dma_wait3A_1190 = tpu.memref_slice %arg6[%dma_wait3A_1189] : memref<8192xi32, #tpu.memory_space<vmem>> -> memref<128xi32, #tpu.memory_space<vmem>>
    %dma_wait3A_1191 = arith.constant 0 : i32
    %dma_wait3A_1192 = tpu.memref_slice %arg2[%mul3A_2, %dma_wait3A_1191] : memref<1024x256xi32, #tpu.memory_space<hbm>> -> memref<1x128xi32, #tpu.memory_space<hbm>>
    %dma_wait3A_1193 = tpu.memref_squeeze %dma_wait3A_1192 : memref<1x128xi32, #tpu.memory_space<hbm>> -> memref<128xi32, #tpu.memory_space<hbm>>
    %dma_wait3A_1194 = arith.constant 0 : i32
    %dma_wait3A_1195 = tpu.memref_slice %arg6[%dma_wait3A_1194] : memref<8192xi32, #tpu.memory_space<vmem>> -> memref<128xi32, #tpu.memory_space<vmem>>
    %dma_wait3A_1196 = arith.constant 0 : i32
    %dma_wait3A_1197 = tpu.memref_slice %arg2[%mul3A_2, %dma_wait3A_1196] : memref<1024x256xi32, #tpu.memory_space<hbm>> -> memref<1x128xi32, #tpu.memory_space<hbm>>
    %dma_wait3A_1198 = tpu.memref_squeeze %dma_wait3A_1197 : memref<1x128xi32, #tpu.memory_space<hbm>> -> memref<128xi32, #tpu.memory_space<hbm>>
    tpu.wait_dma2 semaphore(%arg12 : memref<!tpu.dma_semaphore, #tpu.memory_space<semaphore_mem>>) src(%dma_wait3A_1198 : memref<128xi32, #tpu.memory_space<hbm>>) dst(%dma_wait3A_1195 : memref<128xi32, #tpu.memory_space<vmem>>)
    %dma_wait3A_1199 = arith.constant 0 : i32
    %dma_wait3A_1200 = tpu.memref_slice %arg6[%dma_wait3A_1199] : memref<8192xi32, #tpu.memory_space<vmem>> -> memref<128xi32, #tpu.memory_space<vmem>>
    %dma_wait3A_1201 = arith.constant 0 : i32
    %dma_wait3A_1202 = tpu.memref_slice %arg2[%mul3A_2, %dma_wait3A_1201] : memref<1024x256xi32, #tpu.memory_space<hbm>> -> memref<1x128xi32, #tpu.memory_space<hbm>>
    %dma_wait3A_1203 = tpu.memref_squeeze %dma_wait3A_1202 : memref<1x128xi32, #tpu.memory_space<hbm>> -> memref<128xi32, #tpu.memory_space<hbm>>
    %dma_wait3A_1204 = arith.constant 0 : i32
    %dma_wait3A_1205 = tpu.memref_slice %arg6[%dma_wait3A_1204] : memref<8192xi32, #tpu.memory_space<vmem>> -> memref<128xi32, #tpu.memory_space<vmem>>
    %dma_wait3A_1206 = arith.constant 0 : i32
    %dma_wait3A_1207 = tpu.memref_slice %arg2[%mul3A_2, %dma_wait3A_1206] : memref<1024x256xi32, #tpu.memory_space<hbm>> -> memref<1x128xi32, #tpu.memory_space<hbm>>
    %dma_wait3A_1208 = tpu.memref_squeeze %dma_wait3A_1207 : memref<1x128xi32, #tpu.memory_space<hbm>> -> memref<128xi32, #tpu.memory_space<hbm>>
    tpu.wait_dma2 semaphore(%arg12 : memref<!tpu.dma_semaphore, #tpu.memory_space<semaphore_mem>>) src(%dma_wait3A_1208 : memref<128xi32, #tpu.memory_space<hbm>>) dst(%dma_wait3A_1205 : memref<128xi32, #tpu.memory_space<vmem>>)
    %dma_wait3A_1209 = arith.constant 0 : i32
    %dma_wait3A_1210 = tpu.memref_slice %arg6[%dma_wait3A_1209] : memref<8192xi32, #tpu.memory_space<vmem>> -> memref<128xi32, #tpu.memory_space<vmem>>
    %dma_wait3A_1211 = arith.constant 0 : i32
    %dma_wait3A_1212 = tpu.memref_slice %arg2[%mul3A_2, %dma_wait3A_1211] : memref<1024x256xi32, #tpu.memory_space<hbm>> -> memref<1x128xi32, #tpu.memory_space<hbm>>
    %dma_wait3A_1213 = tpu.memref_squeeze %dma_wait3A_1212 : memref<1x128xi32, #tpu.memory_space<hbm>> -> memref<128xi32, #tpu.memory_space<hbm>>
    %dma_wait3A_1214 = arith.constant 0 : i32
    %dma_wait3A_1215 = tpu.memref_slice %arg6[%dma_wait3A_1214] : memref<8192xi32, #tpu.memory_space<vmem>> -> memref<128xi32, #tpu.memory_space<vmem>>
    %dma_wait3A_1216 = arith.constant 0 : i32
    %dma_wait3A_1217 = tpu.memref_slice %arg2[%mul3A_2, %dma_wait3A_1216] : memref<1024x256xi32, #tpu.memory_space<hbm>> -> memref<1x128xi32, #tpu.memory_space<hbm>>
    %dma_wait3A_1218 = tpu.memref_squeeze %dma_wait3A_1217 : memref<1x128xi32, #tpu.memory_space<hbm>> -> memref<128xi32, #tpu.memory_space<hbm>>
    tpu.wait_dma2 semaphore(%arg12 : memref<!tpu.dma_semaphore, #tpu.memory_space<semaphore_mem>>) src(%dma_wait3A_1218 : memref<128xi32, #tpu.memory_space<hbm>>) dst(%dma_wait3A_1215 : memref<128xi32, #tpu.memory_space<vmem>>)
    %dma_wait3A_1219 = arith.constant 0 : i32
    %dma_wait3A_1220 = tpu.memref_slice %arg6[%dma_wait3A_1219] : memref<8192xi32, #tpu.memory_space<vmem>> -> memref<128xi32, #tpu.memory_space<vmem>>
    %dma_wait3A_1221 = arith.constant 0 : i32
    %dma_wait3A_1222 = tpu.memref_slice %arg2[%mul3A_2, %dma_wait3A_1221] : memref<1024x256xi32, #tpu.memory_space<hbm>> -> memref<1x128xi32, #tpu.memory_space<hbm>>
    %dma_wait3A_1223 = tpu.memref_squeeze %dma_wait3A_1222 : memref<1x128xi32, #tpu.memory_space<hbm>> -> memref<128xi32, #tpu.memory_space<hbm>>
    %dma_wait3A_1224 = arith.constant 0 : i32
    %dma_wait3A_1225 = tpu.memref_slice %arg6[%dma_wait3A_1224] : memref<8192xi32, #tpu.memory_space<vmem>> -> memref<128xi32, #tpu.memory_space<vmem>>
    %dma_wait3A_1226 = arith.constant 0 : i32
    %dma_wait3A_1227 = tpu.memref_slice %arg2[%mul3A_2, %dma_wait3A_1226] : memref<1024x256xi32, #tpu.memory_space<hbm>> -> memref<1x128xi32, #tpu.memory_space<hbm>>
    %dma_wait3A_1228 = tpu.memref_squeeze %dma_wait3A_1227 : memref<1x128xi32, #tpu.memory_space<hbm>> -> memref<128xi32, #tpu.memory_space<hbm>>
    tpu.wait_dma2 semaphore(%arg12 : memref<!tpu.dma_semaphore, #tpu.memory_space<semaphore_mem>>) src(%dma_wait3A_1228 : memref<128xi32, #tpu.memory_space<hbm>>) dst(%dma_wait3A_1225 : memref<128xi32, #tpu.memory_space<vmem>>)
    %dma_wait3A_1229 = arith.constant 0 : i32
    %dma_wait3A_1230 = tpu.memref_slice %arg6[%dma_wait3A_1229] : memref<8192xi32, #tpu.memory_space<vmem>> -> memref<128xi32, #tpu.memory_space<vmem>>
    %dma_wait3A_1231 = arith.constant 0 : i32
    %dma_wait3A_1232 = tpu.memref_slice %arg2[%mul3A_2, %dma_wait3A_1231] : memref<1024x256xi32, #tpu.memory_space<hbm>> -> memref<1x128xi32, #tpu.memory_space<hbm>>
    %dma_wait3A_1233 = tpu.memref_squeeze %dma_wait3A_1232 : memref<1x128xi32, #tpu.memory_space<hbm>> -> memref<128xi32, #tpu.memory_space<hbm>>
    %dma_wait3A_1234 = arith.constant 0 : i32
    %dma_wait3A_1235 = tpu.memref_slice %arg6[%dma_wait3A_1234] : memref<8192xi32, #tpu.memory_space<vmem>> -> memref<128xi32, #tpu.memory_space<vmem>>
    %dma_wait3A_1236 = arith.constant 0 : i32
    %dma_wait3A_1237 = tpu.memref_slice %arg2[%mul3A_2, %dma_wait3A_1236] : memref<1024x256xi32, #tpu.memory_space<hbm>> -> memref<1x128xi32, #tpu.memory_space<hbm>>
    %dma_wait3A_1238 = tpu.memref_squeeze %dma_wait3A_1237 : memref<1x128xi32, #tpu.memory_space<hbm>> -> memref<128xi32, #tpu.memory_space<hbm>>
    tpu.wait_dma2 semaphore(%arg12 : memref<!tpu.dma_semaphore, #tpu.memory_space<semaphore_mem>>) src(%dma_wait3A_1238 : memref<128xi32, #tpu.memory_space<hbm>>) dst(%dma_wait3A_1235 : memref<128xi32, #tpu.memory_space<vmem>>)
    %dma_wait3A_1239 = arith.constant 0 : i32
    %dma_wait3A_1240 = tpu.memref_slice %arg6[%dma_wait3A_1239] : memref<8192xi32, #tpu.memory_space<vmem>> -> memref<128xi32, #tpu.memory_space<vmem>>
    %dma_wait3A_1241 = arith.constant 0 : i32
    %dma_wait3A_1242 = tpu.memref_slice %arg2[%mul3A_2, %dma_wait3A_1241] : memref<1024x256xi32, #tpu.memory_space<hbm>> -> memref<1x128xi32, #tpu.memory_space<hbm>>
    %dma_wait3A_1243 = tpu.memref_squeeze %dma_wait3A_1242 : memref<1x128xi32, #tpu.memory_space<hbm>> -> memref<128xi32, #tpu.memory_space<hbm>>
    %dma_wait3A_1244 = arith.constant 0 : i32
    %dma_wait3A_1245 = tpu.memref_slice %arg6[%dma_wait3A_1244] : memref<8192xi32, #tpu.memory_space<vmem>> -> memref<128xi32, #tpu.memory_space<vmem>>
    %dma_wait3A_1246 = arith.constant 0 : i32
    %dma_wait3A_1247 = tpu.memref_slice %arg2[%mul3A_2, %dma_wait3A_1246] : memref<1024x256xi32, #tpu.memory_space<hbm>> -> memref<1x128xi32, #tpu.memory_space<hbm>>
    %dma_wait3A_1248 = tpu.memref_squeeze %dma_wait3A_1247 : memref<1x128xi32, #tpu.memory_space<hbm>> -> memref<128xi32, #tpu.memory_space<hbm>>
    tpu.wait_dma2 semaphore(%arg12 : memref<!tpu.dma_semaphore, #tpu.memory_space<semaphore_mem>>) src(%dma_wait3A_1248 : memref<128xi32, #tpu.memory_space<hbm>>) dst(%dma_wait3A_1245 : memref<128xi32, #tpu.memory_space<vmem>>)
    %dma_wait3A_1249 = arith.constant 0 : i32
    %dma_wait3A_1250 = tpu.memref_slice %arg6[%dma_wait3A_1249] : memref<8192xi32, #tpu.memory_space<vmem>> -> memref<128xi32, #tpu.memory_space<vmem>>
    %dma_wait3A_1251 = arith.constant 0 : i32
    %dma_wait3A_1252 = tpu.memref_slice %arg2[%mul3A_2, %dma_wait3A_1251] : memref<1024x256xi32, #tpu.memory_space<hbm>> -> memref<1x128xi32, #tpu.memory_space<hbm>>
    %dma_wait3A_1253 = tpu.memref_squeeze %dma_wait3A_1252 : memref<1x128xi32, #tpu.memory_space<hbm>> -> memref<128xi32, #tpu.memory_space<hbm>>
    %dma_wait3A_1254 = arith.constant 0 : i32
    %dma_wait3A_1255 = tpu.memref_slice %arg6[%dma_wait3A_1254] : memref<8192xi32, #tpu.memory_space<vmem>> -> memref<128xi32, #tpu.memory_space<vmem>>
    %dma_wait3A_1256 = arith.constant 0 : i32
    %dma_wait3A_1257 = tpu.memref_slice %arg2[%mul3A_2, %dma_wait3A_1256] : memref<1024x256xi32, #tpu.memory_space<hbm>> -> memref<1x128xi32, #tpu.memory_space<hbm>>
    %dma_wait3A_1258 = tpu.memref_squeeze %dma_wait3A_1257 : memref<1x128xi32, #tpu.memory_space<hbm>> -> memref<128xi32, #tpu.memory_space<hbm>>
    tpu.wait_dma2 semaphore(%arg12 : memref<!tpu.dma_semaphore, #tpu.memory_space<semaphore_mem>>) src(%dma_wait3A_1258 : memref<128xi32, #tpu.memory_space<hbm>>) dst(%dma_wait3A_1255 : memref<128xi32, #tpu.memory_space<vmem>>)
    %dma_wait3A_1259 = arith.constant 0 : i32
    %dma_wait3A_1260 = tpu.memref_slice %arg6[%dma_wait3A_1259] : memref<8192xi32, #tpu.memory_space<vmem>> -> memref<128xi32, #tpu.memory_space<vmem>>
    %dma_wait3A_1261 = arith.constant 0 : i32
    %dma_wait3A_1262 = tpu.memref_slice %arg2[%mul3A_2, %dma_wait3A_1261] : memref<1024x256xi32, #tpu.memory_space<hbm>> -> memref<1x128xi32, #tpu.memory_space<hbm>>
    %dma_wait3A_1263 = tpu.memref_squeeze %dma_wait3A_1262 : memref<1x128xi32, #tpu.memory_space<hbm>> -> memref<128xi32, #tpu.memory_space<hbm>>
    %dma_wait3A_1264 = arith.constant 0 : i32
    %dma_wait3A_1265 = tpu.memref_slice %arg6[%dma_wait3A_1264] : memref<8192xi32, #tpu.memory_space<vmem>> -> memref<128xi32, #tpu.memory_space<vmem>>
    %dma_wait3A_1266 = arith.constant 0 : i32
    %dma_wait3A_1267 = tpu.memref_slice %arg2[%mul3A_2, %dma_wait3A_1266] : memref<1024x256xi32, #tpu.memory_space<hbm>> -> memref<1x128xi32, #tpu.memory_space<hbm>>
    %dma_wait3A_1268 = tpu.memref_squeeze %dma_wait3A_1267 : memref<1x128xi32, #tpu.memory_space<hbm>> -> memref<128xi32, #tpu.memory_space<hbm>>
    tpu.wait_dma2 semaphore(%arg12 : memref<!tpu.dma_semaphore, #tpu.memory_space<semaphore_mem>>) src(%dma_wait3A_1268 : memref<128xi32, #tpu.memory_space<hbm>>) dst(%dma_wait3A_1265 : memref<128xi32, #tpu.memory_space<vmem>>)
    %dma_wait3A_1269 = arith.constant 0 : i32
    %dma_wait3A_1270 = tpu.memref_slice %arg6[%dma_wait3A_1269] : memref<8192xi32, #tpu.memory_space<vmem>> -> memref<128xi32, #tpu.memory_space<vmem>>
    %dma_wait3A_1271 = arith.constant 0 : i32
    %dma_wait3A_1272 = tpu.memref_slice %arg2[%mul3A_2, %dma_wait3A_1271] : memref<1024x256xi32, #tpu.memory_space<hbm>> -> memref<1x128xi32, #tpu.memory_space<hbm>>
    %dma_wait3A_1273 = tpu.memref_squeeze %dma_wait3A_1272 : memref<1x128xi32, #tpu.memory_space<hbm>> -> memref<128xi32, #tpu.memory_space<hbm>>
    %dma_wait3A_1274 = arith.constant 0 : i32
    %dma_wait3A_1275 = tpu.memref_slice %arg6[%dma_wait3A_1274] : memref<8192xi32, #tpu.memory_space<vmem>> -> memref<128xi32, #tpu.memory_space<vmem>>
    %dma_wait3A_1276 = arith.constant 0 : i32
    %dma_wait3A_1277 = tpu.memref_slice %arg2[%mul3A_2, %dma_wait3A_1276] : memref<1024x256xi32, #tpu.memory_space<hbm>> -> memref<1x128xi32, #tpu.memory_space<hbm>>
    %dma_wait3A_1278 = tpu.memref_squeeze %dma_wait3A_1277 : memref<1x128xi32, #tpu.memory_space<hbm>> -> memref<128xi32, #tpu.memory_space<hbm>>
    tpu.wait_dma2 semaphore(%arg12 : memref<!tpu.dma_semaphore, #tpu.memory_space<semaphore_mem>>) src(%dma_wait3A_1278 : memref<128xi32, #tpu.memory_space<hbm>>) dst(%dma_wait3A_1275 : memref<128xi32, #tpu.memory_space<vmem>>)
    %dma_wait3A_1279 = arith.constant 0 : i32
    %dma_wait3A_1280 = tpu.memref_slice %arg6[%dma_wait3A_1279] : memref<8192xi32, #tpu.memory_space<vmem>> -> memref<128xi32, #tpu.memory_space<vmem>>
    %dma_wait3A_1281 = arith.constant 0 : i32
    %dma_wait3A_1282 = tpu.memref_slice %arg2[%mul3A_2, %dma_wait3A_1281] : memref<1024x256xi32, #tpu.memory_space<hbm>> -> memref<1x128xi32, #tpu.memory_space<hbm>>
    %dma_wait3A_1283 = tpu.memref_squeeze %dma_wait3A_1282 : memref<1x128xi32, #tpu.memory_space<hbm>> -> memref<128xi32, #tpu.memory_space<hbm>>
    %dma_wait3A_1284 = arith.constant 0 : i32
    %dma_wait3A_1285 = tpu.memref_slice %arg6[%dma_wait3A_1284] : memref<8192xi32, #tpu.memory_space<vmem>> -> memref<128xi32, #tpu.memory_space<vmem>>
    %dma_wait3A_1286 = arith.constant 0 : i32
    %dma_wait3A_1287 = tpu.memref_slice %arg2[%mul3A_2, %dma_wait3A_1286] : memref<1024x256xi32, #tpu.memory_space<hbm>> -> memref<1x128xi32, #tpu.memory_space<hbm>>
    %dma_wait3A_1288 = tpu.memref_squeeze %dma_wait3A_1287 : memref<1x128xi32, #tpu.memory_space<hbm>> -> memref<128xi32, #tpu.memory_space<hbm>>
    tpu.wait_dma2 semaphore(%arg12 : memref<!tpu.dma_semaphore, #tpu.memory_space<semaphore_mem>>) src(%dma_wait3A_1288 : memref<128xi32, #tpu.memory_space<hbm>>) dst(%dma_wait3A_1285 : memref<128xi32, #tpu.memory_space<vmem>>)
    %dma_wait3A_1289 = arith.constant 0 : i32
    %dma_wait3A_1290 = tpu.memref_slice %arg6[%dma_wait3A_1289] : memref<8192xi32, #tpu.memory_space<vmem>> -> memref<128xi32, #tpu.memory_space<vmem>>
    %dma_wait3A_1291 = arith.constant 0 : i32
    %dma_wait3A_1292 = tpu.memref_slice %arg2[%mul3A_2, %dma_wait3A_1291] : memref<1024x256xi32, #tpu.memory_space<hbm>> -> memref<1x128xi32, #tpu.memory_space<hbm>>
    %dma_wait3A_1293 = tpu.memref_squeeze %dma_wait3A_1292 : memref<1x128xi32, #tpu.memory_space<hbm>> -> memref<128xi32, #tpu.memory_space<hbm>>
    %dma_wait3A_1294 = arith.constant 0 : i32
    %dma_wait3A_1295 = tpu.memref_slice %arg6[%dma_wait3A_1294] : memref<8192xi32, #tpu.memory_space<vmem>> -> memref<128xi32, #tpu.memory_space<vmem>>
    %dma_wait3A_1296 = arith.constant 0 : i32
    %dma_wait3A_1297 = tpu.memref_slice %arg2[%mul3A_2, %dma_wait3A_1296] : memref<1024x256xi32, #tpu.memory_space<hbm>> -> memref<1x128xi32, #tpu.memory_space<hbm>>
    %dma_wait3A_1298 = tpu.memref_squeeze %dma_wait3A_1297 : memref<1x128xi32, #tpu.memory_space<hbm>> -> memref<128xi32, #tpu.memory_space<hbm>>
    tpu.wait_dma2 semaphore(%arg12 : memref<!tpu.dma_semaphore, #tpu.memory_space<semaphore_mem>>) src(%dma_wait3A_1298 : memref<128xi32, #tpu.memory_space<hbm>>) dst(%dma_wait3A_1295 : memref<128xi32, #tpu.memory_space<vmem>>)
    %dma_wait3A_1299 = arith.constant 0 : i32
    %dma_wait3A_1300 = tpu.memref_slice %arg6[%dma_wait3A_1299] : memref<8192xi32, #tpu.memory_space<vmem>> -> memref<128xi32, #tpu.memory_space<vmem>>
    %dma_wait3A_1301 = arith.constant 0 : i32
    %dma_wait3A_1302 = tpu.memref_slice %arg2[%mul3A_2, %dma_wait3A_1301] : memref<1024x256xi32, #tpu.memory_space<hbm>> -> memref<1x128xi32, #tpu.memory_space<hbm>>
    %dma_wait3A_1303 = tpu.memref_squeeze %dma_wait3A_1302 : memref<1x128xi32, #tpu.memory_space<hbm>> -> memref<128xi32, #tpu.memory_space<hbm>>
    %dma_wait3A_1304 = arith.constant 0 : i32
    %dma_wait3A_1305 = tpu.memref_slice %arg6[%dma_wait3A_1304] : memref<8192xi32, #tpu.memory_space<vmem>> -> memref<128xi32, #tpu.memory_space<vmem>>
    %dma_wait3A_1306 = arith.constant 0 : i32
    %dma_wait3A_1307 = tpu.memref_slice %arg2[%mul3A_2, %dma_wait3A_1306] : memref<1024x256xi32, #tpu.memory_space<hbm>> -> memref<1x128xi32, #tpu.memory_space<hbm>>
    %dma_wait3A_1308 = tpu.memref_squeeze %dma_wait3A_1307 : memref<1x128xi32, #tpu.memory_space<hbm>> -> memref<128xi32, #tpu.memory_space<hbm>>
    tpu.wait_dma2 semaphore(%arg12 : memref<!tpu.dma_semaphore, #tpu.memory_space<semaphore_mem>>) src(%dma_wait3A_1308 : memref<128xi32, #tpu.memory_space<hbm>>) dst(%dma_wait3A_1305 : memref<128xi32, #tpu.memory_space<vmem>>)
    %dma_wait3A_1309 = arith.constant 0 : i32
    %dma_wait3A_1310 = tpu.memref_slice %arg6[%dma_wait3A_1309] : memref<8192xi32, #tpu.memory_space<vmem>> -> memref<128xi32, #tpu.memory_space<vmem>>
    %dma_wait3A_1311 = arith.constant 0 : i32
    %dma_wait3A_1312 = tpu.memref_slice %arg2[%mul3A_2, %dma_wait3A_1311] : memref<1024x256xi32, #tpu.memory_space<hbm>> -> memref<1x128xi32, #tpu.memory_space<hbm>>
    %dma_wait3A_1313 = tpu.memref_squeeze %dma_wait3A_1312 : memref<1x128xi32, #tpu.memory_space<hbm>> -> memref<128xi32, #tpu.memory_space<hbm>>
    %dma_wait3A_1314 = arith.constant 0 : i32
    %dma_wait3A_1315 = tpu.memref_slice %arg6[%dma_wait3A_1314] : memref<8192xi32, #tpu.memory_space<vmem>> -> memref<128xi32, #tpu.memory_space<vmem>>
    %dma_wait3A_1316 = arith.constant 0 : i32
    %dma_wait3A_1317 = tpu.memref_slice %arg2[%mul3A_2, %dma_wait3A_1316] : memref<1024x256xi32, #tpu.memory_space<hbm>> -> memref<1x128xi32, #tpu.memory_space<hbm>>
    %dma_wait3A_1318 = tpu.memref_squeeze %dma_wait3A_1317 : memref<1x128xi32, #tpu.memory_space<hbm>> -> memref<128xi32, #tpu.memory_space<hbm>>
    tpu.wait_dma2 semaphore(%arg12 : memref<!tpu.dma_semaphore, #tpu.memory_space<semaphore_mem>>) src(%dma_wait3A_1318 : memref<128xi32, #tpu.memory_space<hbm>>) dst(%dma_wait3A_1315 : memref<128xi32, #tpu.memory_space<vmem>>)
    %dma_wait3A_1319 = arith.constant 0 : i32
    %dma_wait3A_1320 = tpu.memref_slice %arg6[%dma_wait3A_1319] : memref<8192xi32, #tpu.memory_space<vmem>> -> memref<128xi32, #tpu.memory_space<vmem>>
    %dma_wait3A_1321 = arith.constant 0 : i32
    %dma_wait3A_1322 = tpu.memref_slice %arg2[%mul3A_2, %dma_wait3A_1321] : memref<1024x256xi32, #tpu.memory_space<hbm>> -> memref<1x128xi32, #tpu.memory_space<hbm>>
    %dma_wait3A_1323 = tpu.memref_squeeze %dma_wait3A_1322 : memref<1x128xi32, #tpu.memory_space<hbm>> -> memref<128xi32, #tpu.memory_space<hbm>>
    %dma_wait3A_1324 = arith.constant 0 : i32
    %dma_wait3A_1325 = tpu.memref_slice %arg6[%dma_wait3A_1324] : memref<8192xi32, #tpu.memory_space<vmem>> -> memref<128xi32, #tpu.memory_space<vmem>>
    %dma_wait3A_1326 = arith.constant 0 : i32
    %dma_wait3A_1327 = tpu.memref_slice %arg2[%mul3A_2, %dma_wait3A_1326] : memref<1024x256xi32, #tpu.memory_space<hbm>> -> memref<1x128xi32, #tpu.memory_space<hbm>>
    %dma_wait3A_1328 = tpu.memref_squeeze %dma_wait3A_1327 : memref<1x128xi32, #tpu.memory_space<hbm>> -> memref<128xi32, #tpu.memory_space<hbm>>
    tpu.wait_dma2 semaphore(%arg12 : memref<!tpu.dma_semaphore, #tpu.memory_space<semaphore_mem>>) src(%dma_wait3A_1328 : memref<128xi32, #tpu.memory_space<hbm>>) dst(%dma_wait3A_1325 : memref<128xi32, #tpu.memory_space<vmem>>)
    %dma_wait3A_1329 = arith.constant 0 : i32
    %dma_wait3A_1330 = tpu.memref_slice %arg6[%dma_wait3A_1329] : memref<8192xi32, #tpu.memory_space<vmem>> -> memref<128xi32, #tpu.memory_space<vmem>>
    %dma_wait3A_1331 = arith.constant 0 : i32
    %dma_wait3A_1332 = tpu.memref_slice %arg2[%mul3A_2, %dma_wait3A_1331] : memref<1024x256xi32, #tpu.memory_space<hbm>> -> memref<1x128xi32, #tpu.memory_space<hbm>>
    %dma_wait3A_1333 = tpu.memref_squeeze %dma_wait3A_1332 : memref<1x128xi32, #tpu.memory_space<hbm>> -> memref<128xi32, #tpu.memory_space<hbm>>
    %dma_wait3A_1334 = arith.constant 0 : i32
    %dma_wait3A_1335 = tpu.memref_slice %arg6[%dma_wait3A_1334] : memref<8192xi32, #tpu.memory_space<vmem>> -> memref<128xi32, #tpu.memory_space<vmem>>
    %dma_wait3A_1336 = arith.constant 0 : i32
    %dma_wait3A_1337 = tpu.memref_slice %arg2[%mul3A_2, %dma_wait3A_1336] : memref<1024x256xi32, #tpu.memory_space<hbm>> -> memref<1x128xi32, #tpu.memory_space<hbm>>
    %dma_wait3A_1338 = tpu.memref_squeeze %dma_wait3A_1337 : memref<1x128xi32, #tpu.memory_space<hbm>> -> memref<128xi32, #tpu.memory_space<hbm>>
    tpu.wait_dma2 semaphore(%arg12 : memref<!tpu.dma_semaphore, #tpu.memory_space<semaphore_mem>>) src(%dma_wait3A_1338 : memref<128xi32, #tpu.memory_space<hbm>>) dst(%dma_wait3A_1335 : memref<128xi32, #tpu.memory_space<vmem>>)
    %dma_wait3A_1339 = arith.constant 0 : i32
    %dma_wait3A_1340 = tpu.memref_slice %arg6[%dma_wait3A_1339] : memref<8192xi32, #tpu.memory_space<vmem>> -> memref<128xi32, #tpu.memory_space<vmem>>
    %dma_wait3A_1341 = arith.constant 0 : i32
    %dma_wait3A_1342 = tpu.memref_slice %arg2[%mul3A_2, %dma_wait3A_1341] : memref<1024x256xi32, #tpu.memory_space<hbm>> -> memref<1x128xi32, #tpu.memory_space<hbm>>
    %dma_wait3A_1343 = tpu.memref_squeeze %dma_wait3A_1342 : memref<1x128xi32, #tpu.memory_space<hbm>> -> memref<128xi32, #tpu.memory_space<hbm>>
    %dma_wait3A_1344 = arith.constant 0 : i32
    %dma_wait3A_1345 = tpu.memref_slice %arg6[%dma_wait3A_1344] : memref<8192xi32, #tpu.memory_space<vmem>> -> memref<128xi32, #tpu.memory_space<vmem>>
    %dma_wait3A_1346 = arith.constant 0 : i32
    %dma_wait3A_1347 = tpu.memref_slice %arg2[%mul3A_2, %dma_wait3A_1346] : memref<1024x256xi32, #tpu.memory_space<hbm>> -> memref<1x128xi32, #tpu.memory_space<hbm>>
    %dma_wait3A_1348 = tpu.memref_squeeze %dma_wait3A_1347 : memref<1x128xi32, #tpu.memory_space<hbm>> -> memref<128xi32, #tpu.memory_space<hbm>>
    tpu.wait_dma2 semaphore(%arg12 : memref<!tpu.dma_semaphore, #tpu.memory_space<semaphore_mem>>) src(%dma_wait3A_1348 : memref<128xi32, #tpu.memory_space<hbm>>) dst(%dma_wait3A_1345 : memref<128xi32, #tpu.memory_space<vmem>>)
    %dma_wait3A_1349 = arith.constant 0 : i32
    %dma_wait3A_1350 = tpu.memref_slice %arg6[%dma_wait3A_1349] : memref<8192xi32, #tpu.memory_space<vmem>> -> memref<128xi32, #tpu.memory_space<vmem>>
    %dma_wait3A_1351 = arith.constant 0 : i32
    %dma_wait3A_1352 = tpu.memref_slice %arg2[%mul3A_2, %dma_wait3A_1351] : memref<1024x256xi32, #tpu.memory_space<hbm>> -> memref<1x128xi32, #tpu.memory_space<hbm>>
    %dma_wait3A_1353 = tpu.memref_squeeze %dma_wait3A_1352 : memref<1x128xi32, #tpu.memory_space<hbm>> -> memref<128xi32, #tpu.memory_space<hbm>>
    %dma_wait3A_1354 = arith.constant 0 : i32
    %dma_wait3A_1355 = tpu.memref_slice %arg6[%dma_wait3A_1354] : memref<8192xi32, #tpu.memory_space<vmem>> -> memref<128xi32, #tpu.memory_space<vmem>>
    %dma_wait3A_1356 = arith.constant 0 : i32
    %dma_wait3A_1357 = tpu.memref_slice %arg2[%mul3A_2, %dma_wait3A_1356] : memref<1024x256xi32, #tpu.memory_space<hbm>> -> memref<1x128xi32, #tpu.memory_space<hbm>>
    %dma_wait3A_1358 = tpu.memref_squeeze %dma_wait3A_1357 : memref<1x128xi32, #tpu.memory_space<hbm>> -> memref<128xi32, #tpu.memory_space<hbm>>
    tpu.wait_dma2 semaphore(%arg12 : memref<!tpu.dma_semaphore, #tpu.memory_space<semaphore_mem>>) src(%dma_wait3A_1358 : memref<128xi32, #tpu.memory_space<hbm>>) dst(%dma_wait3A_1355 : memref<128xi32, #tpu.memory_space<vmem>>)
    %dma_wait3A_1359 = arith.constant 0 : i32
    %dma_wait3A_1360 = tpu.memref_slice %arg6[%dma_wait3A_1359] : memref<8192xi32, #tpu.memory_space<vmem>> -> memref<128xi32, #tpu.memory_space<vmem>>
    %dma_wait3A_1361 = arith.constant 0 : i32
    %dma_wait3A_1362 = tpu.memref_slice %arg2[%mul3A_2, %dma_wait3A_1361] : memref<1024x256xi32, #tpu.memory_space<hbm>> -> memref<1x128xi32, #tpu.memory_space<hbm>>
    %dma_wait3A_1363 = tpu.memref_squeeze %dma_wait3A_1362 : memref<1x128xi32, #tpu.memory_space<hbm>> -> memref<128xi32, #tpu.memory_space<hbm>>
    %dma_wait3A_1364 = arith.constant 0 : i32
    %dma_wait3A_1365 = tpu.memref_slice %arg6[%dma_wait3A_1364] : memref<8192xi32, #tpu.memory_space<vmem>> -> memref<128xi32, #tpu.memory_space<vmem>>
    %dma_wait3A_1366 = arith.constant 0 : i32
    %dma_wait3A_1367 = tpu.memref_slice %arg2[%mul3A_2, %dma_wait3A_1366] : memref<1024x256xi32, #tpu.memory_space<hbm>> -> memref<1x128xi32, #tpu.memory_space<hbm>>
    %dma_wait3A_1368 = tpu.memref_squeeze %dma_wait3A_1367 : memref<1x128xi32, #tpu.memory_space<hbm>> -> memref<128xi32, #tpu.memory_space<hbm>>
    tpu.wait_dma2 semaphore(%arg12 : memref<!tpu.dma_semaphore, #tpu.memory_space<semaphore_mem>>) src(%dma_wait3A_1368 : memref<128xi32, #tpu.memory_space<hbm>>) dst(%dma_wait3A_1365 : memref<128xi32, #tpu.memory_space<vmem>>)
    %dma_wait3A_1369 = arith.constant 0 : i32
    %dma_wait3A_1370 = tpu.memref_slice %arg6[%dma_wait3A_1369] : memref<8192xi32, #tpu.memory_space<vmem>> -> memref<128xi32, #tpu.memory_space<vmem>>
    %dma_wait3A_1371 = arith.constant 0 : i32
    %dma_wait3A_1372 = tpu.memref_slice %arg2[%mul3A_2, %dma_wait3A_1371] : memref<1024x256xi32, #tpu.memory_space<hbm>> -> memref<1x128xi32, #tpu.memory_space<hbm>>
    %dma_wait3A_1373 = tpu.memref_squeeze %dma_wait3A_1372 : memref<1x128xi32, #tpu.memory_space<hbm>> -> memref<128xi32, #tpu.memory_space<hbm>>
    %dma_wait3A_1374 = arith.constant 0 : i32
    %dma_wait3A_1375 = tpu.memref_slice %arg6[%dma_wait3A_1374] : memref<8192xi32, #tpu.memory_space<vmem>> -> memref<128xi32, #tpu.memory_space<vmem>>
    %dma_wait3A_1376 = arith.constant 0 : i32
    %dma_wait3A_1377 = tpu.memref_slice %arg2[%mul3A_2, %dma_wait3A_1376] : memref<1024x256xi32, #tpu.memory_space<hbm>> -> memref<1x128xi32, #tpu.memory_space<hbm>>
    %dma_wait3A_1378 = tpu.memref_squeeze %dma_wait3A_1377 : memref<1x128xi32, #tpu.memory_space<hbm>> -> memref<128xi32, #tpu.memory_space<hbm>>
    tpu.wait_dma2 semaphore(%arg12 : memref<!tpu.dma_semaphore, #tpu.memory_space<semaphore_mem>>) src(%dma_wait3A_1378 : memref<128xi32, #tpu.memory_space<hbm>>) dst(%dma_wait3A_1375 : memref<128xi32, #tpu.memory_space<vmem>>)
    %dma_wait3A_1379 = arith.constant 0 : i32
    %dma_wait3A_1380 = tpu.memref_slice %arg6[%dma_wait3A_1379] : memref<8192xi32, #tpu.memory_space<vmem>> -> memref<128xi32, #tpu.memory_space<vmem>>
    %dma_wait3A_1381 = arith.constant 0 : i32
    %dma_wait3A_1382 = tpu.memref_slice %arg2[%mul3A_2, %dma_wait3A_1381] : memref<1024x256xi32, #tpu.memory_space<hbm>> -> memref<1x128xi32, #tpu.memory_space<hbm>>
    %dma_wait3A_1383 = tpu.memref_squeeze %dma_wait3A_1382 : memref<1x128xi32, #tpu.memory_space<hbm>> -> memref<128xi32, #tpu.memory_space<hbm>>
    %dma_wait3A_1384 = arith.constant 0 : i32
    %dma_wait3A_1385 = tpu.memref_slice %arg6[%dma_wait3A_1384] : memref<8192xi32, #tpu.memory_space<vmem>> -> memref<128xi32, #tpu.memory_space<vmem>>
    %dma_wait3A_1386 = arith.constant 0 : i32
    %dma_wait3A_1387 = tpu.memref_slice %arg2[%mul3A_2, %dma_wait3A_1386] : memref<1024x256xi32, #tpu.memory_space<hbm>> -> memref<1x128xi32, #tpu.memory_space<hbm>>
    %dma_wait3A_1388 = tpu.memref_squeeze %dma_wait3A_1387 : memref<1x128xi32, #tpu.memory_space<hbm>> -> memref<128xi32, #tpu.memory_space<hbm>>
    tpu.wait_dma2 semaphore(%arg12 : memref<!tpu.dma_semaphore, #tpu.memory_space<semaphore_mem>>) src(%dma_wait3A_1388 : memref<128xi32, #tpu.memory_space<hbm>>) dst(%dma_wait3A_1385 : memref<128xi32, #tpu.memory_space<vmem>>)
    %dma_wait3A_1389 = arith.constant 0 : i32
    %dma_wait3A_1390 = tpu.memref_slice %arg6[%dma_wait3A_1389] : memref<8192xi32, #tpu.memory_space<vmem>> -> memref<128xi32, #tpu.memory_space<vmem>>
    %dma_wait3A_1391 = arith.constant 0 : i32
    %dma_wait3A_1392 = tpu.memref_slice %arg2[%mul3A_2, %dma_wait3A_1391] : memref<1024x256xi32, #tpu.memory_space<hbm>> -> memref<1x128xi32, #tpu.memory_space<hbm>>
    %dma_wait3A_1393 = tpu.memref_squeeze %dma_wait3A_1392 : memref<1x128xi32, #tpu.memory_space<hbm>> -> memref<128xi32, #tpu.memory_space<hbm>>
    %dma_wait3A_1394 = arith.constant 0 : i32
    %dma_wait3A_1395 = tpu.memref_slice %arg6[%dma_wait3A_1394] : memref<8192xi32, #tpu.memory_space<vmem>> -> memref<128xi32, #tpu.memory_space<vmem>>
    %dma_wait3A_1396 = arith.constant 0 : i32
    %dma_wait3A_1397 = tpu.memref_slice %arg2[%mul3A_2, %dma_wait3A_1396] : memref<1024x256xi32, #tpu.memory_space<hbm>> -> memref<1x128xi32, #tpu.memory_space<hbm>>
    %dma_wait3A_1398 = tpu.memref_squeeze %dma_wait3A_1397 : memref<1x128xi32, #tpu.memory_space<hbm>> -> memref<128xi32, #tpu.memory_space<hbm>>
    tpu.wait_dma2 semaphore(%arg12 : memref<!tpu.dma_semaphore, #tpu.memory_space<semaphore_mem>>) src(%dma_wait3A_1398 : memref<128xi32, #tpu.memory_space<hbm>>) dst(%dma_wait3A_1395 : memref<128xi32, #tpu.memory_space<vmem>>)
    %dma_wait3A_1399 = arith.constant 0 : i32
    %dma_wait3A_1400 = tpu.memref_slice %arg6[%dma_wait3A_1399] : memref<8192xi32, #tpu.memory_space<vmem>> -> memref<128xi32, #tpu.memory_space<vmem>>
    %dma_wait3A_1401 = arith.constant 0 : i32
    %dma_wait3A_1402 = tpu.memref_slice %arg2[%mul3A_2, %dma_wait3A_1401] : memref<1024x256xi32, #tpu.memory_space<hbm>> -> memref<1x128xi32, #tpu.memory_space<hbm>>
    %dma_wait3A_1403 = tpu.memref_squeeze %dma_wait3A_1402 : memref<1x128xi32, #tpu.memory_space<hbm>> -> memref<128xi32, #tpu.memory_space<hbm>>
    %dma_wait3A_1404 = arith.constant 0 : i32
    %dma_wait3A_1405 = tpu.memref_slice %arg6[%dma_wait3A_1404] : memref<8192xi32, #tpu.memory_space<vmem>> -> memref<128xi32, #tpu.memory_space<vmem>>
    %dma_wait3A_1406 = arith.constant 0 : i32
    %dma_wait3A_1407 = tpu.memref_slice %arg2[%mul3A_2, %dma_wait3A_1406] : memref<1024x256xi32, #tpu.memory_space<hbm>> -> memref<1x128xi32, #tpu.memory_space<hbm>>
    %dma_wait3A_1408 = tpu.memref_squeeze %dma_wait3A_1407 : memref<1x128xi32, #tpu.memory_space<hbm>> -> memref<128xi32, #tpu.memory_space<hbm>>
    tpu.wait_dma2 semaphore(%arg12 : memref<!tpu.dma_semaphore, #tpu.memory_space<semaphore_mem>>) src(%dma_wait3A_1408 : memref<128xi32, #tpu.memory_space<hbm>>) dst(%dma_wait3A_1405 : memref<128xi32, #tpu.memory_space<vmem>>)
    %dma_start3A_1409 = arith.constant 0 : i32
    %dma_start3A_1410 = arith.constant 0 : i32
    %dma_start3A_1411 = arith.constant 0 : i32
    %dma_start3A_1412 = arith.constant 0 : i32
    %dma_start3A_1413 = tpu.memref_slice %arg8[%dma_start3A_1409, %dma_start3A_1411, %dma_start3A_1412] : memref<4x104x128xf32, #tpu.memory_space<vmem>> -> memref<1x96x128xf32, #tpu.memory_space<vmem>>
    %dma_start3A_1414 = tpu.memref_squeeze %dma_start3A_1413 : memref<1x96x128xf32, #tpu.memory_space<vmem>> -> memref<96x128xf32, #tpu.memory_space<vmem>>
    %dma_start3A_1415 = arith.constant 0 : i32
    %dma_start3A_1416 = tpu.memref_slice %arg6[%dma_start3A_1415] : memref<8192xi32, #tpu.memory_space<vmem>> -> memref<96xi32, #tpu.memory_space<vmem>>
    %dma_start3A_1417 = arith.constant 0 : i32
    %dma_start3A_1418 = arith.constant 0 : i32
    %dma_start3A_1419 = tpu.memref_slice %arg4[%dma_start3A_1417, %dma_start3A_1418] : memref<1000000x128xf32, #tpu.memory_space<hbm>> -> memref<1000000x128xf32, #tpu.memory_space<hbm>>
    %dma_start3A_1420 = tpu.memref_slice %arg10[%dma_start3A_1410] : memref<4x!tpu.dma_semaphore, #tpu.memory_space<semaphore_mem>> -> memref<1x!tpu.dma_semaphore, #tpu.memory_space<semaphore_mem>>
    %dma_start3A_1421 = tpu.memref_squeeze %dma_start3A_1420 : memref<1x!tpu.dma_semaphore, #tpu.memory_space<semaphore_mem>> -> memref<!tpu.dma_semaphore, #tpu.memory_space<semaphore_mem>>
    tpu.enqueue_indirect_dma source(%dma_start3A_1419 : memref<1000000x128xf32, #tpu.memory_space<hbm>>) target(%dma_start3A_1414 : memref<96x128xf32, #tpu.memory_space<vmem>>) offsets(%dma_start3A_1416 : memref<96xi32, #tpu.memory_space<vmem>>) semaphore(%dma_start3A_1421 : memref<!tpu.dma_semaphore, #tpu.memory_space<semaphore_mem>>)
    %dma_start3A_1422 = arith.constant 1 : i32
    %dma_start3A_1423 = arith.constant 1 : i32
    %dma_start3A_1424 = arith.constant 0 : i32
    %dma_start3A_1425 = arith.constant 0 : i32
    %dma_start3A_1426 = tpu.memref_slice %arg8[%dma_start3A_1422, %dma_start3A_1424, %dma_start3A_1425] : memref<4x104x128xf32, #tpu.memory_space<vmem>> -> memref<1x104x128xf32, #tpu.memory_space<vmem>>
    %dma_start3A_1427 = tpu.memref_squeeze %dma_start3A_1426 : memref<1x104x128xf32, #tpu.memory_space<vmem>> -> memref<104x128xf32, #tpu.memory_space<vmem>>
    %dma_start3A_1428 = arith.constant 96 : i32
    %dma_start3A_1429 = tpu.memref_slice %arg6[%dma_start3A_1428] : memref<8192xi32, #tpu.memory_space<vmem>> -> memref<104xi32, #tpu.memory_space<vmem>>
    %dma_start3A_1430 = arith.constant 0 : i32
    %dma_start3A_1431 = arith.constant 0 : i32
    %dma_start3A_1432 = tpu.memref_slice %arg4[%dma_start3A_1430, %dma_start3A_1431] : memref<1000000x128xf32, #tpu.memory_space<hbm>> -> memref<1000000x128xf32, #tpu.memory_space<hbm>>
    %dma_start3A_1433 = tpu.memref_slice %arg10[%dma_start3A_1423] : memref<4x!tpu.dma_semaphore, #tpu.memory_space<semaphore_mem>> -> memref<1x!tpu.dma_semaphore, #tpu.memory_space<semaphore_mem>>
    %dma_start3A_1434 = tpu.memref_squeeze %dma_start3A_1433 : memref<1x!tpu.dma_semaphore, #tpu.memory_space<semaphore_mem>> -> memref<!tpu.dma_semaphore, #tpu.memory_space<semaphore_mem>>
    tpu.enqueue_indirect_dma source(%dma_start3A_1432 : memref<1000000x128xf32, #tpu.memory_space<hbm>>) target(%dma_start3A_1427 : memref<104x128xf32, #tpu.memory_space<vmem>>) offsets(%dma_start3A_1429 : memref<104xi32, #tpu.memory_space<vmem>>) semaphore(%dma_start3A_1434 : memref<!tpu.dma_semaphore, #tpu.memory_space<semaphore_mem>>)
    %dma_start3A_1435 = arith.constant 2 : i32
    %dma_start3A_1436 = arith.constant 2 : i32
    %dma_start3A_1437 = arith.constant 0 : i32
    %dma_start3A_1438 = arith.constant 0 : i32
    %dma_start3A_1439 = tpu.memref_slice %arg8[%dma_start3A_1435, %dma_start3A_1437, %dma_start3A_1438] : memref<4x104x128xf32, #tpu.memory_space<vmem>> -> memref<1x96x128xf32, #tpu.memory_space<vmem>>
    %dma_start3A_1440 = tpu.memref_squeeze %dma_start3A_1439 : memref<1x96x128xf32, #tpu.memory_space<vmem>> -> memref<96x128xf32, #tpu.memory_space<vmem>>
    %dma_start3A_1441 = arith.constant 256 : i32
    %dma_start3A_1442 = tpu.memref_slice %arg6[%dma_start3A_1441] : memref<8192xi32, #tpu.memory_space<vmem>> -> memref<96xi32, #tpu.memory_space<vmem>>
    %dma_start3A_1443 = arith.constant 0 : i32
    %dma_start3A_1444 = arith.constant 0 : i32
    %dma_start3A_1445 = tpu.memref_slice %arg4[%dma_start3A_1443, %dma_start3A_1444] : memref<1000000x128xf32, #tpu.memory_space<hbm>> -> memref<1000000x128xf32, #tpu.memory_space<hbm>>
    %dma_start3A_1446 = tpu.memref_slice %arg10[%dma_start3A_1436] : memref<4x!tpu.dma_semaphore, #tpu.memory_space<semaphore_mem>> -> memref<1x!tpu.dma_semaphore, #tpu.memory_space<semaphore_mem>>
    %dma_start3A_1447 = tpu.memref_squeeze %dma_start3A_1446 : memref<1x!tpu.dma_semaphore, #tpu.memory_space<semaphore_mem>> -> memref<!tpu.dma_semaphore, #tpu.memory_space<semaphore_mem>>
    tpu.enqueue_indirect_dma source(%dma_start3A_1445 : memref<1000000x128xf32, #tpu.memory_space<hbm>>) target(%dma_start3A_1440 : memref<96x128xf32, #tpu.memory_space<vmem>>) offsets(%dma_start3A_1442 : memref<96xi32, #tpu.memory_space<vmem>>) semaphore(%dma_start3A_1447 : memref<!tpu.dma_semaphore, #tpu.memory_space<semaphore_mem>>)
    %scan3A = arith.constant 0 : i32
    %scan3A_1448 = arith.constant 16 : i32
    %scan3A_1449 = arith.addi %scan3A, %scan3A_1448 : i32
    %scan3A_1450 = arith.constant 1 : i32
    scf.for %scan3A_1492 = %scan3A to %scan3A_1449 step %scan3A_1450  : i32 {
      %mul3A_1493 = arith.constant 1 : i32
      %mul3A_1494 = arith.muli %scan3A_1492, %mul3A_1493 : i32
      %add3A_1495 = arith.constant 0 : i32
      %add3A_1496 = arith.addi %add3A_1495, %mul3A_1494 : i32
      %mul3A_1497 = arith.constant 4 : i32
      %mul3A_1498 = arith.muli %add3A_1496, %mul3A_1497 : i32
      %add3A_1499 = arith.constant 0 : i32
      %add3A_1500 = arith.addi %mul3A_1498, %add3A_1499 : i32
      %add3A_1501 = arith.constant 3 : i32
      %add3A_1502 = arith.addi %add3A_1500, %add3A_1501 : i32
      %lt3A = arith.constant 64 : i32
      %lt3A_1503 = arith.cmpi slt, %add3A_1502, %lt3A : i32
      %convert_element_type3A = arith.extui %lt3A_1503 : i1 to i32
      %cond3A = arith.constant 0 : i32
      %cond3A_1504 = arith.cmpi ne, %convert_element_type3A, %cond3A : i32
      scf.if %cond3A_1504 {
        %mul3A_1745 = arith.constant 2 : i32
        %mul3A_1746 = arith.muli %add3A_1496, %mul3A_1745 : i32
        %add3A_1747 = arith.constant 1 : i32
        %add3A_1748 = arith.addi %mul3A_1746, %add3A_1747 : i32
        %mul3A_1749 = arith.constant 256 : i32
        %mul3A_1750 = arith.muli %add3A_1748, %mul3A_1749 : i32
        %add3A_1751 = arith.constant 96 : i32
        %add3A_1752 = arith.addi %mul3A_1750, %add3A_1751 : i32
        %dma_start3A_1753 = arith.constant 3 : i32
        %dma_start3A_1754 = arith.constant 3 : i32
        %dma_start3A_1755 = arith.constant 0 : i32
        %dma_start3A_1756 = arith.constant 0 : i32
        %dma_start3A_1757 = tpu.memref_slice %arg8[%dma_start3A_1753, %dma_start3A_1755, %dma_start3A_1756] : memref<4x104x128xf32, #tpu.memory_space<vmem>> -> memref<1x104x128xf32, #tpu.memory_space<vmem>>
        %dma_start3A_1758 = tpu.memref_squeeze %dma_start3A_1757 : memref<1x104x128xf32, #tpu.memory_space<vmem>> -> memref<104x128xf32, #tpu.memory_space<vmem>>
        %dma_start3A_1759 = tpu.memref_slice %arg6[%add3A_1752] : memref<8192xi32, #tpu.memory_space<vmem>> -> memref<104xi32, #tpu.memory_space<vmem>>
        %dma_start3A_1760 = arith.constant 0 : i32
        %dma_start3A_1761 = arith.constant 0 : i32
        %dma_start3A_1762 = tpu.memref_slice %arg4[%dma_start3A_1760, %dma_start3A_1761] : memref<1000000x128xf32, #tpu.memory_space<hbm>> -> memref<1000000x128xf32, #tpu.memory_space<hbm>>
        %dma_start3A_1763 = tpu.memref_slice %arg10[%dma_start3A_1754] : memref<4x!tpu.dma_semaphore, #tpu.memory_space<semaphore_mem>> -> memref<1x!tpu.dma_semaphore, #tpu.memory_space<semaphore_mem>>
        %dma_start3A_1764 = tpu.memref_squeeze %dma_start3A_1763 : memref<1x!tpu.dma_semaphore, #tpu.memory_space<semaphore_mem>> -> memref<!tpu.dma_semaphore, #tpu.memory_space<semaphore_mem>>
        tpu.enqueue_indirect_dma source(%dma_start3A_1762 : memref<1000000x128xf32, #tpu.memory_space<hbm>>) target(%dma_start3A_1758 : memref<104x128xf32, #tpu.memory_space<vmem>>) offsets(%dma_start3A_1759 : memref<104xi32, #tpu.memory_space<vmem>>) semaphore(%dma_start3A_1764 : memref<!tpu.dma_semaphore, #tpu.memory_space<semaphore_mem>>)
      } else {
      }
      %dma_wait3A_1505 = arith.constant 0 : i32
      %dma_wait3A_1506 = arith.constant 0 : i32
      %dma_wait3A_1507 = arith.constant 0 : i32
      %dma_wait3A_1508 = arith.constant 0 : i32
      %dma_wait3A_1509 = tpu.memref_slice %arg8[%dma_wait3A_1505, %dma_wait3A_1507, %dma_wait3A_1508] : memref<4x104x128xf32, #tpu.memory_space<vmem>> -> memref<1x96x128xf32, #tpu.memory_space<vmem>>
      %dma_wait3A_1510 = tpu.memref_squeeze %dma_wait3A_1509 : memref<1x96x128xf32, #tpu.memory_space<vmem>> -> memref<96x128xf32, #tpu.memory_space<vmem>>
      %dma_wait3A_1511 = arith.constant 0 : i32
      %dma_wait3A_1512 = tpu.memref_slice %arg6[%dma_wait3A_1511] : memref<8192xi32, #tpu.memory_space<vmem>> -> memref<96xi32, #tpu.memory_space<vmem>>
      %dma_wait3A_1513 = arith.constant 0 : i32
      %dma_wait3A_1514 = arith.constant 0 : i32
      %dma_wait3A_1515 = tpu.memref_slice %arg4[%dma_wait3A_1513, %dma_wait3A_1514] : memref<1000000x128xf32, #tpu.memory_space<hbm>> -> memref<1000000x128xf32, #tpu.memory_space<hbm>>
      %dma_wait3A_1516 = tpu.memref_slice %arg10[%dma_wait3A_1506] : memref<4x!tpu.dma_semaphore, #tpu.memory_space<semaphore_mem>> -> memref<1x!tpu.dma_semaphore, #tpu.memory_space<semaphore_mem>>
      %dma_wait3A_1517 = tpu.memref_squeeze %dma_wait3A_1516 : memref<1x!tpu.dma_semaphore, #tpu.memory_space<semaphore_mem>> -> memref<!tpu.dma_semaphore, #tpu.memory_space<semaphore_mem>>
      tpu.wait_indirect_dma semaphore(%dma_wait3A_1517 : memref<!tpu.dma_semaphore, #tpu.memory_space<semaphore_mem>>) src(%dma_wait3A_1515 : memref<1000000x128xf32, #tpu.memory_space<hbm>>) dst(%dma_wait3A_1510 : memref<96x128xf32, #tpu.memory_space<vmem>>)
      %mul3A_1518 = arith.constant 4 : i32
      %mul3A_1519 = arith.muli %add3A_1496, %mul3A_1518 : i32
      %add3A_1520 = arith.constant 0 : i32
      %add3A_1521 = arith.addi %mul3A_1519, %add3A_1520 : i32
      %ge3A = arith.constant 2 : i32
      %ge3A_1522 = arith.cmpi sge, %add3A_1521, %ge3A : i32
      %convert_element_type3A_1523 = arith.extui %ge3A_1522 : i1 to i32
      %cond3A_1524 = arith.constant 0 : i32
      %cond3A_1525 = arith.cmpi ne, %convert_element_type3A_1523, %cond3A_1524 : i32
      scf.if %cond3A_1525 {
        %dma_wait3A_1745 = arith.constant 0 : i32
        %dma_wait3A_1746 = arith.constant 0 : i32
        %dma_wait3A_1747 = arith.constant 0 : i32
        %dma_wait3A_1748 = arith.constant 0 : i32
        %dma_wait3A_1749 = tpu.memref_slice %arg9[%dma_wait3A_1745, %dma_wait3A_1747, %dma_wait3A_1748] : memref<2x104x64xf32, #tpu.memory_space<vmem>> -> memref<1x96x64xf32, #tpu.memory_space<vmem>>
        %dma_wait3A_1750 = tpu.memref_squeeze %dma_wait3A_1749 : memref<1x96x64xf32, #tpu.memory_space<vmem>> -> memref<96x64xf32, #tpu.memory_space<vmem>>
        %dma_wait3A_1751 = arith.constant 0 : i32
        %dma_wait3A_1752 = arith.constant 0 : i32
        %dma_wait3A_1753 = tpu.memref_slice %arg5[%mul3A_2, %dma_wait3A_1751, %dma_wait3A_1752] : memref<1024x200x64xf32, #tpu.memory_space<hbm>> -> memref<1x96x64xf32, #tpu.memory_space<hbm>>
        %dma_wait3A_1754 = tpu.memref_squeeze %dma_wait3A_1753 : memref<1x96x64xf32, #tpu.memory_space<hbm>> -> memref<96x64xf32, #tpu.memory_space<hbm>>
        %dma_wait3A_1755 = tpu.memref_slice %arg11[%dma_wait3A_1746] : memref<2x!tpu.dma_semaphore, #tpu.memory_space<semaphore_mem>> -> memref<1x!tpu.dma_semaphore, #tpu.memory_space<semaphore_mem>>
        %dma_wait3A_1756 = tpu.memref_squeeze %dma_wait3A_1755 : memref<1x!tpu.dma_semaphore, #tpu.memory_space<semaphore_mem>> -> memref<!tpu.dma_semaphore, #tpu.memory_space<semaphore_mem>>
        %dma_wait3A_1757 = arith.constant 0 : i32
        %dma_wait3A_1758 = arith.constant 0 : i32
        %dma_wait3A_1759 = tpu.memref_slice %arg5[%mul3A_2, %dma_wait3A_1757, %dma_wait3A_1758] : memref<1024x200x64xf32, #tpu.memory_space<hbm>> -> memref<1x96x64xf32, #tpu.memory_space<hbm>>
        %dma_wait3A_1760 = tpu.memref_squeeze %dma_wait3A_1759 : memref<1x96x64xf32, #tpu.memory_space<hbm>> -> memref<96x64xf32, #tpu.memory_space<hbm>>
        %dma_wait3A_1761 = arith.constant 0 : i32
        %dma_wait3A_1762 = arith.constant 0 : i32
        %dma_wait3A_1763 = tpu.memref_slice %arg9[%dma_wait3A_1745, %dma_wait3A_1761, %dma_wait3A_1762] : memref<2x104x64xf32, #tpu.memory_space<vmem>> -> memref<1x96x64xf32, #tpu.memory_space<vmem>>
        %dma_wait3A_1764 = tpu.memref_squeeze %dma_wait3A_1763 : memref<1x96x64xf32, #tpu.memory_space<vmem>> -> memref<96x64xf32, #tpu.memory_space<vmem>>
        tpu.wait_dma2 semaphore(%dma_wait3A_1756 : memref<!tpu.dma_semaphore, #tpu.memory_space<semaphore_mem>>) src(%dma_wait3A_1764 : memref<96x64xf32, #tpu.memory_space<vmem>>) dst(%dma_wait3A_1760 : memref<96x64xf32, #tpu.memory_space<hbm>>)
      } else {
      }
      %scan3A_1526 = arith.constant 0 : i32
      %scan3A_1527 = arith.constant 96 : i32
      %scan3A_1528 = arith.addi %scan3A_1526, %scan3A_1527 : i32
      %scan3A_1529 = arith.constant 4 : i32
      scf.for %scan3A_1745 = %scan3A_1526 to %scan3A_1528 step %scan3A_1529  : i32 {
        %mul3A_1746 = arith.constant 1 : i32
        %mul3A_1747 = arith.muli %scan3A_1745, %mul3A_1746 : i32
        %add3A_1748 = arith.constant 0 : i32
        %add3A_1749 = arith.addi %add3A_1748, %mul3A_1747 : i32
        %get3A = arith.constant 0 : i32
        %get3A_1750 = arith.index_cast %get3A : i32 to index
        %get3A_1751 = arith.index_cast %add3A_1749 : i32 to index
        %get3A_1752 = arith.constant 0 : index
        %get3A_1753 = tpu.vector_load %arg8[%get3A_1750, %get3A_1751, %get3A_1752] {strides = array<i32>} : memref<4x104x128xf32, #tpu.memory_space<vmem>>, vector<1x1x16xf32>,
        %get3A_1754 = vector.shape_cast %get3A_1753 : vector<1x1x16xf32> to vector<16xf32>
        %add3A_1755 = arith.constant 0 : i32
        %add3A_1756 = arith.addi %add3A_1755, %add3A_1749 : i32
        %get3A_1757 = arith.index_cast %add3A_1756 : i32 to index
        %get3A_1758 = arith.constant 0 : index
        %get3A_1759 = tpu.vector_load %arg7[%get3A_1757, %get3A_1758] {strides = array<i32>} : memref<200x128xf32, #tpu.memory_space<vmem>>, vector<1x16xf32>,
        %get3A_1760 = vector.shape_cast %get3A_1759 : vector<1x16xf32> to vector<16xf32>
        %add3A_1761 = arith.addf %get3A_1754, %get3A_1760 : vector<16xf32>
        %swap3A = arith.constant 0 : i32
        %swap3A_1762 = arith.index_cast %swap3A : i32 to index
        %swap3A_1763 = arith.index_cast %add3A_1749 : i32 to index
        %swap3A_1764 = arith.constant 0 : index
        %swap3A_1765 = tpu.vector_load %arg9[%swap3A_1762, %swap3A_1763, %swap3A_1764] {strides = array<i32>} : memref<2x104x64xf32, #tpu.memory_space<vmem>>, vector<1x1x16xf32>,
        %swap3A_1766 = vector.shape_cast %swap3A_1765 : vector<1x1x16xf32> to vector<16xf32>
        %swap3A_1767 = vector.shape_cast %add3A_1761 : vector<16xf32> to vector<1x1x16xf32>
        tpu.vector_store %arg9[%swap3A_1762, %swap3A_1763, %swap3A_1764], %swap3A_1767 {strides = array<i32>} : memref<2x104x64xf32, #tpu.memory_space<vmem>>, vector<1x1x16xf32>,
        %get3A_1768 = arith.constant 0 : i32
        %get3A_1769 = arith.index_cast %get3A_1768 : i32 to index
        %get3A_1770 = arith.index_cast %add3A_1749 : i32 to index
        %get3A_1771 = arith.constant 16 : index
        %get3A_1772 = tpu.vector_load %arg8[%get3A_1769, %get3A_1770, %get3A_1771] {strides = array<i32>} : memref<4x104x128xf32, #tpu.memory_space<vmem>>, vector<1x1x16xf32>,
        %get3A_1773 = vector.shape_cast %get3A_1772 : vector<1x1x16xf32> to vector<16xf32>
        %add3A_1774 = arith.constant 0 : i32
        %add3A_1775 = arith.addi %add3A_1774, %add3A_1749 : i32
        %get3A_1776 = arith.index_cast %add3A_1775 : i32 to index
        %get3A_1777 = arith.constant 16 : index
        %get3A_1778 = tpu.vector_load %arg7[%get3A_1776, %get3A_1777] {strides = array<i32>} : memref<200x128xf32, #tpu.memory_space<vmem>>, vector<1x16xf32>,
        %get3A_1779 = vector.shape_cast %get3A_1778 : vector<1x16xf32> to vector<16xf32>
        %add3A_1780 = arith.addf %get3A_1773, %get3A_1779 : vector<16xf32>
        %swap3A_1781 = arith.constant 0 : i32
        %swap3A_1782 = arith.index_cast %swap3A_1781 : i32 to index
        %swap3A_1783 = arith.index_cast %add3A_1749 : i32 to index
        %swap3A_1784 = arith.constant 16 : index
        %swap3A_1785 = tpu.vector_load %arg9[%swap3A_1782, %swap3A_1783, %swap3A_1784] {strides = array<i32>} : memref<2x104x64xf32, #tpu.memory_space<vmem>>, vector<1x1x16xf32>,
        %swap3A_1786 = vector.shape_cast %swap3A_1785 : vector<1x1x16xf32> to vector<16xf32>
        %swap3A_1787 = vector.shape_cast %add3A_1780 : vector<16xf32> to vector<1x1x16xf32>
        tpu.vector_store %arg9[%swap3A_1782, %swap3A_1783, %swap3A_1784], %swap3A_1787 {strides = array<i32>} : memref<2x104x64xf32, #tpu.memory_space<vmem>>, vector<1x1x16xf32>,
        %get3A_1788 = arith.constant 0 : i32
        %get3A_1789 = arith.index_cast %get3A_1788 : i32 to index
        %get3A_1790 = arith.index_cast %add3A_1749 : i32 to index
        %get3A_1791 = arith.constant 32 : index
        %get3A_1792 = tpu.vector_load %arg8[%get3A_1789, %get3A_1790, %get3A_1791] {strides = array<i32>} : memref<4x104x128xf32, #tpu.memory_space<vmem>>, vector<1x1x16xf32>,
        %get3A_1793 = vector.shape_cast %get3A_1792 : vector<1x1x16xf32> to vector<16xf32>
        %add3A_1794 = arith.constant 0 : i32
        %add3A_1795 = arith.addi %add3A_1794, %add3A_1749 : i32
        %get3A_1796 = arith.index_cast %add3A_1795 : i32 to index
        %get3A_1797 = arith.constant 32 : index
        %get3A_1798 = tpu.vector_load %arg7[%get3A_1796, %get3A_1797] {strides = array<i32>} : memref<200x128xf32, #tpu.memory_space<vmem>>, vector<1x16xf32>,
        %get3A_1799 = vector.shape_cast %get3A_1798 : vector<1x16xf32> to vector<16xf32>
        %add3A_1800 = arith.addf %get3A_1793, %get3A_1799 : vector<16xf32>
        %swap3A_1801 = arith.constant 0 : i32
        %swap3A_1802 = arith.index_cast %swap3A_1801 : i32 to index
        %swap3A_1803 = arith.index_cast %add3A_1749 : i32 to index
        %swap3A_1804 = arith.constant 32 : index
        %swap3A_1805 = tpu.vector_load %arg9[%swap3A_1802, %swap3A_1803, %swap3A_1804] {strides = array<i32>} : memref<2x104x64xf32, #tpu.memory_space<vmem>>, vector<1x1x16xf32>,
        %swap3A_1806 = vector.shape_cast %swap3A_1805 : vector<1x1x16xf32> to vector<16xf32>
        %swap3A_1807 = vector.shape_cast %add3A_1800 : vector<16xf32> to vector<1x1x16xf32>
        tpu.vector_store %arg9[%swap3A_1802, %swap3A_1803, %swap3A_1804], %swap3A_1807 {strides = array<i32>} : memref<2x104x64xf32, #tpu.memory_space<vmem>>, vector<1x1x16xf32>,
        %get3A_1808 = arith.constant 0 : i32
        %get3A_1809 = arith.index_cast %get3A_1808 : i32 to index
        %get3A_1810 = arith.index_cast %add3A_1749 : i32 to index
        %get3A_1811 = arith.constant 48 : index
        %get3A_1812 = tpu.vector_load %arg8[%get3A_1809, %get3A_1810, %get3A_1811] {strides = array<i32>} : memref<4x104x128xf32, #tpu.memory_space<vmem>>, vector<1x1x16xf32>,
        %get3A_1813 = vector.shape_cast %get3A_1812 : vector<1x1x16xf32> to vector<16xf32>
        %add3A_1814 = arith.constant 0 : i32
        %add3A_1815 = arith.addi %add3A_1814, %add3A_1749 : i32
        %get3A_1816 = arith.index_cast %add3A_1815 : i32 to index
        %get3A_1817 = arith.constant 48 : index
        %get3A_1818 = tpu.vector_load %arg7[%get3A_1816, %get3A_1817] {strides = array<i32>} : memref<200x128xf32, #tpu.memory_space<vmem>>, vector<1x16xf32>,
        %get3A_1819 = vector.shape_cast %get3A_1818 : vector<1x16xf32> to vector<16xf32>
        %add3A_1820 = arith.addf %get3A_1813, %get3A_1819 : vector<16xf32>
        %swap3A_1821 = arith.constant 0 : i32
        %swap3A_1822 = arith.index_cast %swap3A_1821 : i32 to index
        %swap3A_1823 = arith.index_cast %add3A_1749 : i32 to index
        %swap3A_1824 = arith.constant 48 : index
        %swap3A_1825 = tpu.vector_load %arg9[%swap3A_1822, %swap3A_1823, %swap3A_1824] {strides = array<i32>} : memref<2x104x64xf32, #tpu.memory_space<vmem>>, vector<1x1x16xf32>,
        %swap3A_1826 = vector.shape_cast %swap3A_1825 : vector<1x1x16xf32> to vector<16xf32>
        %swap3A_1827 = vector.shape_cast %add3A_1820 : vector<16xf32> to vector<1x1x16xf32>
        tpu.vector_store %arg9[%swap3A_1822, %swap3A_1823, %swap3A_1824], %swap3A_1827 {strides = array<i32>} : memref<2x104x64xf32, #tpu.memory_space<vmem>>, vector<1x1x16xf32>,
        %scan3A_1828 = arith.constant 1 : i32
        %scan3A_1829 = arith.addi %scan3A_1745, %scan3A_1828 : i32
        %mul3A_1830 = arith.constant 1 : i32
        %mul3A_1831 = arith.muli %scan3A_1829, %mul3A_1830 : i32
        %add3A_1832 = arith.constant 0 : i32
        %add3A_1833 = arith.addi %add3A_1832, %mul3A_1831 : i32
        %get3A_1834 = arith.constant 0 : i32
        %get3A_1835 = arith.index_cast %get3A_1834 : i32 to index
        %get3A_1836 = arith.index_cast %add3A_1833 : i32 to index
        %get3A_1837 = arith.constant 0 : index
        %get3A_1838 = tpu.vector_load %arg8[%get3A_1835, %get3A_1836, %get3A_1837] {strides = array<i32>} : memref<4x104x128xf32, #tpu.memory_space<vmem>>, vector<1x1x16xf32>,
        %get3A_1839 = vector.shape_cast %get3A_1838 : vector<1x1x16xf32> to vector<16xf32>
        %add3A_1840 = arith.constant 0 : i32
        %add3A_1841 = arith.addi %add3A_1840, %add3A_1833 : i32
        %get3A_1842 = arith.index_cast %add3A_1841 : i32 to index
        %get3A_1843 = arith.constant 0 : index
        %get3A_1844 = tpu.vector_load %arg7[%get3A_1842, %get3A_1843] {strides = array<i32>} : memref<200x128xf32, #tpu.memory_space<vmem>>, vector<1x16xf32>,
        %get3A_1845 = vector.shape_cast %get3A_1844 : vector<1x16xf32> to vector<16xf32>
        %add3A_1846 = arith.addf %get3A_1839, %get3A_1845 : vector<16xf32>
        %swap3A_1847 = arith.constant 0 : i32
        %swap3A_1848 = arith.index_cast %swap3A_1847 : i32 to index
        %swap3A_1849 = arith.index_cast %add3A_1833 : i32 to index
        %swap3A_1850 = arith.constant 0 : index
        %swap3A_1851 = tpu.vector_load %arg9[%swap3A_1848, %swap3A_1849, %swap3A_1850] {strides = array<i32>} : memref<2x104x64xf32, #tpu.memory_space<vmem>>, vector<1x1x16xf32>,
        %swap3A_1852 = vector.shape_cast %swap3A_1851 : vector<1x1x16xf32> to vector<16xf32>
        %swap3A_1853 = vector.shape_cast %add3A_1846 : vector<16xf32> to vector<1x1x16xf32>
        tpu.vector_store %arg9[%swap3A_1848, %swap3A_1849, %swap3A_1850], %swap3A_1853 {strides = array<i32>} : memref<2x104x64xf32, #tpu.memory_space<vmem>>, vector<1x1x16xf32>,
        %get3A_1854 = arith.constant 0 : i32
        %get3A_1855 = arith.index_cast %get3A_1854 : i32 to index
        %get3A_1856 = arith.index_cast %add3A_1833 : i32 to index
        %get3A_1857 = arith.constant 16 : index
        %get3A_1858 = tpu.vector_load %arg8[%get3A_1855, %get3A_1856, %get3A_1857] {strides = array<i32>} : memref<4x104x128xf32, #tpu.memory_space<vmem>>, vector<1x1x16xf32>,
        %get3A_1859 = vector.shape_cast %get3A_1858 : vector<1x1x16xf32> to vector<16xf32>
        %add3A_1860 = arith.constant 0 : i32
        %add3A_1861 = arith.addi %add3A_1860, %add3A_1833 : i32
        %get3A_1862 = arith.index_cast %add3A_1861 : i32 to index
        %get3A_1863 = arith.constant 16 : index
        %get3A_1864 = tpu.vector_load %arg7[%get3A_1862, %get3A_1863] {strides = array<i32>} : memref<200x128xf32, #tpu.memory_space<vmem>>, vector<1x16xf32>,
        %get3A_1865 = vector.shape_cast %get3A_1864 : vector<1x16xf32> to vector<16xf32>
        %add3A_1866 = arith.addf %get3A_1859, %get3A_1865 : vector<16xf32>
        %swap3A_1867 = arith.constant 0 : i32
        %swap3A_1868 = arith.index_cast %swap3A_1867 : i32 to index
        %swap3A_1869 = arith.index_cast %add3A_1833 : i32 to index
        %swap3A_1870 = arith.constant 16 : index
        %swap3A_1871 = tpu.vector_load %arg9[%swap3A_1868, %swap3A_1869, %swap3A_1870] {strides = array<i32>} : memref<2x104x64xf32, #tpu.memory_space<vmem>>, vector<1x1x16xf32>,
        %swap3A_1872 = vector.shape_cast %swap3A_1871 : vector<1x1x16xf32> to vector<16xf32>
        %swap3A_1873 = vector.shape_cast %add3A_1866 : vector<16xf32> to vector<1x1x16xf32>
        tpu.vector_store %arg9[%swap3A_1868, %swap3A_1869, %swap3A_1870], %swap3A_1873 {strides = array<i32>} : memref<2x104x64xf32, #tpu.memory_space<vmem>>, vector<1x1x16xf32>,
        %get3A_1874 = arith.constant 0 : i32
        %get3A_1875 = arith.index_cast %get3A_1874 : i32 to index
        %get3A_1876 = arith.index_cast %add3A_1833 : i32 to index
        %get3A_1877 = arith.constant 32 : index
        %get3A_1878 = tpu.vector_load %arg8[%get3A_1875, %get3A_1876, %get3A_1877] {strides = array<i32>} : memref<4x104x128xf32, #tpu.memory_space<vmem>>, vector<1x1x16xf32>,
        %get3A_1879 = vector.shape_cast %get3A_1878 : vector<1x1x16xf32> to vector<16xf32>
        %add3A_1880 = arith.constant 0 : i32
        %add3A_1881 = arith.addi %add3A_1880, %add3A_1833 : i32
        %get3A_1882 = arith.index_cast %add3A_1881 : i32 to index
        %get3A_1883 = arith.constant 32 : index
        %get3A_1884 = tpu.vector_load %arg7[%get3A_1882, %get3A_1883] {strides = array<i32>} : memref<200x128xf32, #tpu.memory_space<vmem>>, vector<1x16xf32>,
        %get3A_1885 = vector.shape_cast %get3A_1884 : vector<1x16xf32> to vector<16xf32>
        %add3A_1886 = arith.addf %get3A_1879, %get3A_1885 : vector<16xf32>
        %swap3A_1887 = arith.constant 0 : i32
        %swap3A_1888 = arith.index_cast %swap3A_1887 : i32 to index
        %swap3A_1889 = arith.index_cast %add3A_1833 : i32 to index
        %swap3A_1890 = arith.constant 32 : index
        %swap3A_1891 = tpu.vector_load %arg9[%swap3A_1888, %swap3A_1889, %swap3A_1890] {strides = array<i32>} : memref<2x104x64xf32, #tpu.memory_space<vmem>>, vector<1x1x16xf32>,
        %swap3A_1892 = vector.shape_cast %swap3A_1891 : vector<1x1x16xf32> to vector<16xf32>
        %swap3A_1893 = vector.shape_cast %add3A_1886 : vector<16xf32> to vector<1x1x16xf32>
        tpu.vector_store %arg9[%swap3A_1888, %swap3A_1889, %swap3A_1890], %swap3A_1893 {strides = array<i32>} : memref<2x104x64xf32, #tpu.memory_space<vmem>>, vector<1x1x16xf32>,
        %get3A_1894 = arith.constant 0 : i32
        %get3A_1895 = arith.index_cast %get3A_1894 : i32 to index
        %get3A_1896 = arith.index_cast %add3A_1833 : i32 to index
        %get3A_1897 = arith.constant 48 : index
        %get3A_1898 = tpu.vector_load %arg8[%get3A_1895, %get3A_1896, %get3A_1897] {strides = array<i32>} : memref<4x104x128xf32, #tpu.memory_space<vmem>>, vector<1x1x16xf32>,
        %get3A_1899 = vector.shape_cast %get3A_1898 : vector<1x1x16xf32> to vector<16xf32>
        %add3A_1900 = arith.constant 0 : i32
        %add3A_1901 = arith.addi %add3A_1900, %add3A_1833 : i32
        %get3A_1902 = arith.index_cast %add3A_1901 : i32 to index
        %get3A_1903 = arith.constant 48 : index
        %get3A_1904 = tpu.vector_load %arg7[%get3A_1902, %get3A_1903] {strides = array<i32>} : memref<200x128xf32, #tpu.memory_space<vmem>>, vector<1x16xf32>,
        %get3A_1905 = vector.shape_cast %get3A_1904 : vector<1x16xf32> to vector<16xf32>
        %add3A_1906 = arith.addf %get3A_1899, %get3A_1905 : vector<16xf32>
        %swap3A_1907 = arith.constant 0 : i32
        %swap3A_1908 = arith.index_cast %swap3A_1907 : i32 to index
        %swap3A_1909 = arith.index_cast %add3A_1833 : i32 to index
        %swap3A_1910 = arith.constant 48 : index
        %swap3A_1911 = tpu.vector_load %arg9[%swap3A_1908, %swap3A_1909, %swap3A_1910] {strides = array<i32>} : memref<2x104x64xf32, #tpu.memory_space<vmem>>, vector<1x1x16xf32>,
        %swap3A_1912 = vector.shape_cast %swap3A_1911 : vector<1x1x16xf32> to vector<16xf32>
        %swap3A_1913 = vector.shape_cast %add3A_1906 : vector<16xf32> to vector<1x1x16xf32>
        tpu.vector_store %arg9[%swap3A_1908, %swap3A_1909, %swap3A_1910], %swap3A_1913 {strides = array<i32>} : memref<2x104x64xf32, #tpu.memory_space<vmem>>, vector<1x1x16xf32>,
        %scan3A_1914 = arith.constant 2 : i32
        %scan3A_1915 = arith.addi %scan3A_1745, %scan3A_1914 : i32
        %mul3A_1916 = arith.constant 1 : i32
        %mul3A_1917 = arith.muli %scan3A_1915, %mul3A_1916 : i32
        %add3A_1918 = arith.constant 0 : i32
        %add3A_1919 = arith.addi %add3A_1918, %mul3A_1917 : i32
        %get3A_1920 = arith.constant 0 : i32
        %get3A_1921 = arith.index_cast %get3A_1920 : i32 to index
        %get3A_1922 = arith.index_cast %add3A_1919 : i32 to index
        %get3A_1923 = arith.constant 0 : index
        %get3A_1924 = tpu.vector_load %arg8[%get3A_1921, %get3A_1922, %get3A_1923] {strides = array<i32>} : memref<4x104x128xf32, #tpu.memory_space<vmem>>, vector<1x1x16xf32>,
        %get3A_1925 = vector.shape_cast %get3A_1924 : vector<1x1x16xf32> to vector<16xf32>
        %add3A_1926 = arith.constant 0 : i32
        %add3A_1927 = arith.addi %add3A_1926, %add3A_1919 : i32
        %get3A_1928 = arith.index_cast %add3A_1927 : i32 to index
        %get3A_1929 = arith.constant 0 : index
        %get3A_1930 = tpu.vector_load %arg7[%get3A_1928, %get3A_1929] {strides = array<i32>} : memref<200x128xf32, #tpu.memory_space<vmem>>, vector<1x16xf32>,
        %get3A_1931 = vector.shape_cast %get3A_1930 : vector<1x16xf32> to vector<16xf32>
        %add3A_1932 = arith.addf %get3A_1925, %get3A_1931 : vector<16xf32>
        %swap3A_1933 = arith.constant 0 : i32
        %swap3A_1934 = arith.index_cast %swap3A_1933 : i32 to index
        %swap3A_1935 = arith.index_cast %add3A_1919 : i32 to index
        %swap3A_1936 = arith.constant 0 : index
        %swap3A_1937 = tpu.vector_load %arg9[%swap3A_1934, %swap3A_1935, %swap3A_1936] {strides = array<i32>} : memref<2x104x64xf32, #tpu.memory_space<vmem>>, vector<1x1x16xf32>,
        %swap3A_1938 = vector.shape_cast %swap3A_1937 : vector<1x1x16xf32> to vector<16xf32>
        %swap3A_1939 = vector.shape_cast %add3A_1932 : vector<16xf32> to vector<1x1x16xf32>
        tpu.vector_store %arg9[%swap3A_1934, %swap3A_1935, %swap3A_1936], %swap3A_1939 {strides = array<i32>} : memref<2x104x64xf32, #tpu.memory_space<vmem>>, vector<1x1x16xf32>,
        %get3A_1940 = arith.constant 0 : i32
        %get3A_1941 = arith.index_cast %get3A_1940 : i32 to index
        %get3A_1942 = arith.index_cast %add3A_1919 : i32 to index
        %get3A_1943 = arith.constant 16 : index
        %get3A_1944 = tpu.vector_load %arg8[%get3A_1941, %get3A_1942, %get3A_1943] {strides = array<i32>} : memref<4x104x128xf32, #tpu.memory_space<vmem>>, vector<1x1x16xf32>,
        %get3A_1945 = vector.shape_cast %get3A_1944 : vector<1x1x16xf32> to vector<16xf32>
        %add3A_1946 = arith.constant 0 : i32
        %add3A_1947 = arith.addi %add3A_1946, %add3A_1919 : i32
        %get3A_1948 = arith.index_cast %add3A_1947 : i32 to index
        %get3A_1949 = arith.constant 16 : index
        %get3A_1950 = tpu.vector_load %arg7[%get3A_1948, %get3A_1949] {strides = array<i32>} : memref<200x128xf32, #tpu.memory_space<vmem>>, vector<1x16xf32>,
        %get3A_1951 = vector.shape_cast %get3A_1950 : vector<1x16xf32> to vector<16xf32>
        %add3A_1952 = arith.addf %get3A_1945, %get3A_1951 : vector<16xf32>
        %swap3A_1953 = arith.constant 0 : i32
        %swap3A_1954 = arith.index_cast %swap3A_1953 : i32 to index
        %swap3A_1955 = arith.index_cast %add3A_1919 : i32 to index
        %swap3A_1956 = arith.constant 16 : index
        %swap3A_1957 = tpu.vector_load %arg9[%swap3A_1954, %swap3A_1955, %swap3A_1956] {strides = array<i32>} : memref<2x104x64xf32, #tpu.memory_space<vmem>>, vector<1x1x16xf32>,
        %swap3A_1958 = vector.shape_cast %swap3A_1957 : vector<1x1x16xf32> to vector<16xf32>
        %swap3A_1959 = vector.shape_cast %add3A_1952 : vector<16xf32> to vector<1x1x16xf32>
        tpu.vector_store %arg9[%swap3A_1954, %swap3A_1955, %swap3A_1956], %swap3A_1959 {strides = array<i32>} : memref<2x104x64xf32, #tpu.memory_space<vmem>>, vector<1x1x16xf32>,
        %get3A_1960 = arith.constant 0 : i32
        %get3A_1961 = arith.index_cast %get3A_1960 : i32 to index
        %get3A_1962 = arith.index_cast %add3A_1919 : i32 to index
        %get3A_1963 = arith.constant 32 : index
        %get3A_1964 = tpu.vector_load %arg8[%get3A_1961, %get3A_1962, %get3A_1963] {strides = array<i32>} : memref<4x104x128xf32, #tpu.memory_space<vmem>>, vector<1x1x16xf32>,
        %get3A_1965 = vector.shape_cast %get3A_1964 : vector<1x1x16xf32> to vector<16xf32>
        %add3A_1966 = arith.constant 0 : i32
        %add3A_1967 = arith.addi %add3A_1966, %add3A_1919 : i32
        %get3A_1968 = arith.index_cast %add3A_1967 : i32 to index
        %get3A_1969 = arith.constant 32 : index
        %get3A_1970 = tpu.vector_load %arg7[%get3A_1968, %get3A_1969] {strides = array<i32>} : memref<200x128xf32, #tpu.memory_space<vmem>>, vector<1x16xf32>,
        %get3A_1971 = vector.shape_cast %get3A_1970 : vector<1x16xf32> to vector<16xf32>
        %add3A_1972 = arith.addf %get3A_1965, %get3A_1971 : vector<16xf32>
        %swap3A_1973 = arith.constant 0 : i32
        %swap3A_1974 = arith.index_cast %swap3A_1973 : i32 to index
        %swap3A_1975 = arith.index_cast %add3A_1919 : i32 to index
        %swap3A_1976 = arith.constant 32 : index
        %swap3A_1977 = tpu.vector_load %arg9[%swap3A_1974, %swap3A_1975, %swap3A_1976] {strides = array<i32>} : memref<2x104x64xf32, #tpu.memory_space<vmem>>, vector<1x1x16xf32>,
        %swap3A_1978 = vector.shape_cast %swap3A_1977 : vector<1x1x16xf32> to vector<16xf32>
        %swap3A_1979 = vector.shape_cast %add3A_1972 : vector<16xf32> to vector<1x1x16xf32>
        tpu.vector_store %arg9[%swap3A_1974, %swap3A_1975, %swap3A_1976], %swap3A_1979 {strides = array<i32>} : memref<2x104x64xf32, #tpu.memory_space<vmem>>, vector<1x1x16xf32>,
        %get3A_1980 = arith.constant 0 : i32
        %get3A_1981 = arith.index_cast %get3A_1980 : i32 to index
        %get3A_1982 = arith.index_cast %add3A_1919 : i32 to index
        %get3A_1983 = arith.constant 48 : index
        %get3A_1984 = tpu.vector_load %arg8[%get3A_1981, %get3A_1982, %get3A_1983] {strides = array<i32>} : memref<4x104x128xf32, #tpu.memory_space<vmem>>, vector<1x1x16xf32>,
        %get3A_1985 = vector.shape_cast %get3A_1984 : vector<1x1x16xf32> to vector<16xf32>
        %add3A_1986 = arith.constant 0 : i32
        %add3A_1987 = arith.addi %add3A_1986, %add3A_1919 : i32
        %get3A_1988 = arith.index_cast %add3A_1987 : i32 to index
        %get3A_1989 = arith.constant 48 : index
        %get3A_1990 = tpu.vector_load %arg7[%get3A_1988, %get3A_1989] {strides = array<i32>} : memref<200x128xf32, #tpu.memory_space<vmem>>, vector<1x16xf32>,
        %get3A_1991 = vector.shape_cast %get3A_1990 : vector<1x16xf32> to vector<16xf32>
        %add3A_1992 = arith.addf %get3A_1985, %get3A_1991 : vector<16xf32>
        %swap3A_1993 = arith.constant 0 : i32
        %swap3A_1994 = arith.index_cast %swap3A_1993 : i32 to index
        %swap3A_1995 = arith.index_cast %add3A_1919 : i32 to index
        %swap3A_1996 = arith.constant 48 : index
        %swap3A_1997 = tpu.vector_load %arg9[%swap3A_1994, %swap3A_1995, %swap3A_1996] {strides = array<i32>} : memref<2x104x64xf32, #tpu.memory_space<vmem>>, vector<1x1x16xf32>,
        %swap3A_1998 = vector.shape_cast %swap3A_1997 : vector<1x1x16xf32> to vector<16xf32>
        %swap3A_1999 = vector.shape_cast %add3A_1992 : vector<16xf32> to vector<1x1x16xf32>
        tpu.vector_store %arg9[%swap3A_1994, %swap3A_1995, %swap3A_1996], %swap3A_1999 {strides = array<i32>} : memref<2x104x64xf32, #tpu.memory_space<vmem>>, vector<1x1x16xf32>,
        %scan3A_2000 = arith.constant 3 : i32
        %scan3A_2001 = arith.addi %scan3A_1745, %scan3A_2000 : i32
        %mul3A_2002 = arith.constant 1 : i32
        %mul3A_2003 = arith.muli %scan3A_2001, %mul3A_2002 : i32
        %add3A_2004 = arith.constant 0 : i32
        %add3A_2005 = arith.addi %add3A_2004, %mul3A_2003 : i32
        %get3A_2006 = arith.constant 0 : i32
        %get3A_2007 = arith.index_cast %get3A_2006 : i32 to index
        %get3A_2008 = arith.index_cast %add3A_2005 : i32 to index
        %get3A_2009 = arith.constant 0 : index
        %get3A_2010 = tpu.vector_load %arg8[%get3A_2007, %get3A_2008, %get3A_2009] {strides = array<i32>} : memref<4x104x128xf32, #tpu.memory_space<vmem>>, vector<1x1x16xf32>,
        %get3A_2011 = vector.shape_cast %get3A_2010 : vector<1x1x16xf32> to vector<16xf32>
        %add3A_2012 = arith.constant 0 : i32
        %add3A_2013 = arith.addi %add3A_2012, %add3A_2005 : i32
        %get3A_2014 = arith.index_cast %add3A_2013 : i32 to index
        %get3A_2015 = arith.constant 0 : index
        %get3A_2016 = tpu.vector_load %arg7[%get3A_2014, %get3A_2015] {strides = array<i32>} : memref<200x128xf32, #tpu.memory_space<vmem>>, vector<1x16xf32>,
        %get3A_2017 = vector.shape_cast %get3A_2016 : vector<1x16xf32> to vector<16xf32>
        %add3A_2018 = arith.addf %get3A_2011, %get3A_2017 : vector<16xf32>
        %swap3A_2019 = arith.constant 0 : i32
        %swap3A_2020 = arith.index_cast %swap3A_2019 : i32 to index
        %swap3A_2021 = arith.index_cast %add3A_2005 : i32 to index
        %swap3A_2022 = arith.constant 0 : index
        %swap3A_2023 = tpu.vector_load %arg9[%swap3A_2020, %swap3A_2021, %swap3A_2022] {strides = array<i32>} : memref<2x104x64xf32, #tpu.memory_space<vmem>>, vector<1x1x16xf32>,
        %swap3A_2024 = vector.shape_cast %swap3A_2023 : vector<1x1x16xf32> to vector<16xf32>
        %swap3A_2025 = vector.shape_cast %add3A_2018 : vector<16xf32> to vector<1x1x16xf32>
        tpu.vector_store %arg9[%swap3A_2020, %swap3A_2021, %swap3A_2022], %swap3A_2025 {strides = array<i32>} : memref<2x104x64xf32, #tpu.memory_space<vmem>>, vector<1x1x16xf32>,
        %get3A_2026 = arith.constant 0 : i32
        %get3A_2027 = arith.index_cast %get3A_2026 : i32 to index
        %get3A_2028 = arith.index_cast %add3A_2005 : i32 to index
        %get3A_2029 = arith.constant 16 : index
        %get3A_2030 = tpu.vector_load %arg8[%get3A_2027, %get3A_2028, %get3A_2029] {strides = array<i32>} : memref<4x104x128xf32, #tpu.memory_space<vmem>>, vector<1x1x16xf32>,
        %get3A_2031 = vector.shape_cast %get3A_2030 : vector<1x1x16xf32> to vector<16xf32>
        %add3A_2032 = arith.constant 0 : i32
        %add3A_2033 = arith.addi %add3A_2032, %add3A_2005 : i32
        %get3A_2034 = arith.index_cast %add3A_2033 : i32 to index
        %get3A_2035 = arith.constant 16 : index
        %get3A_2036 = tpu.vector_load %arg7[%get3A_2034, %get3A_2035] {strides = array<i32>} : memref<200x128xf32, #tpu.memory_space<vmem>>, vector<1x16xf32>,
        %get3A_2037 = vector.shape_cast %get3A_2036 : vector<1x16xf32> to vector<16xf32>
        %add3A_2038 = arith.addf %get3A_2031, %get3A_2037 : vector<16xf32>
        %swap3A_2039 = arith.constant 0 : i32
        %swap3A_2040 = arith.index_cast %swap3A_2039 : i32 to index
        %swap3A_2041 = arith.index_cast %add3A_2005 : i32 to index
        %swap3A_2042 = arith.constant 16 : index
        %swap3A_2043 = tpu.vector_load %arg9[%swap3A_2040, %swap3A_2041, %swap3A_2042] {strides = array<i32>} : memref<2x104x64xf32, #tpu.memory_space<vmem>>, vector<1x1x16xf32>,
        %swap3A_2044 = vector.shape_cast %swap3A_2043 : vector<1x1x16xf32> to vector<16xf32>
        %swap3A_2045 = vector.shape_cast %add3A_2038 : vector<16xf32> to vector<1x1x16xf32>
        tpu.vector_store %arg9[%swap3A_2040, %swap3A_2041, %swap3A_2042], %swap3A_2045 {strides = array<i32>} : memref<2x104x64xf32, #tpu.memory_space<vmem>>, vector<1x1x16xf32>,
        %get3A_2046 = arith.constant 0 : i32
        %get3A_2047 = arith.index_cast %get3A_2046 : i32 to index
        %get3A_2048 = arith.index_cast %add3A_2005 : i32 to index
        %get3A_2049 = arith.constant 32 : index
        %get3A_2050 = tpu.vector_load %arg8[%get3A_2047, %get3A_2048, %get3A_2049] {strides = array<i32>} : memref<4x104x128xf32, #tpu.memory_space<vmem>>, vector<1x1x16xf32>,
        %get3A_2051 = vector.shape_cast %get3A_2050 : vector<1x1x16xf32> to vector<16xf32>
        %add3A_2052 = arith.constant 0 : i32
        %add3A_2053 = arith.addi %add3A_2052, %add3A_2005 : i32
        %get3A_2054 = arith.index_cast %add3A_2053 : i32 to index
        %get3A_2055 = arith.constant 32 : index
        %get3A_2056 = tpu.vector_load %arg7[%get3A_2054, %get3A_2055] {strides = array<i32>} : memref<200x128xf32, #tpu.memory_space<vmem>>, vector<1x16xf32>,
        %get3A_2057 = vector.shape_cast %get3A_2056 : vector<1x16xf32> to vector<16xf32>
        %add3A_2058 = arith.addf %get3A_2051, %get3A_2057 : vector<16xf32>
        %swap3A_2059 = arith.constant 0 : i32
        %swap3A_2060 = arith.index_cast %swap3A_2059 : i32 to index
        %swap3A_2061 = arith.index_cast %add3A_2005 : i32 to index
        %swap3A_2062 = arith.constant 32 : index
        %swap3A_2063 = tpu.vector_load %arg9[%swap3A_2060, %swap3A_2061, %swap3A_2062] {strides = array<i32>} : memref<2x104x64xf32, #tpu.memory_space<vmem>>, vector<1x1x16xf32>,
        %swap3A_2064 = vector.shape_cast %swap3A_2063 : vector<1x1x16xf32> to vector<16xf32>
        %swap3A_2065 = vector.shape_cast %add3A_2058 : vector<16xf32> to vector<1x1x16xf32>
        tpu.vector_store %arg9[%swap3A_2060, %swap3A_2061, %swap3A_2062], %swap3A_2065 {strides = array<i32>} : memref<2x104x64xf32, #tpu.memory_space<vmem>>, vector<1x1x16xf32>,
        %get3A_2066 = arith.constant 0 : i32
        %get3A_2067 = arith.index_cast %get3A_2066 : i32 to index
        %get3A_2068 = arith.index_cast %add3A_2005 : i32 to index
        %get3A_2069 = arith.constant 48 : index
        %get3A_2070 = tpu.vector_load %arg8[%get3A_2067, %get3A_2068, %get3A_2069] {strides = array<i32>} : memref<4x104x128xf32, #tpu.memory_space<vmem>>, vector<1x1x16xf32>,
        %get3A_2071 = vector.shape_cast %get3A_2070 : vector<1x1x16xf32> to vector<16xf32>
        %add3A_2072 = arith.constant 0 : i32
        %add3A_2073 = arith.addi %add3A_2072, %add3A_2005 : i32
        %get3A_2074 = arith.index_cast %add3A_2073 : i32 to index
        %get3A_2075 = arith.constant 48 : index
        %get3A_2076 = tpu.vector_load %arg7[%get3A_2074, %get3A_2075] {strides = array<i32>} : memref<200x128xf32, #tpu.memory_space<vmem>>, vector<1x16xf32>,
        %get3A_2077 = vector.shape_cast %get3A_2076 : vector<1x16xf32> to vector<16xf32>
        %add3A_2078 = arith.addf %get3A_2071, %get3A_2077 : vector<16xf32>
        %swap3A_2079 = arith.constant 0 : i32
        %swap3A_2080 = arith.index_cast %swap3A_2079 : i32 to index
        %swap3A_2081 = arith.index_cast %add3A_2005 : i32 to index
        %swap3A_2082 = arith.constant 48 : index
        %swap3A_2083 = tpu.vector_load %arg9[%swap3A_2080, %swap3A_2081, %swap3A_2082] {strides = array<i32>} : memref<2x104x64xf32, #tpu.memory_space<vmem>>, vector<1x1x16xf32>,
        %swap3A_2084 = vector.shape_cast %swap3A_2083 : vector<1x1x16xf32> to vector<16xf32>
        %swap3A_2085 = vector.shape_cast %add3A_2078 : vector<16xf32> to vector<1x1x16xf32>
        tpu.vector_store %arg9[%swap3A_2080, %swap3A_2081, %swap3A_2082], %swap3A_2085 {strides = array<i32>} : memref<2x104x64xf32, #tpu.memory_space<vmem>>, vector<1x1x16xf32>,
      }
      %scan3A_1530 = arith.constant 96 : i32
      %mul3A_1531 = arith.constant 2 : i32
      %mul3A_1532 = arith.muli %add3A_1496, %mul3A_1531 : i32
      %add3A_1533 = arith.addi %mul3A_2, %mul3A_1532 : i32
      %add3A_1534 = arith.constant 0 : i32
      %add3A_1535 = arith.addi %add3A_1533, %add3A_1534 : i32
      %dma_start3A_1536 = arith.constant 0 : i32
      %dma_start3A_1537 = arith.constant 0 : i32
      %dma_start3A_1538 = arith.constant 0 : i32
      %dma_start3A_1539 = arith.constant 0 : i32
      %dma_start3A_1540 = tpu.memref_slice %arg9[%dma_start3A_1536, %dma_start3A_1538, %dma_start3A_1539] : memref<2x104x64xf32, #tpu.memory_space<vmem>> -> memref<1x96x64xf32, #tpu.memory_space<vmem>>
      %dma_start3A_1541 = tpu.memref_squeeze %dma_start3A_1540 : memref<1x96x64xf32, #tpu.memory_space<vmem>> -> memref<96x64xf32, #tpu.memory_space<vmem>>
      %dma_start3A_1542 = arith.constant 0 : i32
      %dma_start3A_1543 = arith.constant 0 : i32
      %dma_start3A_1544 = tpu.memref_slice %arg5[%add3A_1535, %dma_start3A_1542, %dma_start3A_1543] : memref<1024x200x64xf32, #tpu.memory_space<hbm>> -> memref<1x96x64xf32, #tpu.memory_space<hbm>>
      %dma_start3A_1545 = tpu.memref_squeeze %dma_start3A_1544 : memref<1x96x64xf32, #tpu.memory_space<hbm>> -> memref<96x64xf32, #tpu.memory_space<hbm>>
      %dma_start3A_1546 = tpu.memref_slice %arg11[%dma_start3A_1537] : memref<2x!tpu.dma_semaphore, #tpu.memory_space<semaphore_mem>> -> memref<1x!tpu.dma_semaphore, #tpu.memory_space<semaphore_mem>>
      %dma_start3A_1547 = tpu.memref_squeeze %dma_start3A_1546 : memref<1x!tpu.dma_semaphore, #tpu.memory_space<semaphore_mem>> -> memref<!tpu.dma_semaphore, #tpu.memory_space<semaphore_mem>>
      %dma_start3A_1548 = arith.constant 0 : i32
      %dma_start3A_1549 = arith.constant 0 : i32
      %dma_start3A_1550 = tpu.memref_slice %arg5[%add3A_1535, %dma_start3A_1548, %dma_start3A_1549] : memref<1024x200x64xf32, #tpu.memory_space<hbm>> -> memref<1x96x64xf32, #tpu.memory_space<hbm>>
      %dma_start3A_1551 = tpu.memref_squeeze %dma_start3A_1550 : memref<1x96x64xf32, #tpu.memory_space<hbm>> -> memref<96x64xf32, #tpu.memory_space<hbm>>
      %dma_start3A_1552 = arith.constant 0 : i32
      %dma_start3A_1553 = arith.constant 0 : i32
      %dma_start3A_1554 = tpu.memref_slice %arg9[%dma_start3A_1536, %dma_start3A_1552, %dma_start3A_1553] : memref<2x104x64xf32, #tpu.memory_space<vmem>> -> memref<1x96x64xf32, #tpu.memory_space<vmem>>
      %dma_start3A_1555 = tpu.memref_squeeze %dma_start3A_1554 : memref<1x96x64xf32, #tpu.memory_space<vmem>> -> memref<96x64xf32, #tpu.memory_space<vmem>>
      tpu.enqueue_dma source(%dma_start3A_1555 : memref<96x64xf32, #tpu.memory_space<vmem>>) target(%dma_start3A_1551 : memref<96x64xf32, #tpu.memory_space<hbm>>) target_semaphore(%dma_start3A_1547 : memref<!tpu.dma_semaphore, #tpu.memory_space<semaphore_mem>>)
      %mul3A_1556 = arith.constant 4 : i32
      %mul3A_1557 = arith.muli %add3A_1496, %mul3A_1556 : i32
      %add3A_1558 = arith.constant 1 : i32
      %add3A_1559 = arith.addi %mul3A_1557, %add3A_1558 : i32
      %add3A_1560 = arith.constant 3 : i32
      %add3A_1561 = arith.addi %add3A_1559, %add3A_1560 : i32
      %lt3A_1562 = arith.constant 64 : i32
      %lt3A_1563 = arith.cmpi slt, %add3A_1561, %lt3A_1562 : i32
      %convert_element_type3A_1564 = arith.extui %lt3A_1563 : i1 to i32
      %cond3A_1565 = arith.constant 0 : i32
      %cond3A_1566 = arith.cmpi ne, %convert_element_type3A_1564, %cond3A_1565 : i32
      scf.if %cond3A_1566 {
        %mul3A_1745 = arith.constant 2 : i32
        %mul3A_1746 = arith.muli %add3A_1496, %mul3A_1745 : i32
        %add3A_1747 = arith.constant 2 : i32
        %add3A_1748 = arith.addi %mul3A_1746, %add3A_1747 : i32
        %mul3A_1749 = arith.constant 256 : i32
        %mul3A_1750 = arith.muli %add3A_1748, %mul3A_1749 : i32
        %add3A_1751 = arith.constant 0 : i32
        %add3A_1752 = arith.addi %mul3A_1750, %add3A_1751 : i32
        %dma_start3A_1753 = arith.constant 0 : i32
        %dma_start3A_1754 = arith.constant 0 : i32
        %dma_start3A_1755 = arith.constant 0 : i32
        %dma_start3A_1756 = arith.constant 0 : i32
        %dma_start3A_1757 = tpu.memref_slice %arg8[%dma_start3A_1753, %dma_start3A_1755, %dma_start3A_1756] : memref<4x104x128xf32, #tpu.memory_space<vmem>> -> memref<1x96x128xf32, #tpu.memory_space<vmem>>
        %dma_start3A_1758 = tpu.memref_squeeze %dma_start3A_1757 : memref<1x96x128xf32, #tpu.memory_space<vmem>> -> memref<96x128xf32, #tpu.memory_space<vmem>>
        %dma_start3A_1759 = tpu.memref_slice %arg6[%add3A_1752] : memref<8192xi32, #tpu.memory_space<vmem>> -> memref<96xi32, #tpu.memory_space<vmem>>
        %dma_start3A_1760 = arith.constant 0 : i32
        %dma_start3A_1761 = arith.constant 0 : i32
        %dma_start3A_1762 = tpu.memref_slice %arg4[%dma_start3A_1760, %dma_start3A_1761] : memref<1000000x128xf32, #tpu.memory_space<hbm>> -> memref<1000000x128xf32, #tpu.memory_space<hbm>>
        %dma_start3A_1763 = tpu.memref_slice %arg10[%dma_start3A_1754] : memref<4x!tpu.dma_semaphore, #tpu.memory_space<semaphore_mem>> -> memref<1x!tpu.dma_semaphore, #tpu.memory_space<semaphore_mem>>
        %dma_start3A_1764 = tpu.memref_squeeze %dma_start3A_1763 : memref<1x!tpu.dma_semaphore, #tpu.memory_space<semaphore_mem>> -> memref<!tpu.dma_semaphore, #tpu.memory_space<semaphore_mem>>
        tpu.enqueue_indirect_dma source(%dma_start3A_1762 : memref<1000000x128xf32, #tpu.memory_space<hbm>>) target(%dma_start3A_1758 : memref<96x128xf32, #tpu.memory_space<vmem>>) offsets(%dma_start3A_1759 : memref<96xi32, #tpu.memory_space<vmem>>) semaphore(%dma_start3A_1764 : memref<!tpu.dma_semaphore, #tpu.memory_space<semaphore_mem>>)
      } else {
      }
      %dma_wait3A_1567 = arith.constant 1 : i32
      %dma_wait3A_1568 = arith.constant 1 : i32
      %dma_wait3A_1569 = arith.constant 0 : i32
      %dma_wait3A_1570 = arith.constant 0 : i32
      %dma_wait3A_1571 = tpu.memref_slice %arg8[%dma_wait3A_1567, %dma_wait3A_1569, %dma_wait3A_1570] : memref<4x104x128xf32, #tpu.memory_space<vmem>> -> memref<1x104x128xf32, #tpu.memory_space<vmem>>
      %dma_wait3A_1572 = tpu.memref_squeeze %dma_wait3A_1571 : memref<1x104x128xf32, #tpu.memory_space<vmem>> -> memref<104x128xf32, #tpu.memory_space<vmem>>
      %dma_wait3A_1573 = arith.constant 0 : i32
      %dma_wait3A_1574 = tpu.memref_slice %arg6[%dma_wait3A_1573] : memref<8192xi32, #tpu.memory_space<vmem>> -> memref<104xi32, #tpu.memory_space<vmem>>
      %dma_wait3A_1575 = arith.constant 0 : i32
      %dma_wait3A_1576 = arith.constant 0 : i32
      %dma_wait3A_1577 = tpu.memref_slice %arg4[%dma_wait3A_1575, %dma_wait3A_1576] : memref<1000000x128xf32, #tpu.memory_space<hbm>> -> memref<1000000x128xf32, #tpu.memory_space<hbm>>
      %dma_wait3A_1578 = tpu.memref_slice %arg10[%dma_wait3A_1568] : memref<4x!tpu.dma_semaphore, #tpu.memory_space<semaphore_mem>> -> memref<1x!tpu.dma_semaphore, #tpu.memory_space<semaphore_mem>>
      %dma_wait3A_1579 = tpu.memref_squeeze %dma_wait3A_1578 : memref<1x!tpu.dma_semaphore, #tpu.memory_space<semaphore_mem>> -> memref<!tpu.dma_semaphore, #tpu.memory_space<semaphore_mem>>
      tpu.wait_indirect_dma semaphore(%dma_wait3A_1579 : memref<!tpu.dma_semaphore, #tpu.memory_space<semaphore_mem>>) src(%dma_wait3A_1577 : memref<1000000x128xf32, #tpu.memory_space<hbm>>) dst(%dma_wait3A_1572 : memref<104x128xf32, #tpu.memory_space<vmem>>)
      %mul3A_1580 = arith.constant 4 : i32
      %mul3A_1581 = arith.muli %add3A_1496, %mul3A_1580 : i32
      %add3A_1582 = arith.constant 1 : i32
      %add3A_1583 = arith.addi %mul3A_1581, %add3A_1582 : i32
      %ge3A_1584 = arith.constant 2 : i32
      %ge3A_1585 = arith.cmpi sge, %add3A_1583, %ge3A_1584 : i32
      %convert_element_type3A_1586 = arith.extui %ge3A_1585 : i1 to i32
      %cond3A_1587 = arith.constant 0 : i32
      %cond3A_1588 = arith.cmpi ne, %convert_element_type3A_1586, %cond3A_1587 : i32
      scf.if %cond3A_1588 {
        %dma_wait3A_1745 = arith.constant 1 : i32
        %dma_wait3A_1746 = arith.constant 1 : i32
        %dma_wait3A_1747 = arith.constant 0 : i32
        %dma_wait3A_1748 = arith.constant 0 : i32
        %dma_wait3A_1749 = tpu.memref_slice %arg9[%dma_wait3A_1745, %dma_wait3A_1747, %dma_wait3A_1748] : memref<2x104x64xf32, #tpu.memory_space<vmem>> -> memref<1x104x64xf32, #tpu.memory_space<vmem>>
        %dma_wait3A_1750 = tpu.memref_squeeze %dma_wait3A_1749 : memref<1x104x64xf32, #tpu.memory_space<vmem>> -> memref<104x64xf32, #tpu.memory_space<vmem>>
        %dma_wait3A_1751 = arith.constant 96 : i32
        %dma_wait3A_1752 = arith.constant 0 : i32
        %dma_wait3A_1753 = tpu.memref_slice %arg5[%mul3A_2, %dma_wait3A_1751, %dma_wait3A_1752] : memref<1024x200x64xf32, #tpu.memory_space<hbm>> -> memref<1x104x64xf32, #tpu.memory_space<hbm>>
        %dma_wait3A_1754 = tpu.memref_squeeze %dma_wait3A_1753 : memref<1x104x64xf32, #tpu.memory_space<hbm>> -> memref<104x64xf32, #tpu.memory_space<hbm>>
        %dma_wait3A_1755 = tpu.memref_slice %arg11[%dma_wait3A_1746] : memref<2x!tpu.dma_semaphore, #tpu.memory_space<semaphore_mem>> -> memref<1x!tpu.dma_semaphore, #tpu.memory_space<semaphore_mem>>
        %dma_wait3A_1756 = tpu.memref_squeeze %dma_wait3A_1755 : memref<1x!tpu.dma_semaphore, #tpu.memory_space<semaphore_mem>> -> memref<!tpu.dma_semaphore, #tpu.memory_space<semaphore_mem>>
        %dma_wait3A_1757 = arith.constant 96 : i32
        %dma_wait3A_1758 = arith.constant 0 : i32
        %dma_wait3A_1759 = tpu.memref_slice %arg5[%mul3A_2, %dma_wait3A_1757, %dma_wait3A_1758] : memref<1024x200x64xf32, #tpu.memory_space<hbm>> -> memref<1x104x64xf32, #tpu.memory_space<hbm>>
        %dma_wait3A_1760 = tpu.memref_squeeze %dma_wait3A_1759 : memref<1x104x64xf32, #tpu.memory_space<hbm>> -> memref<104x64xf32, #tpu.memory_space<hbm>>
        %dma_wait3A_1761 = arith.constant 0 : i32
        %dma_wait3A_1762 = arith.constant 0 : i32
        %dma_wait3A_1763 = tpu.memref_slice %arg9[%dma_wait3A_1745, %dma_wait3A_1761, %dma_wait3A_1762] : memref<2x104x64xf32, #tpu.memory_space<vmem>> -> memref<1x104x64xf32, #tpu.memory_space<vmem>>
        %dma_wait3A_1764 = tpu.memref_squeeze %dma_wait3A_1763 : memref<1x104x64xf32, #tpu.memory_space<vmem>> -> memref<104x64xf32, #tpu.memory_space<vmem>>
        tpu.wait_dma2 semaphore(%dma_wait3A_1756 : memref<!tpu.dma_semaphore, #tpu.memory_space<semaphore_mem>>) src(%dma_wait3A_1764 : memref<104x64xf32, #tpu.memory_space<vmem>>) dst(%dma_wait3A_1760 : memref<104x64xf32, #tpu.memory_space<hbm>>)
      } else {
      }
      %scan3A_1589 = arith.constant 0 : i32
      %scan3A_1590 = arith.constant 104 : i32
      %scan3A_1591 = arith.addi %scan3A_1589, %scan3A_1590 : i32
      %scan3A_1592 = arith.constant 4 : i32
      scf.for %scan3A_1745 = %scan3A_1589 to %scan3A_1591 step %scan3A_1592  : i32 {
        %mul3A_1746 = arith.constant 1 : i32
        %mul3A_1747 = arith.muli %scan3A_1745, %mul3A_1746 : i32
        %add3A_1748 = arith.constant 0 : i32
        %add3A_1749 = arith.addi %add3A_1748, %mul3A_1747 : i32
        %get3A = arith.constant 1 : i32
        %get3A_1750 = arith.index_cast %get3A : i32 to index
        %get3A_1751 = arith.index_cast %add3A_1749 : i32 to index
        %get3A_1752 = arith.constant 0 : index
        %get3A_1753 = tpu.vector_load %arg8[%get3A_1750, %get3A_1751, %get3A_1752] {strides = array<i32>} : memref<4x104x128xf32, #tpu.memory_space<vmem>>, vector<1x1x16xf32>,
        %get3A_1754 = vector.shape_cast %get3A_1753 : vector<1x1x16xf32> to vector<16xf32>
        %add3A_1755 = arith.constant 96 : i32
        %add3A_1756 = arith.addi %add3A_1755, %add3A_1749 : i32
        %get3A_1757 = arith.index_cast %add3A_1756 : i32 to index
        %get3A_1758 = arith.constant 0 : index
        %get3A_1759 = tpu.vector_load %arg7[%get3A_1757, %get3A_1758] {strides = array<i32>} : memref<200x128xf32, #tpu.memory_space<vmem>>, vector<1x16xf32>,
        %get3A_1760 = vector.shape_cast %get3A_1759 : vector<1x16xf32> to vector<16xf32>
        %add3A_1761 = arith.addf %get3A_1754, %get3A_1760 : vector<16xf32>
        %swap3A = arith.constant 1 : i32
        %swap3A_1762 = arith.index_cast %swap3A : i32 to index
        %swap3A_1763 = arith.index_cast %add3A_1749 : i32 to index
        %swap3A_1764 = arith.constant 0 : index
        %swap3A_1765 = tpu.vector_load %arg9[%swap3A_1762, %swap3A_1763, %swap3A_1764] {strides = array<i32>} : memref<2x104x64xf32, #tpu.memory_space<vmem>>, vector<1x1x16xf32>,
        %swap3A_1766 = vector.shape_cast %swap3A_1765 : vector<1x1x16xf32> to vector<16xf32>
        %swap3A_1767 = vector.shape_cast %add3A_1761 : vector<16xf32> to vector<1x1x16xf32>
        tpu.vector_store %arg9[%swap3A_1762, %swap3A_1763, %swap3A_1764], %swap3A_1767 {strides = array<i32>} : memref<2x104x64xf32, #tpu.memory_space<vmem>>, vector<1x1x16xf32>,
        %get3A_1768 = arith.constant 1 : i32
        %get3A_1769 = arith.index_cast %get3A_1768 : i32 to index
        %get3A_1770 = arith.index_cast %add3A_1749 : i32 to index
        %get3A_1771 = arith.constant 16 : index
        %get3A_1772 = tpu.vector_load %arg8[%get3A_1769, %get3A_1770, %get3A_1771] {strides = array<i32>} : memref<4x104x128xf32, #tpu.memory_space<vmem>>, vector<1x1x16xf32>,
        %get3A_1773 = vector.shape_cast %get3A_1772 : vector<1x1x16xf32> to vector<16xf32>
        %add3A_1774 = arith.constant 96 : i32
        %add3A_1775 = arith.addi %add3A_1774, %add3A_1749 : i32
        %get3A_1776 = arith.index_cast %add3A_1775 : i32 to index
        %get3A_1777 = arith.constant 16 : index
        %get3A_1778 = tpu.vector_load %arg7[%get3A_1776, %get3A_1777] {strides = array<i32>} : memref<200x128xf32, #tpu.memory_space<vmem>>, vector<1x16xf32>,
        %get3A_1779 = vector.shape_cast %get3A_1778 : vector<1x16xf32> to vector<16xf32>
        %add3A_1780 = arith.addf %get3A_1773, %get3A_1779 : vector<16xf32>
        %swap3A_1781 = arith.constant 1 : i32
        %swap3A_1782 = arith.index_cast %swap3A_1781 : i32 to index
        %swap3A_1783 = arith.index_cast %add3A_1749 : i32 to index
        %swap3A_1784 = arith.constant 16 : index
        %swap3A_1785 = tpu.vector_load %arg9[%swap3A_1782, %swap3A_1783, %swap3A_1784] {strides = array<i32>} : memref<2x104x64xf32, #tpu.memory_space<vmem>>, vector<1x1x16xf32>,
        %swap3A_1786 = vector.shape_cast %swap3A_1785 : vector<1x1x16xf32> to vector<16xf32>
        %swap3A_1787 = vector.shape_cast %add3A_1780 : vector<16xf32> to vector<1x1x16xf32>
        tpu.vector_store %arg9[%swap3A_1782, %swap3A_1783, %swap3A_1784], %swap3A_1787 {strides = array<i32>} : memref<2x104x64xf32, #tpu.memory_space<vmem>>, vector<1x1x16xf32>,
        %get3A_1788 = arith.constant 1 : i32
        %get3A_1789 = arith.index_cast %get3A_1788 : i32 to index
        %get3A_1790 = arith.index_cast %add3A_1749 : i32 to index
        %get3A_1791 = arith.constant 32 : index
        %get3A_1792 = tpu.vector_load %arg8[%get3A_1789, %get3A_1790, %get3A_1791] {strides = array<i32>} : memref<4x104x128xf32, #tpu.memory_space<vmem>>, vector<1x1x16xf32>,
        %get3A_1793 = vector.shape_cast %get3A_1792 : vector<1x1x16xf32> to vector<16xf32>
        %add3A_1794 = arith.constant 96 : i32
        %add3A_1795 = arith.addi %add3A_1794, %add3A_1749 : i32
        %get3A_1796 = arith.index_cast %add3A_1795 : i32 to index
        %get3A_1797 = arith.constant 32 : index
        %get3A_1798 = tpu.vector_load %arg7[%get3A_1796, %get3A_1797] {strides = array<i32>} : memref<200x128xf32, #tpu.memory_space<vmem>>, vector<1x16xf32>,
        %get3A_1799 = vector.shape_cast %get3A_1798 : vector<1x16xf32> to vector<16xf32>
        %add3A_1800 = arith.addf %get3A_1793, %get3A_1799 : vector<16xf32>
        %swap3A_1801 = arith.constant 1 : i32
        %swap3A_1802 = arith.index_cast %swap3A_1801 : i32 to index
        %swap3A_1803 = arith.index_cast %add3A_1749 : i32 to index
        %swap3A_1804 = arith.constant 32 : index
        %swap3A_1805 = tpu.vector_load %arg9[%swap3A_1802, %swap3A_1803, %swap3A_1804] {strides = array<i32>} : memref<2x104x64xf32, #tpu.memory_space<vmem>>, vector<1x1x16xf32>,
        %swap3A_1806 = vector.shape_cast %swap3A_1805 : vector<1x1x16xf32> to vector<16xf32>
        %swap3A_1807 = vector.shape_cast %add3A_1800 : vector<16xf32> to vector<1x1x16xf32>
        tpu.vector_store %arg9[%swap3A_1802, %swap3A_1803, %swap3A_1804], %swap3A_1807 {strides = array<i32>} : memref<2x104x64xf32, #tpu.memory_space<vmem>>, vector<1x1x16xf32>,
        %get3A_1808 = arith.constant 1 : i32
        %get3A_1809 = arith.index_cast %get3A_1808 : i32 to index
        %get3A_1810 = arith.index_cast %add3A_1749 : i32 to index
        %get3A_1811 = arith.constant 48 : index
        %get3A_1812 = tpu.vector_load %arg8[%get3A_1809, %get3A_1810, %get3A_1811] {strides = array<i32>} : memref<4x104x128xf32, #tpu.memory_space<vmem>>, vector<1x1x16xf32>,
        %get3A_1813 = vector.shape_cast %get3A_1812 : vector<1x1x16xf32> to vector<16xf32>
        %add3A_1814 = arith.constant 96 : i32
        %add3A_1815 = arith.addi %add3A_1814, %add3A_1749 : i32
        %get3A_1816 = arith.index_cast %add3A_1815 : i32 to index
        %get3A_1817 = arith.constant 48 : index
        %get3A_1818 = tpu.vector_load %arg7[%get3A_1816, %get3A_1817] {strides = array<i32>} : memref<200x128xf32, #tpu.memory_space<vmem>>, vector<1x16xf32>,
        %get3A_1819 = vector.shape_cast %get3A_1818 : vector<1x16xf32> to vector<16xf32>
        %add3A_1820 = arith.addf %get3A_1813, %get3A_1819 : vector<16xf32>
        %swap3A_1821 = arith.constant 1 : i32
        %swap3A_1822 = arith.index_cast %swap3A_1821 : i32 to index
        %swap3A_1823 = arith.index_cast %add3A_1749 : i32 to index
        %swap3A_1824 = arith.constant 48 : index
        %swap3A_1825 = tpu.vector_load %arg9[%swap3A_1822, %swap3A_1823, %swap3A_1824] {strides = array<i32>} : memref<2x104x64xf32, #tpu.memory_space<vmem>>, vector<1x1x16xf32>,
        %swap3A_1826 = vector.shape_cast %swap3A_1825 : vector<1x1x16xf32> to vector<16xf32>
        %swap3A_1827 = vector.shape_cast %add3A_1820 : vector<16xf32> to vector<1x1x16xf32>
        tpu.vector_store %arg9[%swap3A_1822, %swap3A_1823, %swap3A_1824], %swap3A_1827 {strides = array<i32>} : memref<2x104x64xf32, #tpu.memory_space<vmem>>, vector<1x1x16xf32>,
        %scan3A_1828 = arith.constant 1 : i32
        %scan3A_1829 = arith.addi %scan3A_1745, %scan3A_1828 : i32
        %mul3A_1830 = arith.constant 1 : i32
        %mul3A_1831 = arith.muli %scan3A_1829, %mul3A_1830 : i32
        %add3A_1832 = arith.constant 0 : i32
        %add3A_1833 = arith.addi %add3A_1832, %mul3A_1831 : i32
        %get3A_1834 = arith.constant 1 : i32
        %get3A_1835 = arith.index_cast %get3A_1834 : i32 to index
        %get3A_1836 = arith.index_cast %add3A_1833 : i32 to index
        %get3A_1837 = arith.constant 0 : index
        %get3A_1838 = tpu.vector_load %arg8[%get3A_1835, %get3A_1836, %get3A_1837] {strides = array<i32>} : memref<4x104x128xf32, #tpu.memory_space<vmem>>, vector<1x1x16xf32>,
        %get3A_1839 = vector.shape_cast %get3A_1838 : vector<1x1x16xf32> to vector<16xf32>
        %add3A_1840 = arith.constant 96 : i32
        %add3A_1841 = arith.addi %add3A_1840, %add3A_1833 : i32
        %get3A_1842 = arith.index_cast %add3A_1841 : i32 to index
        %get3A_1843 = arith.constant 0 : index
        %get3A_1844 = tpu.vector_load %arg7[%get3A_1842, %get3A_1843] {strides = array<i32>} : memref<200x128xf32, #tpu.memory_space<vmem>>, vector<1x16xf32>,
        %get3A_1845 = vector.shape_cast %get3A_1844 : vector<1x16xf32> to vector<16xf32>
        %add3A_1846 = arith.addf %get3A_1839, %get3A_1845 : vector<16xf32>
        %swap3A_1847 = arith.constant 1 : i32
        %swap3A_1848 = arith.index_cast %swap3A_1847 : i32 to index
        %swap3A_1849 = arith.index_cast %add3A_1833 : i32 to index
        %swap3A_1850 = arith.constant 0 : index
        %swap3A_1851 = tpu.vector_load %arg9[%swap3A_1848, %swap3A_1849, %swap3A_1850] {strides = array<i32>} : memref<2x104x64xf32, #tpu.memory_space<vmem>>, vector<1x1x16xf32>,
        %swap3A_1852 = vector.shape_cast %swap3A_1851 : vector<1x1x16xf32> to vector<16xf32>
        %swap3A_1853 = vector.shape_cast %add3A_1846 : vector<16xf32> to vector<1x1x16xf32>
        tpu.vector_store %arg9[%swap3A_1848, %swap3A_1849, %swap3A_1850], %swap3A_1853 {strides = array<i32>} : memref<2x104x64xf32, #tpu.memory_space<vmem>>, vector<1x1x16xf32>,
        %get3A_1854 = arith.constant 1 : i32
        %get3A_1855 = arith.index_cast %get3A_1854 : i32 to index
        %get3A_1856 = arith.index_cast %add3A_1833 : i32 to index
        %get3A_1857 = arith.constant 16 : index
        %get3A_1858 = tpu.vector_load %arg8[%get3A_1855, %get3A_1856, %get3A_1857] {strides = array<i32>} : memref<4x104x128xf32, #tpu.memory_space<vmem>>, vector<1x1x16xf32>,
        %get3A_1859 = vector.shape_cast %get3A_1858 : vector<1x1x16xf32> to vector<16xf32>
        %add3A_1860 = arith.constant 96 : i32
        %add3A_1861 = arith.addi %add3A_1860, %add3A_1833 : i32
        %get3A_1862 = arith.index_cast %add3A_1861 : i32 to index
        %get3A_1863 = arith.constant 16 : index
        %get3A_1864 = tpu.vector_load %arg7[%get3A_1862, %get3A_1863] {strides = array<i32>} : memref<200x128xf32, #tpu.memory_space<vmem>>, vector<1x16xf32>,
        %get3A_1865 = vector.shape_cast %get3A_1864 : vector<1x16xf32> to vector<16xf32>
        %add3A_1866 = arith.addf %get3A_1859, %get3A_1865 : vector<16xf32>
        %swap3A_1867 = arith.constant 1 : i32
        %swap3A_1868 = arith.index_cast %swap3A_1867 : i32 to index
        %swap3A_1869 = arith.index_cast %add3A_1833 : i32 to index
        %swap3A_1870 = arith.constant 16 : index
        %swap3A_1871 = tpu.vector_load %arg9[%swap3A_1868, %swap3A_1869, %swap3A_1870] {strides = array<i32>} : memref<2x104x64xf32, #tpu.memory_space<vmem>>, vector<1x1x16xf32>,
        %swap3A_1872 = vector.shape_cast %swap3A_1871 : vector<1x1x16xf32> to vector<16xf32>
        %swap3A_1873 = vector.shape_cast %add3A_1866 : vector<16xf32> to vector<1x1x16xf32>
        tpu.vector_store %arg9[%swap3A_1868, %swap3A_1869, %swap3A_1870], %swap3A_1873 {strides = array<i32>} : memref<2x104x64xf32, #tpu.memory_space<vmem>>, vector<1x1x16xf32>,
        %get3A_1874 = arith.constant 1 : i32
        %get3A_1875 = arith.index_cast %get3A_1874 : i32 to index
        %get3A_1876 = arith.index_cast %add3A_1833 : i32 to index
        %get3A_1877 = arith.constant 32 : index
        %get3A_1878 = tpu.vector_load %arg8[%get3A_1875, %get3A_1876, %get3A_1877] {strides = array<i32>} : memref<4x104x128xf32, #tpu.memory_space<vmem>>, vector<1x1x16xf32>,
        %get3A_1879 = vector.shape_cast %get3A_1878 : vector<1x1x16xf32> to vector<16xf32>
        %add3A_1880 = arith.constant 96 : i32
        %add3A_1881 = arith.addi %add3A_1880, %add3A_1833 : i32
        %get3A_1882 = arith.index_cast %add3A_1881 : i32 to index
        %get3A_1883 = arith.constant 32 : index
        %get3A_1884 = tpu.vector_load %arg7[%get3A_1882, %get3A_1883] {strides = array<i32>} : memref<200x128xf32, #tpu.memory_space<vmem>>, vector<1x16xf32>,
        %get3A_1885 = vector.shape_cast %get3A_1884 : vector<1x16xf32> to vector<16xf32>
        %add3A_1886 = arith.addf %get3A_1879, %get3A_1885 : vector<16xf32>
        %swap3A_1887 = arith.constant 1 : i32
        %swap3A_1888 = arith.index_cast %swap3A_1887 : i32 to index
        %swap3A_1889 = arith.index_cast %add3A_1833 : i32 to index
        %swap3A_1890 = arith.constant 32 : index
        %swap3A_1891 = tpu.vector_load %arg9[%swap3A_1888, %swap3A_1889, %swap3A_1890] {strides = array<i32>} : memref<2x104x64xf32, #tpu.memory_space<vmem>>, vector<1x1x16xf32>,
        %swap3A_1892 = vector.shape_cast %swap3A_1891 : vector<1x1x16xf32> to vector<16xf32>
        %swap3A_1893 = vector.shape_cast %add3A_1886 : vector<16xf32> to vector<1x1x16xf32>
        tpu.vector_store %arg9[%swap3A_1888, %swap3A_1889, %swap3A_1890], %swap3A_1893 {strides = array<i32>} : memref<2x104x64xf32, #tpu.memory_space<vmem>>, vector<1x1x16xf32>,
        %get3A_1894 = arith.constant 1 : i32
        %get3A_1895 = arith.index_cast %get3A_1894 : i32 to index
        %get3A_1896 = arith.index_cast %add3A_1833 : i32 to index
        %get3A_1897 = arith.constant 48 : index
        %get3A_1898 = tpu.vector_load %arg8[%get3A_1895, %get3A_1896, %get3A_1897] {strides = array<i32>} : memref<4x104x128xf32, #tpu.memory_space<vmem>>, vector<1x1x16xf32>,
        %get3A_1899 = vector.shape_cast %get3A_1898 : vector<1x1x16xf32> to vector<16xf32>
        %add3A_1900 = arith.constant 96 : i32
        %add3A_1901 = arith.addi %add3A_1900, %add3A_1833 : i32
        %get3A_1902 = arith.index_cast %add3A_1901 : i32 to index
        %get3A_1903 = arith.constant 48 : index
        %get3A_1904 = tpu.vector_load %arg7[%get3A_1902, %get3A_1903] {strides = array<i32>} : memref<200x128xf32, #tpu.memory_space<vmem>>, vector<1x16xf32>,
        %get3A_1905 = vector.shape_cast %get3A_1904 : vector<1x16xf32> to vector<16xf32>
        %add3A_1906 = arith.addf %get3A_1899, %get3A_1905 : vector<16xf32>
        %swap3A_1907 = arith.constant 1 : i32
        %swap3A_1908 = arith.index_cast %swap3A_1907 : i32 to index
        %swap3A_1909 = arith.index_cast %add3A_1833 : i32 to index
        %swap3A_1910 = arith.constant 48 : index
        %swap3A_1911 = tpu.vector_load %arg9[%swap3A_1908, %swap3A_1909, %swap3A_1910] {strides = array<i32>} : memref<2x104x64xf32, #tpu.memory_space<vmem>>, vector<1x1x16xf32>,
        %swap3A_1912 = vector.shape_cast %swap3A_1911 : vector<1x1x16xf32> to vector<16xf32>
        %swap3A_1913 = vector.shape_cast %add3A_1906 : vector<16xf32> to vector<1x1x16xf32>
        tpu.vector_store %arg9[%swap3A_1908, %swap3A_1909, %swap3A_1910], %swap3A_1913 {strides = array<i32>} : memref<2x104x64xf32, #tpu.memory_space<vmem>>, vector<1x1x16xf32>,
        %scan3A_1914 = arith.constant 2 : i32
        %scan3A_1915 = arith.addi %scan3A_1745, %scan3A_1914 : i32
        %mul3A_1916 = arith.constant 1 : i32
        %mul3A_1917 = arith.muli %scan3A_1915, %mul3A_1916 : i32
        %add3A_1918 = arith.constant 0 : i32
        %add3A_1919 = arith.addi %add3A_1918, %mul3A_1917 : i32
        %get3A_1920 = arith.constant 1 : i32
        %get3A_1921 = arith.index_cast %get3A_1920 : i32 to index
        %get3A_1922 = arith.index_cast %add3A_1919 : i32 to index
        %get3A_1923 = arith.constant 0 : index
        %get3A_1924 = tpu.vector_load %arg8[%get3A_1921, %get3A_1922, %get3A_1923] {strides = array<i32>} : memref<4x104x128xf32, #tpu.memory_space<vmem>>, vector<1x1x16xf32>,
        %get3A_1925 = vector.shape_cast %get3A_1924 : vector<1x1x16xf32> to vector<16xf32>
        %add3A_1926 = arith.constant 96 : i32
        %add3A_1927 = arith.addi %add3A_1926, %add3A_1919 : i32
        %get3A_1928 = arith.index_cast %add3A_1927 : i32 to index
        %get3A_1929 = arith.constant 0 : index
        %get3A_1930 = tpu.vector_load %arg7[%get3A_1928, %get3A_1929] {strides = array<i32>} : memref<200x128xf32, #tpu.memory_space<vmem>>, vector<1x16xf32>,
        %get3A_1931 = vector.shape_cast %get3A_1930 : vector<1x16xf32> to vector<16xf32>
        %add3A_1932 = arith.addf %get3A_1925, %get3A_1931 : vector<16xf32>
        %swap3A_1933 = arith.constant 1 : i32
        %swap3A_1934 = arith.index_cast %swap3A_1933 : i32 to index
        %swap3A_1935 = arith.index_cast %add3A_1919 : i32 to index
        %swap3A_1936 = arith.constant 0 : index
        %swap3A_1937 = tpu.vector_load %arg9[%swap3A_1934, %swap3A_1935, %swap3A_1936] {strides = array<i32>} : memref<2x104x64xf32, #tpu.memory_space<vmem>>, vector<1x1x16xf32>,
        %swap3A_1938 = vector.shape_cast %swap3A_1937 : vector<1x1x16xf32> to vector<16xf32>
        %swap3A_1939 = vector.shape_cast %add3A_1932 : vector<16xf32> to vector<1x1x16xf32>
        tpu.vector_store %arg9[%swap3A_1934, %swap3A_1935, %swap3A_1936], %swap3A_1939 {strides = array<i32>} : memref<2x104x64xf32, #tpu.memory_space<vmem>>, vector<1x1x16xf32>,
        %get3A_1940 = arith.constant 1 : i32
        %get3A_1941 = arith.index_cast %get3A_1940 : i32 to index
        %get3A_1942 = arith.index_cast %add3A_1919 : i32 to index
        %get3A_1943 = arith.constant 16 : index
        %get3A_1944 = tpu.vector_load %arg8[%get3A_1941, %get3A_1942, %get3A_1943] {strides = array<i32>} : memref<4x104x128xf32, #tpu.memory_space<vmem>>, vector<1x1x16xf32>,
        %get3A_1945 = vector.shape_cast %get3A_1944 : vector<1x1x16xf32> to vector<16xf32>
        %add3A_1946 = arith.constant 96 : i32
        %add3A_1947 = arith.addi %add3A_1946, %add3A_1919 : i32
        %get3A_1948 = arith.index_cast %add3A_1947 : i32 to index
        %get3A_1949 = arith.constant 16 : index
        %get3A_1950 = tpu.vector_load %arg7[%get3A_1948, %get3A_1949] {strides = array<i32>} : memref<200x128xf32, #tpu.memory_space<vmem>>, vector<1x16xf32>,
        %get3A_1951 = vector.shape_cast %get3A_1950 : vector<1x16xf32> to vector<16xf32>
        %add3A_1952 = arith.addf %get3A_1945, %get3A_1951 : vector<16xf32>
        %swap3A_1953 = arith.constant 1 : i32
        %swap3A_1954 = arith.index_cast %swap3A_1953 : i32 to index
        %swap3A_1955 = arith.index_cast %add3A_1919 : i32 to index
        %swap3A_1956 = arith.constant 16 : index
        %swap3A_1957 = tpu.vector_load %arg9[%swap3A_1954, %swap3A_1955, %swap3A_1956] {strides = array<i32>} : memref<2x104x64xf32, #tpu.memory_space<vmem>>, vector<1x1x16xf32>,
        %swap3A_1958 = vector.shape_cast %swap3A_1957 : vector<1x1x16xf32> to vector<16xf32>
        %swap3A_1959 = vector.shape_cast %add3A_1952 : vector<16xf32> to vector<1x1x16xf32>
        tpu.vector_store %arg9[%swap3A_1954, %swap3A_1955, %swap3A_1956], %swap3A_1959 {strides = array<i32>} : memref<2x104x64xf32, #tpu.memory_space<vmem>>, vector<1x1x16xf32>,
        %get3A_1960 = arith.constant 1 : i32
        %get3A_1961 = arith.index_cast %get3A_1960 : i32 to index
        %get3A_1962 = arith.index_cast %add3A_1919 : i32 to index
        %get3A_1963 = arith.constant 32 : index
        %get3A_1964 = tpu.vector_load %arg8[%get3A_1961, %get3A_1962, %get3A_1963] {strides = array<i32>} : memref<4x104x128xf32, #tpu.memory_space<vmem>>, vector<1x1x16xf32>,
        %get3A_1965 = vector.shape_cast %get3A_1964 : vector<1x1x16xf32> to vector<16xf32>
        %add3A_1966 = arith.constant 96 : i32
        %add3A_1967 = arith.addi %add3A_1966, %add3A_1919 : i32
        %get3A_1968 = arith.index_cast %add3A_1967 : i32 to index
        %get3A_1969 = arith.constant 32 : index
        %get3A_1970 = tpu.vector_load %arg7[%get3A_1968, %get3A_1969] {strides = array<i32>} : memref<200x128xf32, #tpu.memory_space<vmem>>, vector<1x16xf32>,
        %get3A_1971 = vector.shape_cast %get3A_1970 : vector<1x16xf32> to vector<16xf32>
        %add3A_1972 = arith.addf %get3A_1965, %get3A_1971 : vector<16xf32>
        %swap3A_1973 = arith.constant 1 : i32
        %swap3A_1974 = arith.index_cast %swap3A_1973 : i32 to index
        %swap3A_1975 = arith.index_cast %add3A_1919 : i32 to index
        %swap3A_1976 = arith.constant 32 : index
        %swap3A_1977 = tpu.vector_load %arg9[%swap3A_1974, %swap3A_1975, %swap3A_1976] {strides = array<i32>} : memref<2x104x64xf32, #tpu.memory_space<vmem>>, vector<1x1x16xf32>,
        %swap3A_1978 = vector.shape_cast %swap3A_1977 : vector<1x1x16xf32> to vector<16xf32>
        %swap3A_1979 = vector.shape_cast %add3A_1972 : vector<16xf32> to vector<1x1x16xf32>
        tpu.vector_store %arg9[%swap3A_1974, %swap3A_1975, %swap3A_1976], %swap3A_1979 {strides = array<i32>} : memref<2x104x64xf32, #tpu.memory_space<vmem>>, vector<1x1x16xf32>,
        %get3A_1980 = arith.constant 1 : i32
        %get3A_1981 = arith.index_cast %get3A_1980 : i32 to index
        %get3A_1982 = arith.index_cast %add3A_1919 : i32 to index
        %get3A_1983 = arith.constant 48 : index
        %get3A_1984 = tpu.vector_load %arg8[%get3A_1981, %get3A_1982, %get3A_1983] {strides = array<i32>} : memref<4x104x128xf32, #tpu.memory_space<vmem>>, vector<1x1x16xf32>,
        %get3A_1985 = vector.shape_cast %get3A_1984 : vector<1x1x16xf32> to vector<16xf32>
        %add3A_1986 = arith.constant 96 : i32
        %add3A_1987 = arith.addi %add3A_1986, %add3A_1919 : i32
        %get3A_1988 = arith.index_cast %add3A_1987 : i32 to index
        %get3A_1989 = arith.constant 48 : index
        %get3A_1990 = tpu.vector_load %arg7[%get3A_1988, %get3A_1989] {strides = array<i32>} : memref<200x128xf32, #tpu.memory_space<vmem>>, vector<1x16xf32>,
        %get3A_1991 = vector.shape_cast %get3A_1990 : vector<1x16xf32> to vector<16xf32>
        %add3A_1992 = arith.addf %get3A_1985, %get3A_1991 : vector<16xf32>
        %swap3A_1993 = arith.constant 1 : i32
        %swap3A_1994 = arith.index_cast %swap3A_1993 : i32 to index
        %swap3A_1995 = arith.index_cast %add3A_1919 : i32 to index
        %swap3A_1996 = arith.constant 48 : index
        %swap3A_1997 = tpu.vector_load %arg9[%swap3A_1994, %swap3A_1995, %swap3A_1996] {strides = array<i32>} : memref<2x104x64xf32, #tpu.memory_space<vmem>>, vector<1x1x16xf32>,
        %swap3A_1998 = vector.shape_cast %swap3A_1997 : vector<1x1x16xf32> to vector<16xf32>
        %swap3A_1999 = vector.shape_cast %add3A_1992 : vector<16xf32> to vector<1x1x16xf32>
        tpu.vector_store %arg9[%swap3A_1994, %swap3A_1995, %swap3A_1996], %swap3A_1999 {strides = array<i32>} : memref<2x104x64xf32, #tpu.memory_space<vmem>>, vector<1x1x16xf32>,
        %scan3A_2000 = arith.constant 3 : i32
        %scan3A_2001 = arith.addi %scan3A_1745, %scan3A_2000 : i32
        %mul3A_2002 = arith.constant 1 : i32
        %mul3A_2003 = arith.muli %scan3A_2001, %mul3A_2002 : i32
        %add3A_2004 = arith.constant 0 : i32
        %add3A_2005 = arith.addi %add3A_2004, %mul3A_2003 : i32
        %get3A_2006 = arith.constant 1 : i32
        %get3A_2007 = arith.index_cast %get3A_2006 : i32 to index
        %get3A_2008 = arith.index_cast %add3A_2005 : i32 to index
        %get3A_2009 = arith.constant 0 : index
        %get3A_2010 = tpu.vector_load %arg8[%get3A_2007, %get3A_2008, %get3A_2009] {strides = array<i32>} : memref<4x104x128xf32, #tpu.memory_space<vmem>>, vector<1x1x16xf32>,
        %get3A_2011 = vector.shape_cast %get3A_2010 : vector<1x1x16xf32> to vector<16xf32>
        %add3A_2012 = arith.constant 96 : i32
        %add3A_2013 = arith.addi %add3A_2012, %add3A_2005 : i32
        %get3A_2014 = arith.index_cast %add3A_2013 : i32 to index
        %get3A_2015 = arith.constant 0 : index
        %get3A_2016 = tpu.vector_load %arg7[%get3A_2014, %get3A_2015] {strides = array<i32>} : memref<200x128xf32, #tpu.memory_space<vmem>>, vector<1x16xf32>,
        %get3A_2017 = vector.shape_cast %get3A_2016 : vector<1x16xf32> to vector<16xf32>
        %add3A_2018 = arith.addf %get3A_2011, %get3A_2017 : vector<16xf32>
        %swap3A_2019 = arith.constant 1 : i32
        %swap3A_2020 = arith.index_cast %swap3A_2019 : i32 to index
        %swap3A_2021 = arith.index_cast %add3A_2005 : i32 to index
        %swap3A_2022 = arith.constant 0 : index
        %swap3A_2023 = tpu.vector_load %arg9[%swap3A_2020, %swap3A_2021, %swap3A_2022] {strides = array<i32>} : memref<2x104x64xf32, #tpu.memory_space<vmem>>, vector<1x1x16xf32>,
        %swap3A_2024 = vector.shape_cast %swap3A_2023 : vector<1x1x16xf32> to vector<16xf32>
        %swap3A_2025 = vector.shape_cast %add3A_2018 : vector<16xf32> to vector<1x1x16xf32>
        tpu.vector_store %arg9[%swap3A_2020, %swap3A_2021, %swap3A_2022], %swap3A_2025 {strides = array<i32>} : memref<2x104x64xf32, #tpu.memory_space<vmem>>, vector<1x1x16xf32>,
        %get3A_2026 = arith.constant 1 : i32
        %get3A_2027 = arith.index_cast %get3A_2026 : i32 to index
        %get3A_2028 = arith.index_cast %add3A_2005 : i32 to index
        %get3A_2029 = arith.constant 16 : index
        %get3A_2030 = tpu.vector_load %arg8[%get3A_2027, %get3A_2028, %get3A_2029] {strides = array<i32>} : memref<4x104x128xf32, #tpu.memory_space<vmem>>, vector<1x1x16xf32>,
        %get3A_2031 = vector.shape_cast %get3A_2030 : vector<1x1x16xf32> to vector<16xf32>
        %add3A_2032 = arith.constant 96 : i32
        %add3A_2033 = arith.addi %add3A_2032, %add3A_2005 : i32
        %get3A_2034 = arith.index_cast %add3A_2033 : i32 to index
        %get3A_2035 = arith.constant 16 : index
        %get3A_2036 = tpu.vector_load %arg7[%get3A_2034, %get3A_2035] {strides = array<i32>} : memref<200x128xf32, #tpu.memory_space<vmem>>, vector<1x16xf32>,
        %get3A_2037 = vector.shape_cast %get3A_2036 : vector<1x16xf32> to vector<16xf32>
        %add3A_2038 = arith.addf %get3A_2031, %get3A_2037 : vector<16xf32>
        %swap3A_2039 = arith.constant 1 : i32
        %swap3A_2040 = arith.index_cast %swap3A_2039 : i32 to index
        %swap3A_2041 = arith.index_cast %add3A_2005 : i32 to index
        %swap3A_2042 = arith.constant 16 : index
        %swap3A_2043 = tpu.vector_load %arg9[%swap3A_2040, %swap3A_2041, %swap3A_2042] {strides = array<i32>} : memref<2x104x64xf32, #tpu.memory_space<vmem>>, vector<1x1x16xf32>,
        %swap3A_2044 = vector.shape_cast %swap3A_2043 : vector<1x1x16xf32> to vector<16xf32>
        %swap3A_2045 = vector.shape_cast %add3A_2038 : vector<16xf32> to vector<1x1x16xf32>
        tpu.vector_store %arg9[%swap3A_2040, %swap3A_2041, %swap3A_2042], %swap3A_2045 {strides = array<i32>} : memref<2x104x64xf32, #tpu.memory_space<vmem>>, vector<1x1x16xf32>,
        %get3A_2046 = arith.constant 1 : i32
        %get3A_2047 = arith.index_cast %get3A_2046 : i32 to index
        %get3A_2048 = arith.index_cast %add3A_2005 : i32 to index
        %get3A_2049 = arith.constant 32 : index
        %get3A_2050 = tpu.vector_load %arg8[%get3A_2047, %get3A_2048, %get3A_2049] {strides = array<i32>} : memref<4x104x128xf32, #tpu.memory_space<vmem>>, vector<1x1x16xf32>,
        %get3A_2051 = vector.shape_cast %get3A_2050 : vector<1x1x16xf32> to vector<16xf32>
        %add3A_2052 = arith.constant 96 : i32
        %add3A_2053 = arith.addi %add3A_2052, %add3A_2005 : i32
        %get3A_2054 = arith.index_cast %add3A_2053 : i32 to index
        %get3A_2055 = arith.constant 32 : index
        %get3A_2056 = tpu.vector_load %arg7[%get3A_2054, %get3A_2055] {strides = array<i32>} : memref<200x128xf32, #tpu.memory_space<vmem>>, vector<1x16xf32>,
        %get3A_2057 = vector.shape_cast %get3A_2056 : vector<1x16xf32> to vector<16xf32>
        %add3A_2058 = arith.addf %get3A_2051, %get3A_2057 : vector<16xf32>
        %swap3A_2059 = arith.constant 1 : i32
        %swap3A_2060 = arith.index_cast %swap3A_2059 : i32 to index
        %swap3A_2061 = arith.index_cast %add3A_2005 : i32 to index
        %swap3A_2062 = arith.constant 32 : index
        %swap3A_2063 = tpu.vector_load %arg9[%swap3A_2060, %swap3A_2061, %swap3A_2062] {strides = array<i32>} : memref<2x104x64xf32, #tpu.memory_space<vmem>>, vector<1x1x16xf32>,
        %swap3A_2064 = vector.shape_cast %swap3A_2063 : vector<1x1x16xf32> to vector<16xf32>
        %swap3A_2065 = vector.shape_cast %add3A_2058 : vector<16xf32> to vector<1x1x16xf32>
        tpu.vector_store %arg9[%swap3A_2060, %swap3A_2061, %swap3A_2062], %swap3A_2065 {strides = array<i32>} : memref<2x104x64xf32, #tpu.memory_space<vmem>>, vector<1x1x16xf32>,
        %get3A_2066 = arith.constant 1 : i32
        %get3A_2067 = arith.index_cast %get3A_2066 : i32 to index
        %get3A_2068 = arith.index_cast %add3A_2005 : i32 to index
        %get3A_2069 = arith.constant 48 : index
        %get3A_2070 = tpu.vector_load %arg8[%get3A_2067, %get3A_2068, %get3A_2069] {strides = array<i32>} : memref<4x104x128xf32, #tpu.memory_space<vmem>>, vector<1x1x16xf32>,
        %get3A_2071 = vector.shape_cast %get3A_2070 : vector<1x1x16xf32> to vector<16xf32>
        %add3A_2072 = arith.constant 96 : i32
        %add3A_2073 = arith.addi %add3A_2072, %add3A_2005 : i32
        %get3A_2074 = arith.index_cast %add3A_2073 : i32 to index
        %get3A_2075 = arith.constant 48 : index
        %get3A_2076 = tpu.vector_load %arg7[%get3A_2074, %get3A_2075] {strides = array<i32>} : memref<200x128xf32, #tpu.memory_space<vmem>>, vector<1x16xf32>,
        %get3A_2077 = vector.shape_cast %get3A_2076 : vector<1x16xf32> to vector<16xf32>
        %add3A_2078 = arith.addf %get3A_2071, %get3A_2077 : vector<16xf32>
        %swap3A_2079 = arith.constant 1 : i32
        %swap3A_2080 = arith.index_cast %swap3A_2079 : i32 to index
        %swap3A_2081 = arith.index_cast %add3A_2005 : i32 to index
        %swap3A_2082 = arith.constant 48 : index
        %swap3A_2083 = tpu.vector_load %arg9[%swap3A_2080, %swap3A_2081, %swap3A_2082] {strides = array<i32>} : memref<2x104x64xf32, #tpu.memory_space<vmem>>, vector<1x1x16xf32>,
        %swap3A_2084 = vector.shape_cast %swap3A_2083 : vector<1x1x16xf32> to vector<16xf32>
        %swap3A_2085 = vector.shape_cast %add3A_2078 : vector<16xf32> to vector<1x1x16xf32>
        tpu.vector_store %arg9[%swap3A_2080, %swap3A_2081, %swap3A_2082], %swap3A_2085 {strides = array<i32>} : memref<2x104x64xf32, #tpu.memory_space<vmem>>, vector<1x1x16xf32>,
      }
      %scan3A_1593 = arith.constant 104 : i32
      %mul3A_1594 = arith.constant 2 : i32
      %mul3A_1595 = arith.muli %add3A_1496, %mul3A_1594 : i32
      %add3A_1596 = arith.addi %mul3A_2, %mul3A_1595 : i32
      %add3A_1597 = arith.constant 0 : i32
      %add3A_1598 = arith.addi %add3A_1596, %add3A_1597 : i32
      %dma_start3A_1599 = arith.constant 1 : i32
      %dma_start3A_1600 = arith.constant 1 : i32
      %dma_start3A_1601 = arith.constant 0 : i32
      %dma_start3A_1602 = arith.constant 0 : i32
      %dma_start3A_1603 = tpu.memref_slice %arg9[%dma_start3A_1599, %dma_start3A_1601, %dma_start3A_1602] : memref<2x104x64xf32, #tpu.memory_space<vmem>> -> memref<1x104x64xf32, #tpu.memory_space<vmem>>
      %dma_start3A_1604 = tpu.memref_squeeze %dma_start3A_1603 : memref<1x104x64xf32, #tpu.memory_space<vmem>> -> memref<104x64xf32, #tpu.memory_space<vmem>>
      %dma_start3A_1605 = arith.constant 96 : i32
      %dma_start3A_1606 = arith.constant 0 : i32
      %dma_start3A_1607 = tpu.memref_slice %arg5[%add3A_1598, %dma_start3A_1605, %dma_start3A_1606] : memref<1024x200x64xf32, #tpu.memory_space<hbm>> -> memref<1x104x64xf32, #tpu.memory_space<hbm>>
      %dma_start3A_1608 = tpu.memref_squeeze %dma_start3A_1607 : memref<1x104x64xf32, #tpu.memory_space<hbm>> -> memref<104x64xf32, #tpu.memory_space<hbm>>
      %dma_start3A_1609 = tpu.memref_slice %arg11[%dma_start3A_1600] : memref<2x!tpu.dma_semaphore, #tpu.memory_space<semaphore_mem>> -> memref<1x!tpu.dma_semaphore, #tpu.memory_space<semaphore_mem>>
      %dma_start3A_1610 = tpu.memref_squeeze %dma_start3A_1609 : memref<1x!tpu.dma_semaphore, #tpu.memory_space<semaphore_mem>> -> memref<!tpu.dma_semaphore, #tpu.memory_space<semaphore_mem>>
      %dma_start3A_1611 = arith.constant 96 : i32
      %dma_start3A_1612 = arith.constant 0 : i32
      %dma_start3A_1613 = tpu.memref_slice %arg5[%add3A_1598, %dma_start3A_1611, %dma_start3A_1612] : memref<1024x200x64xf32, #tpu.memory_space<hbm>> -> memref<1x104x64xf32, #tpu.memory_space<hbm>>
      %dma_start3A_1614 = tpu.memref_squeeze %dma_start3A_1613 : memref<1x104x64xf32, #tpu.memory_space<hbm>> -> memref<104x64xf32, #tpu.memory_space<hbm>>
      %dma_start3A_1615 = arith.constant 0 : i32
      %dma_start3A_1616 = arith.constant 0 : i32
      %dma_start3A_1617 = tpu.memref_slice %arg9[%dma_start3A_1599, %dma_start3A_1615, %dma_start3A_1616] : memref<2x104x64xf32, #tpu.memory_space<vmem>> -> memref<1x104x64xf32, #tpu.memory_space<vmem>>
      %dma_start3A_1618 = tpu.memref_squeeze %dma_start3A_1617 : memref<1x104x64xf32, #tpu.memory_space<vmem>> -> memref<104x64xf32, #tpu.memory_space<vmem>>
      tpu.enqueue_dma source(%dma_start3A_1618 : memref<104x64xf32, #tpu.memory_space<vmem>>) target(%dma_start3A_1614 : memref<104x64xf32, #tpu.memory_space<hbm>>) target_semaphore(%dma_start3A_1610 : memref<!tpu.dma_semaphore, #tpu.memory_space<semaphore_mem>>)
      %mul3A_1619 = arith.constant 4 : i32
      %mul3A_1620 = arith.muli %add3A_1496, %mul3A_1619 : i32
      %add3A_1621 = arith.constant 2 : i32
      %add3A_1622 = arith.addi %mul3A_1620, %add3A_1621 : i32
      %add3A_1623 = arith.constant 3 : i32
      %add3A_1624 = arith.addi %add3A_1622, %add3A_1623 : i32
      %lt3A_1625 = arith.constant 64 : i32
      %lt3A_1626 = arith.cmpi slt, %add3A_1624, %lt3A_1625 : i32
      %convert_element_type3A_1627 = arith.extui %lt3A_1626 : i1 to i32
      %cond3A_1628 = arith.constant 0 : i32
      %cond3A_1629 = arith.cmpi ne, %convert_element_type3A_1627, %cond3A_1628 : i32
      scf.if %cond3A_1629 {
        %mul3A_1745 = arith.constant 2 : i32
        %mul3A_1746 = arith.muli %add3A_1496, %mul3A_1745 : i32
        %add3A_1747 = arith.constant 2 : i32
        %add3A_1748 = arith.addi %mul3A_1746, %add3A_1747 : i32
        %mul3A_1749 = arith.constant 256 : i32
        %mul3A_1750 = arith.muli %add3A_1748, %mul3A_1749 : i32
        %add3A_1751 = arith.constant 96 : i32
        %add3A_1752 = arith.addi %mul3A_1750, %add3A_1751 : i32
        %dma_start3A_1753 = arith.constant 1 : i32
        %dma_start3A_1754 = arith.constant 1 : i32
        %dma_start3A_1755 = arith.constant 0 : i32
        %dma_start3A_1756 = arith.constant 0 : i32
        %dma_start3A_1757 = tpu.memref_slice %arg8[%dma_start3A_1753, %dma_start3A_1755, %dma_start3A_1756] : memref<4x104x128xf32, #tpu.memory_space<vmem>> -> memref<1x104x128xf32, #tpu.memory_space<vmem>>
        %dma_start3A_1758 = tpu.memref_squeeze %dma_start3A_1757 : memref<1x104x128xf32, #tpu.memory_space<vmem>> -> memref<104x128xf32, #tpu.memory_space<vmem>>
        %dma_start3A_1759 = tpu.memref_slice %arg6[%add3A_1752] : memref<8192xi32, #tpu.memory_space<vmem>> -> memref<104xi32, #tpu.memory_space<vmem>>
        %dma_start3A_1760 = arith.constant 0 : i32
        %dma_start3A_1761 = arith.constant 0 : i32
        %dma_start3A_1762 = tpu.memref_slice %arg4[%dma_start3A_1760, %dma_start3A_1761] : memref<1000000x128xf32, #tpu.memory_space<hbm>> -> memref<1000000x128xf32, #tpu.memory_space<hbm>>
        %dma_start3A_1763 = tpu.memref_slice %arg10[%dma_start3A_1754] : memref<4x!tpu.dma_semaphore, #tpu.memory_space<semaphore_mem>> -> memref<1x!tpu.dma_semaphore, #tpu.memory_space<semaphore_mem>>
        %dma_start3A_1764 = tpu.memref_squeeze %dma_start3A_1763 : memref<1x!tpu.dma_semaphore, #tpu.memory_space<semaphore_mem>> -> memref<!tpu.dma_semaphore, #tpu.memory_space<semaphore_mem>>
        tpu.enqueue_indirect_dma source(%dma_start3A_1762 : memref<1000000x128xf32, #tpu.memory_space<hbm>>) target(%dma_start3A_1758 : memref<104x128xf32, #tpu.memory_space<vmem>>) offsets(%dma_start3A_1759 : memref<104xi32, #tpu.memory_space<vmem>>) semaphore(%dma_start3A_1764 : memref<!tpu.dma_semaphore, #tpu.memory_space<semaphore_mem>>)
      } else {
      }
      %dma_wait3A_1630 = arith.constant 2 : i32
      %dma_wait3A_1631 = arith.constant 2 : i32
      %dma_wait3A_1632 = arith.constant 0 : i32
      %dma_wait3A_1633 = arith.constant 0 : i32
      %dma_wait3A_1634 = tpu.memref_slice %arg8[%dma_wait3A_1630, %dma_wait3A_1632, %dma_wait3A_1633] : memref<4x104x128xf32, #tpu.memory_space<vmem>> -> memref<1x96x128xf32, #tpu.memory_space<vmem>>
      %dma_wait3A_1635 = tpu.memref_squeeze %dma_wait3A_1634 : memref<1x96x128xf32, #tpu.memory_space<vmem>> -> memref<96x128xf32, #tpu.memory_space<vmem>>
      %dma_wait3A_1636 = arith.constant 0 : i32
      %dma_wait3A_1637 = tpu.memref_slice %arg6[%dma_wait3A_1636] : memref<8192xi32, #tpu.memory_space<vmem>> -> memref<96xi32, #tpu.memory_space<vmem>>
      %dma_wait3A_1638 = arith.constant 0 : i32
      %dma_wait3A_1639 = arith.constant 0 : i32
      %dma_wait3A_1640 = tpu.memref_slice %arg4[%dma_wait3A_1638, %dma_wait3A_1639] : memref<1000000x128xf32, #tpu.memory_space<hbm>> -> memref<1000000x128xf32, #tpu.memory_space<hbm>>
      %dma_wait3A_1641 = tpu.memref_slice %arg10[%dma_wait3A_1631] : memref<4x!tpu.dma_semaphore, #tpu.memory_space<semaphore_mem>> -> memref<1x!tpu.dma_semaphore, #tpu.memory_space<semaphore_mem>>
      %dma_wait3A_1642 = tpu.memref_squeeze %dma_wait3A_1641 : memref<1x!tpu.dma_semaphore, #tpu.memory_space<semaphore_mem>> -> memref<!tpu.dma_semaphore, #tpu.memory_space<semaphore_mem>>
      tpu.wait_indirect_dma semaphore(%dma_wait3A_1642 : memref<!tpu.dma_semaphore, #tpu.memory_space<semaphore_mem>>) src(%dma_wait3A_1640 : memref<1000000x128xf32, #tpu.memory_space<hbm>>) dst(%dma_wait3A_1635 : memref<96x128xf32, #tpu.memory_space<vmem>>)
      %mul3A_1643 = arith.constant 4 : i32
      %mul3A_1644 = arith.muli %add3A_1496, %mul3A_1643 : i32
      %add3A_1645 = arith.constant 2 : i32
      %add3A_1646 = arith.addi %mul3A_1644, %add3A_1645 : i32
      %ge3A_1647 = arith.constant 2 : i32
      %ge3A_1648 = arith.cmpi sge, %add3A_1646, %ge3A_1647 : i32
      %convert_element_type3A_1649 = arith.extui %ge3A_1648 : i1 to i32
      %cond3A_1650 = arith.constant 0 : i32
      %cond3A_1651 = arith.cmpi ne, %convert_element_type3A_1649, %cond3A_1650 : i32
      scf.if %cond3A_1651 {
        %dma_wait3A_1745 = arith.constant 0 : i32
        %dma_wait3A_1746 = arith.constant 0 : i32
        %dma_wait3A_1747 = arith.constant 0 : i32
        %dma_wait3A_1748 = arith.constant 0 : i32
        %dma_wait3A_1749 = tpu.memref_slice %arg9[%dma_wait3A_1745, %dma_wait3A_1747, %dma_wait3A_1748] : memref<2x104x64xf32, #tpu.memory_space<vmem>> -> memref<1x96x64xf32, #tpu.memory_space<vmem>>
        %dma_wait3A_1750 = tpu.memref_squeeze %dma_wait3A_1749 : memref<1x96x64xf32, #tpu.memory_space<vmem>> -> memref<96x64xf32, #tpu.memory_space<vmem>>
        %dma_wait3A_1751 = arith.constant 0 : i32
        %dma_wait3A_1752 = arith.constant 0 : i32
        %dma_wait3A_1753 = tpu.memref_slice %arg5[%mul3A_2, %dma_wait3A_1751, %dma_wait3A_1752] : memref<1024x200x64xf32, #tpu.memory_space<hbm>> -> memref<1x96x64xf32, #tpu.memory_space<hbm>>
        %dma_wait3A_1754 = tpu.memref_squeeze %dma_wait3A_1753 : memref<1x96x64xf32, #tpu.memory_space<hbm>> -> memref<96x64xf32, #tpu.memory_space<hbm>>
        %dma_wait3A_1755 = tpu.memref_slice %arg11[%dma_wait3A_1746] : memref<2x!tpu.dma_semaphore, #tpu.memory_space<semaphore_mem>> -> memref<1x!tpu.dma_semaphore, #tpu.memory_space<semaphore_mem>>
        %dma_wait3A_1756 = tpu.memref_squeeze %dma_wait3A_1755 : memref<1x!tpu.dma_semaphore, #tpu.memory_space<semaphore_mem>> -> memref<!tpu.dma_semaphore, #tpu.memory_space<semaphore_mem>>
        %dma_wait3A_1757 = arith.constant 0 : i32
        %dma_wait3A_1758 = arith.constant 0 : i32
        %dma_wait3A_1759 = tpu.memref_slice %arg5[%mul3A_2, %dma_wait3A_1757, %dma_wait3A_1758] : memref<1024x200x64xf32, #tpu.memory_space<hbm>> -> memref<1x96x64xf32, #tpu.memory_space<hbm>>
        %dma_wait3A_1760 = tpu.memref_squeeze %dma_wait3A_1759 : memref<1x96x64xf32, #tpu.memory_space<hbm>> -> memref<96x64xf32, #tpu.memory_space<hbm>>
        %dma_wait3A_1761 = arith.constant 0 : i32
        %dma_wait3A_1762 = arith.constant 0 : i32
        %dma_wait3A_1763 = tpu.memref_slice %arg9[%dma_wait3A_1745, %dma_wait3A_1761, %dma_wait3A_1762] : memref<2x104x64xf32, #tpu.memory_space<vmem>> -> memref<1x96x64xf32, #tpu.memory_space<vmem>>
        %dma_wait3A_1764 = tpu.memref_squeeze %dma_wait3A_1763 : memref<1x96x64xf32, #tpu.memory_space<vmem>> -> memref<96x64xf32, #tpu.memory_space<vmem>>
        tpu.wait_dma2 semaphore(%dma_wait3A_1756 : memref<!tpu.dma_semaphore, #tpu.memory_space<semaphore_mem>>) src(%dma_wait3A_1764 : memref<96x64xf32, #tpu.memory_space<vmem>>) dst(%dma_wait3A_1760 : memref<96x64xf32, #tpu.memory_space<hbm>>)
      } else {
      }
      %scan3A_1652 = arith.constant 0 : i32
      %scan3A_1653 = arith.constant 96 : i32
      %scan3A_1654 = arith.addi %scan3A_1652, %scan3A_1653 : i32
      %scan3A_1655 = arith.constant 4 : i32
      scf.for %scan3A_1745 = %scan3A_1652 to %scan3A_1654 step %scan3A_1655  : i32 {
        %mul3A_1746 = arith.constant 1 : i32
        %mul3A_1747 = arith.muli %scan3A_1745, %mul3A_1746 : i32
        %add3A_1748 = arith.constant 0 : i32
        %add3A_1749 = arith.addi %add3A_1748, %mul3A_1747 : i32
        %get3A = arith.constant 2 : i32
        %get3A_1750 = arith.index_cast %get3A : i32 to index
        %get3A_1751 = arith.index_cast %add3A_1749 : i32 to index
        %get3A_1752 = arith.constant 0 : index
        %get3A_1753 = tpu.vector_load %arg8[%get3A_1750, %get3A_1751, %get3A_1752] {strides = array<i32>} : memref<4x104x128xf32, #tpu.memory_space<vmem>>, vector<1x1x16xf32>,
        %get3A_1754 = vector.shape_cast %get3A_1753 : vector<1x1x16xf32> to vector<16xf32>
        %add3A_1755 = arith.constant 0 : i32
        %add3A_1756 = arith.addi %add3A_1755, %add3A_1749 : i32
        %get3A_1757 = arith.index_cast %add3A_1756 : i32 to index
        %get3A_1758 = arith.constant 0 : index
        %get3A_1759 = tpu.vector_load %arg7[%get3A_1757, %get3A_1758] {strides = array<i32>} : memref<200x128xf32, #tpu.memory_space<vmem>>, vector<1x16xf32>,
        %get3A_1760 = vector.shape_cast %get3A_1759 : vector<1x16xf32> to vector<16xf32>
        %add3A_1761 = arith.addf %get3A_1754, %get3A_1760 : vector<16xf32>
        %swap3A = arith.constant 0 : i32
        %swap3A_1762 = arith.index_cast %swap3A : i32 to index
        %swap3A_1763 = arith.index_cast %add3A_1749 : i32 to index
        %swap3A_1764 = arith.constant 0 : index
        %swap3A_1765 = tpu.vector_load %arg9[%swap3A_1762, %swap3A_1763, %swap3A_1764] {strides = array<i32>} : memref<2x104x64xf32, #tpu.memory_space<vmem>>, vector<1x1x16xf32>,
        %swap3A_1766 = vector.shape_cast %swap3A_1765 : vector<1x1x16xf32> to vector<16xf32>
        %swap3A_1767 = vector.shape_cast %add3A_1761 : vector<16xf32> to vector<1x1x16xf32>
        tpu.vector_store %arg9[%swap3A_1762, %swap3A_1763, %swap3A_1764], %swap3A_1767 {strides = array<i32>} : memref<2x104x64xf32, #tpu.memory_space<vmem>>, vector<1x1x16xf32>,
        %get3A_1768 = arith.constant 2 : i32
        %get3A_1769 = arith.index_cast %get3A_1768 : i32 to index
        %get3A_1770 = arith.index_cast %add3A_1749 : i32 to index
        %get3A_1771 = arith.constant 16 : index
        %get3A_1772 = tpu.vector_load %arg8[%get3A_1769, %get3A_1770, %get3A_1771] {strides = array<i32>} : memref<4x104x128xf32, #tpu.memory_space<vmem>>, vector<1x1x16xf32>,
        %get3A_1773 = vector.shape_cast %get3A_1772 : vector<1x1x16xf32> to vector<16xf32>
        %add3A_1774 = arith.constant 0 : i32
        %add3A_1775 = arith.addi %add3A_1774, %add3A_1749 : i32
        %get3A_1776 = arith.index_cast %add3A_1775 : i32 to index
        %get3A_1777 = arith.constant 16 : index
        %get3A_1778 = tpu.vector_load %arg7[%get3A_1776, %get3A_1777] {strides = array<i32>} : memref<200x128xf32, #tpu.memory_space<vmem>>, vector<1x16xf32>,
        %get3A_1779 = vector.shape_cast %get3A_1778 : vector<1x16xf32> to vector<16xf32>
        %add3A_1780 = arith.addf %get3A_1773, %get3A_1779 : vector<16xf32>
        %swap3A_1781 = arith.constant 0 : i32
        %swap3A_1782 = arith.index_cast %swap3A_1781 : i32 to index
        %swap3A_1783 = arith.index_cast %add3A_1749 : i32 to index
        %swap3A_1784 = arith.constant 16 : index
        %swap3A_1785 = tpu.vector_load %arg9[%swap3A_1782, %swap3A_1783, %swap3A_1784] {strides = array<i32>} : memref<2x104x64xf32, #tpu.memory_space<vmem>>, vector<1x1x16xf32>,
        %swap3A_1786 = vector.shape_cast %swap3A_1785 : vector<1x1x16xf32> to vector<16xf32>
        %swap3A_1787 = vector.shape_cast %add3A_1780 : vector<16xf32> to vector<1x1x16xf32>
        tpu.vector_store %arg9[%swap3A_1782, %swap3A_1783, %swap3A_1784], %swap3A_1787 {strides = array<i32>} : memref<2x104x64xf32, #tpu.memory_space<vmem>>, vector<1x1x16xf32>,
        %get3A_1788 = arith.constant 2 : i32
        %get3A_1789 = arith.index_cast %get3A_1788 : i32 to index
        %get3A_1790 = arith.index_cast %add3A_1749 : i32 to index
        %get3A_1791 = arith.constant 32 : index
        %get3A_1792 = tpu.vector_load %arg8[%get3A_1789, %get3A_1790, %get3A_1791] {strides = array<i32>} : memref<4x104x128xf32, #tpu.memory_space<vmem>>, vector<1x1x16xf32>,
        %get3A_1793 = vector.shape_cast %get3A_1792 : vector<1x1x16xf32> to vector<16xf32>
        %add3A_1794 = arith.constant 0 : i32
        %add3A_1795 = arith.addi %add3A_1794, %add3A_1749 : i32
        %get3A_1796 = arith.index_cast %add3A_1795 : i32 to index
        %get3A_1797 = arith.constant 32 : index
        %get3A_1798 = tpu.vector_load %arg7[%get3A_1796, %get3A_1797] {strides = array<i32>} : memref<200x128xf32, #tpu.memory_space<vmem>>, vector<1x16xf32>,
        %get3A_1799 = vector.shape_cast %get3A_1798 : vector<1x16xf32> to vector<16xf32>
        %add3A_1800 = arith.addf %get3A_1793, %get3A_1799 : vector<16xf32>
        %swap3A_1801 = arith.constant 0 : i32
        %swap3A_1802 = arith.index_cast %swap3A_1801 : i32 to index
        %swap3A_1803 = arith.index_cast %add3A_1749 : i32 to index
        %swap3A_1804 = arith.constant 32 : index
        %swap3A_1805 = tpu.vector_load %arg9[%swap3A_1802, %swap3A_1803, %swap3A_1804] {strides = array<i32>} : memref<2x104x64xf32, #tpu.memory_space<vmem>>, vector<1x1x16xf32>,
        %swap3A_1806 = vector.shape_cast %swap3A_1805 : vector<1x1x16xf32> to vector<16xf32>
        %swap3A_1807 = vector.shape_cast %add3A_1800 : vector<16xf32> to vector<1x1x16xf32>
        tpu.vector_store %arg9[%swap3A_1802, %swap3A_1803, %swap3A_1804], %swap3A_1807 {strides = array<i32>} : memref<2x104x64xf32, #tpu.memory_space<vmem>>, vector<1x1x16xf32>,
        %get3A_1808 = arith.constant 2 : i32
        %get3A_1809 = arith.index_cast %get3A_1808 : i32 to index
        %get3A_1810 = arith.index_cast %add3A_1749 : i32 to index
        %get3A_1811 = arith.constant 48 : index
        %get3A_1812 = tpu.vector_load %arg8[%get3A_1809, %get3A_1810, %get3A_1811] {strides = array<i32>} : memref<4x104x128xf32, #tpu.memory_space<vmem>>, vector<1x1x16xf32>,
        %get3A_1813 = vector.shape_cast %get3A_1812 : vector<1x1x16xf32> to vector<16xf32>
        %add3A_1814 = arith.constant 0 : i32
        %add3A_1815 = arith.addi %add3A_1814, %add3A_1749 : i32
        %get3A_1816 = arith.index_cast %add3A_1815 : i32 to index
        %get3A_1817 = arith.constant 48 : index
        %get3A_1818 = tpu.vector_load %arg7[%get3A_1816, %get3A_1817] {strides = array<i32>} : memref<200x128xf32, #tpu.memory_space<vmem>>, vector<1x16xf32>,
        %get3A_1819 = vector.shape_cast %get3A_1818 : vector<1x16xf32> to vector<16xf32>
        %add3A_1820 = arith.addf %get3A_1813, %get3A_1819 : vector<16xf32>
        %swap3A_1821 = arith.constant 0 : i32
        %swap3A_1822 = arith.index_cast %swap3A_1821 : i32 to index
        %swap3A_1823 = arith.index_cast %add3A_1749 : i32 to index
        %swap3A_1824 = arith.constant 48 : index
        %swap3A_1825 = tpu.vector_load %arg9[%swap3A_1822, %swap3A_1823, %swap3A_1824] {strides = array<i32>} : memref<2x104x64xf32, #tpu.memory_space<vmem>>, vector<1x1x16xf32>,
        %swap3A_1826 = vector.shape_cast %swap3A_1825 : vector<1x1x16xf32> to vector<16xf32>
        %swap3A_1827 = vector.shape_cast %add3A_1820 : vector<16xf32> to vector<1x1x16xf32>
        tpu.vector_store %arg9[%swap3A_1822, %swap3A_1823, %swap3A_1824], %swap3A_1827 {strides = array<i32>} : memref<2x104x64xf32, #tpu.memory_space<vmem>>, vector<1x1x16xf32>,
        %scan3A_1828 = arith.constant 1 : i32
        %scan3A_1829 = arith.addi %scan3A_1745, %scan3A_1828 : i32
        %mul3A_1830 = arith.constant 1 : i32
        %mul3A_1831 = arith.muli %scan3A_1829, %mul3A_1830 : i32
        %add3A_1832 = arith.constant 0 : i32
        %add3A_1833 = arith.addi %add3A_1832, %mul3A_1831 : i32
        %get3A_1834 = arith.constant 2 : i32
        %get3A_1835 = arith.index_cast %get3A_1834 : i32 to index
        %get3A_1836 = arith.index_cast %add3A_1833 : i32 to index
        %get3A_1837 = arith.constant 0 : index
        %get3A_1838 = tpu.vector_load %arg8[%get3A_1835, %get3A_1836, %get3A_1837] {strides = array<i32>} : memref<4x104x128xf32, #tpu.memory_space<vmem>>, vector<1x1x16xf32>,
        %get3A_1839 = vector.shape_cast %get3A_1838 : vector<1x1x16xf32> to vector<16xf32>
        %add3A_1840 = arith.constant 0 : i32
        %add3A_1841 = arith.addi %add3A_1840, %add3A_1833 : i32
        %get3A_1842 = arith.index_cast %add3A_1841 : i32 to index
        %get3A_1843 = arith.constant 0 : index
        %get3A_1844 = tpu.vector_load %arg7[%get3A_1842, %get3A_1843] {strides = array<i32>} : memref<200x128xf32, #tpu.memory_space<vmem>>, vector<1x16xf32>,
        %get3A_1845 = vector.shape_cast %get3A_1844 : vector<1x16xf32> to vector<16xf32>
        %add3A_1846 = arith.addf %get3A_1839, %get3A_1845 : vector<16xf32>
        %swap3A_1847 = arith.constant 0 : i32
        %swap3A_1848 = arith.index_cast %swap3A_1847 : i32 to index
        %swap3A_1849 = arith.index_cast %add3A_1833 : i32 to index
        %swap3A_1850 = arith.constant 0 : index
        %swap3A_1851 = tpu.vector_load %arg9[%swap3A_1848, %swap3A_1849, %swap3A_1850] {strides = array<i32>} : memref<2x104x64xf32, #tpu.memory_space<vmem>>, vector<1x1x16xf32>,
        %swap3A_1852 = vector.shape_cast %swap3A_1851 : vector<1x1x16xf32> to vector<16xf32>
        %swap3A_1853 = vector.shape_cast %add3A_1846 : vector<16xf32> to vector<1x1x16xf32>
        tpu.vector_store %arg9[%swap3A_1848, %swap3A_1849, %swap3A_1850], %swap3A_1853 {strides = array<i32>} : memref<2x104x64xf32, #tpu.memory_space<vmem>>, vector<1x1x16xf32>,
        %get3A_1854 = arith.constant 2 : i32
        %get3A_1855 = arith.index_cast %get3A_1854 : i32 to index
        %get3A_1856 = arith.index_cast %add3A_1833 : i32 to index
        %get3A_1857 = arith.constant 16 : index
        %get3A_1858 = tpu.vector_load %arg8[%get3A_1855, %get3A_1856, %get3A_1857] {strides = array<i32>} : memref<4x104x128xf32, #tpu.memory_space<vmem>>, vector<1x1x16xf32>,
        %get3A_1859 = vector.shape_cast %get3A_1858 : vector<1x1x16xf32> to vector<16xf32>
        %add3A_1860 = arith.constant 0 : i32
        %add3A_1861 = arith.addi %add3A_1860, %add3A_1833 : i32
        %get3A_1862 = arith.index_cast %add3A_1861 : i32 to index
        %get3A_1863 = arith.constant 16 : index
        %get3A_1864 = tpu.vector_load %arg7[%get3A_1862, %get3A_1863] {strides = array<i32>} : memref<200x128xf32, #tpu.memory_space<vmem>>, vector<1x16xf32>,
        %get3A_1865 = vector.shape_cast %get3A_1864 : vector<1x16xf32> to vector<16xf32>
        %add3A_1866 = arith.addf %get3A_1859, %get3A_1865 : vector<16xf32>
        %swap3A_1867 = arith.constant 0 : i32
        %swap3A_1868 = arith.index_cast %swap3A_1867 : i32 to index
        %swap3A_1869 = arith.index_cast %add3A_1833 : i32 to index
        %swap3A_1870 = arith.constant 16 : index
        %swap3A_1871 = tpu.vector_load %arg9[%swap3A_1868, %swap3A_1869, %swap3A_1870] {strides = array<i32>} : memref<2x104x64xf32, #tpu.memory_space<vmem>>, vector<1x1x16xf32>,
        %swap3A_1872 = vector.shape_cast %swap3A_1871 : vector<1x1x16xf32> to vector<16xf32>
        %swap3A_1873 = vector.shape_cast %add3A_1866 : vector<16xf32> to vector<1x1x16xf32>
        tpu.vector_store %arg9[%swap3A_1868, %swap3A_1869, %swap3A_1870], %swap3A_1873 {strides = array<i32>} : memref<2x104x64xf32, #tpu.memory_space<vmem>>, vector<1x1x16xf32>,
        %get3A_1874 = arith.constant 2 : i32
        %get3A_1875 = arith.index_cast %get3A_1874 : i32 to index
        %get3A_1876 = arith.index_cast %add3A_1833 : i32 to index
        %get3A_1877 = arith.constant 32 : index
        %get3A_1878 = tpu.vector_load %arg8[%get3A_1875, %get3A_1876, %get3A_1877] {strides = array<i32>} : memref<4x104x128xf32, #tpu.memory_space<vmem>>, vector<1x1x16xf32>,
        %get3A_1879 = vector.shape_cast %get3A_1878 : vector<1x1x16xf32> to vector<16xf32>
        %add3A_1880 = arith.constant 0 : i32
        %add3A_1881 = arith.addi %add3A_1880, %add3A_1833 : i32
        %get3A_1882 = arith.index_cast %add3A_1881 : i32 to index
        %get3A_1883 = arith.constant 32 : index
        %get3A_1884 = tpu.vector_load %arg7[%get3A_1882, %get3A_1883] {strides = array<i32>} : memref<200x128xf32, #tpu.memory_space<vmem>>, vector<1x16xf32>,
        %get3A_1885 = vector.shape_cast %get3A_1884 : vector<1x16xf32> to vector<16xf32>
        %add3A_1886 = arith.addf %get3A_1879, %get3A_1885 : vector<16xf32>
        %swap3A_1887 = arith.constant 0 : i32
        %swap3A_1888 = arith.index_cast %swap3A_1887 : i32 to index
        %swap3A_1889 = arith.index_cast %add3A_1833 : i32 to index
        %swap3A_1890 = arith.constant 32 : index
        %swap3A_1891 = tpu.vector_load %arg9[%swap3A_1888, %swap3A_1889, %swap3A_1890] {strides = array<i32>} : memref<2x104x64xf32, #tpu.memory_space<vmem>>, vector<1x1x16xf32>,
        %swap3A_1892 = vector.shape_cast %swap3A_1891 : vector<1x1x16xf32> to vector<16xf32>
        %swap3A_1893 = vector.shape_cast %add3A_1886 : vector<16xf32> to vector<1x1x16xf32>
        tpu.vector_store %arg9[%swap3A_1888, %swap3A_1889, %swap3A_1890], %swap3A_1893 {strides = array<i32>} : memref<2x104x64xf32, #tpu.memory_space<vmem>>, vector<1x1x16xf32>,
        %get3A_1894 = arith.constant 2 : i32
        %get3A_1895 = arith.index_cast %get3A_1894 : i32 to index
        %get3A_1896 = arith.index_cast %add3A_1833 : i32 to index
        %get3A_1897 = arith.constant 48 : index
        %get3A_1898 = tpu.vector_load %arg8[%get3A_1895, %get3A_1896, %get3A_1897] {strides = array<i32>} : memref<4x104x128xf32, #tpu.memory_space<vmem>>, vector<1x1x16xf32>,
        %get3A_1899 = vector.shape_cast %get3A_1898 : vector<1x1x16xf32> to vector<16xf32>
        %add3A_1900 = arith.constant 0 : i32
        %add3A_1901 = arith.addi %add3A_1900, %add3A_1833 : i32
        %get3A_1902 = arith.index_cast %add3A_1901 : i32 to index
        %get3A_1903 = arith.constant 48 : index
        %get3A_1904 = tpu.vector_load %arg7[%get3A_1902, %get3A_1903] {strides = array<i32>} : memref<200x128xf32, #tpu.memory_space<vmem>>, vector<1x16xf32>,
        %get3A_1905 = vector.shape_cast %get3A_1904 : vector<1x16xf32> to vector<16xf32>
        %add3A_1906 = arith.addf %get3A_1899, %get3A_1905 : vector<16xf32>
        %swap3A_1907 = arith.constant 0 : i32
        %swap3A_1908 = arith.index_cast %swap3A_1907 : i32 to index
        %swap3A_1909 = arith.index_cast %add3A_1833 : i32 to index
        %swap3A_1910 = arith.constant 48 : index
        %swap3A_1911 = tpu.vector_load %arg9[%swap3A_1908, %swap3A_1909, %swap3A_1910] {strides = array<i32>} : memref<2x104x64xf32, #tpu.memory_space<vmem>>, vector<1x1x16xf32>,
        %swap3A_1912 = vector.shape_cast %swap3A_1911 : vector<1x1x16xf32> to vector<16xf32>
        %swap3A_1913 = vector.shape_cast %add3A_1906 : vector<16xf32> to vector<1x1x16xf32>
        tpu.vector_store %arg9[%swap3A_1908, %swap3A_1909, %swap3A_1910], %swap3A_1913 {strides = array<i32>} : memref<2x104x64xf32, #tpu.memory_space<vmem>>, vector<1x1x16xf32>,
        %scan3A_1914 = arith.constant 2 : i32
        %scan3A_1915 = arith.addi %scan3A_1745, %scan3A_1914 : i32
        %mul3A_1916 = arith.constant 1 : i32
        %mul3A_1917 = arith.muli %scan3A_1915, %mul3A_1916 : i32
        %add3A_1918 = arith.constant 0 : i32
        %add3A_1919 = arith.addi %add3A_1918, %mul3A_1917 : i32
        %get3A_1920 = arith.constant 2 : i32
        %get3A_1921 = arith.index_cast %get3A_1920 : i32 to index
        %get3A_1922 = arith.index_cast %add3A_1919 : i32 to index
        %get3A_1923 = arith.constant 0 : index
        %get3A_1924 = tpu.vector_load %arg8[%get3A_1921, %get3A_1922, %get3A_1923] {strides = array<i32>} : memref<4x104x128xf32, #tpu.memory_space<vmem>>, vector<1x1x16xf32>,
        %get3A_1925 = vector.shape_cast %get3A_1924 : vector<1x1x16xf32> to vector<16xf32>
        %add3A_1926 = arith.constant 0 : i32
        %add3A_1927 = arith.addi %add3A_1926, %add3A_1919 : i32
        %get3A_1928 = arith.index_cast %add3A_1927 : i32 to index
        %get3A_1929 = arith.constant 0 : index
        %get3A_1930 = tpu.vector_load %arg7[%get3A_1928, %get3A_1929] {strides = array<i32>} : memref<200x128xf32, #tpu.memory_space<vmem>>, vector<1x16xf32>,
        %get3A_1931 = vector.shape_cast %get3A_1930 : vector<1x16xf32> to vector<16xf32>
        %add3A_1932 = arith.addf %get3A_1925, %get3A_1931 : vector<16xf32>
        %swap3A_1933 = arith.constant 0 : i32
        %swap3A_1934 = arith.index_cast %swap3A_1933 : i32 to index
        %swap3A_1935 = arith.index_cast %add3A_1919 : i32 to index
        %swap3A_1936 = arith.constant 0 : index
        %swap3A_1937 = tpu.vector_load %arg9[%swap3A_1934, %swap3A_1935, %swap3A_1936] {strides = array<i32>} : memref<2x104x64xf32, #tpu.memory_space<vmem>>, vector<1x1x16xf32>,
        %swap3A_1938 = vector.shape_cast %swap3A_1937 : vector<1x1x16xf32> to vector<16xf32>
        %swap3A_1939 = vector.shape_cast %add3A_1932 : vector<16xf32> to vector<1x1x16xf32>
        tpu.vector_store %arg9[%swap3A_1934, %swap3A_1935, %swap3A_1936], %swap3A_1939 {strides = array<i32>} : memref<2x104x64xf32, #tpu.memory_space<vmem>>, vector<1x1x16xf32>,
        %get3A_1940 = arith.constant 2 : i32
        %get3A_1941 = arith.index_cast %get3A_1940 : i32 to index
        %get3A_1942 = arith.index_cast %add3A_1919 : i32 to index
        %get3A_1943 = arith.constant 16 : index
        %get3A_1944 = tpu.vector_load %arg8[%get3A_1941, %get3A_1942, %get3A_1943] {strides = array<i32>} : memref<4x104x128xf32, #tpu.memory_space<vmem>>, vector<1x1x16xf32>,
        %get3A_1945 = vector.shape_cast %get3A_1944 : vector<1x1x16xf32> to vector<16xf32>
        %add3A_1946 = arith.constant 0 : i32
        %add3A_1947 = arith.addi %add3A_1946, %add3A_1919 : i32
        %get3A_1948 = arith.index_cast %add3A_1947 : i32 to index
        %get3A_1949 = arith.constant 16 : index
        %get3A_1950 = tpu.vector_load %arg7[%get3A_1948, %get3A_1949] {strides = array<i32>} : memref<200x128xf32, #tpu.memory_space<vmem>>, vector<1x16xf32>,
        %get3A_1951 = vector.shape_cast %get3A_1950 : vector<1x16xf32> to vector<16xf32>
        %add3A_1952 = arith.addf %get3A_1945, %get3A_1951 : vector<16xf32>
        %swap3A_1953 = arith.constant 0 : i32
        %swap3A_1954 = arith.index_cast %swap3A_1953 : i32 to index
        %swap3A_1955 = arith.index_cast %add3A_1919 : i32 to index
        %swap3A_1956 = arith.constant 16 : index
        %swap3A_1957 = tpu.vector_load %arg9[%swap3A_1954, %swap3A_1955, %swap3A_1956] {strides = array<i32>} : memref<2x104x64xf32, #tpu.memory_space<vmem>>, vector<1x1x16xf32>,
        %swap3A_1958 = vector.shape_cast %swap3A_1957 : vector<1x1x16xf32> to vector<16xf32>
        %swap3A_1959 = vector.shape_cast %add3A_1952 : vector<16xf32> to vector<1x1x16xf32>
        tpu.vector_store %arg9[%swap3A_1954, %swap3A_1955, %swap3A_1956], %swap3A_1959 {strides = array<i32>} : memref<2x104x64xf32, #tpu.memory_space<vmem>>, vector<1x1x16xf32>,
        %get3A_1960 = arith.constant 2 : i32
        %get3A_1961 = arith.index_cast %get3A_1960 : i32 to index
        %get3A_1962 = arith.index_cast %add3A_1919 : i32 to index
        %get3A_1963 = arith.constant 32 : index
        %get3A_1964 = tpu.vector_load %arg8[%get3A_1961, %get3A_1962, %get3A_1963] {strides = array<i32>} : memref<4x104x128xf32, #tpu.memory_space<vmem>>, vector<1x1x16xf32>,
        %get3A_1965 = vector.shape_cast %get3A_1964 : vector<1x1x16xf32> to vector<16xf32>
        %add3A_1966 = arith.constant 0 : i32
        %add3A_1967 = arith.addi %add3A_1966, %add3A_1919 : i32
        %get3A_1968 = arith.index_cast %add3A_1967 : i32 to index
        %get3A_1969 = arith.constant 32 : index
        %get3A_1970 = tpu.vector_load %arg7[%get3A_1968, %get3A_1969] {strides = array<i32>} : memref<200x128xf32, #tpu.memory_space<vmem>>, vector<1x16xf32>,
        %get3A_1971 = vector.shape_cast %get3A_1970 : vector<1x16xf32> to vector<16xf32>
        %add3A_1972 = arith.addf %get3A_1965, %get3A_1971 : vector<16xf32>
        %swap3A_1973 = arith.constant 0 : i32
        %swap3A_1974 = arith.index_cast %swap3A_1973 : i32 to index
        %swap3A_1975 = arith.index_cast %add3A_1919 : i32 to index
        %swap3A_1976 = arith.constant 32 : index
        %swap3A_1977 = tpu.vector_load %arg9[%swap3A_1974, %swap3A_1975, %swap3A_1976] {strides = array<i32>} : memref<2x104x64xf32, #tpu.memory_space<vmem>>, vector<1x1x16xf32>,
        %swap3A_1978 = vector.shape_cast %swap3A_1977 : vector<1x1x16xf32> to vector<16xf32>
        %swap3A_1979 = vector.shape_cast %add3A_1972 : vector<16xf32> to vector<1x1x16xf32>
        tpu.vector_store %arg9[%swap3A_1974, %swap3A_1975, %swap3A_1976], %swap3A_1979 {strides = array<i32>} : memref<2x104x64xf32, #tpu.memory_space<vmem>>, vector<1x1x16xf32>,
        %get3A_1980 = arith.constant 2 : i32
        %get3A_1981 = arith.index_cast %get3A_1980 : i32 to index
        %get3A_1982 = arith.index_cast %add3A_1919 : i32 to index
        %get3A_1983 = arith.constant 48 : index
        %get3A_1984 = tpu.vector_load %arg8[%get3A_1981, %get3A_1982, %get3A_1983] {strides = array<i32>} : memref<4x104x128xf32, #tpu.memory_space<vmem>>, vector<1x1x16xf32>,
        %get3A_1985 = vector.shape_cast %get3A_1984 : vector<1x1x16xf32> to vector<16xf32>
        %add3A_1986 = arith.constant 0 : i32
        %add3A_1987 = arith.addi %add3A_1986, %add3A_1919 : i32
        %get3A_1988 = arith.index_cast %add3A_1987 : i32 to index
        %get3A_1989 = arith.constant 48 : index
        %get3A_1990 = tpu.vector_load %arg7[%get3A_1988, %get3A_1989] {strides = array<i32>} : memref<200x128xf32, #tpu.memory_space<vmem>>, vector<1x16xf32>,
        %get3A_1991 = vector.shape_cast %get3A_1990 : vector<1x16xf32> to vector<16xf32>
        %add3A_1992 = arith.addf %get3A_1985, %get3A_1991 : vector<16xf32>
        %swap3A_1993 = arith.constant 0 : i32
        %swap3A_1994 = arith.index_cast %swap3A_1993 : i32 to index
        %swap3A_1995 = arith.index_cast %add3A_1919 : i32 to index
        %swap3A_1996 = arith.constant 48 : index
        %swap3A_1997 = tpu.vector_load %arg9[%swap3A_1994, %swap3A_1995, %swap3A_1996] {strides = array<i32>} : memref<2x104x64xf32, #tpu.memory_space<vmem>>, vector<1x1x16xf32>,
        %swap3A_1998 = vector.shape_cast %swap3A_1997 : vector<1x1x16xf32> to vector<16xf32>
        %swap3A_1999 = vector.shape_cast %add3A_1992 : vector<16xf32> to vector<1x1x16xf32>
        tpu.vector_store %arg9[%swap3A_1994, %swap3A_1995, %swap3A_1996], %swap3A_1999 {strides = array<i32>} : memref<2x104x64xf32, #tpu.memory_space<vmem>>, vector<1x1x16xf32>,
        %scan3A_2000 = arith.constant 3 : i32
        %scan3A_2001 = arith.addi %scan3A_1745, %scan3A_2000 : i32
        %mul3A_2002 = arith.constant 1 : i32
        %mul3A_2003 = arith.muli %scan3A_2001, %mul3A_2002 : i32
        %add3A_2004 = arith.constant 0 : i32
        %add3A_2005 = arith.addi %add3A_2004, %mul3A_2003 : i32
        %get3A_2006 = arith.constant 2 : i32
        %get3A_2007 = arith.index_cast %get3A_2006 : i32 to index
        %get3A_2008 = arith.index_cast %add3A_2005 : i32 to index
        %get3A_2009 = arith.constant 0 : index
        %get3A_2010 = tpu.vector_load %arg8[%get3A_2007, %get3A_2008, %get3A_2009] {strides = array<i32>} : memref<4x104x128xf32, #tpu.memory_space<vmem>>, vector<1x1x16xf32>,
        %get3A_2011 = vector.shape_cast %get3A_2010 : vector<1x1x16xf32> to vector<16xf32>
        %add3A_2012 = arith.constant 0 : i32
        %add3A_2013 = arith.addi %add3A_2012, %add3A_2005 : i32
        %get3A_2014 = arith.index_cast %add3A_2013 : i32 to index
        %get3A_2015 = arith.constant 0 : index
        %get3A_2016 = tpu.vector_load %arg7[%get3A_2014, %get3A_2015] {strides = array<i32>} : memref<200x128xf32, #tpu.memory_space<vmem>>, vector<1x16xf32>,
        %get3A_2017 = vector.shape_cast %get3A_2016 : vector<1x16xf32> to vector<16xf32>
        %add3A_2018 = arith.addf %get3A_2011, %get3A_2017 : vector<16xf32>
        %swap3A_2019 = arith.constant 0 : i32
        %swap3A_2020 = arith.index_cast %swap3A_2019 : i32 to index
        %swap3A_2021 = arith.index_cast %add3A_2005 : i32 to index
        %swap3A_2022 = arith.constant 0 : index
        %swap3A_2023 = tpu.vector_load %arg9[%swap3A_2020, %swap3A_2021, %swap3A_2022] {strides = array<i32>} : memref<2x104x64xf32, #tpu.memory_space<vmem>>, vector<1x1x16xf32>,
        %swap3A_2024 = vector.shape_cast %swap3A_2023 : vector<1x1x16xf32> to vector<16xf32>
        %swap3A_2025 = vector.shape_cast %add3A_2018 : vector<16xf32> to vector<1x1x16xf32>
        tpu.vector_store %arg9[%swap3A_2020, %swap3A_2021, %swap3A_2022], %swap3A_2025 {strides = array<i32>} : memref<2x104x64xf32, #tpu.memory_space<vmem>>, vector<1x1x16xf32>,
        %get3A_2026 = arith.constant 2 : i32
        %get3A_2027 = arith.index_cast %get3A_2026 : i32 to index
        %get3A_2028 = arith.index_cast %add3A_2005 : i32 to index
        %get3A_2029 = arith.constant 16 : index
        %get3A_2030 = tpu.vector_load %arg8[%get3A_2027, %get3A_2028, %get3A_2029] {strides = array<i32>} : memref<4x104x128xf32, #tpu.memory_space<vmem>>, vector<1x1x16xf32>,
        %get3A_2031 = vector.shape_cast %get3A_2030 : vector<1x1x16xf32> to vector<16xf32>
        %add3A_2032 = arith.constant 0 : i32
        %add3A_2033 = arith.addi %add3A_2032, %add3A_2005 : i32
        %get3A_2034 = arith.index_cast %add3A_2033 : i32 to index
        %get3A_2035 = arith.constant 16 : index
        %get3A_2036 = tpu.vector_load %arg7[%get3A_2034, %get3A_2035] {strides = array<i32>} : memref<200x128xf32, #tpu.memory_space<vmem>>, vector<1x16xf32>,
        %get3A_2037 = vector.shape_cast %get3A_2036 : vector<1x16xf32> to vector<16xf32>
        %add3A_2038 = arith.addf %get3A_2031, %get3A_2037 : vector<16xf32>
        %swap3A_2039 = arith.constant 0 : i32
        %swap3A_2040 = arith.index_cast %swap3A_2039 : i32 to index
        %swap3A_2041 = arith.index_cast %add3A_2005 : i32 to index
        %swap3A_2042 = arith.constant 16 : index
        %swap3A_2043 = tpu.vector_load %arg9[%swap3A_2040, %swap3A_2041, %swap3A_2042] {strides = array<i32>} : memref<2x104x64xf32, #tpu.memory_space<vmem>>, vector<1x1x16xf32>,
        %swap3A_2044 = vector.shape_cast %swap3A_2043 : vector<1x1x16xf32> to vector<16xf32>
        %swap3A_2045 = vector.shape_cast %add3A_2038 : vector<16xf32> to vector<1x1x16xf32>
        tpu.vector_store %arg9[%swap3A_2040, %swap3A_2041, %swap3A_2042], %swap3A_2045 {strides = array<i32>} : memref<2x104x64xf32, #tpu.memory_space<vmem>>, vector<1x1x16xf32>,
        %get3A_2046 = arith.constant 2 : i32
        %get3A_2047 = arith.index_cast %get3A_2046 : i32 to index
        %get3A_2048 = arith.index_cast %add3A_2005 : i32 to index
        %get3A_2049 = arith.constant 32 : index
        %get3A_2050 = tpu.vector_load %arg8[%get3A_2047, %get3A_2048, %get3A_2049] {strides = array<i32>} : memref<4x104x128xf32, #tpu.memory_space<vmem>>, vector<1x1x16xf32>,
        %get3A_2051 = vector.shape_cast %get3A_2050 : vector<1x1x16xf32> to vector<16xf32>
        %add3A_2052 = arith.constant 0 : i32
        %add3A_2053 = arith.addi %add3A_2052, %add3A_2005 : i32
        %get3A_2054 = arith.index_cast %add3A_2053 : i32 to index
        %get3A_2055 = arith.constant 32 : index
        %get3A_2056 = tpu.vector_load %arg7[%get3A_2054, %get3A_2055] {strides = array<i32>} : memref<200x128xf32, #tpu.memory_space<vmem>>, vector<1x16xf32>,
        %get3A_2057 = vector.shape_cast %get3A_2056 : vector<1x16xf32> to vector<16xf32>
        %add3A_2058 = arith.addf %get3A_2051, %get3A_2057 : vector<16xf32>
        %swap3A_2059 = arith.constant 0 : i32
        %swap3A_2060 = arith.index_cast %swap3A_2059 : i32 to index
        %swap3A_2061 = arith.index_cast %add3A_2005 : i32 to index
        %swap3A_2062 = arith.constant 32 : index
        %swap3A_2063 = tpu.vector_load %arg9[%swap3A_2060, %swap3A_2061, %swap3A_2062] {strides = array<i32>} : memref<2x104x64xf32, #tpu.memory_space<vmem>>, vector<1x1x16xf32>,
        %swap3A_2064 = vector.shape_cast %swap3A_2063 : vector<1x1x16xf32> to vector<16xf32>
        %swap3A_2065 = vector.shape_cast %add3A_2058 : vector<16xf32> to vector<1x1x16xf32>
        tpu.vector_store %arg9[%swap3A_2060, %swap3A_2061, %swap3A_2062], %swap3A_2065 {strides = array<i32>} : memref<2x104x64xf32, #tpu.memory_space<vmem>>, vector<1x1x16xf32>,
        %get3A_2066 = arith.constant 2 : i32
        %get3A_2067 = arith.index_cast %get3A_2066 : i32 to index
        %get3A_2068 = arith.index_cast %add3A_2005 : i32 to index
        %get3A_2069 = arith.constant 48 : index
        %get3A_2070 = tpu.vector_load %arg8[%get3A_2067, %get3A_2068, %get3A_2069] {strides = array<i32>} : memref<4x104x128xf32, #tpu.memory_space<vmem>>, vector<1x1x16xf32>,
        %get3A_2071 = vector.shape_cast %get3A_2070 : vector<1x1x16xf32> to vector<16xf32>
        %add3A_2072 = arith.constant 0 : i32
        %add3A_2073 = arith.addi %add3A_2072, %add3A_2005 : i32
        %get3A_2074 = arith.index_cast %add3A_2073 : i32 to index
        %get3A_2075 = arith.constant 48 : index
        %get3A_2076 = tpu.vector_load %arg7[%get3A_2074, %get3A_2075] {strides = array<i32>} : memref<200x128xf32, #tpu.memory_space<vmem>>, vector<1x16xf32>,
        %get3A_2077 = vector.shape_cast %get3A_2076 : vector<1x16xf32> to vector<16xf32>
        %add3A_2078 = arith.addf %get3A_2071, %get3A_2077 : vector<16xf32>
        %swap3A_2079 = arith.constant 0 : i32
        %swap3A_2080 = arith.index_cast %swap3A_2079 : i32 to index
        %swap3A_2081 = arith.index_cast %add3A_2005 : i32 to index
        %swap3A_2082 = arith.constant 48 : index
        %swap3A_2083 = tpu.vector_load %arg9[%swap3A_2080, %swap3A_2081, %swap3A_2082] {strides = array<i32>} : memref<2x104x64xf32, #tpu.memory_space<vmem>>, vector<1x1x16xf32>,
        %swap3A_2084 = vector.shape_cast %swap3A_2083 : vector<1x1x16xf32> to vector<16xf32>
        %swap3A_2085 = vector.shape_cast %add3A_2078 : vector<16xf32> to vector<1x1x16xf32>
        tpu.vector_store %arg9[%swap3A_2080, %swap3A_2081, %swap3A_2082], %swap3A_2085 {strides = array<i32>} : memref<2x104x64xf32, #tpu.memory_space<vmem>>, vector<1x1x16xf32>,
      }
      %scan3A_1656 = arith.constant 96 : i32
      %mul3A_1657 = arith.constant 2 : i32
      %mul3A_1658 = arith.muli %add3A_1496, %mul3A_1657 : i32
      %add3A_1659 = arith.addi %mul3A_2, %mul3A_1658 : i32
      %add3A_1660 = arith.constant 1 : i32
      %add3A_1661 = arith.addi %add3A_1659, %add3A_1660 : i32
      %dma_start3A_1662 = arith.constant 0 : i32
      %dma_start3A_1663 = arith.constant 0 : i32
      %dma_start3A_1664 = arith.constant 0 : i32
      %dma_start3A_1665 = arith.constant 0 : i32
      %dma_start3A_1666 = tpu.memref_slice %arg9[%dma_start3A_1662, %dma_start3A_1664, %dma_start3A_1665] : memref<2x104x64xf32, #tpu.memory_space<vmem>> -> memref<1x96x64xf32, #tpu.memory_space<vmem>>
      %dma_start3A_1667 = tpu.memref_squeeze %dma_start3A_1666 : memref<1x96x64xf32, #tpu.memory_space<vmem>> -> memref<96x64xf32, #tpu.memory_space<vmem>>
      %dma_start3A_1668 = arith.constant 0 : i32
      %dma_start3A_1669 = arith.constant 0 : i32
      %dma_start3A_1670 = tpu.memref_slice %arg5[%add3A_1661, %dma_start3A_1668, %dma_start3A_1669] : memref<1024x200x64xf32, #tpu.memory_space<hbm>> -> memref<1x96x64xf32, #tpu.memory_space<hbm>>
      %dma_start3A_1671 = tpu.memref_squeeze %dma_start3A_1670 : memref<1x96x64xf32, #tpu.memory_space<hbm>> -> memref<96x64xf32, #tpu.memory_space<hbm>>
      %dma_start3A_1672 = tpu.memref_slice %arg11[%dma_start3A_1663] : memref<2x!tpu.dma_semaphore, #tpu.memory_space<semaphore_mem>> -> memref<1x!tpu.dma_semaphore, #tpu.memory_space<semaphore_mem>>
      %dma_start3A_1673 = tpu.memref_squeeze %dma_start3A_1672 : memref<1x!tpu.dma_semaphore, #tpu.memory_space<semaphore_mem>> -> memref<!tpu.dma_semaphore, #tpu.memory_space<semaphore_mem>>
      %dma_start3A_1674 = arith.constant 0 : i32
      %dma_start3A_1675 = arith.constant 0 : i32
      %dma_start3A_1676 = tpu.memref_slice %arg5[%add3A_1661, %dma_start3A_1674, %dma_start3A_1675] : memref<1024x200x64xf32, #tpu.memory_space<hbm>> -> memref<1x96x64xf32, #tpu.memory_space<hbm>>
      %dma_start3A_1677 = tpu.memref_squeeze %dma_start3A_1676 : memref<1x96x64xf32, #tpu.memory_space<hbm>> -> memref<96x64xf32, #tpu.memory_space<hbm>>
      %dma_start3A_1678 = arith.constant 0 : i32
      %dma_start3A_1679 = arith.constant 0 : i32
      %dma_start3A_1680 = tpu.memref_slice %arg9[%dma_start3A_1662, %dma_start3A_1678, %dma_start3A_1679] : memref<2x104x64xf32, #tpu.memory_space<vmem>> -> memref<1x96x64xf32, #tpu.memory_space<vmem>>
      %dma_start3A_1681 = tpu.memref_squeeze %dma_start3A_1680 : memref<1x96x64xf32, #tpu.memory_space<vmem>> -> memref<96x64xf32, #tpu.memory_space<vmem>>
      tpu.enqueue_dma source(%dma_start3A_1681 : memref<96x64xf32, #tpu.memory_space<vmem>>) target(%dma_start3A_1677 : memref<96x64xf32, #tpu.memory_space<hbm>>) target_semaphore(%dma_start3A_1673 : memref<!tpu.dma_semaphore, #tpu.memory_space<semaphore_mem>>)
      %mul3A_1682 = arith.constant 4 : i32
      %mul3A_1683 = arith.muli %add3A_1496, %mul3A_1682 : i32
      %add3A_1684 = arith.constant 3 : i32
      %add3A_1685 = arith.addi %mul3A_1683, %add3A_1684 : i32
      %add3A_1686 = arith.constant 3 : i32
      %add3A_1687 = arith.addi %add3A_1685, %add3A_1686 : i32
      %lt3A_1688 = arith.constant 64 : i32
      %lt3A_1689 = arith.cmpi slt, %add3A_1687, %lt3A_1688 : i32
      %convert_element_type3A_1690 = arith.extui %lt3A_1689 : i1 to i32
      %cond3A_1691 = arith.constant 0 : i32
      %cond3A_1692 = arith.cmpi ne, %convert_element_type3A_1690, %cond3A_1691 : i32
      scf.if %cond3A_1692 {
        %mul3A_1745 = arith.constant 2 : i32
        %mul3A_1746 = arith.muli %add3A_1496, %mul3A_1745 : i32
        %add3A_1747 = arith.constant 3 : i32
        %add3A_1748 = arith.addi %mul3A_1746, %add3A_1747 : i32
        %mul3A_1749 = arith.constant 256 : i32
        %mul3A_1750 = arith.muli %add3A_1748, %mul3A_1749 : i32
        %add3A_1751 = arith.constant 0 : i32
        %add3A_1752 = arith.addi %mul3A_1750, %add3A_1751 : i32
        %dma_start3A_1753 = arith.constant 2 : i32
        %dma_start3A_1754 = arith.constant 2 : i32
        %dma_start3A_1755 = arith.constant 0 : i32
        %dma_start3A_1756 = arith.constant 0 : i32
        %dma_start3A_1757 = tpu.memref_slice %arg8[%dma_start3A_1753, %dma_start3A_1755, %dma_start3A_1756] : memref<4x104x128xf32, #tpu.memory_space<vmem>> -> memref<1x96x128xf32, #tpu.memory_space<vmem>>
        %dma_start3A_1758 = tpu.memref_squeeze %dma_start3A_1757 : memref<1x96x128xf32, #tpu.memory_space<vmem>> -> memref<96x128xf32, #tpu.memory_space<vmem>>
        %dma_start3A_1759 = tpu.memref_slice %arg6[%add3A_1752] : memref<8192xi32, #tpu.memory_space<vmem>> -> memref<96xi32, #tpu.memory_space<vmem>>
        %dma_start3A_1760 = arith.constant 0 : i32
        %dma_start3A_1761 = arith.constant 0 : i32
        %dma_start3A_1762 = tpu.memref_slice %arg4[%dma_start3A_1760, %dma_start3A_1761] : memref<1000000x128xf32, #tpu.memory_space<hbm>> -> memref<1000000x128xf32, #tpu.memory_space<hbm>>
        %dma_start3A_1763 = tpu.memref_slice %arg10[%dma_start3A_1754] : memref<4x!tpu.dma_semaphore, #tpu.memory_space<semaphore_mem>> -> memref<1x!tpu.dma_semaphore, #tpu.memory_space<semaphore_mem>>
        %dma_start3A_1764 = tpu.memref_squeeze %dma_start3A_1763 : memref<1x!tpu.dma_semaphore, #tpu.memory_space<semaphore_mem>> -> memref<!tpu.dma_semaphore, #tpu.memory_space<semaphore_mem>>
        tpu.enqueue_indirect_dma source(%dma_start3A_1762 : memref<1000000x128xf32, #tpu.memory_space<hbm>>) target(%dma_start3A_1758 : memref<96x128xf32, #tpu.memory_space<vmem>>) offsets(%dma_start3A_1759 : memref<96xi32, #tpu.memory_space<vmem>>) semaphore(%dma_start3A_1764 : memref<!tpu.dma_semaphore, #tpu.memory_space<semaphore_mem>>)
      } else {
      }
      %dma_wait3A_1693 = arith.constant 3 : i32
      %dma_wait3A_1694 = arith.constant 3 : i32
      %dma_wait3A_1695 = arith.constant 0 : i32
      %dma_wait3A_1696 = arith.constant 0 : i32
      %dma_wait3A_1697 = tpu.memref_slice %arg8[%dma_wait3A_1693, %dma_wait3A_1695, %dma_wait3A_1696] : memref<4x104x128xf32, #tpu.memory_space<vmem>> -> memref<1x104x128xf32, #tpu.memory_space<vmem>>
      %dma_wait3A_1698 = tpu.memref_squeeze %dma_wait3A_1697 : memref<1x104x128xf32, #tpu.memory_space<vmem>> -> memref<104x128xf32, #tpu.memory_space<vmem>>
      %dma_wait3A_1699 = arith.constant 0 : i32
      %dma_wait3A_1700 = tpu.memref_slice %arg6[%dma_wait3A_1699] : memref<8192xi32, #tpu.memory_space<vmem>> -> memref<104xi32, #tpu.memory_space<vmem>>
      %dma_wait3A_1701 = arith.constant 0 : i32
      %dma_wait3A_1702 = arith.constant 0 : i32
      %dma_wait3A_1703 = tpu.memref_slice %arg4[%dma_wait3A_1701, %dma_wait3A_1702] : memref<1000000x128xf32, #tpu.memory_space<hbm>> -> memref<1000000x128xf32, #tpu.memory_space<hbm>>
      %dma_wait3A_1704 = tpu.memref_slice %arg10[%dma_wait3A_1694] : memref<4x!tpu.dma_semaphore, #tpu.memory_space<semaphore_mem>> -> memref<1x!tpu.dma_semaphore, #tpu.memory_space<semaphore_mem>>
      %dma_wait3A_1705 = tpu.memref_squeeze %dma_wait3A_1704 : memref<1x!tpu.dma_semaphore, #tpu.memory_space<semaphore_mem>> -> memref<!tpu.dma_semaphore, #tpu.memory_space<semaphore_mem>>
      tpu.wait_indirect_dma semaphore(%dma_wait3A_1705 : memref<!tpu.dma_semaphore, #tpu.memory_space<semaphore_mem>>) src(%dma_wait3A_1703 : memref<1000000x128xf32, #tpu.memory_space<hbm>>) dst(%dma_wait3A_1698 : memref<104x128xf32, #tpu.memory_space<vmem>>)
      %mul3A_1706 = arith.constant 4 : i32
      %mul3A_1707 = arith.muli %add3A_1496, %mul3A_1706 : i32
      %add3A_1708 = arith.constant 3 : i32
      %add3A_1709 = arith.addi %mul3A_1707, %add3A_1708 : i32
      %ge3A_1710 = arith.constant 2 : i32
      %ge3A_1711 = arith.cmpi sge, %add3A_1709, %ge3A_1710 : i32
      %convert_element_type3A_1712 = arith.extui %ge3A_1711 : i1 to i32
      %cond3A_1713 = arith.constant 0 : i32
      %cond3A_1714 = arith.cmpi ne, %convert_element_type3A_1712, %cond3A_1713 : i32
      scf.if %cond3A_1714 {
        %dma_wait3A_1745 = arith.constant 1 : i32
        %dma_wait3A_1746 = arith.constant 1 : i32
        %dma_wait3A_1747 = arith.constant 0 : i32
        %dma_wait3A_1748 = arith.constant 0 : i32
        %dma_wait3A_1749 = tpu.memref_slice %arg9[%dma_wait3A_1745, %dma_wait3A_1747, %dma_wait3A_1748] : memref<2x104x64xf32, #tpu.memory_space<vmem>> -> memref<1x104x64xf32, #tpu.memory_space<vmem>>
        %dma_wait3A_1750 = tpu.memref_squeeze %dma_wait3A_1749 : memref<1x104x64xf32, #tpu.memory_space<vmem>> -> memref<104x64xf32, #tpu.memory_space<vmem>>
        %dma_wait3A_1751 = arith.constant 96 : i32
        %dma_wait3A_1752 = arith.constant 0 : i32
        %dma_wait3A_1753 = tpu.memref_slice %arg5[%mul3A_2, %dma_wait3A_1751, %dma_wait3A_1752] : memref<1024x200x64xf32, #tpu.memory_space<hbm>> -> memref<1x104x64xf32, #tpu.memory_space<hbm>>
        %dma_wait3A_1754 = tpu.memref_squeeze %dma_wait3A_1753 : memref<1x104x64xf32, #tpu.memory_space<hbm>> -> memref<104x64xf32, #tpu.memory_space<hbm>>
        %dma_wait3A_1755 = tpu.memref_slice %arg11[%dma_wait3A_1746] : memref<2x!tpu.dma_semaphore, #tpu.memory_space<semaphore_mem>> -> memref<1x!tpu.dma_semaphore, #tpu.memory_space<semaphore_mem>>
        %dma_wait3A_1756 = tpu.memref_squeeze %dma_wait3A_1755 : memref<1x!tpu.dma_semaphore, #tpu.memory_space<semaphore_mem>> -> memref<!tpu.dma_semaphore, #tpu.memory_space<semaphore_mem>>
        %dma_wait3A_1757 = arith.constant 96 : i32
        %dma_wait3A_1758 = arith.constant 0 : i32
        %dma_wait3A_1759 = tpu.memref_slice %arg5[%mul3A_2, %dma_wait3A_1757, %dma_wait3A_1758] : memref<1024x200x64xf32, #tpu.memory_space<hbm>> -> memref<1x104x64xf32, #tpu.memory_space<hbm>>
        %dma_wait3A_1760 = tpu.memref_squeeze %dma_wait3A_1759 : memref<1x104x64xf32, #tpu.memory_space<hbm>> -> memref<104x64xf32, #tpu.memory_space<hbm>>
        %dma_wait3A_1761 = arith.constant 0 : i32
        %dma_wait3A_1762 = arith.constant 0 : i32
        %dma_wait3A_1763 = tpu.memref_slice %arg9[%dma_wait3A_1745, %dma_wait3A_1761, %dma_wait3A_1762] : memref<2x104x64xf32, #tpu.memory_space<vmem>> -> memref<1x104x64xf32, #tpu.memory_space<vmem>>
        %dma_wait3A_1764 = tpu.memref_squeeze %dma_wait3A_1763 : memref<1x104x64xf32, #tpu.memory_space<vmem>> -> memref<104x64xf32, #tpu.memory_space<vmem>>
        tpu.wait_dma2 semaphore(%dma_wait3A_1756 : memref<!tpu.dma_semaphore, #tpu.memory_space<semaphore_mem>>) src(%dma_wait3A_1764 : memref<104x64xf32, #tpu.memory_space<vmem>>) dst(%dma_wait3A_1760 : memref<104x64xf32, #tpu.memory_space<hbm>>)
      } else {
      }
      %scan3A_1715 = arith.constant 0 : i32
      %scan3A_1716 = arith.constant 104 : i32
      %scan3A_1717 = arith.addi %scan3A_1715, %scan3A_1716 : i32
      %scan3A_1718 = arith.constant 4 : i32
      scf.for %scan3A_1745 = %scan3A_1715 to %scan3A_1717 step %scan3A_1718  : i32 {
        %mul3A_1746 = arith.constant 1 : i32
        %mul3A_1747 = arith.muli %scan3A_1745, %mul3A_1746 : i32
        %add3A_1748 = arith.constant 0 : i32
        %add3A_1749 = arith.addi %add3A_1748, %mul3A_1747 : i32
        %get3A = arith.constant 3 : i32
        %get3A_1750 = arith.index_cast %get3A : i32 to index
        %get3A_1751 = arith.index_cast %add3A_1749 : i32 to index
        %get3A_1752 = arith.constant 0 : index
        %get3A_1753 = tpu.vector_load %arg8[%get3A_1750, %get3A_1751, %get3A_1752] {strides = array<i32>} : memref<4x104x128xf32, #tpu.memory_space<vmem>>, vector<1x1x16xf32>,
        %get3A_1754 = vector.shape_cast %get3A_1753 : vector<1x1x16xf32> to vector<16xf32>
        %add3A_1755 = arith.constant 96 : i32
        %add3A_1756 = arith.addi %add3A_1755, %add3A_1749 : i32
        %get3A_1757 = arith.index_cast %add3A_1756 : i32 to index
        %get3A_1758 = arith.constant 0 : index
        %get3A_1759 = tpu.vector_load %arg7[%get3A_1757, %get3A_1758] {strides = array<i32>} : memref<200x128xf32, #tpu.memory_space<vmem>>, vector<1x16xf32>,
        %get3A_1760 = vector.shape_cast %get3A_1759 : vector<1x16xf32> to vector<16xf32>
        %add3A_1761 = arith.addf %get3A_1754, %get3A_1760 : vector<16xf32>
        %swap3A = arith.constant 1 : i32
        %swap3A_1762 = arith.index_cast %swap3A : i32 to index
        %swap3A_1763 = arith.index_cast %add3A_1749 : i32 to index
        %swap3A_1764 = arith.constant 0 : index
        %swap3A_1765 = tpu.vector_load %arg9[%swap3A_1762, %swap3A_1763, %swap3A_1764] {strides = array<i32>} : memref<2x104x64xf32, #tpu.memory_space<vmem>>, vector<1x1x16xf32>,
        %swap3A_1766 = vector.shape_cast %swap3A_1765 : vector<1x1x16xf32> to vector<16xf32>
        %swap3A_1767 = vector.shape_cast %add3A_1761 : vector<16xf32> to vector<1x1x16xf32>
        tpu.vector_store %arg9[%swap3A_1762, %swap3A_1763, %swap3A_1764], %swap3A_1767 {strides = array<i32>} : memref<2x104x64xf32, #tpu.memory_space<vmem>>, vector<1x1x16xf32>,
        %get3A_1768 = arith.constant 3 : i32
        %get3A_1769 = arith.index_cast %get3A_1768 : i32 to index
        %get3A_1770 = arith.index_cast %add3A_1749 : i32 to index
        %get3A_1771 = arith.constant 16 : index
        %get3A_1772 = tpu.vector_load %arg8[%get3A_1769, %get3A_1770, %get3A_1771] {strides = array<i32>} : memref<4x104x128xf32, #tpu.memory_space<vmem>>, vector<1x1x16xf32>,
        %get3A_1773 = vector.shape_cast %get3A_1772 : vector<1x1x16xf32> to vector<16xf32>
        %add3A_1774 = arith.constant 96 : i32
        %add3A_1775 = arith.addi %add3A_1774, %add3A_1749 : i32
        %get3A_1776 = arith.index_cast %add3A_1775 : i32 to index
        %get3A_1777 = arith.constant 16 : index
        %get3A_1778 = tpu.vector_load %arg7[%get3A_1776, %get3A_1777] {strides = array<i32>} : memref<200x128xf32, #tpu.memory_space<vmem>>, vector<1x16xf32>,
        %get3A_1779 = vector.shape_cast %get3A_1778 : vector<1x16xf32> to vector<16xf32>
        %add3A_1780 = arith.addf %get3A_1773, %get3A_1779 : vector<16xf32>
        %swap3A_1781 = arith.constant 1 : i32
        %swap3A_1782 = arith.index_cast %swap3A_1781 : i32 to index
        %swap3A_1783 = arith.index_cast %add3A_1749 : i32 to index
        %swap3A_1784 = arith.constant 16 : index
        %swap3A_1785 = tpu.vector_load %arg9[%swap3A_1782, %swap3A_1783, %swap3A_1784] {strides = array<i32>} : memref<2x104x64xf32, #tpu.memory_space<vmem>>, vector<1x1x16xf32>,
        %swap3A_1786 = vector.shape_cast %swap3A_1785 : vector<1x1x16xf32> to vector<16xf32>
        %swap3A_1787 = vector.shape_cast %add3A_1780 : vector<16xf32> to vector<1x1x16xf32>
        tpu.vector_store %arg9[%swap3A_1782, %swap3A_1783, %swap3A_1784], %swap3A_1787 {strides = array<i32>} : memref<2x104x64xf32, #tpu.memory_space<vmem>>, vector<1x1x16xf32>,
        %get3A_1788 = arith.constant 3 : i32
        %get3A_1789 = arith.index_cast %get3A_1788 : i32 to index
        %get3A_1790 = arith.index_cast %add3A_1749 : i32 to index
        %get3A_1791 = arith.constant 32 : index
        %get3A_1792 = tpu.vector_load %arg8[%get3A_1789, %get3A_1790, %get3A_1791] {strides = array<i32>} : memref<4x104x128xf32, #tpu.memory_space<vmem>>, vector<1x1x16xf32>,
        %get3A_1793 = vector.shape_cast %get3A_1792 : vector<1x1x16xf32> to vector<16xf32>
        %add3A_1794 = arith.constant 96 : i32
        %add3A_1795 = arith.addi %add3A_1794, %add3A_1749 : i32
        %get3A_1796 = arith.index_cast %add3A_1795 : i32 to index
        %get3A_1797 = arith.constant 32 : index
        %get3A_1798 = tpu.vector_load %arg7[%get3A_1796, %get3A_1797] {strides = array<i32>} : memref<200x128xf32, #tpu.memory_space<vmem>>, vector<1x16xf32>,
        %get3A_1799 = vector.shape_cast %get3A_1798 : vector<1x16xf32> to vector<16xf32>
        %add3A_1800 = arith.addf %get3A_1793, %get3A_1799 : vector<16xf32>
        %swap3A_1801 = arith.constant 1 : i32
        %swap3A_1802 = arith.index_cast %swap3A_1801 : i32 to index
        %swap3A_1803 = arith.index_cast %add3A_1749 : i32 to index
        %swap3A_1804 = arith.constant 32 : index
        %swap3A_1805 = tpu.vector_load %arg9[%swap3A_1802, %swap3A_1803, %swap3A_1804] {strides = array<i32>} : memref<2x104x64xf32, #tpu.memory_space<vmem>>, vector<1x1x16xf32>,
        %swap3A_1806 = vector.shape_cast %swap3A_1805 : vector<1x1x16xf32> to vector<16xf32>
        %swap3A_1807 = vector.shape_cast %add3A_1800 : vector<16xf32> to vector<1x1x16xf32>
        tpu.vector_store %arg9[%swap3A_1802, %swap3A_1803, %swap3A_1804], %swap3A_1807 {strides = array<i32>} : memref<2x104x64xf32, #tpu.memory_space<vmem>>, vector<1x1x16xf32>,
        %get3A_1808 = arith.constant 3 : i32
        %get3A_1809 = arith.index_cast %get3A_1808 : i32 to index
        %get3A_1810 = arith.index_cast %add3A_1749 : i32 to index
        %get3A_1811 = arith.constant 48 : index
        %get3A_1812 = tpu.vector_load %arg8[%get3A_1809, %get3A_1810, %get3A_1811] {strides = array<i32>} : memref<4x104x128xf32, #tpu.memory_space<vmem>>, vector<1x1x16xf32>,
        %get3A_1813 = vector.shape_cast %get3A_1812 : vector<1x1x16xf32> to vector<16xf32>
        %add3A_1814 = arith.constant 96 : i32
        %add3A_1815 = arith.addi %add3A_1814, %add3A_1749 : i32
        %get3A_1816 = arith.index_cast %add3A_1815 : i32 to index
        %get3A_1817 = arith.constant 48 : index
        %get3A_1818 = tpu.vector_load %arg7[%get3A_1816, %get3A_1817] {strides = array<i32>} : memref<200x128xf32, #tpu.memory_space<vmem>>, vector<1x16xf32>,
        %get3A_1819 = vector.shape_cast %get3A_1818 : vector<1x16xf32> to vector<16xf32>
        %add3A_1820 = arith.addf %get3A_1813, %get3A_1819 : vector<16xf32>
        %swap3A_1821 = arith.constant 1 : i32
        %swap3A_1822 = arith.index_cast %swap3A_1821 : i32 to index
        %swap3A_1823 = arith.index_cast %add3A_1749 : i32 to index
        %swap3A_1824 = arith.constant 48 : index
        %swap3A_1825 = tpu.vector_load %arg9[%swap3A_1822, %swap3A_1823, %swap3A_1824] {strides = array<i32>} : memref<2x104x64xf32, #tpu.memory_space<vmem>>, vector<1x1x16xf32>,
        %swap3A_1826 = vector.shape_cast %swap3A_1825 : vector<1x1x16xf32> to vector<16xf32>
        %swap3A_1827 = vector.shape_cast %add3A_1820 : vector<16xf32> to vector<1x1x16xf32>
        tpu.vector_store %arg9[%swap3A_1822, %swap3A_1823, %swap3A_1824], %swap3A_1827 {strides = array<i32>} : memref<2x104x64xf32, #tpu.memory_space<vmem>>, vector<1x1x16xf32>,
        %scan3A_1828 = arith.constant 1 : i32
        %scan3A_1829 = arith.addi %scan3A_1745, %scan3A_1828 : i32
        %mul3A_1830 = arith.constant 1 : i32
        %mul3A_1831 = arith.muli %scan3A_1829, %mul3A_1830 : i32
        %add3A_1832 = arith.constant 0 : i32
        %add3A_1833 = arith.addi %add3A_1832, %mul3A_1831 : i32
        %get3A_1834 = arith.constant 3 : i32
        %get3A_1835 = arith.index_cast %get3A_1834 : i32 to index
        %get3A_1836 = arith.index_cast %add3A_1833 : i32 to index
        %get3A_1837 = arith.constant 0 : index
        %get3A_1838 = tpu.vector_load %arg8[%get3A_1835, %get3A_1836, %get3A_1837] {strides = array<i32>} : memref<4x104x128xf32, #tpu.memory_space<vmem>>, vector<1x1x16xf32>,
        %get3A_1839 = vector.shape_cast %get3A_1838 : vector<1x1x16xf32> to vector<16xf32>
        %add3A_1840 = arith.constant 96 : i32
        %add3A_1841 = arith.addi %add3A_1840, %add3A_1833 : i32
        %get3A_1842 = arith.index_cast %add3A_1841 : i32 to index
        %get3A_1843 = arith.constant 0 : index
        %get3A_1844 = tpu.vector_load %arg7[%get3A_1842, %get3A_1843] {strides = array<i32>} : memref<200x128xf32, #tpu.memory_space<vmem>>, vector<1x16xf32>,
        %get3A_1845 = vector.shape_cast %get3A_1844 : vector<1x16xf32> to vector<16xf32>
        %add3A_1846 = arith.addf %get3A_1839, %get3A_1845 : vector<16xf32>
        %swap3A_1847 = arith.constant 1 : i32
        %swap3A_1848 = arith.index_cast %swap3A_1847 : i32 to index
        %swap3A_1849 = arith.index_cast %add3A_1833 : i32 to index
        %swap3A_1850 = arith.constant 0 : index
        %swap3A_1851 = tpu.vector_load %arg9[%swap3A_1848, %swap3A_1849, %swap3A_1850] {strides = array<i32>} : memref<2x104x64xf32, #tpu.memory_space<vmem>>, vector<1x1x16xf32>,
        %swap3A_1852 = vector.shape_cast %swap3A_1851 : vector<1x1x16xf32> to vector<16xf32>
        %swap3A_1853 = vector.shape_cast %add3A_1846 : vector<16xf32> to vector<1x1x16xf32>
        tpu.vector_store %arg9[%swap3A_1848, %swap3A_1849, %swap3A_1850], %swap3A_1853 {strides = array<i32>} : memref<2x104x64xf32, #tpu.memory_space<vmem>>, vector<1x1x16xf32>,
        %get3A_1854 = arith.constant 3 : i32
        %get3A_1855 = arith.index_cast %get3A_1854 : i32 to index
        %get3A_1856 = arith.index_cast %add3A_1833 : i32 to index
        %get3A_1857 = arith.constant 16 : index
        %get3A_1858 = tpu.vector_load %arg8[%get3A_1855, %get3A_1856, %get3A_1857] {strides = array<i32>} : memref<4x104x128xf32, #tpu.memory_space<vmem>>, vector<1x1x16xf32>,
        %get3A_1859 = vector.shape_cast %get3A_1858 : vector<1x1x16xf32> to vector<16xf32>
        %add3A_1860 = arith.constant 96 : i32
        %add3A_1861 = arith.addi %add3A_1860, %add3A_1833 : i32
        %get3A_1862 = arith.index_cast %add3A_1861 : i32 to index
        %get3A_1863 = arith.constant 16 : index
        %get3A_1864 = tpu.vector_load %arg7[%get3A_1862, %get3A_1863] {strides = array<i32>} : memref<200x128xf32, #tpu.memory_space<vmem>>, vector<1x16xf32>,
        %get3A_1865 = vector.shape_cast %get3A_1864 : vector<1x16xf32> to vector<16xf32>
        %add3A_1866 = arith.addf %get3A_1859, %get3A_1865 : vector<16xf32>
        %swap3A_1867 = arith.constant 1 : i32
        %swap3A_1868 = arith.index_cast %swap3A_1867 : i32 to index
        %swap3A_1869 = arith.index_cast %add3A_1833 : i32 to index
        %swap3A_1870 = arith.constant 16 : index
        %swap3A_1871 = tpu.vector_load %arg9[%swap3A_1868, %swap3A_1869, %swap3A_1870] {strides = array<i32>} : memref<2x104x64xf32, #tpu.memory_space<vmem>>, vector<1x1x16xf32>,
        %swap3A_1872 = vector.shape_cast %swap3A_1871 : vector<1x1x16xf32> to vector<16xf32>
        %swap3A_1873 = vector.shape_cast %add3A_1866 : vector<16xf32> to vector<1x1x16xf32>
        tpu.vector_store %arg9[%swap3A_1868, %swap3A_1869, %swap3A_1870], %swap3A_1873 {strides = array<i32>} : memref<2x104x64xf32, #tpu.memory_space<vmem>>, vector<1x1x16xf32>,
        %get3A_1874 = arith.constant 3 : i32
        %get3A_1875 = arith.index_cast %get3A_1874 : i32 to index
        %get3A_1876 = arith.index_cast %add3A_1833 : i32 to index
        %get3A_1877 = arith.constant 32 : index
        %get3A_1878 = tpu.vector_load %arg8[%get3A_1875, %get3A_1876, %get3A_1877] {strides = array<i32>} : memref<4x104x128xf32, #tpu.memory_space<vmem>>, vector<1x1x16xf32>,
        %get3A_1879 = vector.shape_cast %get3A_1878 : vector<1x1x16xf32> to vector<16xf32>
        %add3A_1880 = arith.constant 96 : i32
        %add3A_1881 = arith.addi %add3A_1880, %add3A_1833 : i32
        %get3A_1882 = arith.index_cast %add3A_1881 : i32 to index
        %get3A_1883 = arith.constant 32 : index
        %get3A_1884 = tpu.vector_load %arg7[%get3A_1882, %get3A_1883] {strides = array<i32>} : memref<200x128xf32, #tpu.memory_space<vmem>>, vector<1x16xf32>,
        %get3A_1885 = vector.shape_cast %get3A_1884 : vector<1x16xf32> to vector<16xf32>
        %add3A_1886 = arith.addf %get3A_1879, %get3A_1885 : vector<16xf32>
        %swap3A_1887 = arith.constant 1 : i32
        %swap3A_1888 = arith.index_cast %swap3A_1887 : i32 to index
        %swap3A_1889 = arith.index_cast %add3A_1833 : i32 to index
        %swap3A_1890 = arith.constant 32 : index
        %swap3A_1891 = tpu.vector_load %arg9[%swap3A_1888, %swap3A_1889, %swap3A_1890] {strides = array<i32>} : memref<2x104x64xf32, #tpu.memory_space<vmem>>, vector<1x1x16xf32>,
        %swap3A_1892 = vector.shape_cast %swap3A_1891 : vector<1x1x16xf32> to vector<16xf32>
        %swap3A_1893 = vector.shape_cast %add3A_1886 : vector<16xf32> to vector<1x1x16xf32>
        tpu.vector_store %arg9[%swap3A_1888, %swap3A_1889, %swap3A_1890], %swap3A_1893 {strides = array<i32>} : memref<2x104x64xf32, #tpu.memory_space<vmem>>, vector<1x1x16xf32>,
        %get3A_1894 = arith.constant 3 : i32
        %get3A_1895 = arith.index_cast %get3A_1894 : i32 to index
        %get3A_1896 = arith.index_cast %add3A_1833 : i32 to index
        %get3A_1897 = arith.constant 48 : index
        %get3A_1898 = tpu.vector_load %arg8[%get3A_1895, %get3A_1896, %get3A_1897] {strides = array<i32>} : memref<4x104x128xf32, #tpu.memory_space<vmem>>, vector<1x1x16xf32>,
        %get3A_1899 = vector.shape_cast %get3A_1898 : vector<1x1x16xf32> to vector<16xf32>
        %add3A_1900 = arith.constant 96 : i32
        %add3A_1901 = arith.addi %add3A_1900, %add3A_1833 : i32
        %get3A_1902 = arith.index_cast %add3A_1901 : i32 to index
        %get3A_1903 = arith.constant 48 : index
        %get3A_1904 = tpu.vector_load %arg7[%get3A_1902, %get3A_1903] {strides = array<i32>} : memref<200x128xf32, #tpu.memory_space<vmem>>, vector<1x16xf32>,
        %get3A_1905 = vector.shape_cast %get3A_1904 : vector<1x16xf32> to vector<16xf32>
        %add3A_1906 = arith.addf %get3A_1899, %get3A_1905 : vector<16xf32>
        %swap3A_1907 = arith.constant 1 : i32
        %swap3A_1908 = arith.index_cast %swap3A_1907 : i32 to index
        %swap3A_1909 = arith.index_cast %add3A_1833 : i32 to index
        %swap3A_1910 = arith.constant 48 : index
        %swap3A_1911 = tpu.vector_load %arg9[%swap3A_1908, %swap3A_1909, %swap3A_1910] {strides = array<i32>} : memref<2x104x64xf32, #tpu.memory_space<vmem>>, vector<1x1x16xf32>,
        %swap3A_1912 = vector.shape_cast %swap3A_1911 : vector<1x1x16xf32> to vector<16xf32>
        %swap3A_1913 = vector.shape_cast %add3A_1906 : vector<16xf32> to vector<1x1x16xf32>
        tpu.vector_store %arg9[%swap3A_1908, %swap3A_1909, %swap3A_1910], %swap3A_1913 {strides = array<i32>} : memref<2x104x64xf32, #tpu.memory_space<vmem>>, vector<1x1x16xf32>,
        %scan3A_1914 = arith.constant 2 : i32
        %scan3A_1915 = arith.addi %scan3A_1745, %scan3A_1914 : i32
        %mul3A_1916 = arith.constant 1 : i32
        %mul3A_1917 = arith.muli %scan3A_1915, %mul3A_1916 : i32
        %add3A_1918 = arith.constant 0 : i32
        %add3A_1919 = arith.addi %add3A_1918, %mul3A_1917 : i32
        %get3A_1920 = arith.constant 3 : i32
        %get3A_1921 = arith.index_cast %get3A_1920 : i32 to index
        %get3A_1922 = arith.index_cast %add3A_1919 : i32 to index
        %get3A_1923 = arith.constant 0 : index
        %get3A_1924 = tpu.vector_load %arg8[%get3A_1921, %get3A_1922, %get3A_1923] {strides = array<i32>} : memref<4x104x128xf32, #tpu.memory_space<vmem>>, vector<1x1x16xf32>,
        %get3A_1925 = vector.shape_cast %get3A_1924 : vector<1x1x16xf32> to vector<16xf32>
        %add3A_1926 = arith.constant 96 : i32
        %add3A_1927 = arith.addi %add3A_1926, %add3A_1919 : i32
        %get3A_1928 = arith.index_cast %add3A_1927 : i32 to index
        %get3A_1929 = arith.constant 0 : index
        %get3A_1930 = tpu.vector_load %arg7[%get3A_1928, %get3A_1929] {strides = array<i32>} : memref<200x128xf32, #tpu.memory_space<vmem>>, vector<1x16xf32>,
        %get3A_1931 = vector.shape_cast %get3A_1930 : vector<1x16xf32> to vector<16xf32>
        %add3A_1932 = arith.addf %get3A_1925, %get3A_1931 : vector<16xf32>
        %swap3A_1933 = arith.constant 1 : i32
        %swap3A_1934 = arith.index_cast %swap3A_1933 : i32 to index
        %swap3A_1935 = arith.index_cast %add3A_1919 : i32 to index
        %swap3A_1936 = arith.constant 0 : index
        %swap3A_1937 = tpu.vector_load %arg9[%swap3A_1934, %swap3A_1935, %swap3A_1936] {strides = array<i32>} : memref<2x104x64xf32, #tpu.memory_space<vmem>>, vector<1x1x16xf32>,
        %swap3A_1938 = vector.shape_cast %swap3A_1937 : vector<1x1x16xf32> to vector<16xf32>
        %swap3A_1939 = vector.shape_cast %add3A_1932 : vector<16xf32> to vector<1x1x16xf32>
        tpu.vector_store %arg9[%swap3A_1934, %swap3A_1935, %swap3A_1936], %swap3A_1939 {strides = array<i32>} : memref<2x104x64xf32, #tpu.memory_space<vmem>>, vector<1x1x16xf32>,
        %get3A_1940 = arith.constant 3 : i32
        %get3A_1941 = arith.index_cast %get3A_1940 : i32 to index
        %get3A_1942 = arith.index_cast %add3A_1919 : i32 to index
        %get3A_1943 = arith.constant 16 : index
        %get3A_1944 = tpu.vector_load %arg8[%get3A_1941, %get3A_1942, %get3A_1943] {strides = array<i32>} : memref<4x104x128xf32, #tpu.memory_space<vmem>>, vector<1x1x16xf32>,
        %get3A_1945 = vector.shape_cast %get3A_1944 : vector<1x1x16xf32> to vector<16xf32>
        %add3A_1946 = arith.constant 96 : i32
        %add3A_1947 = arith.addi %add3A_1946, %add3A_1919 : i32
        %get3A_1948 = arith.index_cast %add3A_1947 : i32 to index
        %get3A_1949 = arith.constant 16 : index
        %get3A_1950 = tpu.vector_load %arg7[%get3A_1948, %get3A_1949] {strides = array<i32>} : memref<200x128xf32, #tpu.memory_space<vmem>>, vector<1x16xf32>,
        %get3A_1951 = vector.shape_cast %get3A_1950 : vector<1x16xf32> to vector<16xf32>
        %add3A_1952 = arith.addf %get3A_1945, %get3A_1951 : vector<16xf32>
        %swap3A_1953 = arith.constant 1 : i32
        %swap3A_1954 = arith.index_cast %swap3A_1953 : i32 to index
        %swap3A_1955 = arith.index_cast %add3A_1919 : i32 to index
        %swap3A_1956 = arith.constant 16 : index
        %swap3A_1957 = tpu.vector_load %arg9[%swap3A_1954, %swap3A_1955, %swap3A_1956] {strides = array<i32>} : memref<2x104x64xf32, #tpu.memory_space<vmem>>, vector<1x1x16xf32>,
        %swap3A_1958 = vector.shape_cast %swap3A_1957 : vector<1x1x16xf32> to vector<16xf32>
        %swap3A_1959 = vector.shape_cast %add3A_1952 : vector<16xf32> to vector<1x1x16xf32>
        tpu.vector_store %arg9[%swap3A_1954, %swap3A_1955, %swap3A_1956], %swap3A_1959 {strides = array<i32>} : memref<2x104x64xf32, #tpu.memory_space<vmem>>, vector<1x1x16xf32>,
        %get3A_1960 = arith.constant 3 : i32
        %get3A_1961 = arith.index_cast %get3A_1960 : i32 to index
        %get3A_1962 = arith.index_cast %add3A_1919 : i32 to index
        %get3A_1963 = arith.constant 32 : index
        %get3A_1964 = tpu.vector_load %arg8[%get3A_1961, %get3A_1962, %get3A_1963] {strides = array<i32>} : memref<4x104x128xf32, #tpu.memory_space<vmem>>, vector<1x1x16xf32>,
        %get3A_1965 = vector.shape_cast %get3A_1964 : vector<1x1x16xf32> to vector<16xf32>
        %add3A_1966 = arith.constant 96 : i32
        %add3A_1967 = arith.addi %add3A_1966, %add3A_1919 : i32
        %get3A_1968 = arith.index_cast %add3A_1967 : i32 to index
        %get3A_1969 = arith.constant 32 : index
        %get3A_1970 = tpu.vector_load %arg7[%get3A_1968, %get3A_1969] {strides = array<i32>} : memref<200x128xf32, #tpu.memory_space<vmem>>, vector<1x16xf32>,
        %get3A_1971 = vector.shape_cast %get3A_1970 : vector<1x16xf32> to vector<16xf32>
        %add3A_1972 = arith.addf %get3A_1965, %get3A_1971 : vector<16xf32>
        %swap3A_1973 = arith.constant 1 : i32
        %swap3A_1974 = arith.index_cast %swap3A_1973 : i32 to index
        %swap3A_1975 = arith.index_cast %add3A_1919 : i32 to index
        %swap3A_1976 = arith.constant 32 : index
        %swap3A_1977 = tpu.vector_load %arg9[%swap3A_1974, %swap3A_1975, %swap3A_1976] {strides = array<i32>} : memref<2x104x64xf32, #tpu.memory_space<vmem>>, vector<1x1x16xf32>,
        %swap3A_1978 = vector.shape_cast %swap3A_1977 : vector<1x1x16xf32> to vector<16xf32>
        %swap3A_1979 = vector.shape_cast %add3A_1972 : vector<16xf32> to vector<1x1x16xf32>
        tpu.vector_store %arg9[%swap3A_1974, %swap3A_1975, %swap3A_1976], %swap3A_1979 {strides = array<i32>} : memref<2x104x64xf32, #tpu.memory_space<vmem>>, vector<1x1x16xf32>,
        %get3A_1980 = arith.constant 3 : i32
        %get3A_1981 = arith.index_cast %get3A_1980 : i32 to index
        %get3A_1982 = arith.index_cast %add3A_1919 : i32 to index
        %get3A_1983 = arith.constant 48 : index
        %get3A_1984 = tpu.vector_load %arg8[%get3A_1981, %get3A_1982, %get3A_1983] {strides = array<i32>} : memref<4x104x128xf32, #tpu.memory_space<vmem>>, vector<1x1x16xf32>,
        %get3A_1985 = vector.shape_cast %get3A_1984 : vector<1x1x16xf32> to vector<16xf32>
        %add3A_1986 = arith.constant 96 : i32
        %add3A_1987 = arith.addi %add3A_1986, %add3A_1919 : i32
        %get3A_1988 = arith.index_cast %add3A_1987 : i32 to index
        %get3A_1989 = arith.constant 48 : index
        %get3A_1990 = tpu.vector_load %arg7[%get3A_1988, %get3A_1989] {strides = array<i32>} : memref<200x128xf32, #tpu.memory_space<vmem>>, vector<1x16xf32>,
        %get3A_1991 = vector.shape_cast %get3A_1990 : vector<1x16xf32> to vector<16xf32>
        %add3A_1992 = arith.addf %get3A_1985, %get3A_1991 : vector<16xf32>
        %swap3A_1993 = arith.constant 1 : i32
        %swap3A_1994 = arith.index_cast %swap3A_1993 : i32 to index
        %swap3A_1995 = arith.index_cast %add3A_1919 : i32 to index
        %swap3A_1996 = arith.constant 48 : index
        %swap3A_1997 = tpu.vector_load %arg9[%swap3A_1994, %swap3A_1995, %swap3A_1996] {strides = array<i32>} : memref<2x104x64xf32, #tpu.memory_space<vmem>>, vector<1x1x16xf32>,
        %swap3A_1998 = vector.shape_cast %swap3A_1997 : vector<1x1x16xf32> to vector<16xf32>
        %swap3A_1999 = vector.shape_cast %add3A_1992 : vector<16xf32> to vector<1x1x16xf32>
        tpu.vector_store %arg9[%swap3A_1994, %swap3A_1995, %swap3A_1996], %swap3A_1999 {strides = array<i32>} : memref<2x104x64xf32, #tpu.memory_space<vmem>>, vector<1x1x16xf32>,
        %scan3A_2000 = arith.constant 3 : i32
        %scan3A_2001 = arith.addi %scan3A_1745, %scan3A_2000 : i32
        %mul3A_2002 = arith.constant 1 : i32
        %mul3A_2003 = arith.muli %scan3A_2001, %mul3A_2002 : i32
        %add3A_2004 = arith.constant 0 : i32
        %add3A_2005 = arith.addi %add3A_2004, %mul3A_2003 : i32
        %get3A_2006 = arith.constant 3 : i32
        %get3A_2007 = arith.index_cast %get3A_2006 : i32 to index
        %get3A_2008 = arith.index_cast %add3A_2005 : i32 to index
        %get3A_2009 = arith.constant 0 : index
        %get3A_2010 = tpu.vector_load %arg8[%get3A_2007, %get3A_2008, %get3A_2009] {strides = array<i32>} : memref<4x104x128xf32, #tpu.memory_space<vmem>>, vector<1x1x16xf32>,
        %get3A_2011 = vector.shape_cast %get3A_2010 : vector<1x1x16xf32> to vector<16xf32>
        %add3A_2012 = arith.constant 96 : i32
        %add3A_2013 = arith.addi %add3A_2012, %add3A_2005 : i32
        %get3A_2014 = arith.index_cast %add3A_2013 : i32 to index
        %get3A_2015 = arith.constant 0 : index
        %get3A_2016 = tpu.vector_load %arg7[%get3A_2014, %get3A_2015] {strides = array<i32>} : memref<200x128xf32, #tpu.memory_space<vmem>>, vector<1x16xf32>,
        %get3A_2017 = vector.shape_cast %get3A_2016 : vector<1x16xf32> to vector<16xf32>
        %add3A_2018 = arith.addf %get3A_2011, %get3A_2017 : vector<16xf32>
        %swap3A_2019 = arith.constant 1 : i32
        %swap3A_2020 = arith.index_cast %swap3A_2019 : i32 to index
        %swap3A_2021 = arith.index_cast %add3A_2005 : i32 to index
        %swap3A_2022 = arith.constant 0 : index
        %swap3A_2023 = tpu.vector_load %arg9[%swap3A_2020, %swap3A_2021, %swap3A_2022] {strides = array<i32>} : memref<2x104x64xf32, #tpu.memory_space<vmem>>, vector<1x1x16xf32>,
        %swap3A_2024 = vector.shape_cast %swap3A_2023 : vector<1x1x16xf32> to vector<16xf32>
        %swap3A_2025 = vector.shape_cast %add3A_2018 : vector<16xf32> to vector<1x1x16xf32>
        tpu.vector_store %arg9[%swap3A_2020, %swap3A_2021, %swap3A_2022], %swap3A_2025 {strides = array<i32>} : memref<2x104x64xf32, #tpu.memory_space<vmem>>, vector<1x1x16xf32>,
        %get3A_2026 = arith.constant 3 : i32
        %get3A_2027 = arith.index_cast %get3A_2026 : i32 to index
        %get3A_2028 = arith.index_cast %add3A_2005 : i32 to index
        %get3A_2029 = arith.constant 16 : index
        %get3A_2030 = tpu.vector_load %arg8[%get3A_2027, %get3A_2028, %get3A_2029] {strides = array<i32>} : memref<4x104x128xf32, #tpu.memory_space<vmem>>, vector<1x1x16xf32>,
        %get3A_2031 = vector.shape_cast %get3A_2030 : vector<1x1x16xf32> to vector<16xf32>
        %add3A_2032 = arith.constant 96 : i32
        %add3A_2033 = arith.addi %add3A_2032, %add3A_2005 : i32
        %get3A_2034 = arith.index_cast %add3A_2033 : i32 to index
        %get3A_2035 = arith.constant 16 : index
        %get3A_2036 = tpu.vector_load %arg7[%get3A_2034, %get3A_2035] {strides = array<i32>} : memref<200x128xf32, #tpu.memory_space<vmem>>, vector<1x16xf32>,
        %get3A_2037 = vector.shape_cast %get3A_2036 : vector<1x16xf32> to vector<16xf32>
        %add3A_2038 = arith.addf %get3A_2031, %get3A_2037 : vector<16xf32>
        %swap3A_2039 = arith.constant 1 : i32
        %swap3A_2040 = arith.index_cast %swap3A_2039 : i32 to index
        %swap3A_2041 = arith.index_cast %add3A_2005 : i32 to index
        %swap3A_2042 = arith.constant 16 : index
        %swap3A_2043 = tpu.vector_load %arg9[%swap3A_2040, %swap3A_2041, %swap3A_2042] {strides = array<i32>} : memref<2x104x64xf32, #tpu.memory_space<vmem>>, vector<1x1x16xf32>,
        %swap3A_2044 = vector.shape_cast %swap3A_2043 : vector<1x1x16xf32> to vector<16xf32>
        %swap3A_2045 = vector.shape_cast %add3A_2038 : vector<16xf32> to vector<1x1x16xf32>
        tpu.vector_store %arg9[%swap3A_2040, %swap3A_2041, %swap3A_2042], %swap3A_2045 {strides = array<i32>} : memref<2x104x64xf32, #tpu.memory_space<vmem>>, vector<1x1x16xf32>,
        %get3A_2046 = arith.constant 3 : i32
        %get3A_2047 = arith.index_cast %get3A_2046 : i32 to index
        %get3A_2048 = arith.index_cast %add3A_2005 : i32 to index
        %get3A_2049 = arith.constant 32 : index
        %get3A_2050 = tpu.vector_load %arg8[%get3A_2047, %get3A_2048, %get3A_2049] {strides = array<i32>} : memref<4x104x128xf32, #tpu.memory_space<vmem>>, vector<1x1x16xf32>,
        %get3A_2051 = vector.shape_cast %get3A_2050 : vector<1x1x16xf32> to vector<16xf32>
        %add3A_2052 = arith.constant 96 : i32
        %add3A_2053 = arith.addi %add3A_2052, %add3A_2005 : i32
        %get3A_2054 = arith.index_cast %add3A_2053 : i32 to index
        %get3A_2055 = arith.constant 32 : index
        %get3A_2056 = tpu.vector_load %arg7[%get3A_2054, %get3A_2055] {strides = array<i32>} : memref<200x128xf32, #tpu.memory_space<vmem>>, vector<1x16xf32>,
        %get3A_2057 = vector.shape_cast %get3A_2056 : vector<1x16xf32> to vector<16xf32>
        %add3A_2058 = arith.addf %get3A_2051, %get3A_2057 : vector<16xf32>
        %swap3A_2059 = arith.constant 1 : i32
        %swap3A_2060 = arith.index_cast %swap3A_2059 : i32 to index
        %swap3A_2061 = arith.index_cast %add3A_2005 : i32 to index
        %swap3A_2062 = arith.constant 32 : index
        %swap3A_2063 = tpu.vector_load %arg9[%swap3A_2060, %swap3A_2061, %swap3A_2062] {strides = array<i32>} : memref<2x104x64xf32, #tpu.memory_space<vmem>>, vector<1x1x16xf32>,
        %swap3A_2064 = vector.shape_cast %swap3A_2063 : vector<1x1x16xf32> to vector<16xf32>
        %swap3A_2065 = vector.shape_cast %add3A_2058 : vector<16xf32> to vector<1x1x16xf32>
        tpu.vector_store %arg9[%swap3A_2060, %swap3A_2061, %swap3A_2062], %swap3A_2065 {strides = array<i32>} : memref<2x104x64xf32, #tpu.memory_space<vmem>>, vector<1x1x16xf32>,
        %get3A_2066 = arith.constant 3 : i32
        %get3A_2067 = arith.index_cast %get3A_2066 : i32 to index
        %get3A_2068 = arith.index_cast %add3A_2005 : i32 to index
        %get3A_2069 = arith.constant 48 : index
        %get3A_2070 = tpu.vector_load %arg8[%get3A_2067, %get3A_2068, %get3A_2069] {strides = array<i32>} : memref<4x104x128xf32, #tpu.memory_space<vmem>>, vector<1x1x16xf32>,
        %get3A_2071 = vector.shape_cast %get3A_2070 : vector<1x1x16xf32> to vector<16xf32>
        %add3A_2072 = arith.constant 96 : i32
        %add3A_2073 = arith.addi %add3A_2072, %add3A_2005 : i32
        %get3A_2074 = arith.index_cast %add3A_2073 : i32 to index
        %get3A_2075 = arith.constant 48 : index
        %get3A_2076 = tpu.vector_load %arg7[%get3A_2074, %get3A_2075] {strides = array<i32>} : memref<200x128xf32, #tpu.memory_space<vmem>>, vector<1x16xf32>,
        %get3A_2077 = vector.shape_cast %get3A_2076 : vector<1x16xf32> to vector<16xf32>
        %add3A_2078 = arith.addf %get3A_2071, %get3A_2077 : vector<16xf32>
        %swap3A_2079 = arith.constant 1 : i32
        %swap3A_2080 = arith.index_cast %swap3A_2079 : i32 to index
        %swap3A_2081 = arith.index_cast %add3A_2005 : i32 to index
        %swap3A_2082 = arith.constant 48 : index
        %swap3A_2083 = tpu.vector_load %arg9[%swap3A_2080, %swap3A_2081, %swap3A_2082] {strides = array<i32>} : memref<2x104x64xf32, #tpu.memory_space<vmem>>, vector<1x1x16xf32>,
        %swap3A_2084 = vector.shape_cast %swap3A_2083 : vector<1x1x16xf32> to vector<16xf32>
        %swap3A_2085 = vector.shape_cast %add3A_2078 : vector<16xf32> to vector<1x1x16xf32>
        tpu.vector_store %arg9[%swap3A_2080, %swap3A_2081, %swap3A_2082], %swap3A_2085 {strides = array<i32>} : memref<2x104x64xf32, #tpu.memory_space<vmem>>, vector<1x1x16xf32>,
      }
      %scan3A_1719 = arith.constant 104 : i32
      %mul3A_1720 = arith.constant 2 : i32
      %mul3A_1721 = arith.muli %add3A_1496, %mul3A_1720 : i32
      %add3A_1722 = arith.addi %mul3A_2, %mul3A_1721 : i32
      %add3A_1723 = arith.constant 1 : i32
      %add3A_1724 = arith.addi %add3A_1722, %add3A_1723 : i32
      %dma_start3A_1725 = arith.constant 1 : i32
      %dma_start3A_1726 = arith.constant 1 : i32
      %dma_start3A_1727 = arith.constant 0 : i32
      %dma_start3A_1728 = arith.constant 0 : i32
      %dma_start3A_1729 = tpu.memref_slice %arg9[%dma_start3A_1725, %dma_start3A_1727, %dma_start3A_1728] : memref<2x104x64xf32, #tpu.memory_space<vmem>> -> memref<1x104x64xf32, #tpu.memory_space<vmem>>
      %dma_start3A_1730 = tpu.memref_squeeze %dma_start3A_1729 : memref<1x104x64xf32, #tpu.memory_space<vmem>> -> memref<104x64xf32, #tpu.memory_space<vmem>>
      %dma_start3A_1731 = arith.constant 96 : i32
      %dma_start3A_1732 = arith.constant 0 : i32
      %dma_start3A_1733 = tpu.memref_slice %arg5[%add3A_1724, %dma_start3A_1731, %dma_start3A_1732] : memref<1024x200x64xf32, #tpu.memory_space<hbm>> -> memref<1x104x64xf32, #tpu.memory_space<hbm>>
      %dma_start3A_1734 = tpu.memref_squeeze %dma_start3A_1733 : memref<1x104x64xf32, #tpu.memory_space<hbm>> -> memref<104x64xf32, #tpu.memory_space<hbm>>
      %dma_start3A_1735 = tpu.memref_slice %arg11[%dma_start3A_1726] : memref<2x!tpu.dma_semaphore, #tpu.memory_space<semaphore_mem>> -> memref<1x!tpu.dma_semaphore, #tpu.memory_space<semaphore_mem>>
      %dma_start3A_1736 = tpu.memref_squeeze %dma_start3A_1735 : memref<1x!tpu.dma_semaphore, #tpu.memory_space<semaphore_mem>> -> memref<!tpu.dma_semaphore, #tpu.memory_space<semaphore_mem>>
      %dma_start3A_1737 = arith.constant 96 : i32
      %dma_start3A_1738 = arith.constant 0 : i32
      %dma_start3A_1739 = tpu.memref_slice %arg5[%add3A_1724, %dma_start3A_1737, %dma_start3A_1738] : memref<1024x200x64xf32, #tpu.memory_space<hbm>> -> memref<1x104x64xf32, #tpu.memory_space<hbm>>
      %dma_start3A_1740 = tpu.memref_squeeze %dma_start3A_1739 : memref<1x104x64xf32, #tpu.memory_space<hbm>> -> memref<104x64xf32, #tpu.memory_space<hbm>>
      %dma_start3A_1741 = arith.constant 0 : i32
      %dma_start3A_1742 = arith.constant 0 : i32
      %dma_start3A_1743 = tpu.memref_slice %arg9[%dma_start3A_1725, %dma_start3A_1741, %dma_start3A_1742] : memref<2x104x64xf32, #tpu.memory_space<vmem>> -> memref<1x104x64xf32, #tpu.memory_space<vmem>>
      %dma_start3A_1744 = tpu.memref_squeeze %dma_start3A_1743 : memref<1x104x64xf32, #tpu.memory_space<vmem>> -> memref<104x64xf32, #tpu.memory_space<vmem>>
      tpu.enqueue_dma source(%dma_start3A_1744 : memref<104x64xf32, #tpu.memory_space<vmem>>) target(%dma_start3A_1740 : memref<104x64xf32, #tpu.memory_space<hbm>>) target_semaphore(%dma_start3A_1736 : memref<!tpu.dma_semaphore, #tpu.memory_space<semaphore_mem>>)
    }
    %scan3A_1451 = arith.constant 16 : i32
    %dma_wait3A_1452 = arith.constant 0 : i32
    %dma_wait3A_1453 = arith.constant 0 : i32
    %dma_wait3A_1454 = arith.constant 0 : i32
    %dma_wait3A_1455 = arith.constant 0 : i32
    %dma_wait3A_1456 = tpu.memref_slice %arg9[%dma_wait3A_1452, %dma_wait3A_1454, %dma_wait3A_1455] : memref<2x104x64xf32, #tpu.memory_space<vmem>> -> memref<1x96x64xf32, #tpu.memory_space<vmem>>
    %dma_wait3A_1457 = tpu.memref_squeeze %dma_wait3A_1456 : memref<1x96x64xf32, #tpu.memory_space<vmem>> -> memref<96x64xf32, #tpu.memory_space<vmem>>
    %dma_wait3A_1458 = arith.constant 0 : i32
    %dma_wait3A_1459 = arith.constant 0 : i32
    %dma_wait3A_1460 = tpu.memref_slice %arg5[%mul3A_2, %dma_wait3A_1458, %dma_wait3A_1459] : memref<1024x200x64xf32, #tpu.memory_space<hbm>> -> memref<1x96x64xf32, #tpu.memory_space<hbm>>
    %dma_wait3A_1461 = tpu.memref_squeeze %dma_wait3A_1460 : memref<1x96x64xf32, #tpu.memory_space<hbm>> -> memref<96x64xf32, #tpu.memory_space<hbm>>
    %dma_wait3A_1462 = tpu.memref_slice %arg11[%dma_wait3A_1453] : memref<2x!tpu.dma_semaphore, #tpu.memory_space<semaphore_mem>> -> memref<1x!tpu.dma_semaphore, #tpu.memory_space<semaphore_mem>>
    %dma_wait3A_1463 = tpu.memref_squeeze %dma_wait3A_1462 : memref<1x!tpu.dma_semaphore, #tpu.memory_space<semaphore_mem>> -> memref<!tpu.dma_semaphore, #tpu.memory_space<semaphore_mem>>
    %dma_wait3A_1464 = arith.constant 0 : i32
    %dma_wait3A_1465 = arith.constant 0 : i32
    %dma_wait3A_1466 = tpu.memref_slice %arg5[%mul3A_2, %dma_wait3A_1464, %dma_wait3A_1465] : memref<1024x200x64xf32, #tpu.memory_space<hbm>> -> memref<1x96x64xf32, #tpu.memory_space<hbm>>
    %dma_wait3A_1467 = tpu.memref_squeeze %dma_wait3A_1466 : memref<1x96x64xf32, #tpu.memory_space<hbm>> -> memref<96x64xf32, #tpu.memory_space<hbm>>
    %dma_wait3A_1468 = arith.constant 0 : i32
    %dma_wait3A_1469 = arith.constant 0 : i32
    %dma_wait3A_1470 = tpu.memref_slice %arg9[%dma_wait3A_1452, %dma_wait3A_1468, %dma_wait3A_1469] : memref<2x104x64xf32, #tpu.memory_space<vmem>> -> memref<1x96x64xf32, #tpu.memory_space<vmem>>
    %dma_wait3A_1471 = tpu.memref_squeeze %dma_wait3A_1470 : memref<1x96x64xf32, #tpu.memory_space<vmem>> -> memref<96x64xf32, #tpu.memory_space<vmem>>
    tpu.wait_dma2 semaphore(%dma_wait3A_1463 : memref<!tpu.dma_semaphore, #tpu.memory_space<semaphore_mem>>) src(%dma_wait3A_1471 : memref<96x64xf32, #tpu.memory_space<vmem>>) dst(%dma_wait3A_1467 : memref<96x64xf32, #tpu.memory_space<hbm>>)
    %dma_wait3A_1472 = arith.constant 1 : i32
    %dma_wait3A_1473 = arith.constant 1 : i32
    %dma_wait3A_1474 = arith.constant 0 : i32
    %dma_wait3A_1475 = arith.constant 0 : i32
    %dma_wait3A_1476 = tpu.memref_slice %arg9[%dma_wait3A_1472, %dma_wait3A_1474, %dma_wait3A_1475] : memref<2x104x64xf32, #tpu.memory_space<vmem>> -> memref<1x104x64xf32, #tpu.memory_space<vmem>>
    %dma_wait3A_1477 = tpu.memref_squeeze %dma_wait3A_1476 : memref<1x104x64xf32, #tpu.memory_space<vmem>> -> memref<104x64xf32, #tpu.memory_space<vmem>>
    %dma_wait3A_1478 = arith.constant 96 : i32
    %dma_wait3A_1479 = arith.constant 0 : i32
    %dma_wait3A_1480 = tpu.memref_slice %arg5[%mul3A_2, %dma_wait3A_1478, %dma_wait3A_1479] : memref<1024x200x64xf32, #tpu.memory_space<hbm>> -> memref<1x104x64xf32, #tpu.memory_space<hbm>>
    %dma_wait3A_1481 = tpu.memref_squeeze %dma_wait3A_1480 : memref<1x104x64xf32, #tpu.memory_space<hbm>> -> memref<104x64xf32, #tpu.memory_space<hbm>>
    %dma_wait3A_1482 = tpu.memref_slice %arg11[%dma_wait3A_1473] : memref<2x!tpu.dma_semaphore, #tpu.memory_space<semaphore_mem>> -> memref<1x!tpu.dma_semaphore, #tpu.memory_space<semaphore_mem>>
    %dma_wait3A_1483 = tpu.memref_squeeze %dma_wait3A_1482 : memref<1x!tpu.dma_semaphore, #tpu.memory_space<semaphore_mem>> -> memref<!tpu.dma_semaphore, #tpu.memory_space<semaphore_mem>>
    %dma_wait3A_1484 = arith.constant 96 : i32
    %dma_wait3A_1485 = arith.constant 0 : i32
    %dma_wait3A_1486 = tpu.memref_slice %arg5[%mul3A_2, %dma_wait3A_1484, %dma_wait3A_1485] : memref<1024x200x64xf32, #tpu.memory_space<hbm>> -> memref<1x104x64xf32, #tpu.memory_space<hbm>>
    %dma_wait3A_1487 = tpu.memref_squeeze %dma_wait3A_1486 : memref<1x104x64xf32, #tpu.memory_space<hbm>> -> memref<104x64xf32, #tpu.memory_space<hbm>>
    %dma_wait3A_1488 = arith.constant 0 : i32
    %dma_wait3A_1489 = arith.constant 0 : i32
    %dma_wait3A_1490 = tpu.memref_slice %arg9[%dma_wait3A_1472, %dma_wait3A_1488, %dma_wait3A_1489] : memref<2x104x64xf32, #tpu.memory_space<vmem>> -> memref<1x104x64xf32, #tpu.memory_space<vmem>>
    %dma_wait3A_1491 = tpu.memref_squeeze %dma_wait3A_1490 : memref<1x104x64xf32, #tpu.memory_space<vmem>> -> memref<104x64xf32, #tpu.memory_space<vmem>>
    tpu.wait_dma2 semaphore(%dma_wait3A_1483 : memref<!tpu.dma_semaphore, #tpu.memory_space<semaphore_mem>>) src(%dma_wait3A_1491 : memref<104x64xf32, #tpu.memory_space<vmem>>) dst(%dma_wait3A_1487 : memref<104x64xf32, #tpu.memory_space<hbm>>)
    return
  }
}

</mosaic_0001>

<sc_bundles>
// kernel: embed_gather.3.cloned.1.call-start
scs
__scs_entry_jumppad:
0x0: {  	(pc) =	sbr.rel $0x88, $3  }
0x1: {  	(tag) =	ssettag $0x0;
	lr =	simm.s32 $0x1  }
0x2: {  	[smem:$0x3F9E] =	sst lr;
	_ =	strace $0xD0000000  }
0x3: {  	_ = 	snop  }
0x4: {  	_ = 	snop  }
0x5: {  	_ = 	snop  }
0x6: {  	_ = 	snop  }
0x7: {  	_ = 	snop  }
__scs_overlays_trampoline_lowered:
0x8: {  	[smem:$0x3FAD] =	sst s0  }
0x9: {  	[smem:$0x3FAE] =	sst s1  }
0xa: {  	[smem:$0x3FAF] =	sst s2  }
0xb: {  	[smem:$0x3FB0] =	sst s3  }
0xc: {  	[smem:$0x3FB1] =	sst s4  }
0xd: {  	[smem:$0x3FB2] =	sst s5  }
0xe: {  	[smem:$0x3FB3] =	sst s6  }
0xf: {  	[smem:$0x3FB4] =	sst s7  }
0x10: {  	[smem:$0x3FB5] =	sst s8  }
0x11: {  	[smem:$0x3FB6] =	sst s9;
	s0 =	simm.s32 @!p0 $0x0  }
0x12: {  	s1 =	sld [smem:$0x3F9C];
	s0 =	simm.s32 @p0 $0x1  }
0x13: {  	[smem:$0x3FB7] =	sst s0;
	s0 =	simm.s32 @!p1 $0x0  }
0x14: {  	s2 =	sld [smem:$0x3F9B];
	s0 =	simm.s32 @p1 $0x1  }
0x15: {  	[smem:$0x3FB8] =	sst s0;
	s0 =	simm.s32 @!p2 $0x0  }
0x16: {  	s3 =	sld [smem:$0x3FDB];
	s0 =	simm.s32 @p2 $0x1  }
0x17: {  	s4 =	simm.s32 $0x1BF5;
	[smem:$0x3FBA] =	sst s0  }
0x18: {  	s0 =	sld [smem:$0x3F9D];
	_ =	swait.ge [sflag:s4], $0x0  }
0x19: {  	s7 =	sld [smem:$0x3F9E]  }
0x1a: {  	s8 =	sadd.s32 $0xFFFFE003, lr  }
0x1b: {  	s9 =	sadd.s32 $0xFFFFFEF7, lr;
	s5 =	simm.s32 $0xFFFFFFFF;
	p2 =	slt.u32 s8, $0xFFFFF086  }
0x1c: {  	p1 =	slt.u32 s9, $0xF7A;
	s5 =	simm.s32 @!p2 $0x0  }
0x1d: {  	s5 =	simm.s32 @p1 $0x1;
	p0 =	seq.s32 s7, s2  }
0x1e: {  	s7 =	smul.u32 @!p0 $0xF7A, s2;
	p2 =	seq.s32 @!p0 s5, $0x0  }
0x1f: {  	s9 =	smul.u32 $0xF7A, s1;
	s8 =	simm.s32 @!p0 $0x1BF5;
	p2 =	por !p2, p0  }
0x20: {  	[sflag:s8] =	ssyncset.s32 @!p0 $0xFFFFF086;
	s6 =	sadd.s32 @!p0 s3, s7;
	s7 =	simm.s32 @!p0 $0x108  }
0x21: {  	s3 =	sadd.s32 s3, s9;
	s6 =	sadd.s32 @!p0 $0x88, s6;
	s7 =	simm.s32 @p2 $0x1082  }
0x22: {  	[simem:s7], [sflag:s8] =	dma.local @!p0 [hbm:s6], $0xF7A  }
0x23: {  	s9 =	sor.u32 $0xD0000000, s2;
	s6 =	simm.s32 $0x108;
	_ =	swait.ge @!p0 [sflag:s8], $0x0  }
0x24: {  	s3 =	sadd.s32 $0x88, s3;
	s6 =	simm.s32 @!p1 $0x1082;
	[sflag:s4] =	ssyncset.s32 $0xFFFFF086  }
0x25: {  	[simem:s6], [sflag:s4] =	dma.local [hbm:s3], $0xF7A  }
0x26: {  	[smem:$0x3F9E] =	sst s1;
	(tag) =	ssettag s2;
	_ =	strace s9  }
0x27: {  	s1 =	sld [smem:$0x3FAE]  }
0x28: {  	s2 =	sld [smem:$0x3FAF]  }
0x29: {  	s4 =	sld [smem:$0x3FB1]  }
0x2a: {  	p0 =	seq.s32 s5, $0x0;
	s5 =	sld [smem:$0x3FB2]  }
0x2b: {  	s6 =	sld [smem:$0x3FB3]  }
0x2c: {  	s7 =	sld [smem:$0x3FB4]  }
0x2d: {  	s3 =	simm.s32 $0x108;
	s8 =	sld [smem:$0x3FB5]  }
0x2e: {  	s3 =	simm.s32 @!p0 $0x1082;
	s9 =	sld [smem:$0x3FB6]  }
0x2f: {  	lr =	sadd.s32 s0, s3;
	s0 =	sld [smem:$0x3FAD]  }
0x30: {  	s3 =	sld [smem:$0x3FB0]  }
0x31: {  	[smem:$0x3FB9] =	sst s10  }
0x32: {  	s10 =	sld [smem:$0x3FB7];
	_ =	sdelay $0x3  }
0x33: {  	p0 =	seq.s32 s10, $0x1;
	s10 =	sld [smem:$0x3FB9];
	_ =	sdelay $0x3  }
0x34: {  	[smem:$0x3FB9] =	sst s10  }
0x35: {  	s10 =	sld [smem:$0x3FB8];
	_ =	sdelay $0x3  }
0x36: {  	p1 =	seq.s32 s10, $0x1;
	s10 =	sld [smem:$0x3FB9];
	_ =	sdelay $0x3  }
0x37: {  	[smem:$0x3FB9] =	sst s10  }
0x38: {  	s10 =	sld [smem:$0x3FBA]  }
0x39: {  	_ = 	snop;
	(pc) =	sbr.ind lr, $3  }
0x3a: {  	_ = 	snop  }
0x3b: {  	_ = 	snop  }
0x3c: {  	p2 =	seq.s32 s10, $0x1;
	s10 =	sld [smem:$0x3FB9]  }
0x3d: {  	_ =	shalt  }
0x3e: {  	_ =	shalt  }
0x3f: {  	_ =	shalt  }
0x40: {  	_ =	shalt  }
0x41: {  	_ =	shalt  }
0x42: {  	_ =	shalt  }
0x43: {  	_ =	shalt  }
0x44: {  	_ =	shalt  }
0x45: {  	_ =	shalt  }
0x46: {  	_ =	shalt  }
0x47: {  	_ =	shalt  }
0x48: {  	_ =	shalt  }
0x49: {  	_ =	shalt  }
0x4a: {  	_ =	shalt  }
0x4b: {  	_ =	shalt  }
0x4c: {  	_ =	shalt  }
0x4d: {  	_ =	shalt  }
0x4e: {  	_ =	shalt  }
0x4f: {  	_ =	shalt  }
0x50: {  	_ =	shalt  }
0x51: {  	_ =	shalt  }
0x52: {  	_ =	shalt  }
0x53: {  	_ =	shalt  }
0x54: {  	_ =	shalt  }
0x55: {  	_ =	shalt  }
0x56: {  	_ =	shalt  }
0x57: {  	_ =	shalt  }
0x58: {  	_ =	shalt  }
0x59: {  	_ =	shalt  }
0x5a: {  	_ =	shalt  }
0x5b: {  	_ =	shalt  }
0x5c: {  	_ =	shalt  }
0x5d: {  	_ =	shalt  }
0x5e: {  	_ =	shalt  }
0x5f: {  	_ =	shalt  }
0x60: {  	_ =	shalt  }
0x61: {  	_ =	shalt  }
0x62: {  	_ =	shalt  }
0x63: {  	_ =	shalt  }
0x64: {  	_ =	shalt  }
0x65: {  	_ =	shalt  }
0x66: {  	_ =	shalt  }
0x67: {  	_ =	shalt  }
0x68: {  	_ =	shalt  }
0x69: {  	_ =	shalt  }
0x6a: {  	_ =	shalt  }
0x6b: {  	_ =	shalt  }
0x6c: {  	_ =	shalt  }
0x6d: {  	_ =	shalt  }
0x6e: {  	_ =	shalt  }
0x6f: {  	_ =	shalt  }
0x70: {  	_ =	shalt  }
0x71: {  	_ =	shalt  }
0x72: {  	_ =	shalt  }
0x73: {  	_ =	shalt  }
0x74: {  	_ =	shalt  }
0x75: {  	_ =	shalt  }
0x76: {  	_ =	shalt  }
0x77: {  	_ =	shalt  }
0x78: {  	_ =	shalt  }
0x79: {  	_ =	shalt  }
0x7a: {  	_ =	shalt  }
0x7b: {  	_ =	shalt  }
0x7c: {  	_ =	shalt  }
0x7d: {  	_ =	shalt  }
0x7e: {  	_ =	shalt  }
0x7f: {  	_ =	shalt  }
0x80: {  	_ =	shalt  }
0x81: {  	_ =	shalt  }
0x82: {  	_ =	shalt  }
0x83: {  	_ =	shalt  }
0x84: {  	_ =	shalt  }
0x85: {  	_ =	shalt  }
0x86: {  	_ =	shalt  }
0x87: {  	_ =	shalt  }
.Lfunc_end0:
.L_simem_size_0:
called_computation_lowered:
.L_overlay_start_0:
0x88: {  	s2 =	sld [smem:$0x3FD9]  }
0x89: {  	s3 =	sld [smem:$0x3FFE];
	_ =	sdelay $0x1  }
0x8a: {  	s1 =	srdreg.scid  }
0x8b: {  	s0 =	sand.u32 $0x1, s1  }
0x8c: {  	s17 =	sshll.u32 s0, $0xA;
	s2 =	sadd.s32 s3, s2  }
0x8d: {  	s2 =	sadd.s32 s2, s17  }
0x8e: {  	[smem:$0x3FC5] =	sst s2  }
0x8f: {  	_ = 	snop  }
0x90: {  	s2 =	sld [smem:$0x3FC9]  }
0x91: {  	s18 =	sld [smem:$0x3FC8]  }
0x92: {  	s4 =	sld [smem:$0x3FC7];
	(tm) =	ssettm $0x1  }
0x93: {  	s5 =	sld [smem:$0x3FFB];
	_ =	sdelay $0x3  }
0x94: {  	_ =	strace s5  }
0x95: {  	s5 =	sld [smem:$0x3FFC];
	_ =	sdelay $0x3  }
0x96: {  	_ =	strace s5  }
0x97: {  	s5 =	sld [smem:$0x3FFD];
	_ =	sdelay $0x3  }
0x98: {  	_ =	strace s5  }
0x99: {  	_ =	strace $0x8FFFFFFF  }
0x9a: {  	s19 =	sld [smem:$0x3FDB];
	_ =	sdelay $0x1  }
0x9b: {  	s6 =	simm.s32 $_scs_section_size  }
0x9c: {  	s7 =	simm.s32 $_size__tile_overlayer_lowered;
	s8 =	simm.s32 $_tile_overlayer_lowered  }
0x9d: {  	s22 =	simm.s32 $0x1BFF;
	s21 =	sshll.u32 s8, $0x1;
	s5 =	sadd.s32 s6, s19  }
0x9e: {  	s9 =	simm.s32 $0x0;
	s20 =	sshll.u32 s7, $0x1;
	s7 =	sadd.s32 s21, s5  }
0x9f: {  	[timem:s9], [sflag:s22] =	dma.local [hbm:s7], s20  }
0xa0: {  	_ =	swait.ge [sflag:s22], s20  }
0xa1: {  	s6 =	ssub.s32 $0x0, s20;
	[sflag:s22] =	ssyncset.done $0x0  }
0xa2: {  	[sflag:s22] =	ssyncadd.s32 s6;
	_ =	sdelay $0x1  }
0xa3: {  	s23 =	simm.s32 $0x1B8B  }
0xa4: {  	_ =	swait.ge [sflag:s23], $0x1  }
0xa5: {  	[sflag:s23] =	ssyncset.done $0x0  }
0xa6: {  	s25 =	simm.s32 $0x1B8E;
	s24 =	sld [smem:$0x3FFE];
	[sflag:s23] =	ssyncadd.s32 $0xFFFFFFFF  }
0xa7: {  	s26 =	simm.s32 $execute0_lowered;
	[smem:$0x3FD2] =	sst s25  }
0xa8: {  	s7 =	sshll.u32 s26, $0x1;
	_ =	strace $0x80000046;
	[dreg:$0x1] =	wrdreg $0xFFFFFFFF  }
0xa9: {  	s28 =	simm.s32 $_size_execute0_lowered;
	s5 =	sadd.s32 s5, s7;
	[dreg:$0x0] =	wrdreg $0x0  }
0xaa: {  	s7 =	sshll.u32 s28, $0x1;
	[dreg:$0x2] =	wrdreg s5  }
0xab: {  	[dreg:$0x3] =	wrdreg s7  }
0xac: {  	[dreg:$0x4] =	wrdreg $0xC0  }
0xad: {  	_ =	task [dreg:s9], $0x5FFFF  }
0xae: {  	[dreg:$0x1] =	wrdreg $0xFFFFFFFF  }
0xaf: {  	[dreg:$0x0] =	wrdreg $0x60  }
0xb0: {  	[dreg:$0x2] =	wrdreg s2  }
0xb1: {  	[dreg:$0x3] =	wrdreg s18  }
0xb2: {  	[dreg:$0x4] =	wrdreg s4  }
0xb3: {  	[dreg:$0x5] =	wrdreg s24  }
0xb4: {  	[dreg:$0x6] =	wrdreg $0x9  }
0xb5: {  	_ =	task.clear_ibuf [dreg:s9], $0x7FFFF;
	_ =	strace $0x90000046  }
0xb6: {  	s29 =	simm.s32 $0x9;
	_ =	strace $0x80000048  }
0xb7: {  	_ =	swait.ge [sflag:s29], $0x1  }
0xb8: {  	[sflag:s29] =	ssyncadd.s32 $0xFFFFFFFF  }
0xb9: {  	_ =	strace $0x90000048  }
0xba: {  	_ =	sfence  }
0xbb: {  	s30 =	sld [smem:$0x0];
	_ =	sdelay $0x2  }
0xbc: {  	s31 =	sshll.u32 s1, $0xD;
	s1 =	sshrl.u32 s1, $0x2  }
0xbd: {  	s3 =	sand.u32 $0x4000, s31;
	s1 =	sadd.s32 s1, s30  }
0xbe: {  	s0 =	sor.u32 s3, s0;
	s1 =	sshll.u32 s1, $0x11  }
0xbf: {  	s0 =	sor.u32 s1, s0  }
0xc0: {  	s0 =	sadd.s32 $0x8F2B, s0  }
0xc1: {  	[sflag:s0] =	ssyncadd.remote.s32 $0x1  }
0xc2: {  	_ =	sfence.sel $0xFFFF  }
0xc3: {  	[dreg:$0x0] =	wrdreg $0xFFFFFFFF;
	(pc) =	sbr.abs _section_cstart, $3  }
0xc4: {  	[dreg:$0x1] =	wrdreg $0xFFFFFFFF  }
0xc5: {  	_ =	task.clear_ibuf [dreg:s9], $0x2FFFF;
	_ =	strace $0x9FFFFFFF  }
0xc6: {  	(tm) =	ssettm $0x7FFFFFFF  }
0xc7: {  	_ =	shalt  }
tec
execute0_lowered:
.L_overlay_start_1:
0x0: {  	(tag) =	ssettag $0x1  }
0x1: {  	s0 =	rddreg [dreg:$0x0]  }
0x2: {  	s1 =	srdreg.scid;
	s3 =	rddreg [dreg:$0x2]  }
0x3: {  	s4 =	stileid.u32;
	s2 =	rddreg [dreg:$0x3];
	s1 =	sand.u32 $0x1, s1  }
0x4: {  	s5 =	sshll.u32 s4, $0x6;
	s6 =	sshll.u32 s1, $0x5;
	s1 =	ssub.s32 $0x2, s1  }
0x5: {  	s4 =	simm.s32 $0x0;
	s5 =	sor.u32 s6, s5;
	s8 =	sshrl.u32 s1, $0x1  }
0x6: {  	s7 =	sadd.s32 $0x400, s2;
	s6 =	sshll.u32 s5, $0x5;
	s26 =	ssub.s32 s1, s8  }
0x7: {  	[smem:$0x7FF] =	sst s4;
	s6 =	sadd.s32 s0, s6;
	s0 =	smax.u32 s26, $0x1  }
0x8: {  	_ =	strace $0x80000047;
	s2 =	sadd.s32 $0x80, s6;
	[dreg:$0x16] =	wrdreg s0  }
0x9: {  	s8 =	sadd.s32 $0x10, s6;
	[dreg:$0x5] =	wrdreg s2  }
0xa: {  	s9 =	sadd.s32 $0x90, s6;
	[dreg:$0x6] =	wrdreg s8  }
0xb: {  	s10 =	sadd.s32 $0x20, s6;
	[dreg:$0x7] =	wrdreg s9  }
0xc: {  	s11 =	sadd.s32 $0xA0, s6;
	[dreg:$0x8] =	wrdreg s10  }
0xd: {  	s12 =	sadd.s32 $0x30, s6;
	[dreg:$0x9] =	wrdreg s11  }
0xe: {  	s13 =	sadd.s32 $0xB0, s6;
	[dreg:$0xa] =	wrdreg s12  }
0xf: {  	s14 =	sadd.s32 $0x40, s6;
	[dreg:$0xb] =	wrdreg s13  }
0x10: {  	s15 =	sadd.s32 $0xC0, s6;
	[dreg:$0xc] =	wrdreg s14  }
0x11: {  	s16 =	sadd.s32 $0x50, s6;
	[dreg:$0xd] =	wrdreg s15  }
0x12: {  	s17 =	sadd.s32 $0xD0, s6;
	[dreg:$0xe] =	wrdreg s16  }
0x13: {  	s18 =	sadd.s32 $0x60, s6;
	[dreg:$0xf] =	wrdreg s17  }
0x14: {  	s19 =	sadd.s32 $0xE0, s6;
	[dreg:$0x10] =	wrdreg s18  }
0x15: {  	s20 =	sadd.s32 $0x70, s6;
	[dreg:$0x11] =	wrdreg s19  }
0x16: {  	s21 =	sadd.s32 $0xF0, s6;
	[dreg:$0x12] =	wrdreg s20  }
0x17: {  	s22 =	sadd.s32 $0x100, s6;
	[dreg:$0x13] =	wrdreg s21  }
0x18: {  	s23 =	sadd.s32 $0x180, s6;
	[dreg:$0x14] =	wrdreg s22  }
0x19: {  	s24 =	sadd.s32 $0x110, s6;
	[dreg:$0x15] =	wrdreg s23  }
0x1a: {  	s25 =	sadd.s32 $0x190, s6;
	[dreg:$0x17] =	wrdreg s24  }
0x1b: {  	s26 =	sadd.s32 $0x120, s6;
	[dreg:$0x18] =	wrdreg s25  }
0x1c: {  	s1 =	sadd.s32 $0x1A0, s6;
	[dreg:$0x19] =	wrdreg s26  }
0x1d: {  	[dreg:$0x1a] =	wrdreg s1;
	s2 =	sadd.s32 $0x130, s6  }
0x1e: {  	s8 =	sadd.s32 $0x1B0, s6;
	[dreg:$0x1b] =	wrdreg s2  }
0x1f: {  	s9 =	sadd.s32 $0x140, s6;
	[dreg:$0x1c] =	wrdreg s8  }
0x20: {  	s10 =	sadd.s32 $0x1C0, s6;
	[dreg:$0x1d] =	wrdreg s9  }
0x21: {  	s11 =	sadd.s32 $0x150, s6;
	[dreg:$0x1e] =	wrdreg s10  }
0x22: {  	s12 =	sadd.s32 $0x1D0, s6;
	[dreg:$0x1f] =	wrdreg s11  }
0x23: {  	s13 =	sadd.s32 $0x160, s6;
	[smem:$0x7DA] =	sst s12  }
0x24: {  	s14 =	sadd.s32 $0x1E0, s6;
	[smem:$0x7DB] =	sst s13  }
0x25: {  	s15 =	sadd.s32 $0x170, s6;
	[smem:$0x7DC] =	sst s14  }
0x26: {  	s16 =	sadd.s32 $0x1F0, s6;
	[smem:$0x7DD] =	sst s15  }
0x27: {  	s17 =	sadd.s32 $0x200, s6;
	[smem:$0x7DE] =	sst s16  }
0x28: {  	s18 =	sadd.s32 $0x280, s6;
	[smem:$0x7DF] =	sst s17  }
0x29: {  	s19 =	sadd.s32 $0x210, s6;
	[smem:$0x7E0] =	sst s18  }
0x2a: {  	s20 =	sadd.s32 $0x290, s6;
	[smem:$0x7E1] =	sst s19  }
0x2b: {  	s21 =	sadd.s32 $0x220, s6;
	[smem:$0x7E2] =	sst s20  }
0x2c: {  	s22 =	sadd.s32 $0x2A0, s6;
	[smem:$0x7E3] =	sst s21  }
0x2d: {  	s23 =	sadd.s32 $0x230, s6;
	[smem:$0x7E4] =	sst s22  }
0x2e: {  	s24 =	sadd.s32 $0x2B0, s6;
	[smem:$0x7E5] =	sst s23  }
0x2f: {  	s25 =	sadd.s32 $0x240, s6;
	[smem:$0x7E6] =	sst s24  }
0x30: {  	s26 =	sadd.s32 $0x2C0, s6;
	[smem:$0x7E7] =	sst s25  }
0x31: {  	s1 =	sadd.s32 $0x250, s6;
	[smem:$0x7E8] =	sst s26  }
0x32: {  	[smem:$0x7E9] =	sst s1;
	s2 =	sadd.s32 $0x2D0, s6  }
0x33: {  	s8 =	sadd.s32 $0x260, s6;
	[smem:$0x7EA] =	sst s2  }
0x34: {  	s9 =	sadd.s32 $0x2E0, s6;
	[smem:$0x7EB] =	sst s8  }
0x35: {  	s10 =	sadd.s32 $0x270, s6;
	[smem:$0x7EC] =	sst s9  }
0x36: {  	s11 =	sadd.s32 $0x2F0, s6;
	[smem:$0x7ED] =	sst s10  }
0x37: {  	s12 =	sadd.s32 $0x300, s6;
	[smem:$0x7EE] =	sst s11  }
0x38: {  	s13 =	sadd.s32 $0x380, s6;
	[smem:$0x7EF] =	sst s12  }
0x39: {  	s14 =	sadd.s32 $0x310, s6;
	[smem:$0x7F0] =	sst s13  }
0x3a: {  	s15 =	sadd.s32 $0x390, s6;
	[smem:$0x7F1] =	sst s14  }
0x3b: {  	s16 =	sadd.s32 $0x320, s6;
	[smem:$0x7F2] =	sst s15  }
0x3c: {  	s17 =	sadd.s32 $0x3A0, s6;
	[smem:$0x7F3] =	sst s16  }
0x3d: {  	s18 =	sadd.s32 $0x330, s6;
	[smem:$0x7F4] =	sst s17  }
0x3e: {  	s19 =	sadd.s32 $0x3B0, s6;
	[smem:$0x7F5] =	sst s18  }
0x3f: {  	s20 =	sadd.s32 $0x340, s6;
	[smem:$0x7F6] =	sst s19  }
0x40: {  	s21 =	sadd.s32 $0x3C0, s6;
	[smem:$0x7F7] =	sst s20  }
0x41: {  	s28 =	simm.s32 $0x15400;
	s22 =	sadd.s32 $0x350, s6;
	[smem:$0x7F8] =	sst s21  }
0x42: {  	s29 =	simm.s32 $0x2;
	s23 =	sadd.s32 $0x3D0, s6;
	[smem:$0x7F9] =	sst s22  }
0x43: {  	s30 =	simm.s32 $0x6;
	s24 =	sadd.s32 $0x360, s6;
	[smem:$0x7FA] =	sst s23  }
0x44: {  	s31 =	simm.s32 $0x18800;
	s25 =	sadd.s32 $0x3E0, s6;
	[smem:$0x7FB] =	sst s24  }
0x45: {  	s0 =	simm.s32 $0x5;
	s26 =	sadd.s32 $0x370, s6;
	[smem:$0x7FC] =	sst s25  }
0x46: {  	s1 =	simm.s32 $0x4;
	[smem:$0x7FD] =	sst s26;
	s19 =	sadd.s32 $0x3F0, s6  }
0x47: {  	s21 =	simm.s32 $0x8;
	s22 =	simm.s32 $0x7;
	s23 =	simm.s32 $0x60  }
0x48: {  	s24 =	simm.s32 $0x8400;
	s25 =	simm.s32 $0x68;
	s20 =	simm.s32 $0x12000  }
0x49: {  	s26 =	simm.s32 $0x1;
	s2 =	simm.s32 $0x3;
	s8 =	simm.s32 $0x0  }
.LBB2_1:
0x4a: {  	[tilespmem:s4], [sflag:$0x7] =	stream.linear.gather [hbm4b:s6+s4], $0x80, $0x38;
	[tilespmem:$0x1BC00] =	vst v63  }
0x4b: {  	s9 =	rddreg [dreg:$0x5]  }
0x4c: {  	s10 =	simm.s32 $0x80;
	s13 =	rddreg [dreg:$0x6]  }
0x4d: {  	[tilespmem:s10], [sflag:$0x7] =	stream.linear.gather [hbm4b:s9+s4], $0x80, $0x38;
	[tilespmem:$0x1BC00] =	vst v63  }
0x4e: {  	s14 =	rddreg [dreg:$0x7];
	s10 =	simm.s32 $0x100  }
0x4f: {  	[tilespmem:s10], [sflag:$0x7] =	stream.linear.gather [hbm4b:s13+s4], $0x80, $0x38;
	[tilespmem:$0x1BC00] =	vst v63  }
0x50: {  	s11 =	simm.s32 $0x180;
	s15 =	rddreg [dreg:$0x8]  }
0x51: {  	[tilespmem:s11], [sflag:$0x7] =	stream.linear.gather [hbm4b:s14+s4], $0x80, $0x38;
	[tilespmem:$0x1BC00] =	vst v63  }
0x52: {  	s16 =	simm.s32 $0x200;
	s17 =	rddreg [dreg:$0x9]  }
0x53: {  	[tilespmem:s16], [sflag:$0x7] =	stream.linear.gather [hbm4b:s15+s4], $0x80, $0x38;
	[tilespmem:$0x1BC00] =	vst v63  }
0x54: {  	s18 =	simm.s32 $0x280;
	s13 =	rddreg [dreg:$0xb]  }
0x55: {  	[tilespmem:s18], [sflag:$0x7] =	stream.linear.gather [hbm4b:s17+s4], $0x80, $0x38;
	[tilespmem:$0x1BC00] =	vst v63  }
0x56: {  	s12 =	simm.s32 $0x300;
	s11 =	rddreg [dreg:$0xa]  }
0x57: {  	[tilespmem:s12], [sflag:$0x7] =	stream.linear.gather [hbm4b:s11+s4], $0x80, $0x38;
	[tilespmem:$0x1BC00] =	vst v63  }
0x58: {  	s14 =	simm.s32 $0x380;
	s15 =	rddreg [dreg:$0xc]  }
0x59: {  	[tilespmem:s14], [sflag:$0x7] =	stream.linear.gather [hbm4b:s13+s4], $0x80, $0x38;
	[tilespmem:$0x1BC00] =	vst v63  }
0x5a: {  	s16 =	simm.s32 $0x400;
	s17 =	rddreg [dreg:$0xd]  }
0x5b: {  	[tilespmem:s16], [sflag:$0x7] =	stream.linear.gather [hbm4b:s15+s4], $0x80, $0x38;
	[tilespmem:$0x1BC00] =	vst v63  }
0x5c: {  	s18 =	simm.s32 $0x480;
	s11 =	rddreg [dreg:$0xe]  }
0x5d: {  	[tilespmem:s18], [sflag:$0x7] =	stream.linear.gather [hbm4b:s17+s4], $0x80, $0x38;
	[tilespmem:$0x1BC00] =	vst v63  }
0x5e: {  	s12 =	simm.s32 $0x500;
	s13 =	rddreg [dreg:$0xf]  }
0x5f: {  	[tilespmem:s12], [sflag:$0x7] =	stream.linear.gather [hbm4b:s11+s4], $0x80, $0x38;
	[tilespmem:$0x1BC00] =	vst v63  }
0x60: {  	s14 =	simm.s32 $0x580;
	s15 =	rddreg [dreg:$0x10]  }
0x61: {  	[tilespmem:s14], [sflag:$0x7] =	stream.linear.gather [hbm4b:s13+s4], $0x80, $0x38;
	[tilespmem:$0x1BC00] =	vst v63  }
0x62: {  	s16 =	simm.s32 $0x600;
	s17 =	rddreg [dreg:$0x11]  }
0x63: {  	[tilespmem:s16], [sflag:$0x7] =	stream.linear.gather [hbm4b:s15+s4], $0x80, $0x38;
	[tilespmem:$0x1BC00] =	vst v63  }
0x64: {  	s18 =	simm.s32 $0x680;
	s11 =	rddreg [dreg:$0x12]  }
0x65: {  	[tilespmem:s18], [sflag:$0x7] =	stream.linear.gather [hbm4b:s17+s4], $0x80, $0x38;
	[tilespmem:$0x1BC00] =	vst v63  }
0x66: {  	s12 =	simm.s32 $0x700;
	s13 =	rddreg [dreg:$0x13]  }
0x67: {  	[tilespmem:s12], [sflag:$0x7] =	stream.linear.gather [hbm4b:s11+s4], $0x80, $0x38;
	[tilespmem:$0x1BC00] =	vst v63  }
0x68: {  	s14 =	simm.s32 $0x780;
	s15 =	rddreg [dreg:$0x14]  }
0x69: {  	[tilespmem:s14], [sflag:$0x7] =	stream.linear.gather [hbm4b:s13+s4], $0x80, $0x38;
	[tilespmem:$0x1BC00] =	vst v63  }
0x6a: {  	s16 =	simm.s32 $0x800;
	s17 =	rddreg [dreg:$0x15]  }
0x6b: {  	[tilespmem:s16], [sflag:$0x7] =	stream.linear.gather [hbm4b:s15+s4], $0x80, $0x38;
	[tilespmem:$0x1BC00] =	vst v63  }
0x6c: {  	s18 =	simm.s32 $0x880;
	s11 =	rddreg [dreg:$0x17]  }
0x6d: {  	[tilespmem:s18], [sflag:$0x7] =	stream.linear.gather [hbm4b:s17+s4], $0x80, $0x38;
	[tilespmem:$0x1BC00] =	vst v63  }
0x6e: {  	s12 =	simm.s32 $0x900;
	s13 =	rddreg [dreg:$0x18]  }
0x6f: {  	[tilespmem:s12], [sflag:$0x7] =	stream.linear.gather [hbm4b:s11+s4], $0x80, $0x38;
	[tilespmem:$0x1BC00] =	vst v63  }
0x70: {  	s14 =	simm.s32 $0x980;
	s15 =	rddreg [dreg:$0x19]  }
0x71: {  	[tilespmem:s14], [sflag:$0x7] =	stream.linear.gather [hbm4b:s13+s4], $0x80, $0x38;
	[tilespmem:$0x1BC00] =	vst v63  }
0x72: {  	s16 =	simm.s32 $0xA00;
	s17 =	rddreg [dreg:$0x1a]  }
0x73: {  	[tilespmem:s16], [sflag:$0x7] =	stream.linear.gather [hbm4b:s15+s4], $0x80, $0x38;
	[tilespmem:$0x1BC00] =	vst v63  }
0x74: {  	s18 =	simm.s32 $0xA80;
	s11 =	rddreg [dreg:$0x1b]  }
0x75: {  	[tilespmem:s18], [sflag:$0x7] =	stream.linear.gather [hbm4b:s17+s4], $0x80, $0x38;
	[tilespmem:$0x1BC00] =	vst v63  }
0x76: {  	s12 =	simm.s32 $0xB00;
	s13 =	rddreg [dreg:$0x1c]  }
0x77: {  	[tilespmem:s12], [sflag:$0x7] =	stream.linear.gather [hbm4b:s11+s4], $0x80, $0x38;
	[tilespmem:$0x1BC00] =	vst v63  }
0x78: {  	s14 =	simm.s32 $0xB80;
	s15 =	rddreg [dreg:$0x1d]  }
0x79: {  	[tilespmem:s14], [sflag:$0x7] =	stream.linear.gather [hbm4b:s13+s4], $0x80, $0x38;
	[tilespmem:$0x1BC00] =	vst v63  }
0x7a: {  	s16 =	simm.s32 $0xC00;
	s17 =	rddreg [dreg:$0x1e]  }
0x7b: {  	[tilespmem:s16], [sflag:$0x7] =	stream.linear.gather [hbm4b:s15+s4], $0x80, $0x38;
	[tilespmem:$0x1BC00] =	vst v63  }
0x7c: {  	s18 =	simm.s32 $0xC80;
	s11 =	rddreg [dreg:$0x1f]  }
0x7d: {  	[tilespmem:s18], [sflag:$0x7] =	stream.linear.gather [hbm4b:s17+s4], $0x80, $0x38;
	[tilespmem:$0x1BC00] =	vst v63  }
0x7e: {  	s12 =	simm.s32 $0xD00;
	s13 =	sld [smem:$0x7DA]  }
0x7f: {  	[tilespmem:s12], [sflag:$0x7] =	stream.linear.gather [hbm4b:s11+s4], $0x80, $0x38;
	[tilespmem:$0x1BC00] =	vst v63  }
0x80: {  	s14 =	simm.s32 $0xD80;
	s15 =	sld [smem:$0x7DB]  }
0x81: {  	[tilespmem:s14], [sflag:$0x7] =	stream.linear.gather [hbm4b:s13+s4], $0x80, $0x38;
	[tilespmem:$0x1BC00] =	vst v63  }
0x82: {  	s16 =	simm.s32 $0xE00;
	s17 =	sld [smem:$0x7DC]  }
0x83: {  	[tilespmem:s16], [sflag:$0x7] =	stream.linear.gather [hbm4b:s15+s4], $0x80, $0x38;
	[tilespmem:$0x1BC00] =	vst v63  }
0x84: {  	s18 =	simm.s32 $0xE80;
	s11 =	sld [smem:$0x7DD]  }
0x85: {  	[tilespmem:s18], [sflag:$0x7] =	stream.linear.gather [hbm4b:s17+s4], $0x80, $0x38;
	[tilespmem:$0x1BC00] =	vst v63  }
0x86: {  	s12 =	simm.s32 $0xF00;
	s13 =	sld [smem:$0x7DE]  }
0x87: {  	[tilespmem:s12], [sflag:$0x7] =	stream.linear.gather [hbm4b:s11+s4], $0x80, $0x38;
	[tilespmem:$0x1BC00] =	vst v63  }
0x88: {  	s14 =	simm.s32 $0xF80;
	s15 =	sld [smem:$0x7DF]  }
0x89: {  	[tilespmem:s14], [sflag:$0x7] =	stream.linear.gather [hbm4b:s13+s4], $0x80, $0x38;
	[tilespmem:$0x1BC00] =	vst v63  }
0x8a: {  	s16 =	simm.s32 $0x1000;
	s17 =	sld [smem:$0x7E0]  }
0x8b: {  	[tilespmem:s16], [sflag:$0x7] =	stream.linear.gather [hbm4b:s15+s4], $0x80, $0x38;
	[tilespmem:$0x1BC00] =	vst v63  }
0x8c: {  	s18 =	simm.s32 $0x1080;
	s11 =	sld [smem:$0x7E1]  }
0x8d: {  	[tilespmem:s18], [sflag:$0x7] =	stream.linear.gather [hbm4b:s17+s4], $0x80, $0x38;
	[tilespmem:$0x1BC00] =	vst v63  }
0x8e: {  	s12 =	simm.s32 $0x1100;
	s13 =	sld [smem:$0x7E2]  }
0x8f: {  	[tilespmem:s12], [sflag:$0x7] =	stream.linear.gather [hbm4b:s11+s4], $0x80, $0x38;
	[tilespmem:$0x1BC00] =	vst v63  }
0x90: {  	s14 =	simm.s32 $0x1180;
	s15 =	sld [smem:$0x7E3]  }
0x91: {  	[tilespmem:s14], [sflag:$0x7] =	stream.linear.gather [hbm4b:s13+s4], $0x80, $0x38;
	[tilespmem:$0x1BC00] =	vst v63  }
0x92: {  	s16 =	simm.s32 $0x1200;
	s17 =	sld [smem:$0x7E4]  }
0x93: {  	[tilespmem:s16], [sflag:$0x7] =	stream.linear.gather [hbm4b:s15+s4], $0x80, $0x38;
	[tilespmem:$0x1BC00] =	vst v63  }
0x94: {  	s18 =	simm.s32 $0x1280;
	s11 =	sld [smem:$0x7E5]  }
0x95: {  	[tilespmem:s18], [sflag:$0x7] =	stream.linear.gather [hbm4b:s17+s4], $0x80, $0x38;
	[tilespmem:$0x1BC00] =	vst v63  }
0x96: {  	s12 =	simm.s32 $0x1300;
	s13 =	sld [smem:$0x7E6]  }
0x97: {  	[tilespmem:s12], [sflag:$0x7] =	stream.linear.gather [hbm4b:s11+s4], $0x80, $0x38;
	[tilespmem:$0x1BC00] =	vst v63  }
0x98: {  	s14 =	simm.s32 $0x1380;
	s15 =	sld [smem:$0x7E7]  }
0x99: {  	[tilespmem:s14], [sflag:$0x7] =	stream.linear.gather [hbm4b:s13+s4], $0x80, $0x38;
	[tilespmem:$0x1BC00] =	vst v63  }
0x9a: {  	s16 =	simm.s32 $0x1400;
	s17 =	sld [smem:$0x7E8]  }
0x9b: {  	[tilespmem:s16], [sflag:$0x7] =	stream.linear.gather [hbm4b:s15+s4], $0x80, $0x38;
	[tilespmem:$0x1BC00] =	vst v63  }
0x9c: {  	s18 =	simm.s32 $0x1480;
	s11 =	sld [smem:$0x7E9]  }
0x9d: {  	[tilespmem:s18], [sflag:$0x7] =	stream.linear.gather [hbm4b:s17+s4], $0x80, $0x38;
	[tilespmem:$0x1BC00] =	vst v63  }
0x9e: {  	s12 =	simm.s32 $0x1500;
	s13 =	sld [smem:$0x7EA]  }
0x9f: {  	[tilespmem:s12], [sflag:$0x7] =	stream.linear.gather [hbm4b:s11+s4], $0x80, $0x38;
	[tilespmem:$0x1BC00] =	vst v63  }
0xa0: {  	s14 =	simm.s32 $0x1580;
	s15 =	sld [smem:$0x7EB]  }
0xa1: {  	[tilespmem:s14], [sflag:$0x7] =	stream.linear.gather [hbm4b:s13+s4], $0x80, $0x38;
	[tilespmem:$0x1BC00] =	vst v63  }
0xa2: {  	s16 =	simm.s32 $0x1600;
	s17 =	sld [smem:$0x7EC]  }
0xa3: {  	[tilespmem:s16], [sflag:$0x7] =	stream.linear.gather [hbm4b:s15+s4], $0x80, $0x38;
	[tilespmem:$0x1BC00] =	vst v63  }
0xa4: {  	s18 =	simm.s32 $0x1680;
	s11 =	sld [smem:$0x7ED]  }
0xa5: {  	[tilespmem:s18], [sflag:$0x7] =	stream.linear.gather [hbm4b:s17+s4], $0x80, $0x38;
	[tilespmem:$0x1BC00] =	vst v63  }
0xa6: {  	s12 =	simm.s32 $0x1700;
	s13 =	sld [smem:$0x7EE]  }
0xa7: {  	[tilespmem:s12], [sflag:$0x7] =	stream.linear.gather [hbm4b:s11+s4], $0x80, $0x38;
	[tilespmem:$0x1BC00] =	vst v63  }
0xa8: {  	s14 =	simm.s32 $0x1780;
	s15 =	sld [smem:$0x7EF]  }
0xa9: {  	[tilespmem:s14], [sflag:$0x7] =	stream.linear.gather [hbm4b:s13+s4], $0x80, $0x38;
	[tilespmem:$0x1BC00] =	vst v63  }
0xaa: {  	s16 =	simm.s32 $0x1800;
	s17 =	sld [smem:$0x7F0]  }
0xab: {  	[tilespmem:s16], [sflag:$0x7] =	stream.linear.gather [hbm4b:s15+s4], $0x80, $0x38;
	[tilespmem:$0x1BC00] =	vst v63  }
0xac: {  	s18 =	simm.s32 $0x1880;
	s11 =	sld [smem:$0x7F1]  }
0xad: {  	[tilespmem:s18], [sflag:$0x7] =	stream.linear.gather [hbm4b:s17+s4], $0x80, $0x38;
	[tilespmem:$0x1BC00] =	vst v63  }
0xae: {  	s12 =	simm.s32 $0x1900;
	s13 =	sld [smem:$0x7F2]  }
0xaf: {  	[tilespmem:s12], [sflag:$0x7] =	stream.linear.gather [hbm4b:s11+s4], $0x80, $0x38;
	[tilespmem:$0x1BC00] =	vst v63  }
0xb0: {  	s14 =	simm.s32 $0x1980;
	s15 =	sld [smem:$0x7F3]  }
0xb1: {  	[tilespmem:s14], [sflag:$0x7] =	stream.linear.gather [hbm4b:s13+s4], $0x80, $0x38;
	[tilespmem:$0x1BC00] =	vst v63  }
0xb2: {  	s16 =	simm.s32 $0x1A00;
	s17 =	sld [smem:$0x7F4]  }
0xb3: {  	[tilespmem:s16], [sflag:$0x7] =	stream.linear.gather [hbm4b:s15+s4], $0x80, $0x38;
	[tilespmem:$0x1BC00] =	vst v63  }
0xb4: {  	s18 =	simm.s32 $0x1A80;
	s11 =	sld [smem:$0x7F5]  }
0xb5: {  	[tilespmem:s18], [sflag:$0x7] =	stream.linear.gather [hbm4b:s17+s4], $0x80, $0x38;
	[tilespmem:$0x1BC00] =	vst v63  }
0xb6: {  	s12 =	simm.s32 $0x1B00;
	s13 =	sld [smem:$0x7F6]  }
0xb7: {  	[tilespmem:s12], [sflag:$0x7] =	stream.linear.gather [hbm4b:s11+s4], $0x80, $0x38;
	[tilespmem:$0x1BC00] =	vst v63  }
0xb8: {  	s14 =	simm.s32 $0x1B80;
	s15 =	sld [smem:$0x7F7]  }
0xb9: {  	[tilespmem:s14], [sflag:$0x7] =	stream.linear.gather [hbm4b:s13+s4], $0x80, $0x38;
	[tilespmem:$0x1BC00] =	vst v63  }
0xba: {  	s16 =	simm.s32 $0x1C00;
	s17 =	sld [smem:$0x7F8]  }
0xbb: {  	[tilespmem:s16], [sflag:$0x7] =	stream.linear.gather [hbm4b:s15+s4], $0x80, $0x38;
	[tilespmem:$0x1BC00] =	vst v63  }
0xbc: {  	s18 =	simm.s32 $0x1C80;
	s11 =	sld [smem:$0x7F9]  }
0xbd: {  	[tilespmem:s18], [sflag:$0x7] =	stream.linear.gather [hbm4b:s17+s4], $0x80, $0x38;
	[tilespmem:$0x1BC00] =	vst v63  }
0xbe: {  	s12 =	simm.s32 $0x1D00;
	s13 =	sld [smem:$0x7FA]  }
0xbf: {  	[tilespmem:s12], [sflag:$0x7] =	stream.linear.gather [hbm4b:s11+s4], $0x80, $0x38;
	[tilespmem:$0x1BC00] =	vst v63  }
0xc0: {  	s14 =	simm.s32 $0x1D80;
	s15 =	sld [smem:$0x7FB]  }
0xc1: {  	[tilespmem:s14], [sflag:$0x7] =	stream.linear.gather [hbm4b:s13+s4], $0x80, $0x38;
	[tilespmem:$0x1BC00] =	vst v63  }
0xc2: {  	s16 =	simm.s32 $0x1E00;
	s17 =	sld [smem:$0x7FC]  }
0xc3: {  	[tilespmem:s16], [sflag:$0x7] =	stream.linear.gather [hbm4b:s15+s4], $0x80, $0x38;
	[tilespmem:$0x1BC00] =	vst v63  }
0xc4: {  	s18 =	simm.s32 $0x1E80;
	s12 =	sld [smem:$0x7FD]  }
0xc5: {  	[tilespmem:s18], [sflag:$0x7] =	stream.linear.gather [hbm4b:s17+s4], $0x80, $0x38;
	[tilespmem:$0x1BC00] =	vst v63  }
0xc6: {  	s13 =	simm.s32 $0x1F00  }
0xc7: {  	[tilespmem:s13], [sflag:$0x7] =	stream.linear.gather [hbm4b:s12+s4], $0x80, $0x38;
	[tilespmem:$0x1BC00] =	vst v63  }
0xc8: {  	s14 =	simm.s32 $0x1F80  }
0xc9: {  	[tilespmem:s14], [sflag:$0x7] =	stream.linear.gather [hbm4b:s19+s4], $0x80, $0x38;
	[tilespmem:$0x1BC00] =	vst v63  }
0xca: {  	s15 =	rddreg [dreg:$0x1];
	s16 =	simm.s32 $0x2000  }
0xcb: {  	[tilespmem:s16], [sflag:$0x8] =	stream.linear.gather [hbm4b:s15+s4], $0x6400, $0x38;
	[tilespmem:$0x1BC00] =	vst v63  }
0xcc: {  	_ =	swait.ge [sflag:s21], $0x6400  }
0xcd: {  	[sflag:s21] =	ssyncset.done $0x0  }
0xce: {  	[sflag:s21] =	ssyncadd.s32 $0xFFFF9C00  }
0xcf: {  	_ =	swait.ge [sflag:s22], $0x80  }
0xd0: {  	[sflag:s22] =	ssyncset.done $0x0  }
0xd1: {  	[sflag:s22] =	ssyncadd.s32 $0xFFFFFF80  }
0xd2: {  	_ =	swait.ge [sflag:s22], $0x80  }
0xd3: {  	[sflag:s22] =	ssyncset.done $0x0  }
0xd4: {  	[sflag:s22] =	ssyncadd.s32 $0xFFFFFF80  }
0xd5: {  	_ =	swait.ge [sflag:s22], $0x80  }
0xd6: {  	[sflag:s22] =	ssyncset.done $0x0  }
0xd7: {  	[sflag:s22] =	ssyncadd.s32 $0xFFFFFF80  }
0xd8: {  	_ =	swait.ge [sflag:s22], $0x80  }
0xd9: {  	[sflag:s22] =	ssyncset.done $0x0  }
0xda: {  	[sflag:s22] =	ssyncadd.s32 $0xFFFFFF80  }
0xdb: {  	_ =	swait.ge [sflag:s22], $0x80  }
0xdc: {  	[sflag:s22] =	ssyncset.done $0x0  }
0xdd: {  	[sflag:s22] =	ssyncadd.s32 $0xFFFFFF80  }
0xde: {  	_ =	swait.ge [sflag:s22], $0x80  }
0xdf: {  	[sflag:s22] =	ssyncset.done $0x0  }
0xe0: {  	[sflag:s22] =	ssyncadd.s32 $0xFFFFFF80  }
0xe1: {  	_ =	swait.ge [sflag:s22], $0x80  }
0xe2: {  	[sflag:s22] =	ssyncset.done $0x0  }
0xe3: {  	[sflag:s22] =	ssyncadd.s32 $0xFFFFFF80  }
0xe4: {  	_ =	swait.ge [sflag:s22], $0x80  }
0xe5: {  	[sflag:s22] =	ssyncset.done $0x0  }
0xe6: {  	[sflag:s22] =	ssyncadd.s32 $0xFFFFFF80  }
0xe7: {  	_ =	swait.ge [sflag:s22], $0x80  }
0xe8: {  	[sflag:s22] =	ssyncset.done $0x0  }
0xe9: {  	[sflag:s22] =	ssyncadd.s32 $0xFFFFFF80  }
0xea: {  	_ =	swait.ge [sflag:s22], $0x80  }
0xeb: {  	[sflag:s22] =	ssyncset.done $0x0  }
0xec: {  	[sflag:s22] =	ssyncadd.s32 $0xFFFFFF80  }
0xed: {  	_ =	swait.ge [sflag:s22], $0x80  }
0xee: {  	[sflag:s22] =	ssyncset.done $0x0  }
0xef: {  	[sflag:s22] =	ssyncadd.s32 $0xFFFFFF80  }
0xf0: {  	_ =	swait.ge [sflag:s22], $0x80  }
0xf1: {  	[sflag:s22] =	ssyncset.done $0x0  }
0xf2: {  	[sflag:s22] =	ssyncadd.s32 $0xFFFFFF80  }
0xf3: {  	_ =	swait.ge [sflag:s22], $0x80  }
0xf4: {  	[sflag:s22] =	ssyncset.done $0x0  }
0xf5: {  	[sflag:s22] =	ssyncadd.s32 $0xFFFFFF80  }
0xf6: {  	_ =	swait.ge [sflag:s22], $0x80  }
0xf7: {  	[sflag:s22] =	ssyncset.done $0x0  }
0xf8: {  	[sflag:s22] =	ssyncadd.s32 $0xFFFFFF80  }
0xf9: {  	_ =	swait.ge [sflag:s22], $0x80  }
0xfa: {  	[sflag:s22] =	ssyncset.done $0x0  }
0xfb: {  	[sflag:s22] =	ssyncadd.s32 $0xFFFFFF80  }
0xfc: {  	_ =	swait.ge [sflag:s22], $0x80  }
0xfd: {  	[sflag:s22] =	ssyncset.done $0x0  }
0xfe: {  	[sflag:s22] =	ssyncadd.s32 $0xFFFFFF80  }
0xff: {  	_ =	swait.ge [sflag:s22], $0x80  }
0x100: {  	[sflag:s22] =	ssyncset.done $0x0  }
0x101: {  	[sflag:s22] =	ssyncadd.s32 $0xFFFFFF80  }
0x102: {  	_ =	swait.ge [sflag:s22], $0x80  }
0x103: {  	[sflag:s22] =	ssyncset.done $0x0  }
0x104: {  	[sflag:s22] =	ssyncadd.s32 $0xFFFFFF80  }
0x105: {  	_ =	swait.ge [sflag:s22], $0x80  }
0x106: {  	[sflag:s22] =	ssyncset.done $0x0  }
0x107: {  	[sflag:s22] =	ssyncadd.s32 $0xFFFFFF80  }
0x108: {  	_ =	swait.ge [sflag:s22], $0x80  }
0x109: {  	[sflag:s22] =	ssyncset.done $0x0  }
0x10a: {  	[sflag:s22] =	ssyncadd.s32 $0xFFFFFF80  }
0x10b: {  	_ =	swait.ge [sflag:s22], $0x80  }
0x10c: {  	[sflag:s22] =	ssyncset.done $0x0  }
0x10d: {  	[sflag:s22] =	ssyncadd.s32 $0xFFFFFF80  }
0x10e: {  	_ =	swait.ge [sflag:s22], $0x80  }
0x10f: {  	[sflag:s22] =	ssyncset.done $0x0  }
0x110: {  	[sflag:s22] =	ssyncadd.s32 $0xFFFFFF80  }
0x111: {  	_ =	swait.ge [sflag:s22], $0x80  }
0x112: {  	[sflag:s22] =	ssyncset.done $0x0  }
0x113: {  	[sflag:s22] =	ssyncadd.s32 $0xFFFFFF80  }
0x114: {  	_ =	swait.ge [sflag:s22], $0x80  }
0x115: {  	[sflag:s22] =	ssyncset.done $0x0  }
0x116: {  	[sflag:s22] =	ssyncadd.s32 $0xFFFFFF80  }
0x117: {  	_ =	swait.ge [sflag:s22], $0x80  }
0x118: {  	[sflag:s22] =	ssyncset.done $0x0  }
0x119: {  	[sflag:s22] =	ssyncadd.s32 $0xFFFFFF80  }
0x11a: {  	_ =	swait.ge [sflag:s22], $0x80  }
0x11b: {  	[sflag:s22] =	ssyncset.done $0x0  }
0x11c: {  	[sflag:s22] =	ssyncadd.s32 $0xFFFFFF80  }
0x11d: {  	_ =	swait.ge [sflag:s22], $0x80  }
0x11e: {  	[sflag:s22] =	ssyncset.done $0x0  }
0x11f: {  	[sflag:s22] =	ssyncadd.s32 $0xFFFFFF80  }
0x120: {  	_ =	swait.ge [sflag:s22], $0x80  }
0x121: {  	[sflag:s22] =	ssyncset.done $0x0  }
0x122: {  	[sflag:s22] =	ssyncadd.s32 $0xFFFFFF80  }
0x123: {  	_ =	swait.ge [sflag:s22], $0x80  }
0x124: {  	[sflag:s22] =	ssyncset.done $0x0  }
0x125: {  	[sflag:s22] =	ssyncadd.s32 $0xFFFFFF80  }
0x126: {  	_ =	swait.ge [sflag:s22], $0x80  }
0x127: {  	[sflag:s22] =	ssyncset.done $0x0  }
0x128: {  	[sflag:s22] =	ssyncadd.s32 $0xFFFFFF80  }
0x129: {  	_ =	swait.ge [sflag:s22], $0x80  }
0x12a: {  	[sflag:s22] =	ssyncset.done $0x0  }
0x12b: {  	[sflag:s22] =	ssyncadd.s32 $0xFFFFFF80  }
0x12c: {  	_ =	swait.ge [sflag:s22], $0x80  }
0x12d: {  	[sflag:s22] =	ssyncset.done $0x0  }
0x12e: {  	[sflag:s22] =	ssyncadd.s32 $0xFFFFFF80  }
0x12f: {  	_ =	swait.ge [sflag:s22], $0x80  }
0x130: {  	[sflag:s22] =	ssyncset.done $0x0  }
0x131: {  	[sflag:s22] =	ssyncadd.s32 $0xFFFFFF80  }
0x132: {  	_ =	swait.ge [sflag:s22], $0x80  }
0x133: {  	[sflag:s22] =	ssyncset.done $0x0  }
0x134: {  	[sflag:s22] =	ssyncadd.s32 $0xFFFFFF80  }
0x135: {  	_ =	swait.ge [sflag:s22], $0x80  }
0x136: {  	[sflag:s22] =	ssyncset.done $0x0  }
0x137: {  	[sflag:s22] =	ssyncadd.s32 $0xFFFFFF80  }
0x138: {  	_ =	swait.ge [sflag:s22], $0x80  }
0x139: {  	[sflag:s22] =	ssyncset.done $0x0  }
0x13a: {  	[sflag:s22] =	ssyncadd.s32 $0xFFFFFF80  }
0x13b: {  	_ =	swait.ge [sflag:s22], $0x80  }
0x13c: {  	[sflag:s22] =	ssyncset.done $0x0  }
0x13d: {  	[sflag:s22] =	ssyncadd.s32 $0xFFFFFF80  }
0x13e: {  	_ =	swait.ge [sflag:s22], $0x80  }
0x13f: {  	[sflag:s22] =	ssyncset.done $0x0  }
0x140: {  	[sflag:s22] =	ssyncadd.s32 $0xFFFFFF80  }
0x141: {  	_ =	swait.ge [sflag:s22], $0x80  }
0x142: {  	[sflag:s22] =	ssyncset.done $0x0  }
0x143: {  	[sflag:s22] =	ssyncadd.s32 $0xFFFFFF80  }
0x144: {  	_ =	swait.ge [sflag:s22], $0x80  }
0x145: {  	[sflag:s22] =	ssyncset.done $0x0  }
0x146: {  	[sflag:s22] =	ssyncadd.s32 $0xFFFFFF80  }
0x147: {  	_ =	swait.ge [sflag:s22], $0x80  }
0x148: {  	[sflag:s22] =	ssyncset.done $0x0  }
0x149: {  	[sflag:s22] =	ssyncadd.s32 $0xFFFFFF80  }
0x14a: {  	_ =	swait.ge [sflag:s22], $0x80  }
0x14b: {  	[sflag:s22] =	ssyncset.done $0x0  }
0x14c: {  	[sflag:s22] =	ssyncadd.s32 $0xFFFFFF80  }
0x14d: {  	_ =	swait.ge [sflag:s22], $0x80  }
0x14e: {  	[sflag:s22] =	ssyncset.done $0x0  }
0x14f: {  	[sflag:s22] =	ssyncadd.s32 $0xFFFFFF80  }
0x150: {  	_ =	swait.ge [sflag:s22], $0x80  }
0x151: {  	[sflag:s22] =	ssyncset.done $0x0  }
0x152: {  	[sflag:s22] =	ssyncadd.s32 $0xFFFFFF80  }
0x153: {  	_ =	swait.ge [sflag:s22], $0x80  }
0x154: {  	[sflag:s22] =	ssyncset.done $0x0  }
0x155: {  	[sflag:s22] =	ssyncadd.s32 $0xFFFFFF80  }
0x156: {  	_ =	swait.ge [sflag:s22], $0x80  }
0x157: {  	[sflag:s22] =	ssyncset.done $0x0  }
0x158: {  	[sflag:s22] =	ssyncadd.s32 $0xFFFFFF80  }
0x159: {  	_ =	swait.ge [sflag:s22], $0x80  }
0x15a: {  	[sflag:s22] =	ssyncset.done $0x0  }
0x15b: {  	[sflag:s22] =	ssyncadd.s32 $0xFFFFFF80  }
0x15c: {  	_ =	swait.ge [sflag:s22], $0x80  }
0x15d: {  	[sflag:s22] =	ssyncset.done $0x0  }
0x15e: {  	[sflag:s22] =	ssyncadd.s32 $0xFFFFFF80  }
0x15f: {  	_ =	swait.ge [sflag:s22], $0x80  }
0x160: {  	[sflag:s22] =	ssyncset.done $0x0  }
0x161: {  	[sflag:s22] =	ssyncadd.s32 $0xFFFFFF80  }
0x162: {  	_ =	swait.ge [sflag:s22], $0x80  }
0x163: {  	[sflag:s22] =	ssyncset.done $0x0  }
0x164: {  	[sflag:s22] =	ssyncadd.s32 $0xFFFFFF80  }
0x165: {  	_ =	swait.ge [sflag:s22], $0x80  }
0x166: {  	[sflag:s22] =	ssyncset.done $0x0  }
0x167: {  	[sflag:s22] =	ssyncadd.s32 $0xFFFFFF80  }
0x168: {  	_ =	swait.ge [sflag:s22], $0x80  }
0x169: {  	[sflag:s22] =	ssyncset.done $0x0  }
0x16a: {  	[sflag:s22] =	ssyncadd.s32 $0xFFFFFF80  }
0x16b: {  	_ =	swait.ge [sflag:s22], $0x80  }
0x16c: {  	[sflag:s22] =	ssyncset.done $0x0  }
0x16d: {  	[sflag:s22] =	ssyncadd.s32 $0xFFFFFF80  }
0x16e: {  	_ =	swait.ge [sflag:s22], $0x80  }
0x16f: {  	[sflag:s22] =	ssyncset.done $0x0  }
0x170: {  	[sflag:s22] =	ssyncadd.s32 $0xFFFFFF80  }
0x171: {  	_ =	swait.ge [sflag:s22], $0x80  }
0x172: {  	[sflag:s22] =	ssyncset.done $0x0  }
0x173: {  	[sflag:s22] =	ssyncadd.s32 $0xFFFFFF80  }
0x174: {  	_ =	swait.ge [sflag:s22], $0x80  }
0x175: {  	[sflag:s22] =	ssyncset.done $0x0  }
0x176: {  	[sflag:s22] =	ssyncadd.s32 $0xFFFFFF80  }
0x177: {  	_ =	swait.ge [sflag:s22], $0x80  }
0x178: {  	[sflag:s22] =	ssyncset.done $0x0  }
0x179: {  	[sflag:s22] =	ssyncadd.s32 $0xFFFFFF80  }
0x17a: {  	_ =	swait.ge [sflag:s22], $0x80  }
0x17b: {  	[sflag:s22] =	ssyncset.done $0x0  }
0x17c: {  	[sflag:s22] =	ssyncadd.s32 $0xFFFFFF80  }
0x17d: {  	_ =	swait.ge [sflag:s22], $0x80  }
0x17e: {  	[sflag:s22] =	ssyncset.done $0x0  }
0x17f: {  	[sflag:s22] =	ssyncadd.s32 $0xFFFFFF80  }
0x180: {  	_ =	swait.ge [sflag:s22], $0x80  }
0x181: {  	[sflag:s22] =	ssyncset.done $0x0  }
0x182: {  	[sflag:s22] =	ssyncadd.s32 $0xFFFFFF80  }
0x183: {  	_ =	swait.ge [sflag:s22], $0x80  }
0x184: {  	[sflag:s22] =	ssyncset.done $0x0  }
0x185: {  	[sflag:s22] =	ssyncadd.s32 $0xFFFFFF80  }
0x186: {  	_ =	swait.ge [sflag:s22], $0x80  }
0x187: {  	[sflag:s22] =	ssyncset.done $0x0  }
0x188: {  	[sflag:s22] =	ssyncadd.s32 $0xFFFFFF80  }
0x189: {  	_ =	swait.ge [sflag:s22], $0x80  }
0x18a: {  	[sflag:s22] =	ssyncset.done $0x0  }
0x18b: {  	[sflag:s22] =	ssyncadd.s32 $0xFFFFFF80  }
0x18c: {  	_ =	swait.ge [sflag:s22], $0x80  }
0x18d: {  	[sflag:s22] =	ssyncset.done $0x0  }
0x18e: {  	[sflag:s22] =	ssyncadd.s32 $0xFFFFFF80  }
0x18f: {  	[tilespmem:s24], [sflag:$0x1] =	stream.indirect.gather [hbm4b:s3+s23], $0x80, s4, s23, $0xb8;
	[tilespmem:$0x1BC00] =	vst v63  }
0x190: {  	s17 =	simm.s32 $0xB800  }
0x191: {  	[tilespmem:s17], [sflag:$0x2] =	stream.indirect.gather [hbm4b:s3+s25], $0x80, s23, s25, $0xb8;
	[tilespmem:$0x1BC00] =	vst v63  }
0x192: {  	s9 =	simm.s32 $0x0;
	s18 =	simm.s32 $0xEC00  }
0x193: {  	[tilespmem:s18], [sflag:$0x3] =	stream.indirect.gather [hbm4b:s3+s23], $0x80, s10, s23, $0xb8;
	[tilespmem:$0x1BC00] =	vst v63  }
.LBB2_2:
0x194: {  	s10 =	sshll.u32 s9, $0x9  }
0x195: {  	s10 =	sand.u32 $0x3FFFFE00, s10  }
0x196: {  	s11 =	sor.u32 $0x160, s10  }
0x197: {  	[tilespmem:s20], [sflag:$0x4] =	stream.indirect.gather [hbm4b:s3+s25], $0x80, s11, s25, $0xb8;
	[tilespmem:$0x1BC00] =	vst v63  }
0x198: {  	_ =	swait.ge [sflag:s26], $0x3000  }
0x199: {  	p0 =	seq.s32 s9, $0x0;
	[sflag:s26] =	ssyncset.done $0x0  }
0x19a: {  	s11 =	simm.s32 @!p0 $0x5;
	[sflag:s26] =	ssyncadd.s32 $0xFFFFD000  }
0x19b: {  	_ =	swait.ge @!p0 [sflag:s11], $0x3000  }
0x19c: {  	[sflag:s11] =	ssyncset.done @!p0 $0x0  }
0x19d: {  	s12 =	simm.s32 $0x8500;
	[sflag:s11] =	ssyncadd.s32 @!p0 $0xFFFFD000  }
0x19e: {  	s13 =	simm.s32 $0x2100;
	v0 =	vld [tilespmem:s12+$0xFFFFFF00]  }
0x19f: {  	v1 =	vld [tilespmem:s13+$0xFFFFFF00];
	_ =	sdelay $0x4  }
0x1a0: {  	v0 =	vadd.f32 v1, v0  }
0x1a1: {  	s11 =	simm.s32 $0x15500  }
0x1a2: {  	[tilespmem:s11+$0xFFFFFF00] =	vst v0  }
0x1a3: {  	v0 =	vld [tilespmem:s13+$0xFFFFFF10]  }
0x1a4: {  	v1 =	vld [tilespmem:s12+$0xFFFFFF10];
	_ =	sdelay $0x4  }
0x1a5: {  	v0 =	vadd.f32 v0, v1;
	_ =	sdelay $0x1  }
0x1a6: {  	[tilespmem:s11+$0xFFFFFF10] =	vst v0  }
0x1a7: {  	v0 =	vld [tilespmem:s12+$0xFFFFFF20]  }
0x1a8: {  	v1 =	vld [tilespmem:s13+$0xFFFFFF20];
	_ =	sdelay $0x4  }
0x1a9: {  	v0 =	vadd.f32 v1, v0;
	_ =	sdelay $0x1  }
0x1aa: {  	[tilespmem:s11+$0xFFFFFF20] =	vst v0  }
0x1ab: {  	v0 =	vld [tilespmem:s12+$0xFFFFFF30]  }
0x1ac: {  	v1 =	vld [tilespmem:s13+$0xFFFFFF30];
	_ =	sdelay $0x4  }
0x1ad: {  	v0 =	vadd.f32 v1, v0;
	_ =	sdelay $0x1  }
0x1ae: {  	[tilespmem:s11+$0xFFFFFF30] =	vst v0  }
0x1af: {  	v0 =	vld [tilespmem:s12+$0xFFFFFF80]  }
0x1b0: {  	v1 =	vld [tilespmem:s13+$0xFFFFFF80];
	_ =	sdelay $0x4  }
0x1b1: {  	v0 =	vadd.f32 v1, v0;
	_ =	sdelay $0x1  }
0x1b2: {  	[tilespmem:s11+$0xFFFFFF80] =	vst v0  }
0x1b3: {  	v0 =	vld [tilespmem:s12+$0xFFFFFF90]  }
0x1b4: {  	v1 =	vld [tilespmem:s13+$0xFFFFFF90];
	_ =	sdelay $0x4  }
0x1b5: {  	v0 =	vadd.f32 v1, v0;
	_ =	sdelay $0x1  }
0x1b6: {  	[tilespmem:s11+$0xFFFFFF90] =	vst v0  }
0x1b7: {  	v0 =	vld [tilespmem:s12+$0xFFFFFFA0]  }
0x1b8: {  	v1 =	vld [tilespmem:s13+$0xFFFFFFA0];
	_ =	sdelay $0x4  }
0x1b9: {  	v0 =	vadd.f32 v1, v0;
	_ =	sdelay $0x1  }
0x1ba: {  	[tilespmem:s11+$0xFFFFFFA0] =	vst v0  }
0x1bb: {  	v0 =	vld [tilespmem:s12+$0xFFFFFFB0]  }
0x1bc: {  	v1 =	vld [tilespmem:s13+$0xFFFFFFB0];
	_ =	sdelay $0x4  }
0x1bd: {  	v0 =	vadd.f32 v1, v0;
	_ =	sdelay $0x1  }
0x1be: {  	[tilespmem:s11+$0xFFFFFFB0] =	vst v0  }
0x1bf: {  	v0 =	vld [tilespmem:s12+$0x0]  }
0x1c0: {  	v1 =	vld [tilespmem:s13+$0x0];
	_ =	sdelay $0x4  }
0x1c1: {  	v0 =	vadd.f32 v1, v0;
	_ =	sdelay $0x1  }
0x1c2: {  	[tilespmem:s11+$0x0] =	vst v0  }
0x1c3: {  	v0 =	vld [tilespmem:s12+$0x10]  }
0x1c4: {  	v1 =	vld [tilespmem:s13+$0x10];
	_ =	sdelay $0x4  }
0x1c5: {  	v0 =	vadd.f32 v1, v0;
	_ =	sdelay $0x1  }
0x1c6: {  	[tilespmem:s11+$0x10] =	vst v0  }
0x1c7: {  	v0 =	vld [tilespmem:s12+$0x20]  }
0x1c8: {  	v1 =	vld [tilespmem:s13+$0x20];
	_ =	sdelay $0x4  }
0x1c9: {  	v0 =	vadd.f32 v1, v0;
	_ =	sdelay $0x1  }
0x1ca: {  	[tilespmem:s11+$0x20] =	vst v0  }
0x1cb: {  	v0 =	vld [tilespmem:s12+$0x30]  }
0x1cc: {  	v1 =	vld [tilespmem:s13+$0x30];
	_ =	sdelay $0x4  }
0x1cd: {  	v0 =	vadd.f32 v1, v0;
	_ =	sdelay $0x1  }
0x1ce: {  	[tilespmem:s11+$0x30] =	vst v0  }
0x1cf: {  	v0 =	vld [tilespmem:s12+$0x80]  }
0x1d0: {  	v1 =	vld [tilespmem:s13+$0x80];
	_ =	sdelay $0x4  }
0x1d1: {  	v0 =	vadd.f32 v1, v0;
	_ =	sdelay $0x1  }
0x1d2: {  	[tilespmem:s11+$0x80] =	vst v0  }
0x1d3: {  	v0 =	vld [tilespmem:s12+$0x90]  }
0x1d4: {  	v1 =	vld [tilespmem:s13+$0x90];
	_ =	sdelay $0x4  }
0x1d5: {  	v0 =	vadd.f32 v1, v0;
	_ =	sdelay $0x1  }
0x1d6: {  	[tilespmem:s11+$0x90] =	vst v0  }
0x1d7: {  	s14 =	simm.s32 $0x0;
	v0 =	vld [tilespmem:s12+$0xA0]  }
0x1d8: {  	s17 =	simm.s32 $0x15700;
	s15 =	simm.s32 $0x8500;
	s16 =	simm.s32 $0x2100;
	v1 =	vld [tilespmem:s13+$0xA0]  }
.LBB2_3:
0x1d9: {  	s14 =	sadd.s32 $0x4, s14;
	s12 =	sadd.s32 $0x200, s12;
	s13 =	sadd.s32 $0x200, s13  }
0x1da: {  	p1 =	slt.u32 s14, $0x5C;
	_ =	sdelay $0x2  }
0x1db: {  	v0 =	vadd.f32 v1, v0;
	_ =	sdelay $0x1  }
0x1dc: {  	[tilespmem:s11+$0xA0] =	vst v0  }
0x1dd: {  	v0 =	vld [tilespmem:s15+$0xB0];
	s15 =	smov.u32 s12  }
0x1de: {  	v1 =	vld [tilespmem:s16+$0xB0];
	s16 =	smov.u32 s13;
	_ =	sdelay $0x4  }
0x1df: {  	v0 =	vadd.f32 v1, v0;
	_ =	sdelay $0x1  }
0x1e0: {  	[tilespmem:s11+$0xB0] =	vst v0;
	s11 =	smov.u32 s17  }
0x1e1: {  	v0 =	vld [tilespmem:s12+$0xFFFFFF00]  }
0x1e2: {  	v1 =	vld [tilespmem:s13+$0xFFFFFF00];
	_ =	sdelay $0x4  }
0x1e3: {  	v0 =	vadd.f32 v1, v0;
	_ =	sdelay $0x1  }
0x1e4: {  	[tilespmem:s17+$0xFFFFFF00] =	vst v0  }
0x1e5: {  	v0 =	vld [tilespmem:s13+$0xFFFFFF10]  }
0x1e6: {  	v1 =	vld [tilespmem:s12+$0xFFFFFF10];
	_ =	sdelay $0x4  }
0x1e7: {  	v0 =	vadd.f32 v0, v1;
	_ =	sdelay $0x1  }
0x1e8: {  	[tilespmem:s17+$0xFFFFFF10] =	vst v0  }
0x1e9: {  	v0 =	vld [tilespmem:s12+$0xFFFFFF20]  }
0x1ea: {  	v1 =	vld [tilespmem:s13+$0xFFFFFF20];
	_ =	sdelay $0x4  }
0x1eb: {  	v0 =	vadd.f32 v1, v0;
	_ =	sdelay $0x1  }
0x1ec: {  	[tilespmem:s17+$0xFFFFFF20] =	vst v0  }
0x1ed: {  	v0 =	vld [tilespmem:s12+$0xFFFFFF30]  }
0x1ee: {  	v1 =	vld [tilespmem:s13+$0xFFFFFF30];
	_ =	sdelay $0x4  }
0x1ef: {  	v0 =	vadd.f32 v1, v0;
	_ =	sdelay $0x1  }
0x1f0: {  	[tilespmem:s17+$0xFFFFFF30] =	vst v0  }
0x1f1: {  	v0 =	vld [tilespmem:s12+$0xFFFFFF80]  }
0x1f2: {  	v1 =	vld [tilespmem:s13+$0xFFFFFF80];
	_ =	sdelay $0x4  }
0x1f3: {  	v0 =	vadd.f32 v1, v0;
	_ =	sdelay $0x1  }
0x1f4: {  	[tilespmem:s17+$0xFFFFFF80] =	vst v0  }
0x1f5: {  	v0 =	vld [tilespmem:s12+$0xFFFFFF90]  }
0x1f6: {  	v1 =	vld [tilespmem:s13+$0xFFFFFF90];
	_ =	sdelay $0x4  }
0x1f7: {  	v0 =	vadd.f32 v1, v0;
	_ =	sdelay $0x1  }
0x1f8: {  	[tilespmem:s17+$0xFFFFFF90] =	vst v0  }
0x1f9: {  	v0 =	vld [tilespmem:s12+$0xFFFFFFA0]  }
0x1fa: {  	v1 =	vld [tilespmem:s13+$0xFFFFFFA0];
	_ =	sdelay $0x4  }
0x1fb: {  	v0 =	vadd.f32 v1, v0;
	_ =	sdelay $0x1  }
0x1fc: {  	[tilespmem:s17+$0xFFFFFFA0] =	vst v0  }
0x1fd: {  	v0 =	vld [tilespmem:s12+$0xFFFFFFB0]  }
0x1fe: {  	v1 =	vld [tilespmem:s13+$0xFFFFFFB0];
	_ =	sdelay $0x4  }
0x1ff: {  	v0 =	vadd.f32 v1, v0;
	_ =	sdelay $0x1  }
0x200: {  	[tilespmem:s17+$0xFFFFFFB0] =	vst v0  }
0x201: {  	v0 =	vld [tilespmem:s12+$0x0]  }
0x202: {  	v1 =	vld [tilespmem:s13+$0x0];
	_ =	sdelay $0x4  }
0x203: {  	v0 =	vadd.f32 v1, v0;
	_ =	sdelay $0x1  }
0x204: {  	[tilespmem:s17+$0x0] =	vst v0  }
0x205: {  	v0 =	vld [tilespmem:s12+$0x10]  }
0x206: {  	v1 =	vld [tilespmem:s13+$0x10];
	_ =	sdelay $0x4  }
0x207: {  	v0 =	vadd.f32 v1, v0;
	_ =	sdelay $0x1  }
0x208: {  	[tilespmem:s17+$0x10] =	vst v0  }
0x209: {  	v0 =	vld [tilespmem:s12+$0x20]  }
0x20a: {  	v1 =	vld [tilespmem:s13+$0x20];
	_ =	sdelay $0x4  }
0x20b: {  	v0 =	vadd.f32 v1, v0;
	_ =	sdelay $0x1  }
0x20c: {  	[tilespmem:s17+$0x20] =	vst v0  }
0x20d: {  	v0 =	vld [tilespmem:s12+$0x30]  }
0x20e: {  	v1 =	vld [tilespmem:s13+$0x30];
	_ =	sdelay $0x4  }
0x20f: {  	v0 =	vadd.f32 v1, v0;
	_ =	sdelay $0x1  }
0x210: {  	[tilespmem:s17+$0x30] =	vst v0  }
0x211: {  	v0 =	vld [tilespmem:s12+$0x80]  }
0x212: {  	v1 =	vld [tilespmem:s13+$0x80];
	_ =	sdelay $0x4  }
0x213: {  	v0 =	vadd.f32 v1, v0;
	_ =	sdelay $0x1  }
0x214: {  	[tilespmem:s17+$0x80] =	vst v0  }
0x215: {  	v0 =	vld [tilespmem:s12+$0x90]  }
0x216: {  	v1 =	vld [tilespmem:s13+$0x90];
	_ =	sdelay $0x4  }
.Ltmp0:
0x217: {  	v0 =	vadd.f32 v1, v0;
	(pc) =	sbr.rel @p1 .LBB2_3-.Ltmp0, $4  }
0x218: {  	_ = 	snop  }
0x219: {  	[tilespmem:s17+$0x90] =	vst v0  }
0x21a: {  	v0 =	vld [tilespmem:s12+$0xA0]  }
0x21b: {  	s17 =	sadd.s32 $0x200, s17;
	v1 =	vld [tilespmem:s13+$0xA0]  }
0x21c: {  	_ =	sdelay $0x3  }
0x21d: {  	v0 =	vadd.f32 v1, v0;
	_ =	sdelay $0x1  }
0x21e: {  	[tilespmem:s11+$0xA0] =	vst v0  }
0x21f: {  	v0 =	vld [tilespmem:s15+$0xB0]  }
0x220: {  	v63 =	vld [tilespmem:s16+$0xB0]  }
0x221: {  	s12 =	sshll.u32 s9, $0x1  }
0x222: {  	s12 =	sadd.s32 s5, s12  }
0x223: {  	p1 =	sne.s32 s9, $0xF;
	s12 =	smul.u32 $0x6400, s12  }
.Ltmp1:
0x224: {  	_ = 	snop;
	(pc) =	sbr.rel @p1 .LBB2_6-.Ltmp1, $4  }
0x225: {  	v0 =	vadd.f32 v63, v0  }
0x226: {  	s12 =	sshrl.u32 s12, $0x3  }
0x227: {  	[tilespmem:s11+$0xB0] =	vst v0;
	s11 =	sadd.s32 s7, s12  }
0x228: {  	[hbm4b:s11+s4] =	stream.linear.scatter [tilespmem:s28], [sflag:$0x5], $0x3000, $0x38;
	[tilespmem:$0x1BC00] =	vst v63  }
.Ltmp2:
0x229: {  	(pc) =	sbr.rel .LBB2_7-.Ltmp2, $4  }
0x22a: {  	_ = 	snop  }
0x22b: {  	_ =	swait.ge [sflag:s29], $0x3400  }
0x22c: {  	[sflag:s29] =	ssyncset.done $0x0  }
0x22d: {  	[sflag:s29] =	ssyncadd.s32 $0xFFFFCC00  }
.LBB2_6:
.Ltmp3:
0x22e: {  	s12 =	sadd.s32 $0x200, s10;
	(pc) =	sbr.rel @p0 .LBB2_8-.Ltmp3, $4  }
0x22f: {  	[tilespmem:s24], [sflag:$0x1] =	stream.indirect.gather [hbm4b:s3+s23], $0x80, s12, s23, $0xb8;
	[tilespmem:$0x1BC00] =	vst v63  }
0x230: {  	_ =	swait.ge [sflag:s29], $0x3400  }
0x231: {  	[sflag:s29] =	ssyncset.done $0x0  }
0x232: {  	[sflag:s29] =	ssyncadd.s32 $0xFFFFCC00  }
.LBB2_7:
0x233: {  	_ =	swait.ge [sflag:s30], $0x3400  }
0x234: {  	[sflag:s30] =	ssyncset.done $0x0  }
0x235: {  	[sflag:s30] =	ssyncadd.s32 $0xFFFFCC00  }
.LBB2_8:
0x236: {  	s13 =	simm.s32 $0xB9B0  }
0x237: {  	s14 =	simm.s32 $0x51B0;
	v0 =	vld [tilespmem:s13+$0xFFFFFE50]  }
0x238: {  	v1 =	vld [tilespmem:s14+$0xFFFFFE50];
	_ =	sdelay $0x4  }
0x239: {  	v0 =	vadd.f32 v1, v0  }
0x23a: {  	s12 =	simm.s32 $0x189B0  }
0x23b: {  	[tilespmem:s12+$0xFFFFFE50] =	vst v0  }
0x23c: {  	v0 =	vld [tilespmem:s14+$0xFFFFFE60]  }
0x23d: {  	v1 =	vld [tilespmem:s13+$0xFFFFFE60];
	_ =	sdelay $0x4  }
0x23e: {  	v0 =	vadd.f32 v0, v1;
	_ =	sdelay $0x1  }
0x23f: {  	[tilespmem:s12+$0xFFFFFE60] =	vst v0  }
0x240: {  	v0 =	vld [tilespmem:s13+$0xFFFFFE70]  }
0x241: {  	v1 =	vld [tilespmem:s14+$0xFFFFFE70];
	_ =	sdelay $0x4  }
0x242: {  	v0 =	vadd.f32 v1, v0;
	_ =	sdelay $0x1  }
0x243: {  	[tilespmem:s12+$0xFFFFFE70] =	vst v0  }
0x244: {  	v0 =	vld [tilespmem:s13+$0xFFFFFE80]  }
0x245: {  	v1 =	vld [tilespmem:s14+$0xFFFFFE80];
	_ =	sdelay $0x4  }
0x246: {  	v0 =	vadd.f32 v1, v0;
	_ =	sdelay $0x1  }
0x247: {  	[tilespmem:s12+$0xFFFFFE80] =	vst v0  }
0x248: {  	v0 =	vld [tilespmem:s13+$0xFFFFFED0]  }
0x249: {  	v1 =	vld [tilespmem:s14+$0xFFFFFED0];
	_ =	sdelay $0x4  }
0x24a: {  	v0 =	vadd.f32 v1, v0;
	_ =	sdelay $0x1  }
0x24b: {  	[tilespmem:s12+$0xFFFFFED0] =	vst v0  }
0x24c: {  	v0 =	vld [tilespmem:s13+$0xFFFFFEE0]  }
0x24d: {  	v1 =	vld [tilespmem:s14+$0xFFFFFEE0];
	_ =	sdelay $0x4  }
0x24e: {  	v0 =	vadd.f32 v1, v0;
	_ =	sdelay $0x1  }
0x24f: {  	[tilespmem:s12+$0xFFFFFEE0] =	vst v0  }
0x250: {  	v0 =	vld [tilespmem:s13+$0xFFFFFEF0]  }
0x251: {  	v1 =	vld [tilespmem:s14+$0xFFFFFEF0];
	_ =	sdelay $0x4  }
0x252: {  	v0 =	vadd.f32 v1, v0;
	_ =	sdelay $0x1  }
0x253: {  	[tilespmem:s12+$0xFFFFFEF0] =	vst v0  }
0x254: {  	v0 =	vld [tilespmem:s13+$0xFFFFFF00]  }
0x255: {  	v1 =	vld [tilespmem:s14+$0xFFFFFF00];
	_ =	sdelay $0x4  }
0x256: {  	v0 =	vadd.f32 v1, v0;
	_ =	sdelay $0x1  }
0x257: {  	[tilespmem:s12+$0xFFFFFF00] =	vst v0  }
0x258: {  	v0 =	vld [tilespmem:s13+$0xFFFFFF50]  }
0x259: {  	v1 =	vld [tilespmem:s14+$0xFFFFFF50];
	_ =	sdelay $0x4  }
0x25a: {  	v0 =	vadd.f32 v1, v0;
	_ =	sdelay $0x1  }
0x25b: {  	[tilespmem:s12+$0xFFFFFF50] =	vst v0  }
0x25c: {  	v0 =	vld [tilespmem:s13+$0xFFFFFF60]  }
0x25d: {  	v1 =	vld [tilespmem:s14+$0xFFFFFF60];
	_ =	sdelay $0x4  }
0x25e: {  	v0 =	vadd.f32 v1, v0;
	_ =	sdelay $0x1  }
0x25f: {  	[tilespmem:s12+$0xFFFFFF60] =	vst v0  }
0x260: {  	v0 =	vld [tilespmem:s13+$0xFFFFFF70]  }
0x261: {  	v1 =	vld [tilespmem:s14+$0xFFFFFF70];
	_ =	sdelay $0x4  }
0x262: {  	v0 =	vadd.f32 v1, v0;
	_ =	sdelay $0x1  }
0x263: {  	[tilespmem:s12+$0xFFFFFF70] =	vst v0  }
0x264: {  	v0 =	vld [tilespmem:s13+$0xFFFFFF80]  }
0x265: {  	v1 =	vld [tilespmem:s14+$0xFFFFFF80];
	_ =	sdelay $0x4  }
0x266: {  	v0 =	vadd.f32 v1, v0;
	_ =	sdelay $0x1  }
0x267: {  	[tilespmem:s12+$0xFFFFFF80] =	vst v0  }
0x268: {  	v0 =	vld [tilespmem:s13+$0xFFFFFFD0]  }
0x269: {  	v1 =	vld [tilespmem:s14+$0xFFFFFFD0];
	_ =	sdelay $0x4  }
0x26a: {  	v0 =	vadd.f32 v1, v0;
	_ =	sdelay $0x1  }
0x26b: {  	[tilespmem:s12+$0xFFFFFFD0] =	vst v0  }
0x26c: {  	v0 =	vld [tilespmem:s13+$0xFFFFFFE0]  }
0x26d: {  	v1 =	vld [tilespmem:s14+$0xFFFFFFE0];
	_ =	sdelay $0x4  }
0x26e: {  	v0 =	vadd.f32 v1, v0;
	_ =	sdelay $0x1  }
0x26f: {  	[tilespmem:s12+$0xFFFFFFE0] =	vst v0  }
0x270: {  	s15 =	simm.s32 $0x0;
	v0 =	vld [tilespmem:s13+$0xFFFFFFF0]  }
0x271: {  	s18 =	simm.s32 $0x18BB0;
	s16 =	simm.s32 $0xB9B0;
	s17 =	simm.s32 $0x51B0;
	v1 =	vld [tilespmem:s14+$0xFFFFFFF0]  }
.LBB2_9:
0x272: {  	s15 =	sadd.s32 $0x4, s15;
	s14 =	sadd.s32 $0x200, s14;
	s13 =	sadd.s32 $0x200, s13  }
0x273: {  	p0 =	slt.u32 s15, $0x64;
	_ =	sdelay $0x2  }
0x274: {  	v0 =	vadd.f32 v1, v0;
	_ =	sdelay $0x1  }
0x275: {  	[tilespmem:s12+$0xFFFFFFF0] =	vst v0  }
0x276: {  	v0 =	vld [tilespmem:s16+$0x0];
	s16 =	smov.u32 s13  }
0x277: {  	v1 =	vld [tilespmem:s17+$0x0];
	s17 =	smov.u32 s14;
	_ =	sdelay $0x4  }
0x278: {  	v0 =	vadd.f32 v1, v0;
	_ =	sdelay $0x1  }
0x279: {  	[tilespmem:s12+$0x0] =	vst v0;
	s12 =	smov.u32 s18  }
0x27a: {  	v0 =	vld [tilespmem:s13+$0xFFFFFE50]  }
0x27b: {  	v1 =	vld [tilespmem:s14+$0xFFFFFE50];
	_ =	sdelay $0x4  }
0x27c: {  	v0 =	vadd.f32 v1, v0;
	_ =	sdelay $0x1  }
0x27d: {  	[tilespmem:s18+$0xFFFFFE50] =	vst v0  }
0x27e: {  	v0 =	vld [tilespmem:s14+$0xFFFFFE60]  }
0x27f: {  	v1 =	vld [tilespmem:s13+$0xFFFFFE60];
	_ =	sdelay $0x4  }
0x280: {  	v0 =	vadd.f32 v0, v1;
	_ =	sdelay $0x1  }
0x281: {  	[tilespmem:s18+$0xFFFFFE60] =	vst v0  }
0x282: {  	v0 =	vld [tilespmem:s13+$0xFFFFFE70]  }
0x283: {  	v1 =	vld [tilespmem:s14+$0xFFFFFE70];
	_ =	sdelay $0x4  }
0x284: {  	v0 =	vadd.f32 v1, v0;
	_ =	sdelay $0x1  }
0x285: {  	[tilespmem:s18+$0xFFFFFE70] =	vst v0  }
0x286: {  	v0 =	vld [tilespmem:s13+$0xFFFFFE80]  }
0x287: {  	v1 =	vld [tilespmem:s14+$0xFFFFFE80];
	_ =	sdelay $0x4  }
0x288: {  	v0 =	vadd.f32 v1, v0;
	_ =	sdelay $0x1  }
0x289: {  	[tilespmem:s18+$0xFFFFFE80] =	vst v0  }
0x28a: {  	v0 =	vld [tilespmem:s13+$0xFFFFFED0]  }
0x28b: {  	v1 =	vld [tilespmem:s14+$0xFFFFFED0];
	_ =	sdelay $0x4  }
0x28c: {  	v0 =	vadd.f32 v1, v0;
	_ =	sdelay $0x1  }
0x28d: {  	[tilespmem:s18+$0xFFFFFED0] =	vst v0  }
0x28e: {  	v0 =	vld [tilespmem:s13+$0xFFFFFEE0]  }
0x28f: {  	v1 =	vld [tilespmem:s14+$0xFFFFFEE0];
	_ =	sdelay $0x4  }
0x290: {  	v0 =	vadd.f32 v1, v0;
	_ =	sdelay $0x1  }
0x291: {  	[tilespmem:s18+$0xFFFFFEE0] =	vst v0  }
0x292: {  	v0 =	vld [tilespmem:s13+$0xFFFFFEF0]  }
0x293: {  	v1 =	vld [tilespmem:s14+$0xFFFFFEF0];
	_ =	sdelay $0x4  }
0x294: {  	v0 =	vadd.f32 v1, v0;
	_ =	sdelay $0x1  }
0x295: {  	[tilespmem:s18+$0xFFFFFEF0] =	vst v0  }
0x296: {  	v0 =	vld [tilespmem:s13+$0xFFFFFF00]  }
0x297: {  	v1 =	vld [tilespmem:s14+$0xFFFFFF00];
	_ =	sdelay $0x4  }
0x298: {  	v0 =	vadd.f32 v1, v0;
	_ =	sdelay $0x1  }
0x299: {  	[tilespmem:s18+$0xFFFFFF00] =	vst v0  }
0x29a: {  	v0 =	vld [tilespmem:s13+$0xFFFFFF50]  }
0x29b: {  	v1 =	vld [tilespmem:s14+$0xFFFFFF50];
	_ =	sdelay $0x4  }
0x29c: {  	v0 =	vadd.f32 v1, v0;
	_ =	sdelay $0x1  }
0x29d: {  	[tilespmem:s18+$0xFFFFFF50] =	vst v0  }
0x29e: {  	v0 =	vld [tilespmem:s13+$0xFFFFFF60]  }
0x29f: {  	v1 =	vld [tilespmem:s14+$0xFFFFFF60];
	_ =	sdelay $0x4  }
0x2a0: {  	v0 =	vadd.f32 v1, v0;
	_ =	sdelay $0x1  }
0x2a1: {  	[tilespmem:s18+$0xFFFFFF60] =	vst v0  }
0x2a2: {  	v0 =	vld [tilespmem:s13+$0xFFFFFF70]  }
0x2a3: {  	v1 =	vld [tilespmem:s14+$0xFFFFFF70];
	_ =	sdelay $0x4  }
0x2a4: {  	v0 =	vadd.f32 v1, v0;
	_ =	sdelay $0x1  }
0x2a5: {  	[tilespmem:s18+$0xFFFFFF70] =	vst v0  }
0x2a6: {  	v0 =	vld [tilespmem:s13+$0xFFFFFF80]  }
0x2a7: {  	v1 =	vld [tilespmem:s14+$0xFFFFFF80];
	_ =	sdelay $0x4  }
0x2a8: {  	v0 =	vadd.f32 v1, v0;
	_ =	sdelay $0x1  }
0x2a9: {  	[tilespmem:s18+$0xFFFFFF80] =	vst v0  }
0x2aa: {  	v0 =	vld [tilespmem:s13+$0xFFFFFFD0]  }
0x2ab: {  	v1 =	vld [tilespmem:s14+$0xFFFFFFD0];
	_ =	sdelay $0x4  }
0x2ac: {  	v0 =	vadd.f32 v1, v0;
	_ =	sdelay $0x1  }
0x2ad: {  	[tilespmem:s18+$0xFFFFFFD0] =	vst v0  }
0x2ae: {  	v0 =	vld [tilespmem:s13+$0xFFFFFFE0]  }
0x2af: {  	v1 =	vld [tilespmem:s14+$0xFFFFFFE0];
	_ =	sdelay $0x4  }
.Ltmp4:
0x2b0: {  	v0 =	vadd.f32 v1, v0;
	(pc) =	sbr.rel @p0 .LBB2_9-.Ltmp4, $4  }
0x2b1: {  	_ = 	snop  }
0x2b2: {  	[tilespmem:s18+$0xFFFFFFE0] =	vst v0  }
0x2b3: {  	v0 =	vld [tilespmem:s13+$0xFFFFFFF0]  }
0x2b4: {  	s18 =	sadd.s32 $0x200, s18;
	v1 =	vld [tilespmem:s14+$0xFFFFFFF0]  }
0x2b5: {  	_ =	sdelay $0x3  }
0x2b6: {  	v0 =	vadd.f32 v1, v0;
	_ =	sdelay $0x1  }
0x2b7: {  	[tilespmem:s12+$0xFFFFFFF0] =	vst v0  }
0x2b8: {  	v0 =	vld [tilespmem:s16+$0x0]  }
0x2b9: {  	v1 =	vld [tilespmem:s17+$0x0];
	_ =	sdelay $0x4  }
0x2ba: {  	v0 =	vadd.f32 v1, v0;
	_ =	sdelay $0x1  }
0x2bb: {  	p0 =	seq.s32 s9, $0xF;
	s18 =	sadd.s32 $0x600, s11;
	[tilespmem:s12+$0x0] =	vst v0  }
0x2bc: {  	[hbm4b:s18+s4] =	stream.linear.scatter [tilespmem:s31], [sflag:$0x6], $0x3400, $0x38;
	[tilespmem:$0x1BC00] =	vst v63  }
0x2bd: {  	s13 =	simm.s32 @!p0 $0x68;
	s14 =	simm.s32 @!p0 $0xB800;
	s12 =	sadd.s32 @!p0 $0x260, s10  }
0x2be: {  	[tilespmem:s14], [sflag:$0x2] =	stream.indirect.gather @!p0 [hbm4b:s3+s13], $0x80, s12, s13, $0xb8;
	[tilespmem:$0x1BC00] =	vst v63  }
0x2bf: {  	_ =	swait.ge [sflag:s2], $0x3000  }
0x2c0: {  	[sflag:s2] =	ssyncset.done $0x0  }
0x2c1: {  	[sflag:s2] =	ssyncadd.s32 $0xFFFFD000  }
0x2c2: {  	_ =	swait.ge [sflag:s0], $0x3000  }
0x2c3: {  	[sflag:s0] =	ssyncset.done $0x0  }
0x2c4: {  	s12 =	simm.s32 $0x0;
	[sflag:s0] =	ssyncadd.s32 $0xFFFFD000  }
0x2c5: {  	v0 =	vld [tilespmem:s12+$0xEDB0]  }
0x2c6: {  	v1 =	vld [tilespmem:s12+$0x21B0]  }
0x2c7: {  	v2 =	vld [tilespmem:s12+$0xEC00]  }
0x2c8: {  	v3 =	vld [tilespmem:s12+$0x2000]  }
0x2c9: {  	v4 =	vld [tilespmem:s12+$0xEC10]  }
0x2ca: {  	v5 =	vld [tilespmem:s12+$0x2010]  }
0x2cb: {  	v6 =	vld [tilespmem:s12+$0xEC20]  }
0x2cc: {  	v7 =	vld [tilespmem:s12+$0xEC30];
	v0 =	vadd.f32 v1, v0  }
0x2cd: {  	v1 =	vld [tilespmem:s12+$0x2020]  }
0x2ce: {  	v2 =	vadd.f32 v3, v2;
	[tilespmem:s12+$0x155B0] =	vst v0;
	v0 =	vld [tilespmem:s12+$0x2030]  }
0x2cf: {  	v3 =	vld [tilespmem:s12+$0xEC80]  }
0x2d0: {  	[tilespmem:s12+$0x15400] =	vst v2;
	v2 =	vadd.f32 v5, v4;
	v4 =	vld [tilespmem:s12+$0x2080]  }
0x2d1: {  	v5 =	vld [tilespmem:s12+$0x2090]  }
0x2d2: {  	[tilespmem:s12+$0x15410] =	vst v2;
	v2 =	vld [tilespmem:s12+$0xEC90];
	v1 =	vadd.f32 v1, v6  }
0x2d3: {  	v6 =	vld [tilespmem:s12+$0x20A0];
	v0 =	vadd.f32 v0, v7  }
0x2d4: {  	[tilespmem:s12+$0x15420] =	vst v1;
	v1 =	vld [tilespmem:s12+$0xECA0]  }
0x2d5: {  	[tilespmem:s12+$0x15430] =	vst v0;
	v0 =	vadd.f32 v4, v3;
	v3 =	vld [tilespmem:s12+$0xECB0]  }
0x2d6: {  	v4 =	vld [tilespmem:s12+$0x20B0]  }
0x2d7: {  	[tilespmem:s12+$0x15480] =	vst v0;
	v0 =	vadd.f32 v5, v2;
	v2 =	vld [tilespmem:s12+$0xED00]  }
0x2d8: {  	v5 =	vld [tilespmem:s12+$0x2100]  }
0x2d9: {  	[tilespmem:s12+$0x15490] =	vst v0;
	v0 =	vadd.f32 v6, v1;
	v1 =	vld [tilespmem:s12+$0xED10]  }
0x2da: {  	v6 =	vld [tilespmem:s12+$0x2110]  }
0x2db: {  	[tilespmem:s12+$0x154A0] =	vst v0;
	v0 =	vadd.f32 v4, v3;
	v3 =	vld [tilespmem:s12+$0xED20]  }
0x2dc: {  	v4 =	vld [tilespmem:s12+$0x2120]  }
0x2dd: {  	v7 =	vld [tilespmem:s12+$0x2130]  }
0x2de: {  	[tilespmem:s12+$0x154B0] =	vst v0;
	v0 =	vadd.f32 v5, v2;
	v5 =	vld [tilespmem:s12+$0xED30]  }
0x2df: {  	v2 =	vld [tilespmem:s12+$0x2180];
	v1 =	vadd.f32 v6, v1  }
0x2e0: {  	[tilespmem:s12+$0x15500] =	vst v0;
	v0 =	vld [tilespmem:s12+$0xED80]  }
0x2e1: {  	[tilespmem:s12+$0x15510] =	vst v1;
	v4 =	vadd.f32 v4, v3;
	v1 =	vld [tilespmem:s12+$0xED90]  }
0x2e2: {  	v3 =	vld [tilespmem:s12+$0x2190]  }
0x2e3: {  	s13 =	simm.s32 $0x0;
	s14 =	simm.s32 $0x800;
	[tilespmem:s12+$0x15520] =	vst v4;
	v5 =	vadd.f32 v7, v5;
	v4 =	vld [tilespmem:s12+$0xEDA0]  }
.LBB2_11:
0x2e4: {  	s15 =	sshra.s32 s14, $0x2;
	v6 =	vld [tilespmem:s12+$0x21A0]  }
0x2e5: {  	s13 =	sadd.s32 $0x4, s13;
	v7 =	vld [tilespmem:s15+$0xEDB0];
	[tilespmem:s12+$0x15530] =	vst v5;
	v0 =	vadd.f32 v2, v0  }
0x2e6: {  	p1 =	slt.u32 s13, $0x5C;
	v2 =	vld [tilespmem:s15+$0x21B0]  }
0x2e7: {  	v5 =	vld [tilespmem:s15+$0xEC00];
	[tilespmem:s12+$0x15580] =	vst v0;
	v0 =	vadd.f32 v3, v1  }
0x2e8: {  	v1 =	vld [tilespmem:s15+$0x2000]  }
0x2e9: {  	v3 =	vld [tilespmem:s15+$0xEC10];
	[tilespmem:s12+$0x15590] =	vst v0;
	v0 =	vadd.f32 v6, v4  }
0x2ea: {  	v4 =	vld [tilespmem:s15+$0x2010]  }
0x2eb: {  	v6 =	vld [tilespmem:s15+$0xEC20];
	v2 =	vadd.f32 v2, v7;
	[tilespmem:s12+$0x155A0] =	vst v0;
	s12 =	smov.u32 s15  }
0x2ec: {  	v0 =	vld [tilespmem:s12+$0x2020]  }
0x2ed: {  	v1 =	vadd.f32 v1, v5;
	v5 =	vld [tilespmem:s12+$0xEC30];
	[tilespmem:s12+$0x155B0] =	vst v2  }
0x2ee: {  	v2 =	vld [tilespmem:s12+$0x2030]  }
0x2ef: {  	[tilespmem:s12+$0x15400] =	vst v1;
	v1 =	vadd.f32 v4, v3;
	v3 =	vld [tilespmem:s12+$0xEC80]  }
0x2f0: {  	v4 =	vld [tilespmem:s12+$0x2080]  }
0x2f1: {  	[tilespmem:s12+$0x15410] =	vst v1;
	v0 =	vadd.f32 v0, v6;
	v1 =	vld [tilespmem:s12+$0xEC90]  }
0x2f2: {  	v6 =	vld [tilespmem:s12+$0x2090]  }
0x2f3: {  	[tilespmem:s12+$0x15420] =	vst v0;
	v0 =	vadd.f32 v2, v5;
	v2 =	vld [tilespmem:s12+$0xECA0]  }
0x2f4: {  	v5 =	vld [tilespmem:s12+$0x20A0]  }
0x2f5: {  	[tilespmem:s12+$0x15430] =	vst v0;
	v0 =	vadd.f32 v4, v3;
	v3 =	vld [tilespmem:s12+$0xECB0]  }
0x2f6: {  	v4 =	vld [tilespmem:s12+$0x20B0]  }
0x2f7: {  	[tilespmem:s12+$0x15480] =	vst v0;
	v0 =	vadd.f32 v6, v1;
	v1 =	vld [tilespmem:s12+$0xED00]  }
0x2f8: {  	v6 =	vld [tilespmem:s12+$0x2100]  }
0x2f9: {  	[tilespmem:s12+$0x15490] =	vst v0;
	v0 =	vadd.f32 v5, v2;
	v2 =	vld [tilespmem:s12+$0xED10]  }
0x2fa: {  	v5 =	vld [tilespmem:s12+$0x2110]  }
0x2fb: {  	[tilespmem:s12+$0x154A0] =	vst v0;
	v0 =	vadd.f32 v4, v3;
	v3 =	vld [tilespmem:s12+$0xED20]  }
0x2fc: {  	v4 =	vld [tilespmem:s12+$0x2120]  }
0x2fd: {  	[tilespmem:s12+$0x154B0] =	vst v0;
	v0 =	vadd.f32 v6, v1;
	v6 =	vld [tilespmem:s12+$0xED30]  }
0x2fe: {  	v7 =	vld [tilespmem:s12+$0x2130]  }
.Ltmp5:
0x2ff: {  	[tilespmem:s12+$0x15500] =	vst v0;
	v1 =	vadd.f32 v5, v2;
	v0 =	vld [tilespmem:s12+$0xED80];
	(pc) =	sbr.rel @p1 .LBB2_11-.Ltmp5, $4  }
0x300: {  	v2 =	vld [tilespmem:s12+$0x2180]  }
0x301: {  	[tilespmem:s12+$0x15510] =	vst v1;
	v4 =	vadd.f32 v4, v3;
	v1 =	vld [tilespmem:s12+$0xED90]  }
0x302: {  	v3 =	vld [tilespmem:s12+$0x2190]  }
0x303: {  	s14 =	sadd.s32 $0x800, s14;
	[tilespmem:s12+$0x15520] =	vst v4;
	v5 =	vadd.f32 v7, v6;
	v4 =	vld [tilespmem:s12+$0xEDA0]  }
0x304: {  	v6 =	vld [tilespmem:s12+$0x21A0];
	_ =	sdelay $0x2  }
0x305: {  	v0 =	vadd.f32 v2, v0  }
0x306: {  	[tilespmem:s12+$0x15530] =	vst v5;
	v1 =	vadd.f32 v3, v1  }
0x307: {  	[tilespmem:s12+$0x15580] =	vst v0;
	v0 =	vadd.f32 v6, v4  }
0x308: {  	[tilespmem:s12+$0x15590] =	vst v1  }
0x309: {  	s18 =	sadd.s32 $0xC80, s11;
	[tilespmem:s12+$0x155A0] =	vst v0  }
0x30a: {  	[hbm4b:s18+s4] =	stream.linear.scatter [tilespmem:s28], [sflag:$0x5], $0x3000, $0x38;
	[tilespmem:$0x1BC00] =	vst v63  }
0x30b: {  	s10 =	sadd.s32 @!p0 $0x300, s10;
	s13 =	simm.s32 @!p0 $0xEC00;
	s12 =	simm.s32 @!p0 $0x60  }
0x30c: {  	[tilespmem:s13], [sflag:$0x3] =	stream.indirect.gather @!p0 [hbm4b:s3+s12], $0x80, s10, s12, $0xb8;
	[tilespmem:$0x1BC00] =	vst v63  }
0x30d: {  	_ =	swait.ge [sflag:s1], $0x3400  }
0x30e: {  	[sflag:s1] =	ssyncset.done $0x0  }
0x30f: {  	[sflag:s1] =	ssyncadd.s32 $0xFFFFCC00  }
0x310: {  	_ =	swait.ge [sflag:s30], $0x3400  }
0x311: {  	[sflag:s30] =	ssyncset.done $0x0  }
0x312: {  	s10 =	simm.s32 $0x0;
	[sflag:s30] =	ssyncadd.s32 $0xFFFFCC00  }
0x313: {  	v0 =	vld [tilespmem:s10+$0x121B0]  }
0x314: {  	v1 =	vld [tilespmem:s10+$0x51B0]  }
0x315: {  	v2 =	vld [tilespmem:s10+$0x12000]  }
0x316: {  	v3 =	vld [tilespmem:s10+$0x5000]  }
0x317: {  	v4 =	vld [tilespmem:s10+$0x12010]  }
0x318: {  	v5 =	vld [tilespmem:s10+$0x5010]  }
0x319: {  	v6 =	vld [tilespmem:s10+$0x12020]  }
0x31a: {  	v7 =	vld [tilespmem:s10+$0x12030];
	v0 =	vadd.f32 v1, v0  }
0x31b: {  	v1 =	vld [tilespmem:s10+$0x5020]  }
0x31c: {  	v2 =	vadd.f32 v3, v2;
	[tilespmem:s10+$0x189B0] =	vst v0;
	v0 =	vld [tilespmem:s10+$0x5030]  }
0x31d: {  	v3 =	vld [tilespmem:s10+$0x12080]  }
0x31e: {  	[tilespmem:s10+$0x18800] =	vst v2;
	v2 =	vadd.f32 v5, v4;
	v4 =	vld [tilespmem:s10+$0x5080]  }
0x31f: {  	v5 =	vld [tilespmem:s10+$0x5090]  }
0x320: {  	[tilespmem:s10+$0x18810] =	vst v2;
	v2 =	vld [tilespmem:s10+$0x12090];
	v1 =	vadd.f32 v1, v6  }
0x321: {  	v6 =	vld [tilespmem:s10+$0x50A0];
	v0 =	vadd.f32 v0, v7  }
0x322: {  	[tilespmem:s10+$0x18820] =	vst v1;
	v1 =	vld [tilespmem:s10+$0x120A0]  }
0x323: {  	[tilespmem:s10+$0x18830] =	vst v0;
	v0 =	vadd.f32 v4, v3;
	v3 =	vld [tilespmem:s10+$0x120B0]  }
0x324: {  	v4 =	vld [tilespmem:s10+$0x50B0]  }
0x325: {  	[tilespmem:s10+$0x18880] =	vst v0;
	v0 =	vadd.f32 v5, v2;
	v2 =	vld [tilespmem:s10+$0x12100]  }
0x326: {  	v5 =	vld [tilespmem:s10+$0x5100]  }
0x327: {  	[tilespmem:s10+$0x18890] =	vst v0;
	v0 =	vadd.f32 v6, v1;
	v1 =	vld [tilespmem:s10+$0x12110]  }
0x328: {  	v6 =	vld [tilespmem:s10+$0x5110]  }
0x329: {  	[tilespmem:s10+$0x188A0] =	vst v0;
	v0 =	vadd.f32 v4, v3;
	v3 =	vld [tilespmem:s10+$0x12120]  }
0x32a: {  	v4 =	vld [tilespmem:s10+$0x5120]  }
0x32b: {  	v7 =	vld [tilespmem:s10+$0x5130]  }
0x32c: {  	[tilespmem:s10+$0x188B0] =	vst v0;
	v0 =	vadd.f32 v5, v2;
	v5 =	vld [tilespmem:s10+$0x12130]  }
0x32d: {  	v2 =	vld [tilespmem:s10+$0x5180];
	v1 =	vadd.f32 v6, v1  }
0x32e: {  	[tilespmem:s10+$0x18900] =	vst v0;
	v0 =	vld [tilespmem:s10+$0x12180]  }
0x32f: {  	[tilespmem:s10+$0x18910] =	vst v1;
	v4 =	vadd.f32 v4, v3;
	v1 =	vld [tilespmem:s10+$0x12190]  }
0x330: {  	v3 =	vld [tilespmem:s10+$0x5190]  }
0x331: {  	s12 =	simm.s32 $0x0;
	s13 =	simm.s32 $0x800;
	[tilespmem:s10+$0x18920] =	vst v4;
	v5 =	vadd.f32 v7, v5;
	v4 =	vld [tilespmem:s10+$0x121A0]  }
.LBB2_13:
0x332: {  	s14 =	sshra.s32 s13, $0x2;
	v6 =	vld [tilespmem:s10+$0x51A0]  }
0x333: {  	s12 =	sadd.s32 $0x4, s12;
	v7 =	vld [tilespmem:s14+$0x121B0];
	[tilespmem:s10+$0x18930] =	vst v5;
	v0 =	vadd.f32 v2, v0  }
0x334: {  	p0 =	slt.u32 s12, $0x64;
	v2 =	vld [tilespmem:s14+$0x51B0]  }
0x335: {  	v5 =	vld [tilespmem:s14+$0x12000];
	[tilespmem:s10+$0x18980] =	vst v0;
	v0 =	vadd.f32 v3, v1  }
0x336: {  	v1 =	vld [tilespmem:s14+$0x5000]  }
0x337: {  	v3 =	vld [tilespmem:s14+$0x12010];
	[tilespmem:s10+$0x18990] =	vst v0;
	v0 =	vadd.f32 v6, v4  }
0x338: {  	v4 =	vld [tilespmem:s14+$0x5010]  }
0x339: {  	v6 =	vld [tilespmem:s14+$0x12020];
	v2 =	vadd.f32 v2, v7;
	[tilespmem:s10+$0x189A0] =	vst v0;
	s10 =	smov.u32 s14  }
0x33a: {  	v0 =	vld [tilespmem:s10+$0x5020]  }
0x33b: {  	v1 =	vadd.f32 v1, v5;
	v5 =	vld [tilespmem:s10+$0x12030];
	[tilespmem:s10+$0x189B0] =	vst v2  }
0x33c: {  	v2 =	vld [tilespmem:s10+$0x5030]  }
0x33d: {  	[tilespmem:s10+$0x18800] =	vst v1;
	v1 =	vadd.f32 v4, v3;
	v3 =	vld [tilespmem:s10+$0x12080]  }
0x33e: {  	v4 =	vld [tilespmem:s10+$0x5080]  }
0x33f: {  	[tilespmem:s10+$0x18810] =	vst v1;
	v0 =	vadd.f32 v0, v6;
	v1 =	vld [tilespmem:s10+$0x12090]  }
0x340: {  	v6 =	vld [tilespmem:s10+$0x5090]  }
0x341: {  	[tilespmem:s10+$0x18820] =	vst v0;
	v0 =	vadd.f32 v2, v5;
	v2 =	vld [tilespmem:s10+$0x120A0]  }
0x342: {  	v5 =	vld [tilespmem:s10+$0x50A0]  }
0x343: {  	[tilespmem:s10+$0x18830] =	vst v0;
	v0 =	vadd.f32 v4, v3;
	v3 =	vld [tilespmem:s10+$0x120B0]  }
0x344: {  	v4 =	vld [tilespmem:s10+$0x50B0]  }
0x345: {  	[tilespmem:s10+$0x18880] =	vst v0;
	v0 =	vadd.f32 v6, v1;
	v1 =	vld [tilespmem:s10+$0x12100]  }
0x346: {  	v6 =	vld [tilespmem:s10+$0x5100]  }
0x347: {  	[tilespmem:s10+$0x18890] =	vst v0;
	v0 =	vadd.f32 v5, v2;
	v2 =	vld [tilespmem:s10+$0x12110]  }
0x348: {  	v5 =	vld [tilespmem:s10+$0x5110]  }
0x349: {  	[tilespmem:s10+$0x188A0] =	vst v0;
	v0 =	vadd.f32 v4, v3;
	v3 =	vld [tilespmem:s10+$0x12120]  }
0x34a: {  	v4 =	vld [tilespmem:s10+$0x5120]  }
0x34b: {  	[tilespmem:s10+$0x188B0] =	vst v0;
	v0 =	vadd.f32 v6, v1;
	v6 =	vld [tilespmem:s10+$0x12130]  }
0x34c: {  	v7 =	vld [tilespmem:s10+$0x5130]  }
.Ltmp6:
0x34d: {  	[tilespmem:s10+$0x18900] =	vst v0;
	v1 =	vadd.f32 v5, v2;
	v0 =	vld [tilespmem:s10+$0x12180];
	(pc) =	sbr.rel @p0 .LBB2_13-.Ltmp6, $4  }
0x34e: {  	v2 =	vld [tilespmem:s10+$0x5180]  }
0x34f: {  	[tilespmem:s10+$0x18910] =	vst v1;
	v4 =	vadd.f32 v4, v3;
	v1 =	vld [tilespmem:s10+$0x12190]  }
0x350: {  	v3 =	vld [tilespmem:s10+$0x5190]  }
0x351: {  	s13 =	sadd.s32 $0x800, s13;
	[tilespmem:s10+$0x18920] =	vst v4;
	v5 =	vadd.f32 v7, v6;
	v4 =	vld [tilespmem:s10+$0x121A0]  }
0x352: {  	v6 =	vld [tilespmem:s10+$0x51A0];
	_ =	sdelay $0x1  }
0x353: {  	s9 =	sadd.s32 $0x1, s9  }
0x354: {  	v0 =	vadd.f32 v2, v0;
	p0 =	sne.s32 s9, $0x10  }
.Ltmp7:
0x355: {  	[tilespmem:s10+$0x18930] =	vst v5;
	v1 =	vadd.f32 v3, v1;
	(pc) =	sbr.rel @p0 .LBB2_2-.Ltmp7, $4  }
0x356: {  	[tilespmem:s10+$0x18980] =	vst v0;
	v63 =	vadd.f32 v6, v4  }
0x357: {  	[tilespmem:s10+$0x18990] =	vst v1  }
0x358: {  	s18 =	sadd.s32 $0x1280, s11;
	[tilespmem:s10+$0x189A0] =	vst v63  }
0x359: {  	[hbm4b:s18+s4] =	stream.linear.scatter [tilespmem:s31], [sflag:$0x6], $0x3400, $0x38;
	[tilespmem:$0x1BC00] =	vst v63  }
0x35a: {  	_ =	swait.ge [sflag:s0], $0x3000  }
0x35b: {  	[sflag:s0] =	ssyncset.done $0x0  }
0x35c: {  	[sflag:s0] =	ssyncadd.s32 $0xFFFFD000  }
0x35d: {  	_ =	swait.ge [sflag:s30], $0x3400  }
0x35e: {  	s8 =	sadd.s32 $0x1, s8;
	s9 =	rddreg [dreg:$0x16]  }
0x35f: {  	p0 =	sne.s32 s8, s9  }
.Ltmp8:
0x360: {  	_ = 	snop;
	(pc) =	sbr.rel @p0 .LBB2_1-.Ltmp8, $3  }
0x361: {  	_ =	sdelay $0x1  }
0x362: {  	[sflag:s30] =	ssyncset.done $0x0  }
0x363: {  	[sflag:s30] =	ssyncadd.s32 $0xFFFFCC00  }
0x364: {  	_ =	sfence.sel $0x180000  }
0x365: {  	[bflag:$0x0] =	sbarrier.arrive $0xFFFF  }
0x366: {  	_ =	strace $0x90000047  }
0x367: {  	s0 =	stileid.u32;
	[bflag:$0x2] =	sbarrier.arrive $0xFFFF  }
0x368: {  	p0 =	sne.s32 s0, $0x0;
	s0 =	rddreg [dreg:$0x4]  }
0x369: {  	s0 =	sadd.s32 @!p0 $0x100000, s0  }
0x36a: {  	[sflag:s0] =	ssyncadd.tile.s32 @!p0 $0x1;
	_ =	shalt  }
.Lfunc_end2:
_tile_overlayer_lowered:
.L_overlay_start_2:
0x36b: {  	(tag) =	ssettag $0x2  }
0x36c: {  	s0 =	rddreg [dreg:$0x0];
	s2 =	stileid.u32  }
0x36d: {  	s1 =	rddreg [dreg:$0x1];
	p0 =	sne.s32 s2, $0x0  }
0x36e: {  	s3 =	rddreg [dreg:$0x2];
	[bflag:$0x3] =	sbarrier.arrive $0xFFFF;
	s2 =	simm.s32 @!p0 $0x1C08  }
0x36f: {  	[timem:s3], [sflag:s2] =	dma.local @!p0 [hbm:s0], s1  }
0x370: {  	s0 =	simm.s32 @!p0 $0x8  }
0x371: {  	_ =	swait.ge @!p0 [sflag:s0], s1  }
0x372: {  	s1 =	ssub.s32 @!p0 $0x0, s1;
	[sflag:s0] =	ssyncset.done @!p0 $0x0  }
0x373: {  	[sflag:s0] =	ssyncadd.s32 @!p0 s1  }
0x374: {  	[bflag:$0x3] =	sbarrier.arrive $0xFFFF  }
0x375: {  	_ =	shalt  }

</sc_bundles>
